<compile_context>
chip_gen: v7x
topology: tpu7x:2x2x1
jax: 0.10.2.dev20260603
libtpu: 0.0.44.dev20260713+nightly
codegen_flags: <defaults>
</compile_context>

<pallas_src>
import functools

import jax
import jax.numpy as jnp
from jax import lax
from jax.experimental import pallas as pl
from jax.experimental.pallas import tpu as pltpu
from jax.experimental.pallas import tpu_sc as plsc

_NC = 2
_NS = 16
_NW = _NC * _NS
_CHUNK = 80

_F32 = jnp.float32
_HIGH = jax.lax.Precision.DEFAULT


def _dot(a, b):
    return jnp.dot(a, b, precision=_HIGH, preferred_element_type=_F32)



def _sc_degree(ei2, n_nodes):
    per_w = ei2.shape[2]
    mesh = plsc.VectorSubcoreMesh(
        core_axis_name="c", subcore_axis_name="s",
        num_cores=_NC, num_subcores=_NS)

    @functools.partial(
        pl.kernel,
        out_type=jax.ShapeDtypeStruct((_NW, n_nodes), _F32),
        mesh=mesh,
        scratch_types=[
            pltpu.VMEM((per_w,), jnp.int32),
            pltpu.VMEM((n_nodes,), _F32),
        ],
        compiler_params=pltpu.CompilerParams(needs_layout_passes=False),
    )
    def k(ei_hbm, out_hbm, dst_v, deg_v):
        wid = lax.axis_index("s") * _NC + lax.axis_index("c")
        pltpu.sync_copy(ei_hbm.at[1, wid], dst_v)

        def zero_body(i, _):
            deg_v[pl.ds(i * 16, 16)] = jnp.zeros((16,), _F32)
            return 0

        lax.fori_loop(0, n_nodes // 16, zero_body, 0)
        ones = jnp.ones((16,), _F32)

        def body(i, _):
            idx = dst_v[pl.ds(i * 16, 16)]
            plsc.addupdate_scatter(deg_v, [idx], ones)
            return 0

        lax.fori_loop(0, per_w // 16, body, 0)
        pltpu.sync_copy(deg_v, out_hbm.at[wid])

    return k(ei2)


def _sc_scatter(ei2, ei4, gs, n_pad):
    n_phase = len(gs)
    n, d = gs[0].shape
    per_w = ei2.shape[2]
    chunks_per_w = ei4.shape[2]
    rows_per_tile = n_pad // _NS
    mesh = plsc.VectorSubcoreMesh(
        core_axis_name="c", subcore_axis_name="s",
        num_cores=_NC, num_subcores=_NS)

    assert chunks_per_w % 2 == 1

    @functools.partial(
        pl.kernel,
        out_type=jax.ShapeDtypeStruct((n_phase, _NC, n_pad, d), _F32),
        mesh=mesh,
        scratch_types=[
            pltpu.VMEM((per_w,), jnp.int32),
            pltpu.VMEM((chunks_per_w, _CHUNK), jnp.int32),
            [pltpu.VMEM((_CHUNK, d), _F32) for _ in range(2)],
            pltpu.VMEM_SHARED((n_pad, d), _F32),
            [pltpu.SemaphoreType.DMA for _ in range(2)],
        ],
        compiler_params=pltpu.CompilerParams(needs_layout_passes=False),
    )
    def k(ei_hbm, ei4_hbm, *refs):
        g_hbms = refs[:n_phase]
        out_hbm, src_v, dst_v, rows, acc, semg = refs[n_phase:]
        cid = lax.axis_index("c")
        sid = lax.axis_index("s")
        wid = sid * _NC + cid
        base = sid * rows_per_tile
        my_rows = pl.ds(base, rows_per_tile)

        def zero_acc():
            def zrow(r, _):
                def zcol(c, _):
                    rows[0][r, pl.ds(c * 16, 16)] = jnp.zeros((16,), _F32)
                    return 0
                lax.fori_loop(0, d // 16, zcol, 0)
                return 0

            lax.fori_loop(0, _CHUNK, zrow, 0)
            n_full = rows_per_tile // _CHUNK
            for kk in range(n_full):
                pltpu.sync_copy(rows[0], acc.at[pl.ds(base + kk * _CHUNK, _CHUNK)])
            rem = rows_per_tile - n_full * _CHUNK
            if rem:
                pltpu.sync_copy(rows[0].at[pl.ds(0, rem)],
                                acc.at[pl.ds(base + n_full * _CHUNK, rem)])

        zero_acc()
        pltpu.sync_copy(ei_hbm.at[0, wid], src_v)
        pltpu.sync_copy(ei4_hbm.at[1, wid], dst_v)
        plsc.subcore_barrier()

        def run_phase(g_hbm):
            def gather_start(j, b):
                pltpu.async_copy(
                    g_hbm.at[src_v.at[pl.ds(j * _CHUNK, _CHUNK)]], rows[b],
                    semg[b])

            def gather_wait(j, b):
                pltpu.make_async_copy(
                    g_hbm.at[src_v.at[pl.ds(j * _CHUNK, _CHUNK)]], rows[b],
                    semg[b]).wait()

            def scat(j, b):
                pltpu.sync_copy(rows[b], acc.at[dst_v.at[j]], add=True)

            last = chunks_per_w - 1
            gather_start(0, 0)

            def body(jj, _):
                j = 2 * jj
                gather_start(j + 1, 1)
                gather_wait(j, 0)
                scat(j, 0)
                gather_start(j + 2, 0)
                gather_wait(j + 1, 1)
                scat(j + 1, 1)
                return 0

            lax.fori_loop(0, chunks_per_w // 2, body, 0)
            gather_wait(last, 0)
            scat(last, 0)

        for p, g_hbm in enumerate(g_hbms):
            if p > 0:
                zero_acc()
                plsc.subcore_barrier()
            run_phase(g_hbm)
            plsc.subcore_barrier()
            pltpu.sync_copy(acc.at[my_rows], out_hbm.at[p, cid, my_rows])

    return k(ei2, ei4, *gs)



_ROWS = 2000


def _tc_prep(deg_parts, x):
    n, d = x.shape

    def body(deg_ref, x_ref, dis_ref, g_ref):
        deg = jnp.sum(deg_ref[...], axis=0)
        dis = jnp.where(deg > 0, lax.rsqrt(jnp.maximum(deg, 1e-12)), 0.0)
        dis = dis[:, None]
        dis_ref[...] = dis
        g_ref[...] = dis * x_ref[...]

    return pl.pallas_call(
        body,
        out_shape=[
            jax.ShapeDtypeStruct((n, 1), _F32),
            jax.ShapeDtypeStruct((n, d), _F32),
        ],
    )(deg_parts, x)


def _tc_combine_scale(parts, dis, squared):
    _, n, d = parts.shape
    grid = (n // _ROWS,)

    def body(p_ref, dis_ref, o_ref):
        s = dis_ref[...]
        if squared:
            s = s * s
        o_ref[...] = s * (p_ref[0] + p_ref[1])

    return pl.pallas_call(
        body,
        grid=grid,
        in_specs=[
            pl.BlockSpec((2, _ROWS, d), lambda i: (0, i, 0)),
            pl.BlockSpec((_ROWS, 1), lambda i: (i, 0)),
        ],
        out_specs=pl.BlockSpec((_ROWS, d), lambda i: (i, 0)),
        out_shape=jax.ShapeDtypeStruct((n, d), _F32),
    )(parts, dis)


def _tc_layer(u_parts, v_parts, dis, x, w10, w11, w12, w20, w21, w22):
    n, d = x.shape
    grid = (n // _ROWS,)

    def body(u_ref, v_ref, dis_ref, x_ref,
             w10_ref, w11_ref, w12_ref, w20_ref, w21_ref, w22_ref,
             q0_ref, m1_ref, m2_ref):
        dis_b = dis_ref[...]
        u = dis_b * (u_ref[0] + u_ref[1])
        v = dis_b * (v_ref[0] + v_ref[1])
        h0 = _dot(x_ref[...], w10_ref[...])
        h1 = _dot(u, w11_ref[...])
        h2 = _dot(v, w12_ref[...])
        h = jax.nn.relu(jnp.concatenate([h0, h1, h2], axis=-1))
        q0_ref[...] = _dot(h, w20_ref[...])
        m1_ref[...] = dis_b * _dot(h, w21_ref[...])
        m2_ref[...] = dis_b * _dot(h, w22_ref[...])

    wspec = lambda shape: pl.BlockSpec(shape, lambda i: (0, 0))
    return pl.pallas_call(
        body,
        grid=grid,
        in_specs=[
            pl.BlockSpec((2, _ROWS, d), lambda i: (0, i, 0)),
            pl.BlockSpec((2, _ROWS, d), lambda i: (0, i, 0)),
            pl.BlockSpec((_ROWS, 1), lambda i: (i, 0)),
            pl.BlockSpec((_ROWS, d), lambda i: (i, 0)),
            wspec(w10.shape), wspec(w11.shape), wspec(w12.shape),
            wspec(w20.shape), wspec(w21.shape), wspec(w22.shape),
        ],
        out_specs=[
            pl.BlockSpec((_ROWS, d), lambda i: (i, 0)),
            pl.BlockSpec((_ROWS, d), lambda i: (i, 0)),
            pl.BlockSpec((_ROWS, d), lambda i: (i, 0)),
        ],
        out_shape=[
            jax.ShapeDtypeStruct((n, d), _F32),
            jax.ShapeDtypeStruct((n, d), _F32),
            jax.ShapeDtypeStruct((n, d), _F32),
        ],
    )(u_parts, v_parts, dis, x, w10, w11, w12, w20, w21, w22)


def _tc_final(q0, a_parts, c_parts, dis):
    n, d = q0.shape
    grid = (n // _ROWS,)

    def body(q0_ref, a_ref, c_ref, dis_ref, o_ref):
        dis_b = dis_ref[...]
        q1 = dis_b * (a_ref[0] + a_ref[1])
        q2 = dis_b * (c_ref[0] + c_ref[1])
        o_ref[...] = jnp.concatenate([q0_ref[...], q1, q2], axis=-1)

    return pl.pallas_call(
        body,
        grid=grid,
        in_specs=[
            pl.BlockSpec((_ROWS, d), lambda i: (i, 0)),
            pl.BlockSpec((2, _ROWS, d), lambda i: (0, i, 0)),
            pl.BlockSpec((2, _ROWS, d), lambda i: (0, i, 0)),
            pl.BlockSpec((_ROWS, 1), lambda i: (i, 0)),
        ],
        out_specs=pl.BlockSpec((_ROWS, 3 * d), lambda i: (i, 0)),
        out_shape=jax.ShapeDtypeStruct((n, 3 * d), _F32),
    )(q0, a_parts, c_parts, dis)



def kernel(x, edge_index, W1_0, W1_1, W1_2, W2_0, W2_1, W2_2):
    n, d = x.shape
    e = edge_index.shape[1]
    ei = edge_index.astype(jnp.int32)
    chunks_per_w = e // (_NW * _CHUNK)
    ei2 = ei.reshape(2, _NW, e // _NW)
    ei4 = ei.reshape(2, _NW, chunks_per_w, _CHUNK)
    n_pad = -(-n // (8 * _NS)) * 8 * _NS

    deg_parts = _sc_degree(ei2, n)
    dis, g = _tc_prep(deg_parts, x)

    u_parts = _sc_scatter(ei2, ei4, [g], n_pad)[0]
    g2 = _tc_combine_scale(u_parts, dis, squared=True)
    v_parts = _sc_scatter(ei2, ei4, [g2], n_pad)[0]

    q0, m1, m2 = _tc_layer(u_parts, v_parts, dis, x,
                           W1_0, W1_1, W1_2, W2_0, W2_1, W2_2)

    a_parts = _sc_scatter(ei2, ei4, [m1], n_pad)[0]
    b_parts = _sc_scatter(ei2, ei4, [m2], n_pad)[0]
    t = _tc_combine_scale(b_parts, dis, squared=True)
    c_parts = _sc_scatter(ei2, ei4, [t], n_pad)[0]

    return _tc_final(q0, a_parts, c_parts, dis)

# --- scband reference (transcript-rebuilt; emitter-appended) ---
"""Pipeline reference for scband-mix-hop-49117245997550 (READ-ONLY COPY).

The authoritative reference and input builder live on the scoring server;
editing this copy changes nothing except your own understanding.
"""

import jax, jax.numpy as jnp
import numpy as np

POWERS = [0, 1, 2]


def _gcn_norm(edge_index, num_nodes):
    src, dst = edge_index[0], edge_index[1]
    deg = jnp.zeros((num_nodes,), jnp.float32).at[dst].add(1.0)
    dis = jnp.where(deg > 0, 1.0 / jnp.sqrt(jnp.maximum(deg, 1e-12)), 0.0)
    return dis[src] * dis[dst]


def _propagate(h, src, dst, norm):
    # message = norm * h[src]; aggregate = scatter-add onto dst
    msg = norm[:, None] * jnp.take(h, src, axis=0)
    return jnp.zeros_like(h).at[dst].add(msg)


def _mixhop_conv(x, edge_index, Ws):
    # PyG-style MixHopConv: concat over powers of normalized adjacency
    src, dst = edge_index[0], edge_index[1]
    norm = _gcn_norm(edge_index, x.shape[0])
    outs = []
    for p, W in zip(POWERS, Ws):
        h = x @ W
        for _ in range(p):
            h = _propagate(h, src, dst, norm)
        outs.append(h)
    return jnp.concatenate(outs, axis=-1)


def setup_inputs(seed: int = 0) -> dict:
    key = jax.random.key(seed)
    k_x, k_e, k1, k2, k3, k4, k5, k6 = jax.random.split(key, 8)
    N, E = 10000, 320000
    d_in, d_hid, d_out = 128, 128, 128
    x = jax.random.normal(k_x, (N, d_in), dtype=jnp.float32)
    edge_index = jax.random.randint(k_e, (2, E), 0, N, dtype=jnp.int64)
    s1 = 1.0 / np.sqrt(d_in)
    s2 = 1.0 / np.sqrt(d_hid * len(POWERS))
    return {
        "x": x,
        "edge_index": edge_index,
        "W1_0": jax.random.normal(k1, (d_in, d_hid), dtype=jnp.float32) * s1,
        "W1_1": jax.random.normal(k2, (d_in, d_hid), dtype=jnp.float32) * s1,
        "W1_2": jax.random.normal(k3, (d_in, d_hid), dtype=jnp.float32) * s1,
        "W2_0": jax.random.normal(k4, (d_hid * len(POWERS), d_out), dtype=jnp.float32) * s2,
        "W2_1": jax.random.normal(k5, (d_hid * len(POWERS), d_out), dtype=jnp.float32) * s2,
        "W2_2": jax.random.normal(k6, (d_hid * len(POWERS), d_out), dtype=jnp.float32) * s2,
    }


def reference(x, edge_index, W1_0, W1_1, W1_2, W2_0, W2_1, W2_2):
    # layer 1
    h = _mixhop_conv(x, edge_index, [W1_0, W1_1, W1_2])
    h = jax.nn.relu(h)
    # dropout is identity in eval mode
    # layer 2 (final, no activation)
    out = _mixhop_conv(h, edge_index, [W2_0, W2_1, W2_2])
    return out

if __name__ == "__main__":
    import jax
    _d = setup_inputs()
    print(jax.jit(kernel)(*tuple(_d.values())))

</pallas_src>

<mosaic_0001>
#map = affine_map<(d0, d1) -> (0, 0, 0)>
#map1 = affine_map<(d0, d1) -> (0, 0, 0, 0)>
#map2 = affine_map<(d0, d1) -> (0, 0)>
module attributes {stable_mosaic.version = 14 : i64} {
  func.func @k(%arg0: i32, %arg1: i32, %arg2: memref<2x32x10000xi32, #tpu.memory_space<hbm>>, %arg3: memref<2x32x125x80xi32, #tpu.memory_space<hbm>>, %arg4: memref<10000x128xf32, #tpu.memory_space<hbm>>, %arg5: memref<1x2x10112x128xf32, #tpu.memory_space<hbm>>, %arg6: memref<10000xi32, #tpu.memory_space<vmem>>, %arg7: memref<125x80xi32, #tpu.memory_space<vmem>>, %arg8: memref<80x128xf32, #tpu.memory_space<vmem>>, %arg9: memref<80x128xf32, #tpu.memory_space<vmem>>, %arg10: memref<10112x128xf32, #tpu.memory_space<vmem_shared>>, %arg11: memref<!tpu.dma_semaphore, #tpu.memory_space<semaphore_mem>>, %arg12: memref<!tpu.dma_semaphore, #tpu.memory_space<semaphore_mem>>) attributes {dimension_semantics = [#tpu.dimension_semantics<core_parallel>, #tpu.dimension_semantics<subcore_parallel>], iteration_bounds = array<i64: 2, 16>, scalar_prefetch = 0 : i64, scratch_operands = 7 : i64, tpu.core_type = #tpu.core_type<sc_vector_subcore>, window_params = [{transform_indices = #map}, {transform_indices = #map1}, {transform_indices = #map2}, {transform_indices = #map1}]} {
    %mul3A = arith.constant 2 : i32
    %mul3A_0 = arith.muli %arg1, %mul3A : i32
    %add3A = arith.addi %mul3A_0, %arg0 : i32
    %mul3A_1 = arith.constant 632 : i32
    %mul3A_2 = arith.muli %arg1, %mul3A_1 : i32
    %scan3A = arith.constant 0 : i32
    %scan3A_3 = arith.constant 0 : i32
    %scan3A_4 = arith.constant 80 : i32
    %scan3A_5 = arith.addi %scan3A_3, %scan3A_4 : i32
    %scan3A_6 = arith.constant 1 : i32
    %scan3A_7 = scf.for %scan3A_44 = %scan3A_3 to %scan3A_5 step %scan3A_6 iter_args(%scan3A_45 = %scan3A) -> (i32)  : i32 {
      %scan3A_46 = arith.constant 0 : i32
      %scan3A_47 = arith.constant 0 : i32
      %scan3A_48 = arith.constant 8 : i32
      %scan3A_49 = arith.addi %scan3A_47, %scan3A_48 : i32
      %scan3A_50 = arith.constant 1 : i32
      %scan3A_51 = scf.for %scan3A_54 = %scan3A_47 to %scan3A_49 step %scan3A_50 iter_args(%scan3A_55 = %scan3A_46) -> (i32)  : i32 {
        %broadcast_in_dim3A = arith.constant 0.000000e+00 : f32
        %broadcast_in_dim3A_56 = vector.broadcast %broadcast_in_dim3A : f32 to vector<16xf32>
        %mul3A_57 = arith.constant 16 : i32
        %mul3A_58 = arith.muli %scan3A_54, %mul3A_57 : i32
        %swap3A = arith.index_cast %scan3A_44 : i32 to index
        %swap3A_59 = arith.index_cast %mul3A_58 : i32 to index
        %swap3A_60 = tpu.vector_load %arg8[%swap3A, %swap3A_59] {strides = array<i32>} : memref<80x128xf32, #tpu.memory_space<vmem>>, vector<16xf32>,
        tpu.vector_store %arg8[%swap3A, %swap3A_59], %broadcast_in_dim3A_56 {strides = array<i32>} : memref<80x128xf32, #tpu.memory_space<vmem>>, vector<16xf32>,
        %scan3A_61 = arith.constant 0 : i32
        scf.yield %scan3A_61 : i32
      }
      %scan3A_52 = arith.constant 8 : i32
      %scan3A_53 = arith.constant 0 : i32
      scf.yield %scan3A_53 : i32
    }
    %scan3A_8 = arith.constant 80 : i32
    %add3A_9 = arith.constant 0 : i32
    %add3A_10 = arith.addi %mul3A_2, %add3A_9 : i32
    "tpu.region"() ({
      %run_scoped3A_44 = tpu.sem_alloc : memref<!tpu.dma_semaphore, #tpu.memory_space<semaphore_mem>>
      %dma_start3A_45 = arith.constant 0 : i32
      %dma_start3A_46 = tpu.memref_slice %arg10[%add3A_10, %dma_start3A_45] : memref<10112x128xf32, #tpu.memory_space<vmem_shared>> -> memref<80x128xf32, #tpu.memory_space<vmem_shared>>
      %dma_start3A_47 = arith.constant 0 : i32
      %dma_start3A_48 = tpu.memref_slice %arg10[%add3A_10, %dma_start3A_47] : memref<10112x128xf32, #tpu.memory_space<vmem_shared>> -> memref<80x128xf32, #tpu.memory_space<vmem_shared>>
      tpu.enqueue_dma source(%arg8 : memref<80x128xf32, #tpu.memory_space<vmem>>) target(%dma_start3A_48 : memref<80x128xf32, #tpu.memory_space<vmem_shared>>) target_semaphore(%run_scoped3A_44 : memref<!tpu.dma_semaphore, #tpu.memory_space<semaphore_mem>>)
      %dma_wait3A_49 = arith.constant 0 : i32
      %dma_wait3A_50 = tpu.memref_slice %arg10[%add3A_10, %dma_wait3A_49] : memref<10112x128xf32, #tpu.memory_space<vmem_shared>> -> memref<80x128xf32, #tpu.memory_space<vmem_shared>>
      %dma_wait3A_51 = arith.constant 0 : i32
      %dma_wait3A_52 = tpu.memref_slice %arg10[%add3A_10, %dma_wait3A_51] : memref<10112x128xf32, #tpu.memory_space<vmem_shared>> -> memref<80x128xf32, #tpu.memory_space<vmem_shared>>
      tpu.wait_dma2 semaphore(%run_scoped3A_44 : memref<!tpu.dma_semaphore, #tpu.memory_space<semaphore_mem>>) src(%arg8 : memref<80x128xf32, #tpu.memory_space<vmem>>) dst(%dma_wait3A_52 : memref<80x128xf32, #tpu.memory_space<vmem_shared>>)
      tpu.yield
    }) : () -> ()
    %add3A_11 = arith.constant 80 : i32
    %add3A_12 = arith.addi %mul3A_2, %add3A_11 : i32
    "tpu.region"() ({
      %run_scoped3A_44 = tpu.sem_alloc : memref<!tpu.dma_semaphore, #tpu.memory_space<semaphore_mem>>
      %dma_start3A_45 = arith.constant 0 : i32
      %dma_start3A_46 = tpu.memref_slice %arg10[%add3A_12, %dma_start3A_45] : memref<10112x128xf32, #tpu.memory_space<vmem_shared>> -> memref<80x128xf32, #tpu.memory_space<vmem_shared>>
      %dma_start3A_47 = arith.constant 0 : i32
      %dma_start3A_48 = tpu.memref_slice %arg10[%add3A_12, %dma_start3A_47] : memref<10112x128xf32, #tpu.memory_space<vmem_shared>> -> memref<80x128xf32, #tpu.memory_space<vmem_shared>>
      tpu.enqueue_dma source(%arg8 : memref<80x128xf32, #tpu.memory_space<vmem>>) target(%dma_start3A_48 : memref<80x128xf32, #tpu.memory_space<vmem_shared>>) target_semaphore(%run_scoped3A_44 : memref<!tpu.dma_semaphore, #tpu.memory_space<semaphore_mem>>)
      %dma_wait3A_49 = arith.constant 0 : i32
      %dma_wait3A_50 = tpu.memref_slice %arg10[%add3A_12, %dma_wait3A_49] : memref<10112x128xf32, #tpu.memory_space<vmem_shared>> -> memref<80x128xf32, #tpu.memory_space<vmem_shared>>
      %dma_wait3A_51 = arith.constant 0 : i32
      %dma_wait3A_52 = tpu.memref_slice %arg10[%add3A_12, %dma_wait3A_51] : memref<10112x128xf32, #tpu.memory_space<vmem_shared>> -> memref<80x128xf32, #tpu.memory_space<vmem_shared>>
      tpu.wait_dma2 semaphore(%run_scoped3A_44 : memref<!tpu.dma_semaphore, #tpu.memory_space<semaphore_mem>>) src(%arg8 : memref<80x128xf32, #tpu.memory_space<vmem>>) dst(%dma_wait3A_52 : memref<80x128xf32, #tpu.memory_space<vmem_shared>>)
      tpu.yield
    }) : () -> ()
    %add3A_13 = arith.constant 160 : i32
    %add3A_14 = arith.addi %mul3A_2, %add3A_13 : i32
    "tpu.region"() ({
      %run_scoped3A_44 = tpu.sem_alloc : memref<!tpu.dma_semaphore, #tpu.memory_space<semaphore_mem>>
      %dma_start3A_45 = arith.constant 0 : i32
      %dma_start3A_46 = tpu.memref_slice %arg10[%add3A_14, %dma_start3A_45] : memref<10112x128xf32, #tpu.memory_space<vmem_shared>> -> memref<80x128xf32, #tpu.memory_space<vmem_shared>>
      %dma_start3A_47 = arith.constant 0 : i32
      %dma_start3A_48 = tpu.memref_slice %arg10[%add3A_14, %dma_start3A_47] : memref<10112x128xf32, #tpu.memory_space<vmem_shared>> -> memref<80x128xf32, #tpu.memory_space<vmem_shared>>
      tpu.enqueue_dma source(%arg8 : memref<80x128xf32, #tpu.memory_space<vmem>>) target(%dma_start3A_48 : memref<80x128xf32, #tpu.memory_space<vmem_shared>>) target_semaphore(%run_scoped3A_44 : memref<!tpu.dma_semaphore, #tpu.memory_space<semaphore_mem>>)
      %dma_wait3A_49 = arith.constant 0 : i32
      %dma_wait3A_50 = tpu.memref_slice %arg10[%add3A_14, %dma_wait3A_49] : memref<10112x128xf32, #tpu.memory_space<vmem_shared>> -> memref<80x128xf32, #tpu.memory_space<vmem_shared>>
      %dma_wait3A_51 = arith.constant 0 : i32
      %dma_wait3A_52 = tpu.memref_slice %arg10[%add3A_14, %dma_wait3A_51] : memref<10112x128xf32, #tpu.memory_space<vmem_shared>> -> memref<80x128xf32, #tpu.memory_space<vmem_shared>>
      tpu.wait_dma2 semaphore(%run_scoped3A_44 : memref<!tpu.dma_semaphore, #tpu.memory_space<semaphore_mem>>) src(%arg8 : memref<80x128xf32, #tpu.memory_space<vmem>>) dst(%dma_wait3A_52 : memref<80x128xf32, #tpu.memory_space<vmem_shared>>)
      tpu.yield
    }) : () -> ()
    %add3A_15 = arith.constant 240 : i32
    %add3A_16 = arith.addi %mul3A_2, %add3A_15 : i32
    "tpu.region"() ({
      %run_scoped3A_44 = tpu.sem_alloc : memref<!tpu.dma_semaphore, #tpu.memory_space<semaphore_mem>>
      %dma_start3A_45 = arith.constant 0 : i32
      %dma_start3A_46 = tpu.memref_slice %arg10[%add3A_16, %dma_start3A_45] : memref<10112x128xf32, #tpu.memory_space<vmem_shared>> -> memref<80x128xf32, #tpu.memory_space<vmem_shared>>
      %dma_start3A_47 = arith.constant 0 : i32
      %dma_start3A_48 = tpu.memref_slice %arg10[%add3A_16, %dma_start3A_47] : memref<10112x128xf32, #tpu.memory_space<vmem_shared>> -> memref<80x128xf32, #tpu.memory_space<vmem_shared>>
      tpu.enqueue_dma source(%arg8 : memref<80x128xf32, #tpu.memory_space<vmem>>) target(%dma_start3A_48 : memref<80x128xf32, #tpu.memory_space<vmem_shared>>) target_semaphore(%run_scoped3A_44 : memref<!tpu.dma_semaphore, #tpu.memory_space<semaphore_mem>>)
      %dma_wait3A_49 = arith.constant 0 : i32
      %dma_wait3A_50 = tpu.memref_slice %arg10[%add3A_16, %dma_wait3A_49] : memref<10112x128xf32, #tpu.memory_space<vmem_shared>> -> memref<80x128xf32, #tpu.memory_space<vmem_shared>>
      %dma_wait3A_51 = arith.constant 0 : i32
      %dma_wait3A_52 = tpu.memref_slice %arg10[%add3A_16, %dma_wait3A_51] : memref<10112x128xf32, #tpu.memory_space<vmem_shared>> -> memref<80x128xf32, #tpu.memory_space<vmem_shared>>
      tpu.wait_dma2 semaphore(%run_scoped3A_44 : memref<!tpu.dma_semaphore, #tpu.memory_space<semaphore_mem>>) src(%arg8 : memref<80x128xf32, #tpu.memory_space<vmem>>) dst(%dma_wait3A_52 : memref<80x128xf32, #tpu.memory_space<vmem_shared>>)
      tpu.yield
    }) : () -> ()
    %add3A_17 = arith.constant 320 : i32
    %add3A_18 = arith.addi %mul3A_2, %add3A_17 : i32
    "tpu.region"() ({
      %run_scoped3A_44 = tpu.sem_alloc : memref<!tpu.dma_semaphore, #tpu.memory_space<semaphore_mem>>
      %dma_start3A_45 = arith.constant 0 : i32
      %dma_start3A_46 = tpu.memref_slice %arg10[%add3A_18, %dma_start3A_45] : memref<10112x128xf32, #tpu.memory_space<vmem_shared>> -> memref<80x128xf32, #tpu.memory_space<vmem_shared>>
      %dma_start3A_47 = arith.constant 0 : i32
      %dma_start3A_48 = tpu.memref_slice %arg10[%add3A_18, %dma_start3A_47] : memref<10112x128xf32, #tpu.memory_space<vmem_shared>> -> memref<80x128xf32, #tpu.memory_space<vmem_shared>>
      tpu.enqueue_dma source(%arg8 : memref<80x128xf32, #tpu.memory_space<vmem>>) target(%dma_start3A_48 : memref<80x128xf32, #tpu.memory_space<vmem_shared>>) target_semaphore(%run_scoped3A_44 : memref<!tpu.dma_semaphore, #tpu.memory_space<semaphore_mem>>)
      %dma_wait3A_49 = arith.constant 0 : i32
      %dma_wait3A_50 = tpu.memref_slice %arg10[%add3A_18, %dma_wait3A_49] : memref<10112x128xf32, #tpu.memory_space<vmem_shared>> -> memref<80x128xf32, #tpu.memory_space<vmem_shared>>
      %dma_wait3A_51 = arith.constant 0 : i32
      %dma_wait3A_52 = tpu.memref_slice %arg10[%add3A_18, %dma_wait3A_51] : memref<10112x128xf32, #tpu.memory_space<vmem_shared>> -> memref<80x128xf32, #tpu.memory_space<vmem_shared>>
      tpu.wait_dma2 semaphore(%run_scoped3A_44 : memref<!tpu.dma_semaphore, #tpu.memory_space<semaphore_mem>>) src(%arg8 : memref<80x128xf32, #tpu.memory_space<vmem>>) dst(%dma_wait3A_52 : memref<80x128xf32, #tpu.memory_space<vmem_shared>>)
      tpu.yield
    }) : () -> ()
    %add3A_19 = arith.constant 400 : i32
    %add3A_20 = arith.addi %mul3A_2, %add3A_19 : i32
    "tpu.region"() ({
      %run_scoped3A_44 = tpu.sem_alloc : memref<!tpu.dma_semaphore, #tpu.memory_space<semaphore_mem>>
      %dma_start3A_45 = arith.constant 0 : i32
      %dma_start3A_46 = tpu.memref_slice %arg10[%add3A_20, %dma_start3A_45] : memref<10112x128xf32, #tpu.memory_space<vmem_shared>> -> memref<80x128xf32, #tpu.memory_space<vmem_shared>>
      %dma_start3A_47 = arith.constant 0 : i32
      %dma_start3A_48 = tpu.memref_slice %arg10[%add3A_20, %dma_start3A_47] : memref<10112x128xf32, #tpu.memory_space<vmem_shared>> -> memref<80x128xf32, #tpu.memory_space<vmem_shared>>
      tpu.enqueue_dma source(%arg8 : memref<80x128xf32, #tpu.memory_space<vmem>>) target(%dma_start3A_48 : memref<80x128xf32, #tpu.memory_space<vmem_shared>>) target_semaphore(%run_scoped3A_44 : memref<!tpu.dma_semaphore, #tpu.memory_space<semaphore_mem>>)
      %dma_wait3A_49 = arith.constant 0 : i32
      %dma_wait3A_50 = tpu.memref_slice %arg10[%add3A_20, %dma_wait3A_49] : memref<10112x128xf32, #tpu.memory_space<vmem_shared>> -> memref<80x128xf32, #tpu.memory_space<vmem_shared>>
      %dma_wait3A_51 = arith.constant 0 : i32
      %dma_wait3A_52 = tpu.memref_slice %arg10[%add3A_20, %dma_wait3A_51] : memref<10112x128xf32, #tpu.memory_space<vmem_shared>> -> memref<80x128xf32, #tpu.memory_space<vmem_shared>>
      tpu.wait_dma2 semaphore(%run_scoped3A_44 : memref<!tpu.dma_semaphore, #tpu.memory_space<semaphore_mem>>) src(%arg8 : memref<80x128xf32, #tpu.memory_space<vmem>>) dst(%dma_wait3A_52 : memref<80x128xf32, #tpu.memory_space<vmem_shared>>)
      tpu.yield
    }) : () -> ()
    %add3A_21 = arith.constant 480 : i32
    %add3A_22 = arith.addi %mul3A_2, %add3A_21 : i32
    "tpu.region"() ({
      %run_scoped3A_44 = tpu.sem_alloc : memref<!tpu.dma_semaphore, #tpu.memory_space<semaphore_mem>>
      %dma_start3A_45 = arith.constant 0 : i32
      %dma_start3A_46 = tpu.memref_slice %arg10[%add3A_22, %dma_start3A_45] : memref<10112x128xf32, #tpu.memory_space<vmem_shared>> -> memref<80x128xf32, #tpu.memory_space<vmem_shared>>
      %dma_start3A_47 = arith.constant 0 : i32
      %dma_start3A_48 = tpu.memref_slice %arg10[%add3A_22, %dma_start3A_47] : memref<10112x128xf32, #tpu.memory_space<vmem_shared>> -> memref<80x128xf32, #tpu.memory_space<vmem_shared>>
      tpu.enqueue_dma source(%arg8 : memref<80x128xf32, #tpu.memory_space<vmem>>) target(%dma_start3A_48 : memref<80x128xf32, #tpu.memory_space<vmem_shared>>) target_semaphore(%run_scoped3A_44 : memref<!tpu.dma_semaphore, #tpu.memory_space<semaphore_mem>>)
      %dma_wait3A_49 = arith.constant 0 : i32
      %dma_wait3A_50 = tpu.memref_slice %arg10[%add3A_22, %dma_wait3A_49] : memref<10112x128xf32, #tpu.memory_space<vmem_shared>> -> memref<80x128xf32, #tpu.memory_space<vmem_shared>>
      %dma_wait3A_51 = arith.constant 0 : i32
      %dma_wait3A_52 = tpu.memref_slice %arg10[%add3A_22, %dma_wait3A_51] : memref<10112x128xf32, #tpu.memory_space<vmem_shared>> -> memref<80x128xf32, #tpu.memory_space<vmem_shared>>
      tpu.wait_dma2 semaphore(%run_scoped3A_44 : memref<!tpu.dma_semaphore, #tpu.memory_space<semaphore_mem>>) src(%arg8 : memref<80x128xf32, #tpu.memory_space<vmem>>) dst(%dma_wait3A_52 : memref<80x128xf32, #tpu.memory_space<vmem_shared>>)
      tpu.yield
    }) : () -> ()
    %add3A_23 = arith.constant 560 : i32
    %add3A_24 = arith.addi %mul3A_2, %add3A_23 : i32
    "tpu.region"() ({
      %run_scoped3A_44 = tpu.sem_alloc : memref<!tpu.dma_semaphore, #tpu.memory_space<semaphore_mem>>
      %dma_start3A_45 = arith.constant 0 : i32
      %dma_start3A_46 = arith.constant 0 : i32
      %dma_start3A_47 = tpu.memref_slice %arg8[%dma_start3A_45, %dma_start3A_46] : memref<80x128xf32, #tpu.memory_space<vmem>> -> memref<72x128xf32, #tpu.memory_space<vmem>>
      %dma_start3A_48 = arith.constant 0 : i32
      %dma_start3A_49 = tpu.memref_slice %arg10[%add3A_24, %dma_start3A_48] : memref<10112x128xf32, #tpu.memory_space<vmem_shared>> -> memref<72x128xf32, #tpu.memory_space<vmem_shared>>
      %dma_start3A_50 = arith.constant 0 : i32
      %dma_start3A_51 = tpu.memref_slice %arg10[%add3A_24, %dma_start3A_50] : memref<10112x128xf32, #tpu.memory_space<vmem_shared>> -> memref<72x128xf32, #tpu.memory_space<vmem_shared>>
      %dma_start3A_52 = arith.constant 0 : i32
      %dma_start3A_53 = arith.constant 0 : i32
      %dma_start3A_54 = tpu.memref_slice %arg8[%dma_start3A_52, %dma_start3A_53] : memref<80x128xf32, #tpu.memory_space<vmem>> -> memref<72x128xf32, #tpu.memory_space<vmem>>
      tpu.enqueue_dma source(%dma_start3A_54 : memref<72x128xf32, #tpu.memory_space<vmem>>) target(%dma_start3A_51 : memref<72x128xf32, #tpu.memory_space<vmem_shared>>) target_semaphore(%run_scoped3A_44 : memref<!tpu.dma_semaphore, #tpu.memory_space<semaphore_mem>>)
      %dma_wait3A_55 = arith.constant 0 : i32
      %dma_wait3A_56 = arith.constant 0 : i32
      %dma_wait3A_57 = tpu.memref_slice %arg8[%dma_wait3A_55, %dma_wait3A_56] : memref<80x128xf32, #tpu.memory_space<vmem>> -> memref<72x128xf32, #tpu.memory_space<vmem>>
      %dma_wait3A_58 = arith.constant 0 : i32
      %dma_wait3A_59 = tpu.memref_slice %arg10[%add3A_24, %dma_wait3A_58] : memref<10112x128xf32, #tpu.memory_space<vmem_shared>> -> memref<72x128xf32, #tpu.memory_space<vmem_shared>>
      %dma_wait3A_60 = arith.constant 0 : i32
      %dma_wait3A_61 = tpu.memref_slice %arg10[%add3A_24, %dma_wait3A_60] : memref<10112x128xf32, #tpu.memory_space<vmem_shared>> -> memref<72x128xf32, #tpu.memory_space<vmem_shared>>
      %dma_wait3A_62 = arith.constant 0 : i32
      %dma_wait3A_63 = arith.constant 0 : i32
      %dma_wait3A_64 = tpu.memref_slice %arg8[%dma_wait3A_62, %dma_wait3A_63] : memref<80x128xf32, #tpu.memory_space<vmem>> -> memref<72x128xf32, #tpu.memory_space<vmem>>
      tpu.wait_dma2 semaphore(%run_scoped3A_44 : memref<!tpu.dma_semaphore, #tpu.memory_space<semaphore_mem>>) src(%dma_wait3A_64 : memref<72x128xf32, #tpu.memory_space<vmem>>) dst(%dma_wait3A_61 : memref<72x128xf32, #tpu.memory_space<vmem_shared>>)
      tpu.yield
    }) : () -> ()
    %run_scoped3A = arith.constant 0 : i32
    "tpu.region"() ({
      %run_scoped3A_44 = tpu.sem_alloc : memref<!tpu.dma_semaphore, #tpu.memory_space<semaphore_mem>>
      %dma_start3A_45 = arith.constant 0 : i32
      %dma_start3A_46 = tpu.memref_slice %arg2[%run_scoped3A, %add3A, %dma_start3A_45] : memref<2x32x10000xi32, #tpu.memory_space<hbm>> -> memref<1x1x10000xi32, #tpu.memory_space<hbm>>
      %dma_start3A_47 = tpu.memref_squeeze %dma_start3A_46 : memref<1x1x10000xi32, #tpu.memory_space<hbm>> -> memref<10000xi32, #tpu.memory_space<hbm>>
      %dma_start3A_48 = arith.constant 0 : i32
      %dma_start3A_49 = tpu.memref_slice %arg2[%run_scoped3A, %add3A, %dma_start3A_48] : memref<2x32x10000xi32, #tpu.memory_space<hbm>> -> memref<1x1x10000xi32, #tpu.memory_space<hbm>>
      %dma_start3A_50 = tpu.memref_squeeze %dma_start3A_49 : memref<1x1x10000xi32, #tpu.memory_space<hbm>> -> memref<10000xi32, #tpu.memory_space<hbm>>
      tpu.enqueue_dma source(%dma_start3A_50 : memref<10000xi32, #tpu.memory_space<hbm>>) target(%arg6 : memref<10000xi32, #tpu.memory_space<vmem>>) target_semaphore(%run_scoped3A_44 : memref<!tpu.dma_semaphore, #tpu.memory_space<semaphore_mem>>)
      %dma_wait3A_51 = arith.constant 0 : i32
      %dma_wait3A_52 = tpu.memref_slice %arg2[%run_scoped3A, %add3A, %dma_wait3A_51] : memref<2x32x10000xi32, #tpu.memory_space<hbm>> -> memref<1x1x10000xi32, #tpu.memory_space<hbm>>
      %dma_wait3A_53 = tpu.memref_squeeze %dma_wait3A_52 : memref<1x1x10000xi32, #tpu.memory_space<hbm>> -> memref<10000xi32, #tpu.memory_space<hbm>>
      %dma_wait3A_54 = arith.constant 0 : i32
      %dma_wait3A_55 = tpu.memref_slice %arg2[%run_scoped3A, %add3A, %dma_wait3A_54] : memref<2x32x10000xi32, #tpu.memory_space<hbm>> -> memref<1x1x10000xi32, #tpu.memory_space<hbm>>
      %dma_wait3A_56 = tpu.memref_squeeze %dma_wait3A_55 : memref<1x1x10000xi32, #tpu.memory_space<hbm>> -> memref<10000xi32, #tpu.memory_space<hbm>>
      tpu.wait_dma2 semaphore(%run_scoped3A_44 : memref<!tpu.dma_semaphore, #tpu.memory_space<semaphore_mem>>) src(%dma_wait3A_56 : memref<10000xi32, #tpu.memory_space<hbm>>) dst(%arg6 : memref<10000xi32, #tpu.memory_space<vmem>>)
      tpu.yield
    }) : () -> ()
    %run_scoped3A_25 = arith.constant 1 : i32
    "tpu.region"() ({
      %run_scoped3A_44 = tpu.sem_alloc : memref<!tpu.dma_semaphore, #tpu.memory_space<semaphore_mem>>
      %dma_start3A_45 = arith.constant 0 : i32
      %dma_start3A_46 = arith.constant 0 : i32
      %dma_start3A_47 = tpu.memref_slice %arg3[%run_scoped3A_25, %add3A, %dma_start3A_45, %dma_start3A_46] : memref<2x32x125x80xi32, #tpu.memory_space<hbm>> -> memref<1x1x125x80xi32, #tpu.memory_space<hbm>>
      %dma_start3A_48 = tpu.memref_squeeze %dma_start3A_47 : memref<1x1x125x80xi32, #tpu.memory_space<hbm>> -> memref<125x80xi32, #tpu.memory_space<hbm>>
      %dma_start3A_49 = arith.constant 0 : i32
      %dma_start3A_50 = arith.constant 0 : i32
      %dma_start3A_51 = tpu.memref_slice %arg3[%run_scoped3A_25, %add3A, %dma_start3A_49, %dma_start3A_50] : memref<2x32x125x80xi32, #tpu.memory_space<hbm>> -> memref<1x1x125x80xi32, #tpu.memory_space<hbm>>
      %dma_start3A_52 = tpu.memref_squeeze %dma_start3A_51 : memref<1x1x125x80xi32, #tpu.memory_space<hbm>> -> memref<125x80xi32, #tpu.memory_space<hbm>>
      tpu.enqueue_dma source(%dma_start3A_52 : memref<125x80xi32, #tpu.memory_space<hbm>>) target(%arg7 : memref<125x80xi32, #tpu.memory_space<vmem>>) target_semaphore(%run_scoped3A_44 : memref<!tpu.dma_semaphore, #tpu.memory_space<semaphore_mem>>)
      %dma_wait3A_53 = arith.constant 0 : i32
      %dma_wait3A_54 = arith.constant 0 : i32
      %dma_wait3A_55 = tpu.memref_slice %arg3[%run_scoped3A_25, %add3A, %dma_wait3A_53, %dma_wait3A_54] : memref<2x32x125x80xi32, #tpu.memory_space<hbm>> -> memref<1x1x125x80xi32, #tpu.memory_space<hbm>>
      %dma_wait3A_56 = tpu.memref_squeeze %dma_wait3A_55 : memref<1x1x125x80xi32, #tpu.memory_space<hbm>> -> memref<125x80xi32, #tpu.memory_space<hbm>>
      %dma_wait3A_57 = arith.constant 0 : i32
      %dma_wait3A_58 = arith.constant 0 : i32
      %dma_wait3A_59 = tpu.memref_slice %arg3[%run_scoped3A_25, %add3A, %dma_wait3A_57, %dma_wait3A_58] : memref<2x32x125x80xi32, #tpu.memory_space<hbm>> -> memref<1x1x125x80xi32, #tpu.memory_space<hbm>>
      %dma_wait3A_60 = tpu.memref_squeeze %dma_wait3A_59 : memref<1x1x125x80xi32, #tpu.memory_space<hbm>> -> memref<125x80xi32, #tpu.memory_space<hbm>>
      tpu.wait_dma2 semaphore(%run_scoped3A_44 : memref<!tpu.dma_semaphore, #tpu.memory_space<semaphore_mem>>) src(%dma_wait3A_60 : memref<125x80xi32, #tpu.memory_space<hbm>>) dst(%arg7 : memref<125x80xi32, #tpu.memory_space<vmem>>)
      tpu.yield
    }) : () -> ()
    %barrier3A = arith.constant 0 : index
    tpu.barrier barrier_id(%barrier3A)
    %dma_start3A = arith.constant 0 : i32
    %dma_start3A_26 = tpu.memref_slice %arg6[%dma_start3A] : memref<10000xi32, #tpu.memory_space<vmem>> -> memref<80xi32, #tpu.memory_space<vmem>>
    %dma_start3A_27 = arith.constant 0 : i32
    %dma_start3A_28 = arith.constant 0 : i32
    %dma_start3A_29 = tpu.memref_slice %arg4[%dma_start3A_27, %dma_start3A_28] : memref<10000x128xf32, #tpu.memory_space<hbm>> -> memref<10000x128xf32, #tpu.memory_space<hbm>>
    tpu.enqueue_indirect_dma source(%dma_start3A_29 : memref<10000x128xf32, #tpu.memory_space<hbm>>) target(%arg8 : memref<80x128xf32, #tpu.memory_space<vmem>>) offsets(%dma_start3A_26 : memref<80xi32, #tpu.memory_space<vmem>>) semaphore(%arg11 : memref<!tpu.dma_semaphore, #tpu.memory_space<semaphore_mem>>)
    %scan3A_30 = arith.constant 0 : i32
    %scan3A_31 = arith.constant 0 : i32
    %scan3A_32 = arith.constant 62 : i32
    %scan3A_33 = arith.addi %scan3A_31, %scan3A_32 : i32
    %scan3A_34 = arith.constant 1 : i32
    %scan3A_35 = scf.for %scan3A_44 = %scan3A_31 to %scan3A_33 step %scan3A_34 iter_args(%scan3A_45 = %scan3A_30) -> (i32)  : i32 {
      %mul3A_46 = arith.constant 2 : i32
      %mul3A_47 = arith.muli %mul3A_46, %scan3A_44 : i32
      %add3A_48 = arith.constant 1 : i32
      %add3A_49 = arith.addi %mul3A_47, %add3A_48 : i32
      %mul3A_50 = arith.constant 80 : i32
      %mul3A_51 = arith.muli %add3A_49, %mul3A_50 : i32
      %dma_start3A_52 = tpu.memref_slice %arg6[%mul3A_51] : memref<10000xi32, #tpu.memory_space<vmem>> -> memref<80xi32, #tpu.memory_space<vmem>>
      %dma_start3A_53 = arith.constant 0 : i32
      %dma_start3A_54 = arith.constant 0 : i32
      %dma_start3A_55 = tpu.memref_slice %arg4[%dma_start3A_53, %dma_start3A_54] : memref<10000x128xf32, #tpu.memory_space<hbm>> -> memref<10000x128xf32, #tpu.memory_space<hbm>>
      tpu.enqueue_indirect_dma source(%dma_start3A_55 : memref<10000x128xf32, #tpu.memory_space<hbm>>) target(%arg9 : memref<80x128xf32, #tpu.memory_space<vmem>>) offsets(%dma_start3A_52 : memref<80xi32, #tpu.memory_space<vmem>>) semaphore(%arg12 : memref<!tpu.dma_semaphore, #tpu.memory_space<semaphore_mem>>)
      %mul3A_56 = arith.constant 80 : i32
      %mul3A_57 = arith.muli %mul3A_47, %mul3A_56 : i32
      %dma_wait3A_58 = tpu.memref_slice %arg6[%mul3A_57] : memref<10000xi32, #tpu.memory_space<vmem>> -> memref<80xi32, #tpu.memory_space<vmem>>
      %dma_wait3A_59 = arith.constant 0 : i32
      %dma_wait3A_60 = arith.constant 0 : i32
      %dma_wait3A_61 = tpu.memref_slice %arg4[%dma_wait3A_59, %dma_wait3A_60] : memref<10000x128xf32, #tpu.memory_space<hbm>> -> memref<10000x128xf32, #tpu.memory_space<hbm>>
      tpu.wait_indirect_dma semaphore(%arg11 : memref<!tpu.dma_semaphore, #tpu.memory_space<semaphore_mem>>) src(%dma_wait3A_61 : memref<10000x128xf32, #tpu.memory_space<hbm>>) dst(%arg8 : memref<80x128xf32, #tpu.memory_space<vmem>>)
      "tpu.region"() ({
        %run_scoped3A_81 = tpu.sem_alloc : memref<!tpu.dma_semaphore, #tpu.memory_space<semaphore_mem>>
        %dma_start3A_82 = arith.constant 0 : i32
        %dma_start3A_83 = tpu.memref_slice %arg7[%mul3A_47, %dma_start3A_82] : memref<125x80xi32, #tpu.memory_space<vmem>> -> memref<1x80xi32, #tpu.memory_space<vmem>>
        %dma_start3A_84 = tpu.memref_squeeze %dma_start3A_83 : memref<1x80xi32, #tpu.memory_space<vmem>> -> memref<80xi32, #tpu.memory_space<vmem>>
        %dma_start3A_85 = arith.constant 0 : i32
        %dma_start3A_86 = arith.constant 0 : i32
        %dma_start3A_87 = tpu.memref_slice %arg10[%dma_start3A_85, %dma_start3A_86] : memref<10112x128xf32, #tpu.memory_space<vmem_shared>> -> memref<10112x128xf32, #tpu.memory_space<vmem_shared>>
        tpu.enqueue_indirect_dma source(%arg8 : memref<80x128xf32, #tpu.memory_space<vmem>>) target(%dma_start3A_87 : memref<10112x128xf32, #tpu.memory_space<vmem_shared>>) offsets(%dma_start3A_84 : memref<80xi32, #tpu.memory_space<vmem>>) semaphore(%run_scoped3A_81 : memref<!tpu.dma_semaphore, #tpu.memory_space<semaphore_mem>>) {add = true}
        %dma_wait3A_88 = arith.constant 0 : i32
        %dma_wait3A_89 = tpu.memref_slice %arg7[%mul3A_47, %dma_wait3A_88] : memref<125x80xi32, #tpu.memory_space<vmem>> -> memref<1x80xi32, #tpu.memory_space<vmem>>
        %dma_wait3A_90 = tpu.memref_squeeze %dma_wait3A_89 : memref<1x80xi32, #tpu.memory_space<vmem>> -> memref<80xi32, #tpu.memory_space<vmem>>
        %dma_wait3A_91 = arith.constant 0 : i32
        %dma_wait3A_92 = arith.constant 0 : i32
        %dma_wait3A_93 = tpu.memref_slice %arg10[%dma_wait3A_91, %dma_wait3A_92] : memref<10112x128xf32, #tpu.memory_space<vmem_shared>> -> memref<10112x128xf32, #tpu.memory_space<vmem_shared>>
        tpu.wait_indirect_dma semaphore(%run_scoped3A_81 : memref<!tpu.dma_semaphore, #tpu.memory_space<semaphore_mem>>) src(%arg8 : memref<80x128xf32, #tpu.memory_space<vmem>>) dst(%dma_wait3A_93 : memref<10112x128xf32, #tpu.memory_space<vmem_shared>>)
        tpu.yield
      }) : () -> ()
      %add3A_62 = arith.constant 2 : i32
      %add3A_63 = arith.addi %mul3A_47, %add3A_62 : i32
      %mul3A_64 = arith.constant 80 : i32
      %mul3A_65 = arith.muli %add3A_63, %mul3A_64 : i32
      %dma_start3A_66 = tpu.memref_slice %arg6[%mul3A_65] : memref<10000xi32, #tpu.memory_space<vmem>> -> memref<80xi32, #tpu.memory_space<vmem>>
      %dma_start3A_67 = arith.constant 0 : i32
      %dma_start3A_68 = arith.constant 0 : i32
      %dma_start3A_69 = tpu.memref_slice %arg4[%dma_start3A_67, %dma_start3A_68] : memref<10000x128xf32, #tpu.memory_space<hbm>> -> memref<10000x128xf32, #tpu.memory_space<hbm>>
      tpu.enqueue_indirect_dma source(%dma_start3A_69 : memref<10000x128xf32, #tpu.memory_space<hbm>>) target(%arg8 : memref<80x128xf32, #tpu.memory_space<vmem>>) offsets(%dma_start3A_66 : memref<80xi32, #tpu.memory_space<vmem>>) semaphore(%arg11 : memref<!tpu.dma_semaphore, #tpu.memory_space<semaphore_mem>>)
      %add3A_70 = arith.constant 1 : i32
      %add3A_71 = arith.addi %mul3A_47, %add3A_70 : i32
      %mul3A_72 = arith.constant 80 : i32
      %mul3A_73 = arith.muli %add3A_71, %mul3A_72 : i32
      %dma_wait3A_74 = tpu.memref_slice %arg6[%mul3A_73] : memref<10000xi32, #tpu.memory_space<vmem>> -> memref<80xi32, #tpu.memory_space<vmem>>
      %dma_wait3A_75 = arith.constant 0 : i32
      %dma_wait3A_76 = arith.constant 0 : i32
      %dma_wait3A_77 = tpu.memref_slice %arg4[%dma_wait3A_75, %dma_wait3A_76] : memref<10000x128xf32, #tpu.memory_space<hbm>> -> memref<10000x128xf32, #tpu.memory_space<hbm>>
      tpu.wait_indirect_dma semaphore(%arg12 : memref<!tpu.dma_semaphore, #tpu.memory_space<semaphore_mem>>) src(%dma_wait3A_77 : memref<10000x128xf32, #tpu.memory_space<hbm>>) dst(%arg9 : memref<80x128xf32, #tpu.memory_space<vmem>>)
      %add3A_78 = arith.constant 1 : i32
      %add3A_79 = arith.addi %mul3A_47, %add3A_78 : i32
      "tpu.region"() ({
        %run_scoped3A_81 = tpu.sem_alloc : memref<!tpu.dma_semaphore, #tpu.memory_space<semaphore_mem>>
        %dma_start3A_82 = arith.constant 0 : i32
        %dma_start3A_83 = tpu.memref_slice %arg7[%add3A_79, %dma_start3A_82] : memref<125x80xi32, #tpu.memory_space<vmem>> -> memref<1x80xi32, #tpu.memory_space<vmem>>
        %dma_start3A_84 = tpu.memref_squeeze %dma_start3A_83 : memref<1x80xi32, #tpu.memory_space<vmem>> -> memref<80xi32, #tpu.memory_space<vmem>>
        %dma_start3A_85 = arith.constant 0 : i32
        %dma_start3A_86 = arith.constant 0 : i32
        %dma_start3A_87 = tpu.memref_slice %arg10[%dma_start3A_85, %dma_start3A_86] : memref<10112x128xf32, #tpu.memory_space<vmem_shared>> -> memref<10112x128xf32, #tpu.memory_space<vmem_shared>>
        tpu.enqueue_indirect_dma source(%arg9 : memref<80x128xf32, #tpu.memory_space<vmem>>) target(%dma_start3A_87 : memref<10112x128xf32, #tpu.memory_space<vmem_shared>>) offsets(%dma_start3A_84 : memref<80xi32, #tpu.memory_space<vmem>>) semaphore(%run_scoped3A_81 : memref<!tpu.dma_semaphore, #tpu.memory_space<semaphore_mem>>) {add = true}
        %dma_wait3A_88 = arith.constant 0 : i32
        %dma_wait3A_89 = tpu.memref_slice %arg7[%add3A_79, %dma_wait3A_88] : memref<125x80xi32, #tpu.memory_space<vmem>> -> memref<1x80xi32, #tpu.memory_space<vmem>>
        %dma_wait3A_90 = tpu.memref_squeeze %dma_wait3A_89 : memref<1x80xi32, #tpu.memory_space<vmem>> -> memref<80xi32, #tpu.memory_space<vmem>>
        %dma_wait3A_91 = arith.constant 0 : i32
        %dma_wait3A_92 = arith.constant 0 : i32
        %dma_wait3A_93 = tpu.memref_slice %arg10[%dma_wait3A_91, %dma_wait3A_92] : memref<10112x128xf32, #tpu.memory_space<vmem_shared>> -> memref<10112x128xf32, #tpu.memory_space<vmem_shared>>
        tpu.wait_indirect_dma semaphore(%run_scoped3A_81 : memref<!tpu.dma_semaphore, #tpu.memory_space<semaphore_mem>>) src(%arg9 : memref<80x128xf32, #tpu.memory_space<vmem>>) dst(%dma_wait3A_93 : memref<10112x128xf32, #tpu.memory_space<vmem_shared>>)
        tpu.yield
      }) : () -> ()
      %scan3A_80 = arith.constant 0 : i32
      scf.yield %scan3A_80 : i32
    }
    %scan3A_36 = arith.constant 62 : i32
    %dma_wait3A = arith.constant 9920 : i32
    %dma_wait3A_37 = tpu.memref_slice %arg6[%dma_wait3A] : memref<10000xi32, #tpu.memory_space<vmem>> -> memref<80xi32, #tpu.memory_space<vmem>>
    %dma_wait3A_38 = arith.constant 0 : i32
    %dma_wait3A_39 = arith.constant 0 : i32
    %dma_wait3A_40 = tpu.memref_slice %arg4[%dma_wait3A_38, %dma_wait3A_39] : memref<10000x128xf32, #tpu.memory_space<hbm>> -> memref<10000x128xf32, #tpu.memory_space<hbm>>
    tpu.wait_indirect_dma semaphore(%arg11 : memref<!tpu.dma_semaphore, #tpu.memory_space<semaphore_mem>>) src(%dma_wait3A_40 : memref<10000x128xf32, #tpu.memory_space<hbm>>) dst(%arg8 : memref<80x128xf32, #tpu.memory_space<vmem>>)
    %run_scoped3A_41 = arith.constant 124 : i32
    "tpu.region"() ({
      %run_scoped3A_44 = tpu.sem_alloc : memref<!tpu.dma_semaphore, #tpu.memory_space<semaphore_mem>>
      %dma_start3A_45 = arith.constant 0 : i32
      %dma_start3A_46 = tpu.memref_slice %arg7[%run_scoped3A_41, %dma_start3A_45] : memref<125x80xi32, #tpu.memory_space<vmem>> -> memref<1x80xi32, #tpu.memory_space<vmem>>
      %dma_start3A_47 = tpu.memref_squeeze %dma_start3A_46 : memref<1x80xi32, #tpu.memory_space<vmem>> -> memref<80xi32, #tpu.memory_space<vmem>>
      %dma_start3A_48 = arith.constant 0 : i32
      %dma_start3A_49 = arith.constant 0 : i32
      %dma_start3A_50 = tpu.memref_slice %arg10[%dma_start3A_48, %dma_start3A_49] : memref<10112x128xf32, #tpu.memory_space<vmem_shared>> -> memref<10112x128xf32, #tpu.memory_space<vmem_shared>>
      tpu.enqueue_indirect_dma source(%arg8 : memref<80x128xf32, #tpu.memory_space<vmem>>) target(%dma_start3A_50 : memref<10112x128xf32, #tpu.memory_space<vmem_shared>>) offsets(%dma_start3A_47 : memref<80xi32, #tpu.memory_space<vmem>>) semaphore(%run_scoped3A_44 : memref<!tpu.dma_semaphore, #tpu.memory_space<semaphore_mem>>) {add = true}
      %dma_wait3A_51 = arith.constant 0 : i32
      %dma_wait3A_52 = tpu.memref_slice %arg7[%run_scoped3A_41, %dma_wait3A_51] : memref<125x80xi32, #tpu.memory_space<vmem>> -> memref<1x80xi32, #tpu.memory_space<vmem>>
      %dma_wait3A_53 = tpu.memref_squeeze %dma_wait3A_52 : memref<1x80xi32, #tpu.memory_space<vmem>> -> memref<80xi32, #tpu.memory_space<vmem>>
      %dma_wait3A_54 = arith.constant 0 : i32
      %dma_wait3A_55 = arith.constant 0 : i32
      %dma_wait3A_56 = tpu.memref_slice %arg10[%dma_wait3A_54, %dma_wait3A_55] : memref<10112x128xf32, #tpu.memory_space<vmem_shared>> -> memref<10112x128xf32, #tpu.memory_space<vmem_shared>>
      tpu.wait_indirect_dma semaphore(%run_scoped3A_44 : memref<!tpu.dma_semaphore, #tpu.memory_space<semaphore_mem>>) src(%arg8 : memref<80x128xf32, #tpu.memory_space<vmem>>) dst(%dma_wait3A_56 : memref<10112x128xf32, #tpu.memory_space<vmem_shared>>)
      tpu.yield
    }) : () -> ()
    %barrier3A_42 = arith.constant 0 : index
    tpu.barrier barrier_id(%barrier3A_42)
    %run_scoped3A_43 = arith.constant 0 : i32
    "tpu.region"() ({
      %run_scoped3A_44 = tpu.sem_alloc : memref<!tpu.dma_semaphore, #tpu.memory_space<semaphore_mem>>
      %dma_start3A_45 = arith.constant 0 : i32
      %dma_start3A_46 = tpu.memref_slice %arg5[%run_scoped3A_43, %arg0, %mul3A_2, %dma_start3A_45] : memref<1x2x10112x128xf32, #tpu.memory_space<hbm>> -> memref<1x1x632x128xf32, #tpu.memory_space<hbm>>
      %dma_start3A_47 = tpu.memref_squeeze %dma_start3A_46 : memref<1x1x632x128xf32, #tpu.memory_space<hbm>> -> memref<632x128xf32, #tpu.memory_space<hbm>>
      %dma_start3A_48 = arith.constant 0 : i32
      %dma_start3A_49 = tpu.memref_slice %arg10[%mul3A_2, %dma_start3A_48] : memref<10112x128xf32, #tpu.memory_space<vmem_shared>> -> memref<632x128xf32, #tpu.memory_space<vmem_shared>>
      tpu.enqueue_dma source(%dma_start3A_49 : memref<632x128xf32, #tpu.memory_space<vmem_shared>>) target(%dma_start3A_47 : memref<632x128xf32, #tpu.memory_space<hbm>>) target_semaphore(%run_scoped3A_44 : memref<!tpu.dma_semaphore, #tpu.memory_space<semaphore_mem>>)
      %dma_wait3A_50 = arith.constant 0 : i32
      %dma_wait3A_51 = tpu.memref_slice %arg5[%run_scoped3A_43, %arg0, %mul3A_2, %dma_wait3A_50] : memref<1x2x10112x128xf32, #tpu.memory_space<hbm>> -> memref<1x1x632x128xf32, #tpu.memory_space<hbm>>
      %dma_wait3A_52 = tpu.memref_squeeze %dma_wait3A_51 : memref<1x1x632x128xf32, #tpu.memory_space<hbm>> -> memref<632x128xf32, #tpu.memory_space<hbm>>
      %dma_wait3A_53 = arith.constant 0 : i32
      %dma_wait3A_54 = tpu.memref_slice %arg10[%mul3A_2, %dma_wait3A_53] : memref<10112x128xf32, #tpu.memory_space<vmem_shared>> -> memref<632x128xf32, #tpu.memory_space<vmem_shared>>
      tpu.wait_dma2 semaphore(%run_scoped3A_44 : memref<!tpu.dma_semaphore, #tpu.memory_space<semaphore_mem>>) src(%dma_wait3A_54 : memref<632x128xf32, #tpu.memory_space<vmem_shared>>) dst(%dma_wait3A_52 : memref<632x128xf32, #tpu.memory_space<hbm>>)
      tpu.yield
    }) : () -> ()
    return
  }
}

#map = affine_map<(d0, d1) -> (0, 0, 0)>
#map1 = affine_map<(d0, d1) -> (0, 0)>
module attributes {stable_mosaic.version = 14 : i64} {
  func.func @k(%arg0: i32, %arg1: i32, %arg2: memref<2x32x10000xi32, #tpu.memory_space<hbm>>, %arg3: memref<32x10000xf32, #tpu.memory_space<hbm>>, %arg4: memref<10000xi32, #tpu.memory_space<vmem>>, %arg5: memref<10000xf32, #tpu.memory_space<vmem>>) attributes {dimension_semantics = [#tpu.dimension_semantics<core_parallel>, #tpu.dimension_semantics<subcore_parallel>], iteration_bounds = array<i64: 2, 16>, scalar_prefetch = 0 : i64, scratch_operands = 2 : i64, tpu.core_type = #tpu.core_type<sc_vector_subcore>, window_params = [{transform_indices = #map}, {transform_indices = #map1}]} {
    %mul3A = arith.constant 2 : i32
    %mul3A_0 = arith.muli %arg1, %mul3A : i32
    %add3A = arith.addi %mul3A_0, %arg0 : i32
    %run_scoped3A = arith.constant 1 : i32
    "tpu.region"() ({
      %run_scoped3A_15 = tpu.sem_alloc : memref<!tpu.dma_semaphore, #tpu.memory_space<semaphore_mem>>
      %dma_start3A = arith.constant 0 : i32
      %dma_start3A_16 = tpu.memref_slice %arg2[%run_scoped3A, %add3A, %dma_start3A] : memref<2x32x10000xi32, #tpu.memory_space<hbm>> -> memref<1x1x10000xi32, #tpu.memory_space<hbm>>
      %dma_start3A_17 = tpu.memref_squeeze %dma_start3A_16 : memref<1x1x10000xi32, #tpu.memory_space<hbm>> -> memref<10000xi32, #tpu.memory_space<hbm>>
      %dma_start3A_18 = arith.constant 0 : i32
      %dma_start3A_19 = tpu.memref_slice %arg2[%run_scoped3A, %add3A, %dma_start3A_18] : memref<2x32x10000xi32, #tpu.memory_space<hbm>> -> memref<1x1x10000xi32, #tpu.memory_space<hbm>>
      %dma_start3A_20 = tpu.memref_squeeze %dma_start3A_19 : memref<1x1x10000xi32, #tpu.memory_space<hbm>> -> memref<10000xi32, #tpu.memory_space<hbm>>
      tpu.enqueue_dma source(%dma_start3A_20 : memref<10000xi32, #tpu.memory_space<hbm>>) target(%arg4 : memref<10000xi32, #tpu.memory_space<vmem>>) target_semaphore(%run_scoped3A_15 : memref<!tpu.dma_semaphore, #tpu.memory_space<semaphore_mem>>)
      %dma_wait3A = arith.constant 0 : i32
      %dma_wait3A_21 = tpu.memref_slice %arg2[%run_scoped3A, %add3A, %dma_wait3A] : memref<2x32x10000xi32, #tpu.memory_space<hbm>> -> memref<1x1x10000xi32, #tpu.memory_space<hbm>>
      %dma_wait3A_22 = tpu.memref_squeeze %dma_wait3A_21 : memref<1x1x10000xi32, #tpu.memory_space<hbm>> -> memref<10000xi32, #tpu.memory_space<hbm>>
      %dma_wait3A_23 = arith.constant 0 : i32
      %dma_wait3A_24 = tpu.memref_slice %arg2[%run_scoped3A, %add3A, %dma_wait3A_23] : memref<2x32x10000xi32, #tpu.memory_space<hbm>> -> memref<1x1x10000xi32, #tpu.memory_space<hbm>>
      %dma_wait3A_25 = tpu.memref_squeeze %dma_wait3A_24 : memref<1x1x10000xi32, #tpu.memory_space<hbm>> -> memref<10000xi32, #tpu.memory_space<hbm>>
      tpu.wait_dma2 semaphore(%run_scoped3A_15 : memref<!tpu.dma_semaphore, #tpu.memory_space<semaphore_mem>>) src(%dma_wait3A_25 : memref<10000xi32, #tpu.memory_space<hbm>>) dst(%arg4 : memref<10000xi32, #tpu.memory_space<vmem>>)
      tpu.yield
    }) : () -> ()
    %scan3A = arith.constant 0 : i32
    %scan3A_1 = arith.constant 0 : i32
    %scan3A_2 = arith.constant 625 : i32
    %scan3A_3 = arith.addi %scan3A_1, %scan3A_2 : i32
    %scan3A_4 = arith.constant 1 : i32
    %scan3A_5 = scf.for %scan3A_15 = %scan3A_1 to %scan3A_3 step %scan3A_4 iter_args(%scan3A_16 = %scan3A) -> (i32)  : i32 {
      %broadcast_in_dim3A_17 = arith.constant 0.000000e+00 : f32
      %broadcast_in_dim3A_18 = vector.broadcast %broadcast_in_dim3A_17 : f32 to vector<16xf32>
      %mul3A_19 = arith.constant 16 : i32
      %mul3A_20 = arith.muli %scan3A_15, %mul3A_19 : i32
      %swap3A = arith.index_cast %mul3A_20 : i32 to index
      %swap3A_21 = tpu.vector_load %arg5[%swap3A] {strides = array<i32>} : memref<10000xf32, #tpu.memory_space<vmem>>, vector<16xf32>,
      tpu.vector_store %arg5[%swap3A], %broadcast_in_dim3A_18 {strides = array<i32>} : memref<10000xf32, #tpu.memory_space<vmem>>, vector<16xf32>,
      %scan3A_22 = arith.constant 0 : i32
      scf.yield %scan3A_22 : i32
    }
    %scan3A_6 = arith.constant 625 : i32
    %broadcast_in_dim3A = arith.constant 1.000000e+00 : f32
    %broadcast_in_dim3A_7 = vector.broadcast %broadcast_in_dim3A : f32 to vector<16xf32>
    %scan3A_8 = arith.constant 0 : i32
    %scan3A_9 = arith.constant 0 : i32
    %scan3A_10 = arith.constant 625 : i32
    %scan3A_11 = arith.addi %scan3A_9, %scan3A_10 : i32
    %scan3A_12 = arith.constant 1 : i32
    %scan3A_13 = scf.for %scan3A_15 = %scan3A_9 to %scan3A_11 step %scan3A_12 iter_args(%scan3A_16 = %scan3A_8) -> (i32)  : i32 {
      %mul3A_17 = arith.constant 16 : i32
      %mul3A_18 = arith.muli %scan3A_15, %mul3A_17 : i32
      %get3A = arith.index_cast %mul3A_18 : i32 to index
      %get3A_19 = tpu.vector_load %arg4[%get3A] {strides = array<i32>} : memref<10000xi32, #tpu.memory_space<vmem>>, vector<16xi32>,
      tpu.vector_store_idx %arg5[%get3A_19], %broadcast_in_dim3A_7 {add = true} : memref<10000xf32, #tpu.memory_space<vmem>>[vector<16xi32>], vector<16xf32>,
      %scan3A_20 = arith.constant 0 : i32
      scf.yield %scan3A_20 : i32
    }
    %scan3A_14 = arith.constant 625 : i32
    "tpu.region"() ({
      %run_scoped3A_15 = tpu.sem_alloc : memref<!tpu.dma_semaphore, #tpu.memory_space<semaphore_mem>>
      %dma_start3A = arith.constant 0 : i32
      %dma_start3A_16 = tpu.memref_slice %arg3[%add3A, %dma_start3A] : memref<32x10000xf32, #tpu.memory_space<hbm>> -> memref<1x10000xf32, #tpu.memory_space<hbm>>
      %dma_start3A_17 = tpu.memref_squeeze %dma_start3A_16 : memref<1x10000xf32, #tpu.memory_space<hbm>> -> memref<10000xf32, #tpu.memory_space<hbm>>
      %dma_start3A_18 = arith.constant 0 : i32
      %dma_start3A_19 = tpu.memref_slice %arg3[%add3A, %dma_start3A_18] : memref<32x10000xf32, #tpu.memory_space<hbm>> -> memref<1x10000xf32, #tpu.memory_space<hbm>>
      %dma_start3A_20 = tpu.memref_squeeze %dma_start3A_19 : memref<1x10000xf32, #tpu.memory_space<hbm>> -> memref<10000xf32, #tpu.memory_space<hbm>>
      tpu.enqueue_dma source(%arg5 : memref<10000xf32, #tpu.memory_space<vmem>>) target(%dma_start3A_20 : memref<10000xf32, #tpu.memory_space<hbm>>) target_semaphore(%run_scoped3A_15 : memref<!tpu.dma_semaphore, #tpu.memory_space<semaphore_mem>>)
      %dma_wait3A = arith.constant 0 : i32
      %dma_wait3A_21 = tpu.memref_slice %arg3[%add3A, %dma_wait3A] : memref<32x10000xf32, #tpu.memory_space<hbm>> -> memref<1x10000xf32, #tpu.memory_space<hbm>>
      %dma_wait3A_22 = tpu.memref_squeeze %dma_wait3A_21 : memref<1x10000xf32, #tpu.memory_space<hbm>> -> memref<10000xf32, #tpu.memory_space<hbm>>
      %dma_wait3A_23 = arith.constant 0 : i32
      %dma_wait3A_24 = tpu.memref_slice %arg3[%add3A, %dma_wait3A_23] : memref<32x10000xf32, #tpu.memory_space<hbm>> -> memref<1x10000xf32, #tpu.memory_space<hbm>>
      %dma_wait3A_25 = tpu.memref_squeeze %dma_wait3A_24 : memref<1x10000xf32, #tpu.memory_space<hbm>> -> memref<10000xf32, #tpu.memory_space<hbm>>
      tpu.wait_dma2 semaphore(%run_scoped3A_15 : memref<!tpu.dma_semaphore, #tpu.memory_space<semaphore_mem>>) src(%arg5 : memref<10000xf32, #tpu.memory_space<vmem>>) dst(%dma_wait3A_25 : memref<10000xf32, #tpu.memory_space<hbm>>)
      tpu.yield
    }) : () -> ()
    return
  }
}

#map = affine_map<(d0, d1) -> (0, 0, 0)>
#map1 = affine_map<(d0, d1) -> (0, 0, 0, 0)>
#map2 = affine_map<(d0, d1) -> (0, 0)>
module attributes {stable_mosaic.version = 14 : i64} {
  func.func @k(%arg0: i32, %arg1: i32, %arg2: memref<2x32x10000xi32, #tpu.memory_space<hbm>>, %arg3: memref<2x32x125x80xi32, #tpu.memory_space<hbm>>, %arg4: memref<10112x128xf32, #tpu.memory_space<hbm>>, %arg5: memref<1x2x10112x128xf32, #tpu.memory_space<hbm>>, %arg6: memref<10000xi32, #tpu.memory_space<vmem>>, %arg7: memref<125x80xi32, #tpu.memory_space<vmem>>, %arg8: memref<80x128xf32, #tpu.memory_space<vmem>>, %arg9: memref<80x128xf32, #tpu.memory_space<vmem>>, %arg10: memref<10112x128xf32, #tpu.memory_space<vmem_shared>>, %arg11: memref<!tpu.dma_semaphore, #tpu.memory_space<semaphore_mem>>, %arg12: memref<!tpu.dma_semaphore, #tpu.memory_space<semaphore_mem>>) attributes {dimension_semantics = [#tpu.dimension_semantics<core_parallel>, #tpu.dimension_semantics<subcore_parallel>], iteration_bounds = array<i64: 2, 16>, scalar_prefetch = 0 : i64, scratch_operands = 7 : i64, tpu.core_type = #tpu.core_type<sc_vector_subcore>, window_params = [{transform_indices = #map}, {transform_indices = #map1}, {transform_indices = #map2}, {transform_indices = #map1}]} {
    %mul3A = arith.constant 2 : i32
    %mul3A_0 = arith.muli %arg1, %mul3A : i32
    %add3A = arith.addi %mul3A_0, %arg0 : i32
    %mul3A_1 = arith.constant 632 : i32
    %mul3A_2 = arith.muli %arg1, %mul3A_1 : i32
    %scan3A = arith.constant 0 : i32
    %scan3A_3 = arith.constant 0 : i32
    %scan3A_4 = arith.constant 80 : i32
    %scan3A_5 = arith.addi %scan3A_3, %scan3A_4 : i32
    %scan3A_6 = arith.constant 1 : i32
    %scan3A_7 = scf.for %scan3A_44 = %scan3A_3 to %scan3A_5 step %scan3A_6 iter_args(%scan3A_45 = %scan3A) -> (i32)  : i32 {
      %scan3A_46 = arith.constant 0 : i32
      %scan3A_47 = arith.constant 0 : i32
      %scan3A_48 = arith.constant 8 : i32
      %scan3A_49 = arith.addi %scan3A_47, %scan3A_48 : i32
      %scan3A_50 = arith.constant 1 : i32
      %scan3A_51 = scf.for %scan3A_54 = %scan3A_47 to %scan3A_49 step %scan3A_50 iter_args(%scan3A_55 = %scan3A_46) -> (i32)  : i32 {
        %broadcast_in_dim3A = arith.constant 0.000000e+00 : f32
        %broadcast_in_dim3A_56 = vector.broadcast %broadcast_in_dim3A : f32 to vector<16xf32>
        %mul3A_57 = arith.constant 16 : i32
        %mul3A_58 = arith.muli %scan3A_54, %mul3A_57 : i32
        %swap3A = arith.index_cast %scan3A_44 : i32 to index
        %swap3A_59 = arith.index_cast %mul3A_58 : i32 to index
        %swap3A_60 = tpu.vector_load %arg8[%swap3A, %swap3A_59] {strides = array<i32>} : memref<80x128xf32, #tpu.memory_space<vmem>>, vector<16xf32>,
        tpu.vector_store %arg8[%swap3A, %swap3A_59], %broadcast_in_dim3A_56 {strides = array<i32>} : memref<80x128xf32, #tpu.memory_space<vmem>>, vector<16xf32>,
        %scan3A_61 = arith.constant 0 : i32
        scf.yield %scan3A_61 : i32
      }
      %scan3A_52 = arith.constant 8 : i32
      %scan3A_53 = arith.constant 0 : i32
      scf.yield %scan3A_53 : i32
    }
    %scan3A_8 = arith.constant 80 : i32
    %add3A_9 = arith.constant 0 : i32
    %add3A_10 = arith.addi %mul3A_2, %add3A_9 : i32
    "tpu.region"() ({
      %run_scoped3A_44 = tpu.sem_alloc : memref<!tpu.dma_semaphore, #tpu.memory_space<semaphore_mem>>
      %dma_start3A_45 = arith.constant 0 : i32
      %dma_start3A_46 = tpu.memref_slice %arg10[%add3A_10, %dma_start3A_45] : memref<10112x128xf32, #tpu.memory_space<vmem_shared>> -> memref<80x128xf32, #tpu.memory_space<vmem_shared>>
      %dma_start3A_47 = arith.constant 0 : i32
      %dma_start3A_48 = tpu.memref_slice %arg10[%add3A_10, %dma_start3A_47] : memref<10112x128xf32, #tpu.memory_space<vmem_shared>> -> memref<80x128xf32, #tpu.memory_space<vmem_shared>>
      tpu.enqueue_dma source(%arg8 : memref<80x128xf32, #tpu.memory_space<vmem>>) target(%dma_start3A_48 : memref<80x128xf32, #tpu.memory_space<vmem_shared>>) target_semaphore(%run_scoped3A_44 : memref<!tpu.dma_semaphore, #tpu.memory_space<semaphore_mem>>)
      %dma_wait3A_49 = arith.constant 0 : i32
      %dma_wait3A_50 = tpu.memref_slice %arg10[%add3A_10, %dma_wait3A_49] : memref<10112x128xf32, #tpu.memory_space<vmem_shared>> -> memref<80x128xf32, #tpu.memory_space<vmem_shared>>
      %dma_wait3A_51 = arith.constant 0 : i32
      %dma_wait3A_52 = tpu.memref_slice %arg10[%add3A_10, %dma_wait3A_51] : memref<10112x128xf32, #tpu.memory_space<vmem_shared>> -> memref<80x128xf32, #tpu.memory_space<vmem_shared>>
      tpu.wait_dma2 semaphore(%run_scoped3A_44 : memref<!tpu.dma_semaphore, #tpu.memory_space<semaphore_mem>>) src(%arg8 : memref<80x128xf32, #tpu.memory_space<vmem>>) dst(%dma_wait3A_52 : memref<80x128xf32, #tpu.memory_space<vmem_shared>>)
      tpu.yield
    }) : () -> ()
    %add3A_11 = arith.constant 80 : i32
    %add3A_12 = arith.addi %mul3A_2, %add3A_11 : i32
    "tpu.region"() ({
      %run_scoped3A_44 = tpu.sem_alloc : memref<!tpu.dma_semaphore, #tpu.memory_space<semaphore_mem>>
      %dma_start3A_45 = arith.constant 0 : i32
      %dma_start3A_46 = tpu.memref_slice %arg10[%add3A_12, %dma_start3A_45] : memref<10112x128xf32, #tpu.memory_space<vmem_shared>> -> memref<80x128xf32, #tpu.memory_space<vmem_shared>>
      %dma_start3A_47 = arith.constant 0 : i32
      %dma_start3A_48 = tpu.memref_slice %arg10[%add3A_12, %dma_start3A_47] : memref<10112x128xf32, #tpu.memory_space<vmem_shared>> -> memref<80x128xf32, #tpu.memory_space<vmem_shared>>
      tpu.enqueue_dma source(%arg8 : memref<80x128xf32, #tpu.memory_space<vmem>>) target(%dma_start3A_48 : memref<80x128xf32, #tpu.memory_space<vmem_shared>>) target_semaphore(%run_scoped3A_44 : memref<!tpu.dma_semaphore, #tpu.memory_space<semaphore_mem>>)
      %dma_wait3A_49 = arith.constant 0 : i32
      %dma_wait3A_50 = tpu.memref_slice %arg10[%add3A_12, %dma_wait3A_49] : memref<10112x128xf32, #tpu.memory_space<vmem_shared>> -> memref<80x128xf32, #tpu.memory_space<vmem_shared>>
      %dma_wait3A_51 = arith.constant 0 : i32
      %dma_wait3A_52 = tpu.memref_slice %arg10[%add3A_12, %dma_wait3A_51] : memref<10112x128xf32, #tpu.memory_space<vmem_shared>> -> memref<80x128xf32, #tpu.memory_space<vmem_shared>>
      tpu.wait_dma2 semaphore(%run_scoped3A_44 : memref<!tpu.dma_semaphore, #tpu.memory_space<semaphore_mem>>) src(%arg8 : memref<80x128xf32, #tpu.memory_space<vmem>>) dst(%dma_wait3A_52 : memref<80x128xf32, #tpu.memory_space<vmem_shared>>)
      tpu.yield
    }) : () -> ()
    %add3A_13 = arith.constant 160 : i32
    %add3A_14 = arith.addi %mul3A_2, %add3A_13 : i32
    "tpu.region"() ({
      %run_scoped3A_44 = tpu.sem_alloc : memref<!tpu.dma_semaphore, #tpu.memory_space<semaphore_mem>>
      %dma_start3A_45 = arith.constant 0 : i32
      %dma_start3A_46 = tpu.memref_slice %arg10[%add3A_14, %dma_start3A_45] : memref<10112x128xf32, #tpu.memory_space<vmem_shared>> -> memref<80x128xf32, #tpu.memory_space<vmem_shared>>
      %dma_start3A_47 = arith.constant 0 : i32
      %dma_start3A_48 = tpu.memref_slice %arg10[%add3A_14, %dma_start3A_47] : memref<10112x128xf32, #tpu.memory_space<vmem_shared>> -> memref<80x128xf32, #tpu.memory_space<vmem_shared>>
      tpu.enqueue_dma source(%arg8 : memref<80x128xf32, #tpu.memory_space<vmem>>) target(%dma_start3A_48 : memref<80x128xf32, #tpu.memory_space<vmem_shared>>) target_semaphore(%run_scoped3A_44 : memref<!tpu.dma_semaphore, #tpu.memory_space<semaphore_mem>>)
      %dma_wait3A_49 = arith.constant 0 : i32
      %dma_wait3A_50 = tpu.memref_slice %arg10[%add3A_14, %dma_wait3A_49] : memref<10112x128xf32, #tpu.memory_space<vmem_shared>> -> memref<80x128xf32, #tpu.memory_space<vmem_shared>>
      %dma_wait3A_51 = arith.constant 0 : i32
      %dma_wait3A_52 = tpu.memref_slice %arg10[%add3A_14, %dma_wait3A_51] : memref<10112x128xf32, #tpu.memory_space<vmem_shared>> -> memref<80x128xf32, #tpu.memory_space<vmem_shared>>
      tpu.wait_dma2 semaphore(%run_scoped3A_44 : memref<!tpu.dma_semaphore, #tpu.memory_space<semaphore_mem>>) src(%arg8 : memref<80x128xf32, #tpu.memory_space<vmem>>) dst(%dma_wait3A_52 : memref<80x128xf32, #tpu.memory_space<vmem_shared>>)
      tpu.yield
    }) : () -> ()
    %add3A_15 = arith.constant 240 : i32
    %add3A_16 = arith.addi %mul3A_2, %add3A_15 : i32
    "tpu.region"() ({
      %run_scoped3A_44 = tpu.sem_alloc : memref<!tpu.dma_semaphore, #tpu.memory_space<semaphore_mem>>
      %dma_start3A_45 = arith.constant 0 : i32
      %dma_start3A_46 = tpu.memref_slice %arg10[%add3A_16, %dma_start3A_45] : memref<10112x128xf32, #tpu.memory_space<vmem_shared>> -> memref<80x128xf32, #tpu.memory_space<vmem_shared>>
      %dma_start3A_47 = arith.constant 0 : i32
      %dma_start3A_48 = tpu.memref_slice %arg10[%add3A_16, %dma_start3A_47] : memref<10112x128xf32, #tpu.memory_space<vmem_shared>> -> memref<80x128xf32, #tpu.memory_space<vmem_shared>>
      tpu.enqueue_dma source(%arg8 : memref<80x128xf32, #tpu.memory_space<vmem>>) target(%dma_start3A_48 : memref<80x128xf32, #tpu.memory_space<vmem_shared>>) target_semaphore(%run_scoped3A_44 : memref<!tpu.dma_semaphore, #tpu.memory_space<semaphore_mem>>)
      %dma_wait3A_49 = arith.constant 0 : i32
      %dma_wait3A_50 = tpu.memref_slice %arg10[%add3A_16, %dma_wait3A_49] : memref<10112x128xf32, #tpu.memory_space<vmem_shared>> -> memref<80x128xf32, #tpu.memory_space<vmem_shared>>
      %dma_wait3A_51 = arith.constant 0 : i32
      %dma_wait3A_52 = tpu.memref_slice %arg10[%add3A_16, %dma_wait3A_51] : memref<10112x128xf32, #tpu.memory_space<vmem_shared>> -> memref<80x128xf32, #tpu.memory_space<vmem_shared>>
      tpu.wait_dma2 semaphore(%run_scoped3A_44 : memref<!tpu.dma_semaphore, #tpu.memory_space<semaphore_mem>>) src(%arg8 : memref<80x128xf32, #tpu.memory_space<vmem>>) dst(%dma_wait3A_52 : memref<80x128xf32, #tpu.memory_space<vmem_shared>>)
      tpu.yield
    }) : () -> ()
    %add3A_17 = arith.constant 320 : i32
    %add3A_18 = arith.addi %mul3A_2, %add3A_17 : i32
    "tpu.region"() ({
      %run_scoped3A_44 = tpu.sem_alloc : memref<!tpu.dma_semaphore, #tpu.memory_space<semaphore_mem>>
      %dma_start3A_45 = arith.constant 0 : i32
      %dma_start3A_46 = tpu.memref_slice %arg10[%add3A_18, %dma_start3A_45] : memref<10112x128xf32, #tpu.memory_space<vmem_shared>> -> memref<80x128xf32, #tpu.memory_space<vmem_shared>>
      %dma_start3A_47 = arith.constant 0 : i32
      %dma_start3A_48 = tpu.memref_slice %arg10[%add3A_18, %dma_start3A_47] : memref<10112x128xf32, #tpu.memory_space<vmem_shared>> -> memref<80x128xf32, #tpu.memory_space<vmem_shared>>
      tpu.enqueue_dma source(%arg8 : memref<80x128xf32, #tpu.memory_space<vmem>>) target(%dma_start3A_48 : memref<80x128xf32, #tpu.memory_space<vmem_shared>>) target_semaphore(%run_scoped3A_44 : memref<!tpu.dma_semaphore, #tpu.memory_space<semaphore_mem>>)
      %dma_wait3A_49 = arith.constant 0 : i32
      %dma_wait3A_50 = tpu.memref_slice %arg10[%add3A_18, %dma_wait3A_49] : memref<10112x128xf32, #tpu.memory_space<vmem_shared>> -> memref<80x128xf32, #tpu.memory_space<vmem_shared>>
      %dma_wait3A_51 = arith.constant 0 : i32
      %dma_wait3A_52 = tpu.memref_slice %arg10[%add3A_18, %dma_wait3A_51] : memref<10112x128xf32, #tpu.memory_space<vmem_shared>> -> memref<80x128xf32, #tpu.memory_space<vmem_shared>>
      tpu.wait_dma2 semaphore(%run_scoped3A_44 : memref<!tpu.dma_semaphore, #tpu.memory_space<semaphore_mem>>) src(%arg8 : memref<80x128xf32, #tpu.memory_space<vmem>>) dst(%dma_wait3A_52 : memref<80x128xf32, #tpu.memory_space<vmem_shared>>)
      tpu.yield
    }) : () -> ()
    %add3A_19 = arith.constant 400 : i32
    %add3A_20 = arith.addi %mul3A_2, %add3A_19 : i32
    "tpu.region"() ({
      %run_scoped3A_44 = tpu.sem_alloc : memref<!tpu.dma_semaphore, #tpu.memory_space<semaphore_mem>>
      %dma_start3A_45 = arith.constant 0 : i32
      %dma_start3A_46 = tpu.memref_slice %arg10[%add3A_20, %dma_start3A_45] : memref<10112x128xf32, #tpu.memory_space<vmem_shared>> -> memref<80x128xf32, #tpu.memory_space<vmem_shared>>
      %dma_start3A_47 = arith.constant 0 : i32
      %dma_start3A_48 = tpu.memref_slice %arg10[%add3A_20, %dma_start3A_47] : memref<10112x128xf32, #tpu.memory_space<vmem_shared>> -> memref<80x128xf32, #tpu.memory_space<vmem_shared>>
      tpu.enqueue_dma source(%arg8 : memref<80x128xf32, #tpu.memory_space<vmem>>) target(%dma_start3A_48 : memref<80x128xf32, #tpu.memory_space<vmem_shared>>) target_semaphore(%run_scoped3A_44 : memref<!tpu.dma_semaphore, #tpu.memory_space<semaphore_mem>>)
      %dma_wait3A_49 = arith.constant 0 : i32
      %dma_wait3A_50 = tpu.memref_slice %arg10[%add3A_20, %dma_wait3A_49] : memref<10112x128xf32, #tpu.memory_space<vmem_shared>> -> memref<80x128xf32, #tpu.memory_space<vmem_shared>>
      %dma_wait3A_51 = arith.constant 0 : i32
      %dma_wait3A_52 = tpu.memref_slice %arg10[%add3A_20, %dma_wait3A_51] : memref<10112x128xf32, #tpu.memory_space<vmem_shared>> -> memref<80x128xf32, #tpu.memory_space<vmem_shared>>
      tpu.wait_dma2 semaphore(%run_scoped3A_44 : memref<!tpu.dma_semaphore, #tpu.memory_space<semaphore_mem>>) src(%arg8 : memref<80x128xf32, #tpu.memory_space<vmem>>) dst(%dma_wait3A_52 : memref<80x128xf32, #tpu.memory_space<vmem_shared>>)
      tpu.yield
    }) : () -> ()
    %add3A_21 = arith.constant 480 : i32
    %add3A_22 = arith.addi %mul3A_2, %add3A_21 : i32
    "tpu.region"() ({
      %run_scoped3A_44 = tpu.sem_alloc : memref<!tpu.dma_semaphore, #tpu.memory_space<semaphore_mem>>
      %dma_start3A_45 = arith.constant 0 : i32
      %dma_start3A_46 = tpu.memref_slice %arg10[%add3A_22, %dma_start3A_45] : memref<10112x128xf32, #tpu.memory_space<vmem_shared>> -> memref<80x128xf32, #tpu.memory_space<vmem_shared>>
      %dma_start3A_47 = arith.constant 0 : i32
      %dma_start3A_48 = tpu.memref_slice %arg10[%add3A_22, %dma_start3A_47] : memref<10112x128xf32, #tpu.memory_space<vmem_shared>> -> memref<80x128xf32, #tpu.memory_space<vmem_shared>>
      tpu.enqueue_dma source(%arg8 : memref<80x128xf32, #tpu.memory_space<vmem>>) target(%dma_start3A_48 : memref<80x128xf32, #tpu.memory_space<vmem_shared>>) target_semaphore(%run_scoped3A_44 : memref<!tpu.dma_semaphore, #tpu.memory_space<semaphore_mem>>)
      %dma_wait3A_49 = arith.constant 0 : i32
      %dma_wait3A_50 = tpu.memref_slice %arg10[%add3A_22, %dma_wait3A_49] : memref<10112x128xf32, #tpu.memory_space<vmem_shared>> -> memref<80x128xf32, #tpu.memory_space<vmem_shared>>
      %dma_wait3A_51 = arith.constant 0 : i32
      %dma_wait3A_52 = tpu.memref_slice %arg10[%add3A_22, %dma_wait3A_51] : memref<10112x128xf32, #tpu.memory_space<vmem_shared>> -> memref<80x128xf32, #tpu.memory_space<vmem_shared>>
      tpu.wait_dma2 semaphore(%run_scoped3A_44 : memref<!tpu.dma_semaphore, #tpu.memory_space<semaphore_mem>>) src(%arg8 : memref<80x128xf32, #tpu.memory_space<vmem>>) dst(%dma_wait3A_52 : memref<80x128xf32, #tpu.memory_space<vmem_shared>>)
      tpu.yield
    }) : () -> ()
    %add3A_23 = arith.constant 560 : i32
    %add3A_24 = arith.addi %mul3A_2, %add3A_23 : i32
    "tpu.region"() ({
      %run_scoped3A_44 = tpu.sem_alloc : memref<!tpu.dma_semaphore, #tpu.memory_space<semaphore_mem>>
      %dma_start3A_45 = arith.constant 0 : i32
      %dma_start3A_46 = arith.constant 0 : i32
      %dma_start3A_47 = tpu.memref_slice %arg8[%dma_start3A_45, %dma_start3A_46] : memref<80x128xf32, #tpu.memory_space<vmem>> -> memref<72x128xf32, #tpu.memory_space<vmem>>
      %dma_start3A_48 = arith.constant 0 : i32
      %dma_start3A_49 = tpu.memref_slice %arg10[%add3A_24, %dma_start3A_48] : memref<10112x128xf32, #tpu.memory_space<vmem_shared>> -> memref<72x128xf32, #tpu.memory_space<vmem_shared>>
      %dma_start3A_50 = arith.constant 0 : i32
      %dma_start3A_51 = tpu.memref_slice %arg10[%add3A_24, %dma_start3A_50] : memref<10112x128xf32, #tpu.memory_space<vmem_shared>> -> memref<72x128xf32, #tpu.memory_space<vmem_shared>>
      %dma_start3A_52 = arith.constant 0 : i32
      %dma_start3A_53 = arith.constant 0 : i32
      %dma_start3A_54 = tpu.memref_slice %arg8[%dma_start3A_52, %dma_start3A_53] : memref<80x128xf32, #tpu.memory_space<vmem>> -> memref<72x128xf32, #tpu.memory_space<vmem>>
      tpu.enqueue_dma source(%dma_start3A_54 : memref<72x128xf32, #tpu.memory_space<vmem>>) target(%dma_start3A_51 : memref<72x128xf32, #tpu.memory_space<vmem_shared>>) target_semaphore(%run_scoped3A_44 : memref<!tpu.dma_semaphore, #tpu.memory_space<semaphore_mem>>)
      %dma_wait3A_55 = arith.constant 0 : i32
      %dma_wait3A_56 = arith.constant 0 : i32
      %dma_wait3A_57 = tpu.memref_slice %arg8[%dma_wait3A_55, %dma_wait3A_56] : memref<80x128xf32, #tpu.memory_space<vmem>> -> memref<72x128xf32, #tpu.memory_space<vmem>>
      %dma_wait3A_58 = arith.constant 0 : i32
      %dma_wait3A_59 = tpu.memref_slice %arg10[%add3A_24, %dma_wait3A_58] : memref<10112x128xf32, #tpu.memory_space<vmem_shared>> -> memref<72x128xf32, #tpu.memory_space<vmem_shared>>
      %dma_wait3A_60 = arith.constant 0 : i32
      %dma_wait3A_61 = tpu.memref_slice %arg10[%add3A_24, %dma_wait3A_60] : memref<10112x128xf32, #tpu.memory_space<vmem_shared>> -> memref<72x128xf32, #tpu.memory_space<vmem_shared>>
      %dma_wait3A_62 = arith.constant 0 : i32
      %dma_wait3A_63 = arith.constant 0 : i32
      %dma_wait3A_64 = tpu.memref_slice %arg8[%dma_wait3A_62, %dma_wait3A_63] : memref<80x128xf32, #tpu.memory_space<vmem>> -> memref<72x128xf32, #tpu.memory_space<vmem>>
      tpu.wait_dma2 semaphore(%run_scoped3A_44 : memref<!tpu.dma_semaphore, #tpu.memory_space<semaphore_mem>>) src(%dma_wait3A_64 : memref<72x128xf32, #tpu.memory_space<vmem>>) dst(%dma_wait3A_61 : memref<72x128xf32, #tpu.memory_space<vmem_shared>>)
      tpu.yield
    }) : () -> ()
    %run_scoped3A = arith.constant 0 : i32
    "tpu.region"() ({
      %run_scoped3A_44 = tpu.sem_alloc : memref<!tpu.dma_semaphore, #tpu.memory_space<semaphore_mem>>
      %dma_start3A_45 = arith.constant 0 : i32
      %dma_start3A_46 = tpu.memref_slice %arg2[%run_scoped3A, %add3A, %dma_start3A_45] : memref<2x32x10000xi32, #tpu.memory_space<hbm>> -> memref<1x1x10000xi32, #tpu.memory_space<hbm>>
      %dma_start3A_47 = tpu.memref_squeeze %dma_start3A_46 : memref<1x1x10000xi32, #tpu.memory_space<hbm>> -> memref<10000xi32, #tpu.memory_space<hbm>>
      %dma_start3A_48 = arith.constant 0 : i32
      %dma_start3A_49 = tpu.memref_slice %arg2[%run_scoped3A, %add3A, %dma_start3A_48] : memref<2x32x10000xi32, #tpu.memory_space<hbm>> -> memref<1x1x10000xi32, #tpu.memory_space<hbm>>
      %dma_start3A_50 = tpu.memref_squeeze %dma_start3A_49 : memref<1x1x10000xi32, #tpu.memory_space<hbm>> -> memref<10000xi32, #tpu.memory_space<hbm>>
      tpu.enqueue_dma source(%dma_start3A_50 : memref<10000xi32, #tpu.memory_space<hbm>>) target(%arg6 : memref<10000xi32, #tpu.memory_space<vmem>>) target_semaphore(%run_scoped3A_44 : memref<!tpu.dma_semaphore, #tpu.memory_space<semaphore_mem>>)
      %dma_wait3A_51 = arith.constant 0 : i32
      %dma_wait3A_52 = tpu.memref_slice %arg2[%run_scoped3A, %add3A, %dma_wait3A_51] : memref<2x32x10000xi32, #tpu.memory_space<hbm>> -> memref<1x1x10000xi32, #tpu.memory_space<hbm>>
      %dma_wait3A_53 = tpu.memref_squeeze %dma_wait3A_52 : memref<1x1x10000xi32, #tpu.memory_space<hbm>> -> memref<10000xi32, #tpu.memory_space<hbm>>
      %dma_wait3A_54 = arith.constant 0 : i32
      %dma_wait3A_55 = tpu.memref_slice %arg2[%run_scoped3A, %add3A, %dma_wait3A_54] : memref<2x32x10000xi32, #tpu.memory_space<hbm>> -> memref<1x1x10000xi32, #tpu.memory_space<hbm>>
      %dma_wait3A_56 = tpu.memref_squeeze %dma_wait3A_55 : memref<1x1x10000xi32, #tpu.memory_space<hbm>> -> memref<10000xi32, #tpu.memory_space<hbm>>
      tpu.wait_dma2 semaphore(%run_scoped3A_44 : memref<!tpu.dma_semaphore, #tpu.memory_space<semaphore_mem>>) src(%dma_wait3A_56 : memref<10000xi32, #tpu.memory_space<hbm>>) dst(%arg6 : memref<10000xi32, #tpu.memory_space<vmem>>)
      tpu.yield
    }) : () -> ()
    %run_scoped3A_25 = arith.constant 1 : i32
    "tpu.region"() ({
      %run_scoped3A_44 = tpu.sem_alloc : memref<!tpu.dma_semaphore, #tpu.memory_space<semaphore_mem>>
      %dma_start3A_45 = arith.constant 0 : i32
      %dma_start3A_46 = arith.constant 0 : i32
      %dma_start3A_47 = tpu.memref_slice %arg3[%run_scoped3A_25, %add3A, %dma_start3A_45, %dma_start3A_46] : memref<2x32x125x80xi32, #tpu.memory_space<hbm>> -> memref<1x1x125x80xi32, #tpu.memory_space<hbm>>
      %dma_start3A_48 = tpu.memref_squeeze %dma_start3A_47 : memref<1x1x125x80xi32, #tpu.memory_space<hbm>> -> memref<125x80xi32, #tpu.memory_space<hbm>>
      %dma_start3A_49 = arith.constant 0 : i32
      %dma_start3A_50 = arith.constant 0 : i32
      %dma_start3A_51 = tpu.memref_slice %arg3[%run_scoped3A_25, %add3A, %dma_start3A_49, %dma_start3A_50] : memref<2x32x125x80xi32, #tpu.memory_space<hbm>> -> memref<1x1x125x80xi32, #tpu.memory_space<hbm>>
      %dma_start3A_52 = tpu.memref_squeeze %dma_start3A_51 : memref<1x1x125x80xi32, #tpu.memory_space<hbm>> -> memref<125x80xi32, #tpu.memory_space<hbm>>
      tpu.enqueue_dma source(%dma_start3A_52 : memref<125x80xi32, #tpu.memory_space<hbm>>) target(%arg7 : memref<125x80xi32, #tpu.memory_space<vmem>>) target_semaphore(%run_scoped3A_44 : memref<!tpu.dma_semaphore, #tpu.memory_space<semaphore_mem>>)
      %dma_wait3A_53 = arith.constant 0 : i32
      %dma_wait3A_54 = arith.constant 0 : i32
      %dma_wait3A_55 = tpu.memref_slice %arg3[%run_scoped3A_25, %add3A, %dma_wait3A_53, %dma_wait3A_54] : memref<2x32x125x80xi32, #tpu.memory_space<hbm>> -> memref<1x1x125x80xi32, #tpu.memory_space<hbm>>
      %dma_wait3A_56 = tpu.memref_squeeze %dma_wait3A_55 : memref<1x1x125x80xi32, #tpu.memory_space<hbm>> -> memref<125x80xi32, #tpu.memory_space<hbm>>
      %dma_wait3A_57 = arith.constant 0 : i32
      %dma_wait3A_58 = arith.constant 0 : i32
      %dma_wait3A_59 = tpu.memref_slice %arg3[%run_scoped3A_25, %add3A, %dma_wait3A_57, %dma_wait3A_58] : memref<2x32x125x80xi32, #tpu.memory_space<hbm>> -> memref<1x1x125x80xi32, #tpu.memory_space<hbm>>
      %dma_wait3A_60 = tpu.memref_squeeze %dma_wait3A_59 : memref<1x1x125x80xi32, #tpu.memory_space<hbm>> -> memref<125x80xi32, #tpu.memory_space<hbm>>
      tpu.wait_dma2 semaphore(%run_scoped3A_44 : memref<!tpu.dma_semaphore, #tpu.memory_space<semaphore_mem>>) src(%dma_wait3A_60 : memref<125x80xi32, #tpu.memory_space<hbm>>) dst(%arg7 : memref<125x80xi32, #tpu.memory_space<vmem>>)
      tpu.yield
    }) : () -> ()
    %barrier3A = arith.constant 0 : index
    tpu.barrier barrier_id(%barrier3A)
    %dma_start3A = arith.constant 0 : i32
    %dma_start3A_26 = tpu.memref_slice %arg6[%dma_start3A] : memref<10000xi32, #tpu.memory_space<vmem>> -> memref<80xi32, #tpu.memory_space<vmem>>
    %dma_start3A_27 = arith.constant 0 : i32
    %dma_start3A_28 = arith.constant 0 : i32
    %dma_start3A_29 = tpu.memref_slice %arg4[%dma_start3A_27, %dma_start3A_28] : memref<10112x128xf32, #tpu.memory_space<hbm>> -> memref<10112x128xf32, #tpu.memory_space<hbm>>
    tpu.enqueue_indirect_dma source(%dma_start3A_29 : memref<10112x128xf32, #tpu.memory_space<hbm>>) target(%arg8 : memref<80x128xf32, #tpu.memory_space<vmem>>) offsets(%dma_start3A_26 : memref<80xi32, #tpu.memory_space<vmem>>) semaphore(%arg11 : memref<!tpu.dma_semaphore, #tpu.memory_space<semaphore_mem>>)
    %scan3A_30 = arith.constant 0 : i32
    %scan3A_31 = arith.constant 0 : i32
    %scan3A_32 = arith.constant 62 : i32
    %scan3A_33 = arith.addi %scan3A_31, %scan3A_32 : i32
    %scan3A_34 = arith.constant 1 : i32
    %scan3A_35 = scf.for %scan3A_44 = %scan3A_31 to %scan3A_33 step %scan3A_34 iter_args(%scan3A_45 = %scan3A_30) -> (i32)  : i32 {
      %mul3A_46 = arith.constant 2 : i32
      %mul3A_47 = arith.muli %mul3A_46, %scan3A_44 : i32
      %add3A_48 = arith.constant 1 : i32
      %add3A_49 = arith.addi %mul3A_47, %add3A_48 : i32
      %mul3A_50 = arith.constant 80 : i32
      %mul3A_51 = arith.muli %add3A_49, %mul3A_50 : i32
      %dma_start3A_52 = tpu.memref_slice %arg6[%mul3A_51] : memref<10000xi32, #tpu.memory_space<vmem>> -> memref<80xi32, #tpu.memory_space<vmem>>
      %dma_start3A_53 = arith.constant 0 : i32
      %dma_start3A_54 = arith.constant 0 : i32
      %dma_start3A_55 = tpu.memref_slice %arg4[%dma_start3A_53, %dma_start3A_54] : memref<10112x128xf32, #tpu.memory_space<hbm>> -> memref<10112x128xf32, #tpu.memory_space<hbm>>
      tpu.enqueue_indirect_dma source(%dma_start3A_55 : memref<10112x128xf32, #tpu.memory_space<hbm>>) target(%arg9 : memref<80x128xf32, #tpu.memory_space<vmem>>) offsets(%dma_start3A_52 : memref<80xi32, #tpu.memory_space<vmem>>) semaphore(%arg12 : memref<!tpu.dma_semaphore, #tpu.memory_space<semaphore_mem>>)
      %mul3A_56 = arith.constant 80 : i32
      %mul3A_57 = arith.muli %mul3A_47, %mul3A_56 : i32
      %dma_wait3A_58 = tpu.memref_slice %arg6[%mul3A_57] : memref<10000xi32, #tpu.memory_space<vmem>> -> memref<80xi32, #tpu.memory_space<vmem>>
      %dma_wait3A_59 = arith.constant 0 : i32
      %dma_wait3A_60 = arith.constant 0 : i32
      %dma_wait3A_61 = tpu.memref_slice %arg4[%dma_wait3A_59, %dma_wait3A_60] : memref<10112x128xf32, #tpu.memory_space<hbm>> -> memref<10112x128xf32, #tpu.memory_space<hbm>>
      tpu.wait_indirect_dma semaphore(%arg11 : memref<!tpu.dma_semaphore, #tpu.memory_space<semaphore_mem>>) src(%dma_wait3A_61 : memref<10112x128xf32, #tpu.memory_space<hbm>>) dst(%arg8 : memref<80x128xf32, #tpu.memory_space<vmem>>)
      "tpu.region"() ({
        %run_scoped3A_81 = tpu.sem_alloc : memref<!tpu.dma_semaphore, #tpu.memory_space<semaphore_mem>>
        %dma_start3A_82 = arith.constant 0 : i32
        %dma_start3A_83 = tpu.memref_slice %arg7[%mul3A_47, %dma_start3A_82] : memref<125x80xi32, #tpu.memory_space<vmem>> -> memref<1x80xi32, #tpu.memory_space<vmem>>
        %dma_start3A_84 = tpu.memref_squeeze %dma_start3A_83 : memref<1x80xi32, #tpu.memory_space<vmem>> -> memref<80xi32, #tpu.memory_space<vmem>>
        %dma_start3A_85 = arith.constant 0 : i32
        %dma_start3A_86 = arith.constant 0 : i32
        %dma_start3A_87 = tpu.memref_slice %arg10[%dma_start3A_85, %dma_start3A_86] : memref<10112x128xf32, #tpu.memory_space<vmem_shared>> -> memref<10112x128xf32, #tpu.memory_space<vmem_shared>>
        tpu.enqueue_indirect_dma source(%arg8 : memref<80x128xf32, #tpu.memory_space<vmem>>) target(%dma_start3A_87 : memref<10112x128xf32, #tpu.memory_space<vmem_shared>>) offsets(%dma_start3A_84 : memref<80xi32, #tpu.memory_space<vmem>>) semaphore(%run_scoped3A_81 : memref<!tpu.dma_semaphore, #tpu.memory_space<semaphore_mem>>) {add = true}
        %dma_wait3A_88 = arith.constant 0 : i32
        %dma_wait3A_89 = tpu.memref_slice %arg7[%mul3A_47, %dma_wait3A_88] : memref<125x80xi32, #tpu.memory_space<vmem>> -> memref<1x80xi32, #tpu.memory_space<vmem>>
        %dma_wait3A_90 = tpu.memref_squeeze %dma_wait3A_89 : memref<1x80xi32, #tpu.memory_space<vmem>> -> memref<80xi32, #tpu.memory_space<vmem>>
        %dma_wait3A_91 = arith.constant 0 : i32
        %dma_wait3A_92 = arith.constant 0 : i32
        %dma_wait3A_93 = tpu.memref_slice %arg10[%dma_wait3A_91, %dma_wait3A_92] : memref<10112x128xf32, #tpu.memory_space<vmem_shared>> -> memref<10112x128xf32, #tpu.memory_space<vmem_shared>>
        tpu.wait_indirect_dma semaphore(%run_scoped3A_81 : memref<!tpu.dma_semaphore, #tpu.memory_space<semaphore_mem>>) src(%arg8 : memref<80x128xf32, #tpu.memory_space<vmem>>) dst(%dma_wait3A_93 : memref<10112x128xf32, #tpu.memory_space<vmem_shared>>)
        tpu.yield
      }) : () -> ()
      %add3A_62 = arith.constant 2 : i32
      %add3A_63 = arith.addi %mul3A_47, %add3A_62 : i32
      %mul3A_64 = arith.constant 80 : i32
      %mul3A_65 = arith.muli %add3A_63, %mul3A_64 : i32
      %dma_start3A_66 = tpu.memref_slice %arg6[%mul3A_65] : memref<10000xi32, #tpu.memory_space<vmem>> -> memref<80xi32, #tpu.memory_space<vmem>>
      %dma_start3A_67 = arith.constant 0 : i32
      %dma_start3A_68 = arith.constant 0 : i32
      %dma_start3A_69 = tpu.memref_slice %arg4[%dma_start3A_67, %dma_start3A_68] : memref<10112x128xf32, #tpu.memory_space<hbm>> -> memref<10112x128xf32, #tpu.memory_space<hbm>>
      tpu.enqueue_indirect_dma source(%dma_start3A_69 : memref<10112x128xf32, #tpu.memory_space<hbm>>) target(%arg8 : memref<80x128xf32, #tpu.memory_space<vmem>>) offsets(%dma_start3A_66 : memref<80xi32, #tpu.memory_space<vmem>>) semaphore(%arg11 : memref<!tpu.dma_semaphore, #tpu.memory_space<semaphore_mem>>)
      %add3A_70 = arith.constant 1 : i32
      %add3A_71 = arith.addi %mul3A_47, %add3A_70 : i32
      %mul3A_72 = arith.constant 80 : i32
      %mul3A_73 = arith.muli %add3A_71, %mul3A_72 : i32
      %dma_wait3A_74 = tpu.memref_slice %arg6[%mul3A_73] : memref<10000xi32, #tpu.memory_space<vmem>> -> memref<80xi32, #tpu.memory_space<vmem>>
      %dma_wait3A_75 = arith.constant 0 : i32
      %dma_wait3A_76 = arith.constant 0 : i32
      %dma_wait3A_77 = tpu.memref_slice %arg4[%dma_wait3A_75, %dma_wait3A_76] : memref<10112x128xf32, #tpu.memory_space<hbm>> -> memref<10112x128xf32, #tpu.memory_space<hbm>>
      tpu.wait_indirect_dma semaphore(%arg12 : memref<!tpu.dma_semaphore, #tpu.memory_space<semaphore_mem>>) src(%dma_wait3A_77 : memref<10112x128xf32, #tpu.memory_space<hbm>>) dst(%arg9 : memref<80x128xf32, #tpu.memory_space<vmem>>)
      %add3A_78 = arith.constant 1 : i32
      %add3A_79 = arith.addi %mul3A_47, %add3A_78 : i32
      "tpu.region"() ({
        %run_scoped3A_81 = tpu.sem_alloc : memref<!tpu.dma_semaphore, #tpu.memory_space<semaphore_mem>>
        %dma_start3A_82 = arith.constant 0 : i32
        %dma_start3A_83 = tpu.memref_slice %arg7[%add3A_79, %dma_start3A_82] : memref<125x80xi32, #tpu.memory_space<vmem>> -> memref<1x80xi32, #tpu.memory_space<vmem>>
        %dma_start3A_84 = tpu.memref_squeeze %dma_start3A_83 : memref<1x80xi32, #tpu.memory_space<vmem>> -> memref<80xi32, #tpu.memory_space<vmem>>
        %dma_start3A_85 = arith.constant 0 : i32
        %dma_start3A_86 = arith.constant 0 : i32
        %dma_start3A_87 = tpu.memref_slice %arg10[%dma_start3A_85, %dma_start3A_86] : memref<10112x128xf32, #tpu.memory_space<vmem_shared>> -> memref<10112x128xf32, #tpu.memory_space<vmem_shared>>
        tpu.enqueue_indirect_dma source(%arg9 : memref<80x128xf32, #tpu.memory_space<vmem>>) target(%dma_start3A_87 : memref<10112x128xf32, #tpu.memory_space<vmem_shared>>) offsets(%dma_start3A_84 : memref<80xi32, #tpu.memory_space<vmem>>) semaphore(%run_scoped3A_81 : memref<!tpu.dma_semaphore, #tpu.memory_space<semaphore_mem>>) {add = true}
        %dma_wait3A_88 = arith.constant 0 : i32
        %dma_wait3A_89 = tpu.memref_slice %arg7[%add3A_79, %dma_wait3A_88] : memref<125x80xi32, #tpu.memory_space<vmem>> -> memref<1x80xi32, #tpu.memory_space<vmem>>
        %dma_wait3A_90 = tpu.memref_squeeze %dma_wait3A_89 : memref<1x80xi32, #tpu.memory_space<vmem>> -> memref<80xi32, #tpu.memory_space<vmem>>
        %dma_wait3A_91 = arith.constant 0 : i32
        %dma_wait3A_92 = arith.constant 0 : i32
        %dma_wait3A_93 = tpu.memref_slice %arg10[%dma_wait3A_91, %dma_wait3A_92] : memref<10112x128xf32, #tpu.memory_space<vmem_shared>> -> memref<10112x128xf32, #tpu.memory_space<vmem_shared>>
        tpu.wait_indirect_dma semaphore(%run_scoped3A_81 : memref<!tpu.dma_semaphore, #tpu.memory_space<semaphore_mem>>) src(%arg9 : memref<80x128xf32, #tpu.memory_space<vmem>>) dst(%dma_wait3A_93 : memref<10112x128xf32, #tpu.memory_space<vmem_shared>>)
        tpu.yield
      }) : () -> ()
      %scan3A_80 = arith.constant 0 : i32
      scf.yield %scan3A_80 : i32
    }
    %scan3A_36 = arith.constant 62 : i32
    %dma_wait3A = arith.constant 9920 : i32
    %dma_wait3A_37 = tpu.memref_slice %arg6[%dma_wait3A] : memref<10000xi32, #tpu.memory_space<vmem>> -> memref<80xi32, #tpu.memory_space<vmem>>
    %dma_wait3A_38 = arith.constant 0 : i32
    %dma_wait3A_39 = arith.constant 0 : i32
    %dma_wait3A_40 = tpu.memref_slice %arg4[%dma_wait3A_38, %dma_wait3A_39] : memref<10112x128xf32, #tpu.memory_space<hbm>> -> memref<10112x128xf32, #tpu.memory_space<hbm>>
    tpu.wait_indirect_dma semaphore(%arg11 : memref<!tpu.dma_semaphore, #tpu.memory_space<semaphore_mem>>) src(%dma_wait3A_40 : memref<10112x128xf32, #tpu.memory_space<hbm>>) dst(%arg8 : memref<80x128xf32, #tpu.memory_space<vmem>>)
    %run_scoped3A_41 = arith.constant 124 : i32
    "tpu.region"() ({
      %run_scoped3A_44 = tpu.sem_alloc : memref<!tpu.dma_semaphore, #tpu.memory_space<semaphore_mem>>
      %dma_start3A_45 = arith.constant 0 : i32
      %dma_start3A_46 = tpu.memref_slice %arg7[%run_scoped3A_41, %dma_start3A_45] : memref<125x80xi32, #tpu.memory_space<vmem>> -> memref<1x80xi32, #tpu.memory_space<vmem>>
      %dma_start3A_47 = tpu.memref_squeeze %dma_start3A_46 : memref<1x80xi32, #tpu.memory_space<vmem>> -> memref<80xi32, #tpu.memory_space<vmem>>
      %dma_start3A_48 = arith.constant 0 : i32
      %dma_start3A_49 = arith.constant 0 : i32
      %dma_start3A_50 = tpu.memref_slice %arg10[%dma_start3A_48, %dma_start3A_49] : memref<10112x128xf32, #tpu.memory_space<vmem_shared>> -> memref<10112x128xf32, #tpu.memory_space<vmem_shared>>
      tpu.enqueue_indirect_dma source(%arg8 : memref<80x128xf32, #tpu.memory_space<vmem>>) target(%dma_start3A_50 : memref<10112x128xf32, #tpu.memory_space<vmem_shared>>) offsets(%dma_start3A_47 : memref<80xi32, #tpu.memory_space<vmem>>) semaphore(%run_scoped3A_44 : memref<!tpu.dma_semaphore, #tpu.memory_space<semaphore_mem>>) {add = true}
      %dma_wait3A_51 = arith.constant 0 : i32
      %dma_wait3A_52 = tpu.memref_slice %arg7[%run_scoped3A_41, %dma_wait3A_51] : memref<125x80xi32, #tpu.memory_space<vmem>> -> memref<1x80xi32, #tpu.memory_space<vmem>>
      %dma_wait3A_53 = tpu.memref_squeeze %dma_wait3A_52 : memref<1x80xi32, #tpu.memory_space<vmem>> -> memref<80xi32, #tpu.memory_space<vmem>>
      %dma_wait3A_54 = arith.constant 0 : i32
      %dma_wait3A_55 = arith.constant 0 : i32
      %dma_wait3A_56 = tpu.memref_slice %arg10[%dma_wait3A_54, %dma_wait3A_55] : memref<10112x128xf32, #tpu.memory_space<vmem_shared>> -> memref<10112x128xf32, #tpu.memory_space<vmem_shared>>
      tpu.wait_indirect_dma semaphore(%run_scoped3A_44 : memref<!tpu.dma_semaphore, #tpu.memory_space<semaphore_mem>>) src(%arg8 : memref<80x128xf32, #tpu.memory_space<vmem>>) dst(%dma_wait3A_56 : memref<10112x128xf32, #tpu.memory_space<vmem_shared>>)
      tpu.yield
    }) : () -> ()
    %barrier3A_42 = arith.constant 0 : index
    tpu.barrier barrier_id(%barrier3A_42)
    %run_scoped3A_43 = arith.constant 0 : i32
    "tpu.region"() ({
      %run_scoped3A_44 = tpu.sem_alloc : memref<!tpu.dma_semaphore, #tpu.memory_space<semaphore_mem>>
      %dma_start3A_45 = arith.constant 0 : i32
      %dma_start3A_46 = tpu.memref_slice %arg5[%run_scoped3A_43, %arg0, %mul3A_2, %dma_start3A_45] : memref<1x2x10112x128xf32, #tpu.memory_space<hbm>> -> memref<1x1x632x128xf32, #tpu.memory_space<hbm>>
      %dma_start3A_47 = tpu.memref_squeeze %dma_start3A_46 : memref<1x1x632x128xf32, #tpu.memory_space<hbm>> -> memref<632x128xf32, #tpu.memory_space<hbm>>
      %dma_start3A_48 = arith.constant 0 : i32
      %dma_start3A_49 = tpu.memref_slice %arg10[%mul3A_2, %dma_start3A_48] : memref<10112x128xf32, #tpu.memory_space<vmem_shared>> -> memref<632x128xf32, #tpu.memory_space<vmem_shared>>
      tpu.enqueue_dma source(%dma_start3A_49 : memref<632x128xf32, #tpu.memory_space<vmem_shared>>) target(%dma_start3A_47 : memref<632x128xf32, #tpu.memory_space<hbm>>) target_semaphore(%run_scoped3A_44 : memref<!tpu.dma_semaphore, #tpu.memory_space<semaphore_mem>>)
      %dma_wait3A_50 = arith.constant 0 : i32
      %dma_wait3A_51 = tpu.memref_slice %arg5[%run_scoped3A_43, %arg0, %mul3A_2, %dma_wait3A_50] : memref<1x2x10112x128xf32, #tpu.memory_space<hbm>> -> memref<1x1x632x128xf32, #tpu.memory_space<hbm>>
      %dma_wait3A_52 = tpu.memref_squeeze %dma_wait3A_51 : memref<1x1x632x128xf32, #tpu.memory_space<hbm>> -> memref<632x128xf32, #tpu.memory_space<hbm>>
      %dma_wait3A_53 = arith.constant 0 : i32
      %dma_wait3A_54 = tpu.memref_slice %arg10[%mul3A_2, %dma_wait3A_53] : memref<10112x128xf32, #tpu.memory_space<vmem_shared>> -> memref<632x128xf32, #tpu.memory_space<vmem_shared>>
      tpu.wait_dma2 semaphore(%run_scoped3A_44 : memref<!tpu.dma_semaphore, #tpu.memory_space<semaphore_mem>>) src(%dma_wait3A_54 : memref<632x128xf32, #tpu.memory_space<vmem_shared>>) dst(%dma_wait3A_52 : memref<632x128xf32, #tpu.memory_space<hbm>>)
      tpu.yield
    }) : () -> ()
    return
  }
}

#map = affine_map<(d0, d1) -> (0, 0, 0)>
#map1 = affine_map<(d0, d1) -> (0, 0, 0, 0)>
#map2 = affine_map<(d0, d1) -> (0, 0)>
module attributes {stable_mosaic.version = 14 : i64} {
  func.func @k(%arg0: i32, %arg1: i32, %arg2: memref<2x32x10000xi32, #tpu.memory_space<hbm>>, %arg3: memref<2x32x125x80xi32, #tpu.memory_space<hbm>>, %arg4: memref<10000x128xf32, #tpu.memory_space<hbm>>, %arg5: memref<1x2x10112x128xf32, #tpu.memory_space<hbm>>, %arg6: memref<10000xi32, #tpu.memory_space<vmem>>, %arg7: memref<125x80xi32, #tpu.memory_space<vmem>>, %arg8: memref<80x128xf32, #tpu.memory_space<vmem>>, %arg9: memref<80x128xf32, #tpu.memory_space<vmem>>, %arg10: memref<10112x128xf32, #tpu.memory_space<vmem_shared>>, %arg11: memref<!tpu.dma_semaphore, #tpu.memory_space<semaphore_mem>>, %arg12: memref<!tpu.dma_semaphore, #tpu.memory_space<semaphore_mem>>) attributes {dimension_semantics = [#tpu.dimension_semantics<core_parallel>, #tpu.dimension_semantics<subcore_parallel>], iteration_bounds = array<i64: 2, 16>, scalar_prefetch = 0 : i64, scratch_operands = 7 : i64, tpu.core_type = #tpu.core_type<sc_vector_subcore>, window_params = [{transform_indices = #map}, {transform_indices = #map1}, {transform_indices = #map2}, {transform_indices = #map1}]} {
    %mul3A = arith.constant 2 : i32
    %mul3A_0 = arith.muli %arg1, %mul3A : i32
    %add3A = arith.addi %mul3A_0, %arg0 : i32
    %mul3A_1 = arith.constant 632 : i32
    %mul3A_2 = arith.muli %arg1, %mul3A_1 : i32
    %scan3A = arith.constant 0 : i32
    %scan3A_3 = arith.constant 0 : i32
    %scan3A_4 = arith.constant 80 : i32
    %scan3A_5 = arith.addi %scan3A_3, %scan3A_4 : i32
    %scan3A_6 = arith.constant 1 : i32
    %scan3A_7 = scf.for %scan3A_44 = %scan3A_3 to %scan3A_5 step %scan3A_6 iter_args(%scan3A_45 = %scan3A) -> (i32)  : i32 {
      %scan3A_46 = arith.constant 0 : i32
      %scan3A_47 = arith.constant 0 : i32
      %scan3A_48 = arith.constant 8 : i32
      %scan3A_49 = arith.addi %scan3A_47, %scan3A_48 : i32
      %scan3A_50 = arith.constant 1 : i32
      %scan3A_51 = scf.for %scan3A_54 = %scan3A_47 to %scan3A_49 step %scan3A_50 iter_args(%scan3A_55 = %scan3A_46) -> (i32)  : i32 {
        %broadcast_in_dim3A = arith.constant 0.000000e+00 : f32
        %broadcast_in_dim3A_56 = vector.broadcast %broadcast_in_dim3A : f32 to vector<16xf32>
        %mul3A_57 = arith.constant 16 : i32
        %mul3A_58 = arith.muli %scan3A_54, %mul3A_57 : i32
        %swap3A = arith.index_cast %scan3A_44 : i32 to index
        %swap3A_59 = arith.index_cast %mul3A_58 : i32 to index
        %swap3A_60 = tpu.vector_load %arg8[%swap3A, %swap3A_59] {strides = array<i32>} : memref<80x128xf32, #tpu.memory_space<vmem>>, vector<16xf32>,
        tpu.vector_store %arg8[%swap3A, %swap3A_59], %broadcast_in_dim3A_56 {strides = array<i32>} : memref<80x128xf32, #tpu.memory_space<vmem>>, vector<16xf32>,
        %scan3A_61 = arith.constant 0 : i32
        scf.yield %scan3A_61 : i32
      }
      %scan3A_52 = arith.constant 8 : i32
      %scan3A_53 = arith.constant 0 : i32
      scf.yield %scan3A_53 : i32
    }
    %scan3A_8 = arith.constant 80 : i32
    %add3A_9 = arith.constant 0 : i32
    %add3A_10 = arith.addi %mul3A_2, %add3A_9 : i32
    "tpu.region"() ({
      %run_scoped3A_44 = tpu.sem_alloc : memref<!tpu.dma_semaphore, #tpu.memory_space<semaphore_mem>>
      %dma_start3A_45 = arith.constant 0 : i32
      %dma_start3A_46 = tpu.memref_slice %arg10[%add3A_10, %dma_start3A_45] : memref<10112x128xf32, #tpu.memory_space<vmem_shared>> -> memref<80x128xf32, #tpu.memory_space<vmem_shared>>
      %dma_start3A_47 = arith.constant 0 : i32
      %dma_start3A_48 = tpu.memref_slice %arg10[%add3A_10, %dma_start3A_47] : memref<10112x128xf32, #tpu.memory_space<vmem_shared>> -> memref<80x128xf32, #tpu.memory_space<vmem_shared>>
      tpu.enqueue_dma source(%arg8 : memref<80x128xf32, #tpu.memory_space<vmem>>) target(%dma_start3A_48 : memref<80x128xf32, #tpu.memory_space<vmem_shared>>) target_semaphore(%run_scoped3A_44 : memref<!tpu.dma_semaphore, #tpu.memory_space<semaphore_mem>>)
      %dma_wait3A_49 = arith.constant 0 : i32
      %dma_wait3A_50 = tpu.memref_slice %arg10[%add3A_10, %dma_wait3A_49] : memref<10112x128xf32, #tpu.memory_space<vmem_shared>> -> memref<80x128xf32, #tpu.memory_space<vmem_shared>>
      %dma_wait3A_51 = arith.constant 0 : i32
      %dma_wait3A_52 = tpu.memref_slice %arg10[%add3A_10, %dma_wait3A_51] : memref<10112x128xf32, #tpu.memory_space<vmem_shared>> -> memref<80x128xf32, #tpu.memory_space<vmem_shared>>
      tpu.wait_dma2 semaphore(%run_scoped3A_44 : memref<!tpu.dma_semaphore, #tpu.memory_space<semaphore_mem>>) src(%arg8 : memref<80x128xf32, #tpu.memory_space<vmem>>) dst(%dma_wait3A_52 : memref<80x128xf32, #tpu.memory_space<vmem_shared>>)
      tpu.yield
    }) : () -> ()
    %add3A_11 = arith.constant 80 : i32
    %add3A_12 = arith.addi %mul3A_2, %add3A_11 : i32
    "tpu.region"() ({
      %run_scoped3A_44 = tpu.sem_alloc : memref<!tpu.dma_semaphore, #tpu.memory_space<semaphore_mem>>
      %dma_start3A_45 = arith.constant 0 : i32
      %dma_start3A_46 = tpu.memref_slice %arg10[%add3A_12, %dma_start3A_45] : memref<10112x128xf32, #tpu.memory_space<vmem_shared>> -> memref<80x128xf32, #tpu.memory_space<vmem_shared>>
      %dma_start3A_47 = arith.constant 0 : i32
      %dma_start3A_48 = tpu.memref_slice %arg10[%add3A_12, %dma_start3A_47] : memref<10112x128xf32, #tpu.memory_space<vmem_shared>> -> memref<80x128xf32, #tpu.memory_space<vmem_shared>>
      tpu.enqueue_dma source(%arg8 : memref<80x128xf32, #tpu.memory_space<vmem>>) target(%dma_start3A_48 : memref<80x128xf32, #tpu.memory_space<vmem_shared>>) target_semaphore(%run_scoped3A_44 : memref<!tpu.dma_semaphore, #tpu.memory_space<semaphore_mem>>)
      %dma_wait3A_49 = arith.constant 0 : i32
      %dma_wait3A_50 = tpu.memref_slice %arg10[%add3A_12, %dma_wait3A_49] : memref<10112x128xf32, #tpu.memory_space<vmem_shared>> -> memref<80x128xf32, #tpu.memory_space<vmem_shared>>
      %dma_wait3A_51 = arith.constant 0 : i32
      %dma_wait3A_52 = tpu.memref_slice %arg10[%add3A_12, %dma_wait3A_51] : memref<10112x128xf32, #tpu.memory_space<vmem_shared>> -> memref<80x128xf32, #tpu.memory_space<vmem_shared>>
      tpu.wait_dma2 semaphore(%run_scoped3A_44 : memref<!tpu.dma_semaphore, #tpu.memory_space<semaphore_mem>>) src(%arg8 : memref<80x128xf32, #tpu.memory_space<vmem>>) dst(%dma_wait3A_52 : memref<80x128xf32, #tpu.memory_space<vmem_shared>>)
      tpu.yield
    }) : () -> ()
    %add3A_13 = arith.constant 160 : i32
    %add3A_14 = arith.addi %mul3A_2, %add3A_13 : i32
    "tpu.region"() ({
      %run_scoped3A_44 = tpu.sem_alloc : memref<!tpu.dma_semaphore, #tpu.memory_space<semaphore_mem>>
      %dma_start3A_45 = arith.constant 0 : i32
      %dma_start3A_46 = tpu.memref_slice %arg10[%add3A_14, %dma_start3A_45] : memref<10112x128xf32, #tpu.memory_space<vmem_shared>> -> memref<80x128xf32, #tpu.memory_space<vmem_shared>>
      %dma_start3A_47 = arith.constant 0 : i32
      %dma_start3A_48 = tpu.memref_slice %arg10[%add3A_14, %dma_start3A_47] : memref<10112x128xf32, #tpu.memory_space<vmem_shared>> -> memref<80x128xf32, #tpu.memory_space<vmem_shared>>
      tpu.enqueue_dma source(%arg8 : memref<80x128xf32, #tpu.memory_space<vmem>>) target(%dma_start3A_48 : memref<80x128xf32, #tpu.memory_space<vmem_shared>>) target_semaphore(%run_scoped3A_44 : memref<!tpu.dma_semaphore, #tpu.memory_space<semaphore_mem>>)
      %dma_wait3A_49 = arith.constant 0 : i32
      %dma_wait3A_50 = tpu.memref_slice %arg10[%add3A_14, %dma_wait3A_49] : memref<10112x128xf32, #tpu.memory_space<vmem_shared>> -> memref<80x128xf32, #tpu.memory_space<vmem_shared>>
      %dma_wait3A_51 = arith.constant 0 : i32
      %dma_wait3A_52 = tpu.memref_slice %arg10[%add3A_14, %dma_wait3A_51] : memref<10112x128xf32, #tpu.memory_space<vmem_shared>> -> memref<80x128xf32, #tpu.memory_space<vmem_shared>>
      tpu.wait_dma2 semaphore(%run_scoped3A_44 : memref<!tpu.dma_semaphore, #tpu.memory_space<semaphore_mem>>) src(%arg8 : memref<80x128xf32, #tpu.memory_space<vmem>>) dst(%dma_wait3A_52 : memref<80x128xf32, #tpu.memory_space<vmem_shared>>)
      tpu.yield
    }) : () -> ()
    %add3A_15 = arith.constant 240 : i32
    %add3A_16 = arith.addi %mul3A_2, %add3A_15 : i32
    "tpu.region"() ({
      %run_scoped3A_44 = tpu.sem_alloc : memref<!tpu.dma_semaphore, #tpu.memory_space<semaphore_mem>>
      %dma_start3A_45 = arith.constant 0 : i32
      %dma_start3A_46 = tpu.memref_slice %arg10[%add3A_16, %dma_start3A_45] : memref<10112x128xf32, #tpu.memory_space<vmem_shared>> -> memref<80x128xf32, #tpu.memory_space<vmem_shared>>
      %dma_start3A_47 = arith.constant 0 : i32
      %dma_start3A_48 = tpu.memref_slice %arg10[%add3A_16, %dma_start3A_47] : memref<10112x128xf32, #tpu.memory_space<vmem_shared>> -> memref<80x128xf32, #tpu.memory_space<vmem_shared>>
      tpu.enqueue_dma source(%arg8 : memref<80x128xf32, #tpu.memory_space<vmem>>) target(%dma_start3A_48 : memref<80x128xf32, #tpu.memory_space<vmem_shared>>) target_semaphore(%run_scoped3A_44 : memref<!tpu.dma_semaphore, #tpu.memory_space<semaphore_mem>>)
      %dma_wait3A_49 = arith.constant 0 : i32
      %dma_wait3A_50 = tpu.memref_slice %arg10[%add3A_16, %dma_wait3A_49] : memref<10112x128xf32, #tpu.memory_space<vmem_shared>> -> memref<80x128xf32, #tpu.memory_space<vmem_shared>>
      %dma_wait3A_51 = arith.constant 0 : i32
      %dma_wait3A_52 = tpu.memref_slice %arg10[%add3A_16, %dma_wait3A_51] : memref<10112x128xf32, #tpu.memory_space<vmem_shared>> -> memref<80x128xf32, #tpu.memory_space<vmem_shared>>
      tpu.wait_dma2 semaphore(%run_scoped3A_44 : memref<!tpu.dma_semaphore, #tpu.memory_space<semaphore_mem>>) src(%arg8 : memref<80x128xf32, #tpu.memory_space<vmem>>) dst(%dma_wait3A_52 : memref<80x128xf32, #tpu.memory_space<vmem_shared>>)
      tpu.yield
    }) : () -> ()
    %add3A_17 = arith.constant 320 : i32
    %add3A_18 = arith.addi %mul3A_2, %add3A_17 : i32
    "tpu.region"() ({
      %run_scoped3A_44 = tpu.sem_alloc : memref<!tpu.dma_semaphore, #tpu.memory_space<semaphore_mem>>
      %dma_start3A_45 = arith.constant 0 : i32
      %dma_start3A_46 = tpu.memref_slice %arg10[%add3A_18, %dma_start3A_45] : memref<10112x128xf32, #tpu.memory_space<vmem_shared>> -> memref<80x128xf32, #tpu.memory_space<vmem_shared>>
      %dma_start3A_47 = arith.constant 0 : i32
      %dma_start3A_48 = tpu.memref_slice %arg10[%add3A_18, %dma_start3A_47] : memref<10112x128xf32, #tpu.memory_space<vmem_shared>> -> memref<80x128xf32, #tpu.memory_space<vmem_shared>>
      tpu.enqueue_dma source(%arg8 : memref<80x128xf32, #tpu.memory_space<vmem>>) target(%dma_start3A_48 : memref<80x128xf32, #tpu.memory_space<vmem_shared>>) target_semaphore(%run_scoped3A_44 : memref<!tpu.dma_semaphore, #tpu.memory_space<semaphore_mem>>)
      %dma_wait3A_49 = arith.constant 0 : i32
      %dma_wait3A_50 = tpu.memref_slice %arg10[%add3A_18, %dma_wait3A_49] : memref<10112x128xf32, #tpu.memory_space<vmem_shared>> -> memref<80x128xf32, #tpu.memory_space<vmem_shared>>
      %dma_wait3A_51 = arith.constant 0 : i32
      %dma_wait3A_52 = tpu.memref_slice %arg10[%add3A_18, %dma_wait3A_51] : memref<10112x128xf32, #tpu.memory_space<vmem_shared>> -> memref<80x128xf32, #tpu.memory_space<vmem_shared>>
      tpu.wait_dma2 semaphore(%run_scoped3A_44 : memref<!tpu.dma_semaphore, #tpu.memory_space<semaphore_mem>>) src(%arg8 : memref<80x128xf32, #tpu.memory_space<vmem>>) dst(%dma_wait3A_52 : memref<80x128xf32, #tpu.memory_space<vmem_shared>>)
      tpu.yield
    }) : () -> ()
    %add3A_19 = arith.constant 400 : i32
    %add3A_20 = arith.addi %mul3A_2, %add3A_19 : i32
    "tpu.region"() ({
      %run_scoped3A_44 = tpu.sem_alloc : memref<!tpu.dma_semaphore, #tpu.memory_space<semaphore_mem>>
      %dma_start3A_45 = arith.constant 0 : i32
      %dma_start3A_46 = tpu.memref_slice %arg10[%add3A_20, %dma_start3A_45] : memref<10112x128xf32, #tpu.memory_space<vmem_shared>> -> memref<80x128xf32, #tpu.memory_space<vmem_shared>>
      %dma_start3A_47 = arith.constant 0 : i32
      %dma_start3A_48 = tpu.memref_slice %arg10[%add3A_20, %dma_start3A_47] : memref<10112x128xf32, #tpu.memory_space<vmem_shared>> -> memref<80x128xf32, #tpu.memory_space<vmem_shared>>
      tpu.enqueue_dma source(%arg8 : memref<80x128xf32, #tpu.memory_space<vmem>>) target(%dma_start3A_48 : memref<80x128xf32, #tpu.memory_space<vmem_shared>>) target_semaphore(%run_scoped3A_44 : memref<!tpu.dma_semaphore, #tpu.memory_space<semaphore_mem>>)
      %dma_wait3A_49 = arith.constant 0 : i32
      %dma_wait3A_50 = tpu.memref_slice %arg10[%add3A_20, %dma_wait3A_49] : memref<10112x128xf32, #tpu.memory_space<vmem_shared>> -> memref<80x128xf32, #tpu.memory_space<vmem_shared>>
      %dma_wait3A_51 = arith.constant 0 : i32
      %dma_wait3A_52 = tpu.memref_slice %arg10[%add3A_20, %dma_wait3A_51] : memref<10112x128xf32, #tpu.memory_space<vmem_shared>> -> memref<80x128xf32, #tpu.memory_space<vmem_shared>>
      tpu.wait_dma2 semaphore(%run_scoped3A_44 : memref<!tpu.dma_semaphore, #tpu.memory_space<semaphore_mem>>) src(%arg8 : memref<80x128xf32, #tpu.memory_space<vmem>>) dst(%dma_wait3A_52 : memref<80x128xf32, #tpu.memory_space<vmem_shared>>)
      tpu.yield
    }) : () -> ()
    %add3A_21 = arith.constant 480 : i32
    %add3A_22 = arith.addi %mul3A_2, %add3A_21 : i32
    "tpu.region"() ({
      %run_scoped3A_44 = tpu.sem_alloc : memref<!tpu.dma_semaphore, #tpu.memory_space<semaphore_mem>>
      %dma_start3A_45 = arith.constant 0 : i32
      %dma_start3A_46 = tpu.memref_slice %arg10[%add3A_22, %dma_start3A_45] : memref<10112x128xf32, #tpu.memory_space<vmem_shared>> -> memref<80x128xf32, #tpu.memory_space<vmem_shared>>
      %dma_start3A_47 = arith.constant 0 : i32
      %dma_start3A_48 = tpu.memref_slice %arg10[%add3A_22, %dma_start3A_47] : memref<10112x128xf32, #tpu.memory_space<vmem_shared>> -> memref<80x128xf32, #tpu.memory_space<vmem_shared>>
      tpu.enqueue_dma source(%arg8 : memref<80x128xf32, #tpu.memory_space<vmem>>) target(%dma_start3A_48 : memref<80x128xf32, #tpu.memory_space<vmem_shared>>) target_semaphore(%run_scoped3A_44 : memref<!tpu.dma_semaphore, #tpu.memory_space<semaphore_mem>>)
      %dma_wait3A_49 = arith.constant 0 : i32
      %dma_wait3A_50 = tpu.memref_slice %arg10[%add3A_22, %dma_wait3A_49] : memref<10112x128xf32, #tpu.memory_space<vmem_shared>> -> memref<80x128xf32, #tpu.memory_space<vmem_shared>>
      %dma_wait3A_51 = arith.constant 0 : i32
      %dma_wait3A_52 = tpu.memref_slice %arg10[%add3A_22, %dma_wait3A_51] : memref<10112x128xf32, #tpu.memory_space<vmem_shared>> -> memref<80x128xf32, #tpu.memory_space<vmem_shared>>
      tpu.wait_dma2 semaphore(%run_scoped3A_44 : memref<!tpu.dma_semaphore, #tpu.memory_space<semaphore_mem>>) src(%arg8 : memref<80x128xf32, #tpu.memory_space<vmem>>) dst(%dma_wait3A_52 : memref<80x128xf32, #tpu.memory_space<vmem_shared>>)
      tpu.yield
    }) : () -> ()
    %add3A_23 = arith.constant 560 : i32
    %add3A_24 = arith.addi %mul3A_2, %add3A_23 : i32
    "tpu.region"() ({
      %run_scoped3A_44 = tpu.sem_alloc : memref<!tpu.dma_semaphore, #tpu.memory_space<semaphore_mem>>
      %dma_start3A_45 = arith.constant 0 : i32
      %dma_start3A_46 = arith.constant 0 : i32
      %dma_start3A_47 = tpu.memref_slice %arg8[%dma_start3A_45, %dma_start3A_46] : memref<80x128xf32, #tpu.memory_space<vmem>> -> memref<72x128xf32, #tpu.memory_space<vmem>>
      %dma_start3A_48 = arith.constant 0 : i32
      %dma_start3A_49 = tpu.memref_slice %arg10[%add3A_24, %dma_start3A_48] : memref<10112x128xf32, #tpu.memory_space<vmem_shared>> -> memref<72x128xf32, #tpu.memory_space<vmem_shared>>
      %dma_start3A_50 = arith.constant 0 : i32
      %dma_start3A_51 = tpu.memref_slice %arg10[%add3A_24, %dma_start3A_50] : memref<10112x128xf32, #tpu.memory_space<vmem_shared>> -> memref<72x128xf32, #tpu.memory_space<vmem_shared>>
      %dma_start3A_52 = arith.constant 0 : i32
      %dma_start3A_53 = arith.constant 0 : i32
      %dma_start3A_54 = tpu.memref_slice %arg8[%dma_start3A_52, %dma_start3A_53] : memref<80x128xf32, #tpu.memory_space<vmem>> -> memref<72x128xf32, #tpu.memory_space<vmem>>
      tpu.enqueue_dma source(%dma_start3A_54 : memref<72x128xf32, #tpu.memory_space<vmem>>) target(%dma_start3A_51 : memref<72x128xf32, #tpu.memory_space<vmem_shared>>) target_semaphore(%run_scoped3A_44 : memref<!tpu.dma_semaphore, #tpu.memory_space<semaphore_mem>>)
      %dma_wait3A_55 = arith.constant 0 : i32
      %dma_wait3A_56 = arith.constant 0 : i32
      %dma_wait3A_57 = tpu.memref_slice %arg8[%dma_wait3A_55, %dma_wait3A_56] : memref<80x128xf32, #tpu.memory_space<vmem>> -> memref<72x128xf32, #tpu.memory_space<vmem>>
      %dma_wait3A_58 = arith.constant 0 : i32
      %dma_wait3A_59 = tpu.memref_slice %arg10[%add3A_24, %dma_wait3A_58] : memref<10112x128xf32, #tpu.memory_space<vmem_shared>> -> memref<72x128xf32, #tpu.memory_space<vmem_shared>>
      %dma_wait3A_60 = arith.constant 0 : i32
      %dma_wait3A_61 = tpu.memref_slice %arg10[%add3A_24, %dma_wait3A_60] : memref<10112x128xf32, #tpu.memory_space<vmem_shared>> -> memref<72x128xf32, #tpu.memory_space<vmem_shared>>
      %dma_wait3A_62 = arith.constant 0 : i32
      %dma_wait3A_63 = arith.constant 0 : i32
      %dma_wait3A_64 = tpu.memref_slice %arg8[%dma_wait3A_62, %dma_wait3A_63] : memref<80x128xf32, #tpu.memory_space<vmem>> -> memref<72x128xf32, #tpu.memory_space<vmem>>
      tpu.wait_dma2 semaphore(%run_scoped3A_44 : memref<!tpu.dma_semaphore, #tpu.memory_space<semaphore_mem>>) src(%dma_wait3A_64 : memref<72x128xf32, #tpu.memory_space<vmem>>) dst(%dma_wait3A_61 : memref<72x128xf32, #tpu.memory_space<vmem_shared>>)
      tpu.yield
    }) : () -> ()
    %run_scoped3A = arith.constant 0 : i32
    "tpu.region"() ({
      %run_scoped3A_44 = tpu.sem_alloc : memref<!tpu.dma_semaphore, #tpu.memory_space<semaphore_mem>>
      %dma_start3A_45 = arith.constant 0 : i32
      %dma_start3A_46 = tpu.memref_slice %arg2[%run_scoped3A, %add3A, %dma_start3A_45] : memref<2x32x10000xi32, #tpu.memory_space<hbm>> -> memref<1x1x10000xi32, #tpu.memory_space<hbm>>
      %dma_start3A_47 = tpu.memref_squeeze %dma_start3A_46 : memref<1x1x10000xi32, #tpu.memory_space<hbm>> -> memref<10000xi32, #tpu.memory_space<hbm>>
      %dma_start3A_48 = arith.constant 0 : i32
      %dma_start3A_49 = tpu.memref_slice %arg2[%run_scoped3A, %add3A, %dma_start3A_48] : memref<2x32x10000xi32, #tpu.memory_space<hbm>> -> memref<1x1x10000xi32, #tpu.memory_space<hbm>>
      %dma_start3A_50 = tpu.memref_squeeze %dma_start3A_49 : memref<1x1x10000xi32, #tpu.memory_space<hbm>> -> memref<10000xi32, #tpu.memory_space<hbm>>
      tpu.enqueue_dma source(%dma_start3A_50 : memref<10000xi32, #tpu.memory_space<hbm>>) target(%arg6 : memref<10000xi32, #tpu.memory_space<vmem>>) target_semaphore(%run_scoped3A_44 : memref<!tpu.dma_semaphore, #tpu.memory_space<semaphore_mem>>)
      %dma_wait3A_51 = arith.constant 0 : i32
      %dma_wait3A_52 = tpu.memref_slice %arg2[%run_scoped3A, %add3A, %dma_wait3A_51] : memref<2x32x10000xi32, #tpu.memory_space<hbm>> -> memref<1x1x10000xi32, #tpu.memory_space<hbm>>
      %dma_wait3A_53 = tpu.memref_squeeze %dma_wait3A_52 : memref<1x1x10000xi32, #tpu.memory_space<hbm>> -> memref<10000xi32, #tpu.memory_space<hbm>>
      %dma_wait3A_54 = arith.constant 0 : i32
      %dma_wait3A_55 = tpu.memref_slice %arg2[%run_scoped3A, %add3A, %dma_wait3A_54] : memref<2x32x10000xi32, #tpu.memory_space<hbm>> -> memref<1x1x10000xi32, #tpu.memory_space<hbm>>
      %dma_wait3A_56 = tpu.memref_squeeze %dma_wait3A_55 : memref<1x1x10000xi32, #tpu.memory_space<hbm>> -> memref<10000xi32, #tpu.memory_space<hbm>>
      tpu.wait_dma2 semaphore(%run_scoped3A_44 : memref<!tpu.dma_semaphore, #tpu.memory_space<semaphore_mem>>) src(%dma_wait3A_56 : memref<10000xi32, #tpu.memory_space<hbm>>) dst(%arg6 : memref<10000xi32, #tpu.memory_space<vmem>>)
      tpu.yield
    }) : () -> ()
    %run_scoped3A_25 = arith.constant 1 : i32
    "tpu.region"() ({
      %run_scoped3A_44 = tpu.sem_alloc : memref<!tpu.dma_semaphore, #tpu.memory_space<semaphore_mem>>
      %dma_start3A_45 = arith.constant 0 : i32
      %dma_start3A_46 = arith.constant 0 : i32
      %dma_start3A_47 = tpu.memref_slice %arg3[%run_scoped3A_25, %add3A, %dma_start3A_45, %dma_start3A_46] : memref<2x32x125x80xi32, #tpu.memory_space<hbm>> -> memref<1x1x125x80xi32, #tpu.memory_space<hbm>>
      %dma_start3A_48 = tpu.memref_squeeze %dma_start3A_47 : memref<1x1x125x80xi32, #tpu.memory_space<hbm>> -> memref<125x80xi32, #tpu.memory_space<hbm>>
      %dma_start3A_49 = arith.constant 0 : i32
      %dma_start3A_50 = arith.constant 0 : i32
      %dma_start3A_51 = tpu.memref_slice %arg3[%run_scoped3A_25, %add3A, %dma_start3A_49, %dma_start3A_50] : memref<2x32x125x80xi32, #tpu.memory_space<hbm>> -> memref<1x1x125x80xi32, #tpu.memory_space<hbm>>
      %dma_start3A_52 = tpu.memref_squeeze %dma_start3A_51 : memref<1x1x125x80xi32, #tpu.memory_space<hbm>> -> memref<125x80xi32, #tpu.memory_space<hbm>>
      tpu.enqueue_dma source(%dma_start3A_52 : memref<125x80xi32, #tpu.memory_space<hbm>>) target(%arg7 : memref<125x80xi32, #tpu.memory_space<vmem>>) target_semaphore(%run_scoped3A_44 : memref<!tpu.dma_semaphore, #tpu.memory_space<semaphore_mem>>)
      %dma_wait3A_53 = arith.constant 0 : i32
      %dma_wait3A_54 = arith.constant 0 : i32
      %dma_wait3A_55 = tpu.memref_slice %arg3[%run_scoped3A_25, %add3A, %dma_wait3A_53, %dma_wait3A_54] : memref<2x32x125x80xi32, #tpu.memory_space<hbm>> -> memref<1x1x125x80xi32, #tpu.memory_space<hbm>>
      %dma_wait3A_56 = tpu.memref_squeeze %dma_wait3A_55 : memref<1x1x125x80xi32, #tpu.memory_space<hbm>> -> memref<125x80xi32, #tpu.memory_space<hbm>>
      %dma_wait3A_57 = arith.constant 0 : i32
      %dma_wait3A_58 = arith.constant 0 : i32
      %dma_wait3A_59 = tpu.memref_slice %arg3[%run_scoped3A_25, %add3A, %dma_wait3A_57, %dma_wait3A_58] : memref<2x32x125x80xi32, #tpu.memory_space<hbm>> -> memref<1x1x125x80xi32, #tpu.memory_space<hbm>>
      %dma_wait3A_60 = tpu.memref_squeeze %dma_wait3A_59 : memref<1x1x125x80xi32, #tpu.memory_space<hbm>> -> memref<125x80xi32, #tpu.memory_space<hbm>>
      tpu.wait_dma2 semaphore(%run_scoped3A_44 : memref<!tpu.dma_semaphore, #tpu.memory_space<semaphore_mem>>) src(%dma_wait3A_60 : memref<125x80xi32, #tpu.memory_space<hbm>>) dst(%arg7 : memref<125x80xi32, #tpu.memory_space<vmem>>)
      tpu.yield
    }) : () -> ()
    %barrier3A = arith.constant 0 : index
    tpu.barrier barrier_id(%barrier3A)
    %dma_start3A = arith.constant 0 : i32
    %dma_start3A_26 = tpu.memref_slice %arg6[%dma_start3A] : memref<10000xi32, #tpu.memory_space<vmem>> -> memref<80xi32, #tpu.memory_space<vmem>>
    %dma_start3A_27 = arith.constant 0 : i32
    %dma_start3A_28 = arith.constant 0 : i32
    %dma_start3A_29 = tpu.memref_slice %arg4[%dma_start3A_27, %dma_start3A_28] : memref<10000x128xf32, #tpu.memory_space<hbm>> -> memref<10000x128xf32, #tpu.memory_space<hbm>>
    tpu.enqueue_indirect_dma source(%dma_start3A_29 : memref<10000x128xf32, #tpu.memory_space<hbm>>) target(%arg8 : memref<80x128xf32, #tpu.memory_space<vmem>>) offsets(%dma_start3A_26 : memref<80xi32, #tpu.memory_space<vmem>>) semaphore(%arg11 : memref<!tpu.dma_semaphore, #tpu.memory_space<semaphore_mem>>)
    %scan3A_30 = arith.constant 0 : i32
    %scan3A_31 = arith.constant 0 : i32
    %scan3A_32 = arith.constant 62 : i32
    %scan3A_33 = arith.addi %scan3A_31, %scan3A_32 : i32
    %scan3A_34 = arith.constant 1 : i32
    %scan3A_35 = scf.for %scan3A_44 = %scan3A_31 to %scan3A_33 step %scan3A_34 iter_args(%scan3A_45 = %scan3A_30) -> (i32)  : i32 {
      %mul3A_46 = arith.constant 2 : i32
      %mul3A_47 = arith.muli %mul3A_46, %scan3A_44 : i32
      %add3A_48 = arith.constant 1 : i32
      %add3A_49 = arith.addi %mul3A_47, %add3A_48 : i32
      %mul3A_50 = arith.constant 80 : i32
      %mul3A_51 = arith.muli %add3A_49, %mul3A_50 : i32
      %dma_start3A_52 = tpu.memref_slice %arg6[%mul3A_51] : memref<10000xi32, #tpu.memory_space<vmem>> -> memref<80xi32, #tpu.memory_space<vmem>>
      %dma_start3A_53 = arith.constant 0 : i32
      %dma_start3A_54 = arith.constant 0 : i32
      %dma_start3A_55 = tpu.memref_slice %arg4[%dma_start3A_53, %dma_start3A_54] : memref<10000x128xf32, #tpu.memory_space<hbm>> -> memref<10000x128xf32, #tpu.memory_space<hbm>>
      tpu.enqueue_indirect_dma source(%dma_start3A_55 : memref<10000x128xf32, #tpu.memory_space<hbm>>) target(%arg9 : memref<80x128xf32, #tpu.memory_space<vmem>>) offsets(%dma_start3A_52 : memref<80xi32, #tpu.memory_space<vmem>>) semaphore(%arg12 : memref<!tpu.dma_semaphore, #tpu.memory_space<semaphore_mem>>)
      %mul3A_56 = arith.constant 80 : i32
      %mul3A_57 = arith.muli %mul3A_47, %mul3A_56 : i32
      %dma_wait3A_58 = tpu.memref_slice %arg6[%mul3A_57] : memref<10000xi32, #tpu.memory_space<vmem>> -> memref<80xi32, #tpu.memory_space<vmem>>
      %dma_wait3A_59 = arith.constant 0 : i32
      %dma_wait3A_60 = arith.constant 0 : i32
      %dma_wait3A_61 = tpu.memref_slice %arg4[%dma_wait3A_59, %dma_wait3A_60] : memref<10000x128xf32, #tpu.memory_space<hbm>> -> memref<10000x128xf32, #tpu.memory_space<hbm>>
      tpu.wait_indirect_dma semaphore(%arg11 : memref<!tpu.dma_semaphore, #tpu.memory_space<semaphore_mem>>) src(%dma_wait3A_61 : memref<10000x128xf32, #tpu.memory_space<hbm>>) dst(%arg8 : memref<80x128xf32, #tpu.memory_space<vmem>>)
      "tpu.region"() ({
        %run_scoped3A_81 = tpu.sem_alloc : memref<!tpu.dma_semaphore, #tpu.memory_space<semaphore_mem>>
        %dma_start3A_82 = arith.constant 0 : i32
        %dma_start3A_83 = tpu.memref_slice %arg7[%mul3A_47, %dma_start3A_82] : memref<125x80xi32, #tpu.memory_space<vmem>> -> memref<1x80xi32, #tpu.memory_space<vmem>>
        %dma_start3A_84 = tpu.memref_squeeze %dma_start3A_83 : memref<1x80xi32, #tpu.memory_space<vmem>> -> memref<80xi32, #tpu.memory_space<vmem>>
        %dma_start3A_85 = arith.constant 0 : i32
        %dma_start3A_86 = arith.constant 0 : i32
        %dma_start3A_87 = tpu.memref_slice %arg10[%dma_start3A_85, %dma_start3A_86] : memref<10112x128xf32, #tpu.memory_space<vmem_shared>> -> memref<10112x128xf32, #tpu.memory_space<vmem_shared>>
        tpu.enqueue_indirect_dma source(%arg8 : memref<80x128xf32, #tpu.memory_space<vmem>>) target(%dma_start3A_87 : memref<10112x128xf32, #tpu.memory_space<vmem_shared>>) offsets(%dma_start3A_84 : memref<80xi32, #tpu.memory_space<vmem>>) semaphore(%run_scoped3A_81 : memref<!tpu.dma_semaphore, #tpu.memory_space<semaphore_mem>>) {add = true}
        %dma_wait3A_88 = arith.constant 0 : i32
        %dma_wait3A_89 = tpu.memref_slice %arg7[%mul3A_47, %dma_wait3A_88] : memref<125x80xi32, #tpu.memory_space<vmem>> -> memref<1x80xi32, #tpu.memory_space<vmem>>
        %dma_wait3A_90 = tpu.memref_squeeze %dma_wait3A_89 : memref<1x80xi32, #tpu.memory_space<vmem>> -> memref<80xi32, #tpu.memory_space<vmem>>
        %dma_wait3A_91 = arith.constant 0 : i32
        %dma_wait3A_92 = arith.constant 0 : i32
        %dma_wait3A_93 = tpu.memref_slice %arg10[%dma_wait3A_91, %dma_wait3A_92] : memref<10112x128xf32, #tpu.memory_space<vmem_shared>> -> memref<10112x128xf32, #tpu.memory_space<vmem_shared>>
        tpu.wait_indirect_dma semaphore(%run_scoped3A_81 : memref<!tpu.dma_semaphore, #tpu.memory_space<semaphore_mem>>) src(%arg8 : memref<80x128xf32, #tpu.memory_space<vmem>>) dst(%dma_wait3A_93 : memref<10112x128xf32, #tpu.memory_space<vmem_shared>>)
        tpu.yield
      }) : () -> ()
      %add3A_62 = arith.constant 2 : i32
      %add3A_63 = arith.addi %mul3A_47, %add3A_62 : i32
      %mul3A_64 = arith.constant 80 : i32
      %mul3A_65 = arith.muli %add3A_63, %mul3A_64 : i32
      %dma_start3A_66 = tpu.memref_slice %arg6[%mul3A_65] : memref<10000xi32, #tpu.memory_space<vmem>> -> memref<80xi32, #tpu.memory_space<vmem>>
      %dma_start3A_67 = arith.constant 0 : i32
      %dma_start3A_68 = arith.constant 0 : i32
      %dma_start3A_69 = tpu.memref_slice %arg4[%dma_start3A_67, %dma_start3A_68] : memref<10000x128xf32, #tpu.memory_space<hbm>> -> memref<10000x128xf32, #tpu.memory_space<hbm>>
      tpu.enqueue_indirect_dma source(%dma_start3A_69 : memref<10000x128xf32, #tpu.memory_space<hbm>>) target(%arg8 : memref<80x128xf32, #tpu.memory_space<vmem>>) offsets(%dma_start3A_66 : memref<80xi32, #tpu.memory_space<vmem>>) semaphore(%arg11 : memref<!tpu.dma_semaphore, #tpu.memory_space<semaphore_mem>>)
      %add3A_70 = arith.constant 1 : i32
      %add3A_71 = arith.addi %mul3A_47, %add3A_70 : i32
      %mul3A_72 = arith.constant 80 : i32
      %mul3A_73 = arith.muli %add3A_71, %mul3A_72 : i32
      %dma_wait3A_74 = tpu.memref_slice %arg6[%mul3A_73] : memref<10000xi32, #tpu.memory_space<vmem>> -> memref<80xi32, #tpu.memory_space<vmem>>
      %dma_wait3A_75 = arith.constant 0 : i32
      %dma_wait3A_76 = arith.constant 0 : i32
      %dma_wait3A_77 = tpu.memref_slice %arg4[%dma_wait3A_75, %dma_wait3A_76] : memref<10000x128xf32, #tpu.memory_space<hbm>> -> memref<10000x128xf32, #tpu.memory_space<hbm>>
      tpu.wait_indirect_dma semaphore(%arg12 : memref<!tpu.dma_semaphore, #tpu.memory_space<semaphore_mem>>) src(%dma_wait3A_77 : memref<10000x128xf32, #tpu.memory_space<hbm>>) dst(%arg9 : memref<80x128xf32, #tpu.memory_space<vmem>>)
      %add3A_78 = arith.constant 1 : i32
      %add3A_79 = arith.addi %mul3A_47, %add3A_78 : i32
      "tpu.region"() ({
        %run_scoped3A_81 = tpu.sem_alloc : memref<!tpu.dma_semaphore, #tpu.memory_space<semaphore_mem>>
        %dma_start3A_82 = arith.constant 0 : i32
        %dma_start3A_83 = tpu.memref_slice %arg7[%add3A_79, %dma_start3A_82] : memref<125x80xi32, #tpu.memory_space<vmem>> -> memref<1x80xi32, #tpu.memory_space<vmem>>
        %dma_start3A_84 = tpu.memref_squeeze %dma_start3A_83 : memref<1x80xi32, #tpu.memory_space<vmem>> -> memref<80xi32, #tpu.memory_space<vmem>>
        %dma_start3A_85 = arith.constant 0 : i32
        %dma_start3A_86 = arith.constant 0 : i32
        %dma_start3A_87 = tpu.memref_slice %arg10[%dma_start3A_85, %dma_start3A_86] : memref<10112x128xf32, #tpu.memory_space<vmem_shared>> -> memref<10112x128xf32, #tpu.memory_space<vmem_shared>>
        tpu.enqueue_indirect_dma source(%arg9 : memref<80x128xf32, #tpu.memory_space<vmem>>) target(%dma_start3A_87 : memref<10112x128xf32, #tpu.memory_space<vmem_shared>>) offsets(%dma_start3A_84 : memref<80xi32, #tpu.memory_space<vmem>>) semaphore(%run_scoped3A_81 : memref<!tpu.dma_semaphore, #tpu.memory_space<semaphore_mem>>) {add = true}
        %dma_wait3A_88 = arith.constant 0 : i32
        %dma_wait3A_89 = tpu.memref_slice %arg7[%add3A_79, %dma_wait3A_88] : memref<125x80xi32, #tpu.memory_space<vmem>> -> memref<1x80xi32, #tpu.memory_space<vmem>>
        %dma_wait3A_90 = tpu.memref_squeeze %dma_wait3A_89 : memref<1x80xi32, #tpu.memory_space<vmem>> -> memref<80xi32, #tpu.memory_space<vmem>>
        %dma_wait3A_91 = arith.constant 0 : i32
        %dma_wait3A_92 = arith.constant 0 : i32
        %dma_wait3A_93 = tpu.memref_slice %arg10[%dma_wait3A_91, %dma_wait3A_92] : memref<10112x128xf32, #tpu.memory_space<vmem_shared>> -> memref<10112x128xf32, #tpu.memory_space<vmem_shared>>
        tpu.wait_indirect_dma semaphore(%run_scoped3A_81 : memref<!tpu.dma_semaphore, #tpu.memory_space<semaphore_mem>>) src(%arg9 : memref<80x128xf32, #tpu.memory_space<vmem>>) dst(%dma_wait3A_93 : memref<10112x128xf32, #tpu.memory_space<vmem_shared>>)
        tpu.yield
      }) : () -> ()
      %scan3A_80 = arith.constant 0 : i32
      scf.yield %scan3A_80 : i32
    }
    %scan3A_36 = arith.constant 62 : i32
    %dma_wait3A = arith.constant 9920 : i32
    %dma_wait3A_37 = tpu.memref_slice %arg6[%dma_wait3A] : memref<10000xi32, #tpu.memory_space<vmem>> -> memref<80xi32, #tpu.memory_space<vmem>>
    %dma_wait3A_38 = arith.constant 0 : i32
    %dma_wait3A_39 = arith.constant 0 : i32
    %dma_wait3A_40 = tpu.memref_slice %arg4[%dma_wait3A_38, %dma_wait3A_39] : memref<10000x128xf32, #tpu.memory_space<hbm>> -> memref<10000x128xf32, #tpu.memory_space<hbm>>
    tpu.wait_indirect_dma semaphore(%arg11 : memref<!tpu.dma_semaphore, #tpu.memory_space<semaphore_mem>>) src(%dma_wait3A_40 : memref<10000x128xf32, #tpu.memory_space<hbm>>) dst(%arg8 : memref<80x128xf32, #tpu.memory_space<vmem>>)
    %run_scoped3A_41 = arith.constant 124 : i32
    "tpu.region"() ({
      %run_scoped3A_44 = tpu.sem_alloc : memref<!tpu.dma_semaphore, #tpu.memory_space<semaphore_mem>>
      %dma_start3A_45 = arith.constant 0 : i32
      %dma_start3A_46 = tpu.memref_slice %arg7[%run_scoped3A_41, %dma_start3A_45] : memref<125x80xi32, #tpu.memory_space<vmem>> -> memref<1x80xi32, #tpu.memory_space<vmem>>
      %dma_start3A_47 = tpu.memref_squeeze %dma_start3A_46 : memref<1x80xi32, #tpu.memory_space<vmem>> -> memref<80xi32, #tpu.memory_space<vmem>>
      %dma_start3A_48 = arith.constant 0 : i32
      %dma_start3A_49 = arith.constant 0 : i32
      %dma_start3A_50 = tpu.memref_slice %arg10[%dma_start3A_48, %dma_start3A_49] : memref<10112x128xf32, #tpu.memory_space<vmem_shared>> -> memref<10112x128xf32, #tpu.memory_space<vmem_shared>>
      tpu.enqueue_indirect_dma source(%arg8 : memref<80x128xf32, #tpu.memory_space<vmem>>) target(%dma_start3A_50 : memref<10112x128xf32, #tpu.memory_space<vmem_shared>>) offsets(%dma_start3A_47 : memref<80xi32, #tpu.memory_space<vmem>>) semaphore(%run_scoped3A_44 : memref<!tpu.dma_semaphore, #tpu.memory_space<semaphore_mem>>) {add = true}
      %dma_wait3A_51 = arith.constant 0 : i32
      %dma_wait3A_52 = tpu.memref_slice %arg7[%run_scoped3A_41, %dma_wait3A_51] : memref<125x80xi32, #tpu.memory_space<vmem>> -> memref<1x80xi32, #tpu.memory_space<vmem>>
      %dma_wait3A_53 = tpu.memref_squeeze %dma_wait3A_52 : memref<1x80xi32, #tpu.memory_space<vmem>> -> memref<80xi32, #tpu.memory_space<vmem>>
      %dma_wait3A_54 = arith.constant 0 : i32
      %dma_wait3A_55 = arith.constant 0 : i32
      %dma_wait3A_56 = tpu.memref_slice %arg10[%dma_wait3A_54, %dma_wait3A_55] : memref<10112x128xf32, #tpu.memory_space<vmem_shared>> -> memref<10112x128xf32, #tpu.memory_space<vmem_shared>>
      tpu.wait_indirect_dma semaphore(%run_scoped3A_44 : memref<!tpu.dma_semaphore, #tpu.memory_space<semaphore_mem>>) src(%arg8 : memref<80x128xf32, #tpu.memory_space<vmem>>) dst(%dma_wait3A_56 : memref<10112x128xf32, #tpu.memory_space<vmem_shared>>)
      tpu.yield
    }) : () -> ()
    %barrier3A_42 = arith.constant 0 : index
    tpu.barrier barrier_id(%barrier3A_42)
    %run_scoped3A_43 = arith.constant 0 : i32
    "tpu.region"() ({
      %run_scoped3A_44 = tpu.sem_alloc : memref<!tpu.dma_semaphore, #tpu.memory_space<semaphore_mem>>
      %dma_start3A_45 = arith.constant 0 : i32
      %dma_start3A_46 = tpu.memref_slice %arg5[%run_scoped3A_43, %arg0, %mul3A_2, %dma_start3A_45] : memref<1x2x10112x128xf32, #tpu.memory_space<hbm>> -> memref<1x1x632x128xf32, #tpu.memory_space<hbm>>
      %dma_start3A_47 = tpu.memref_squeeze %dma_start3A_46 : memref<1x1x632x128xf32, #tpu.memory_space<hbm>> -> memref<632x128xf32, #tpu.memory_space<hbm>>
      %dma_start3A_48 = arith.constant 0 : i32
      %dma_start3A_49 = tpu.memref_slice %arg10[%mul3A_2, %dma_start3A_48] : memref<10112x128xf32, #tpu.memory_space<vmem_shared>> -> memref<632x128xf32, #tpu.memory_space<vmem_shared>>
      tpu.enqueue_dma source(%dma_start3A_49 : memref<632x128xf32, #tpu.memory_space<vmem_shared>>) target(%dma_start3A_47 : memref<632x128xf32, #tpu.memory_space<hbm>>) target_semaphore(%run_scoped3A_44 : memref<!tpu.dma_semaphore, #tpu.memory_space<semaphore_mem>>)
      %dma_wait3A_50 = arith.constant 0 : i32
      %dma_wait3A_51 = tpu.memref_slice %arg5[%run_scoped3A_43, %arg0, %mul3A_2, %dma_wait3A_50] : memref<1x2x10112x128xf32, #tpu.memory_space<hbm>> -> memref<1x1x632x128xf32, #tpu.memory_space<hbm>>
      %dma_wait3A_52 = tpu.memref_squeeze %dma_wait3A_51 : memref<1x1x632x128xf32, #tpu.memory_space<hbm>> -> memref<632x128xf32, #tpu.memory_space<hbm>>
      %dma_wait3A_53 = arith.constant 0 : i32
      %dma_wait3A_54 = tpu.memref_slice %arg10[%mul3A_2, %dma_wait3A_53] : memref<10112x128xf32, #tpu.memory_space<vmem_shared>> -> memref<632x128xf32, #tpu.memory_space<vmem_shared>>
      tpu.wait_dma2 semaphore(%run_scoped3A_44 : memref<!tpu.dma_semaphore, #tpu.memory_space<semaphore_mem>>) src(%dma_wait3A_54 : memref<632x128xf32, #tpu.memory_space<vmem_shared>>) dst(%dma_wait3A_52 : memref<632x128xf32, #tpu.memory_space<hbm>>)
      tpu.yield
    }) : () -> ()
    return
  }
}

#map = affine_map<(d0, d1) -> (0, 0, 0)>
#map1 = affine_map<(d0, d1) -> (0, 0, 0, 0)>
#map2 = affine_map<(d0, d1) -> (0, 0)>
module attributes {stable_mosaic.version = 14 : i64} {
  func.func @k(%arg0: i32, %arg1: i32, %arg2: memref<2x32x10000xi32, #tpu.memory_space<hbm>>, %arg3: memref<2x32x125x80xi32, #tpu.memory_space<hbm>>, %arg4: memref<10000x128xf32, #tpu.memory_space<hbm>>, %arg5: memref<1x2x10112x128xf32, #tpu.memory_space<hbm>>, %arg6: memref<10000xi32, #tpu.memory_space<vmem>>, %arg7: memref<125x80xi32, #tpu.memory_space<vmem>>, %arg8: memref<80x128xf32, #tpu.memory_space<vmem>>, %arg9: memref<80x128xf32, #tpu.memory_space<vmem>>, %arg10: memref<10112x128xf32, #tpu.memory_space<vmem_shared>>, %arg11: memref<!tpu.dma_semaphore, #tpu.memory_space<semaphore_mem>>, %arg12: memref<!tpu.dma_semaphore, #tpu.memory_space<semaphore_mem>>) attributes {dimension_semantics = [#tpu.dimension_semantics<core_parallel>, #tpu.dimension_semantics<subcore_parallel>], iteration_bounds = array<i64: 2, 16>, scalar_prefetch = 0 : i64, scratch_operands = 7 : i64, tpu.core_type = #tpu.core_type<sc_vector_subcore>, window_params = [{transform_indices = #map}, {transform_indices = #map1}, {transform_indices = #map2}, {transform_indices = #map1}]} {
    %mul3A = arith.constant 2 : i32
    %mul3A_0 = arith.muli %arg1, %mul3A : i32
    %add3A = arith.addi %mul3A_0, %arg0 : i32
    %mul3A_1 = arith.constant 632 : i32
    %mul3A_2 = arith.muli %arg1, %mul3A_1 : i32
    %scan3A = arith.constant 0 : i32
    %scan3A_3 = arith.constant 0 : i32
    %scan3A_4 = arith.constant 80 : i32
    %scan3A_5 = arith.addi %scan3A_3, %scan3A_4 : i32
    %scan3A_6 = arith.constant 1 : i32
    %scan3A_7 = scf.for %scan3A_44 = %scan3A_3 to %scan3A_5 step %scan3A_6 iter_args(%scan3A_45 = %scan3A) -> (i32)  : i32 {
      %scan3A_46 = arith.constant 0 : i32
      %scan3A_47 = arith.constant 0 : i32
      %scan3A_48 = arith.constant 8 : i32
      %scan3A_49 = arith.addi %scan3A_47, %scan3A_48 : i32
      %scan3A_50 = arith.constant 1 : i32
      %scan3A_51 = scf.for %scan3A_54 = %scan3A_47 to %scan3A_49 step %scan3A_50 iter_args(%scan3A_55 = %scan3A_46) -> (i32)  : i32 {
        %broadcast_in_dim3A = arith.constant 0.000000e+00 : f32
        %broadcast_in_dim3A_56 = vector.broadcast %broadcast_in_dim3A : f32 to vector<16xf32>
        %mul3A_57 = arith.constant 16 : i32
        %mul3A_58 = arith.muli %scan3A_54, %mul3A_57 : i32
        %swap3A = arith.index_cast %scan3A_44 : i32 to index
        %swap3A_59 = arith.index_cast %mul3A_58 : i32 to index
        %swap3A_60 = tpu.vector_load %arg8[%swap3A, %swap3A_59] {strides = array<i32>} : memref<80x128xf32, #tpu.memory_space<vmem>>, vector<16xf32>,
        tpu.vector_store %arg8[%swap3A, %swap3A_59], %broadcast_in_dim3A_56 {strides = array<i32>} : memref<80x128xf32, #tpu.memory_space<vmem>>, vector<16xf32>,
        %scan3A_61 = arith.constant 0 : i32
        scf.yield %scan3A_61 : i32
      }
      %scan3A_52 = arith.constant 8 : i32
      %scan3A_53 = arith.constant 0 : i32
      scf.yield %scan3A_53 : i32
    }
    %scan3A_8 = arith.constant 80 : i32
    %add3A_9 = arith.constant 0 : i32
    %add3A_10 = arith.addi %mul3A_2, %add3A_9 : i32
    "tpu.region"() ({
      %run_scoped3A_44 = tpu.sem_alloc : memref<!tpu.dma_semaphore, #tpu.memory_space<semaphore_mem>>
      %dma_start3A_45 = arith.constant 0 : i32
      %dma_start3A_46 = tpu.memref_slice %arg10[%add3A_10, %dma_start3A_45] : memref<10112x128xf32, #tpu.memory_space<vmem_shared>> -> memref<80x128xf32, #tpu.memory_space<vmem_shared>>
      %dma_start3A_47 = arith.constant 0 : i32
      %dma_start3A_48 = tpu.memref_slice %arg10[%add3A_10, %dma_start3A_47] : memref<10112x128xf32, #tpu.memory_space<vmem_shared>> -> memref<80x128xf32, #tpu.memory_space<vmem_shared>>
      tpu.enqueue_dma source(%arg8 : memref<80x128xf32, #tpu.memory_space<vmem>>) target(%dma_start3A_48 : memref<80x128xf32, #tpu.memory_space<vmem_shared>>) target_semaphore(%run_scoped3A_44 : memref<!tpu.dma_semaphore, #tpu.memory_space<semaphore_mem>>)
      %dma_wait3A_49 = arith.constant 0 : i32
      %dma_wait3A_50 = tpu.memref_slice %arg10[%add3A_10, %dma_wait3A_49] : memref<10112x128xf32, #tpu.memory_space<vmem_shared>> -> memref<80x128xf32, #tpu.memory_space<vmem_shared>>
      %dma_wait3A_51 = arith.constant 0 : i32
      %dma_wait3A_52 = tpu.memref_slice %arg10[%add3A_10, %dma_wait3A_51] : memref<10112x128xf32, #tpu.memory_space<vmem_shared>> -> memref<80x128xf32, #tpu.memory_space<vmem_shared>>
      tpu.wait_dma2 semaphore(%run_scoped3A_44 : memref<!tpu.dma_semaphore, #tpu.memory_space<semaphore_mem>>) src(%arg8 : memref<80x128xf32, #tpu.memory_space<vmem>>) dst(%dma_wait3A_52 : memref<80x128xf32, #tpu.memory_space<vmem_shared>>)
      tpu.yield
    }) : () -> ()
    %add3A_11 = arith.constant 80 : i32
    %add3A_12 = arith.addi %mul3A_2, %add3A_11 : i32
    "tpu.region"() ({
      %run_scoped3A_44 = tpu.sem_alloc : memref<!tpu.dma_semaphore, #tpu.memory_space<semaphore_mem>>
      %dma_start3A_45 = arith.constant 0 : i32
      %dma_start3A_46 = tpu.memref_slice %arg10[%add3A_12, %dma_start3A_45] : memref<10112x128xf32, #tpu.memory_space<vmem_shared>> -> memref<80x128xf32, #tpu.memory_space<vmem_shared>>
      %dma_start3A_47 = arith.constant 0 : i32
      %dma_start3A_48 = tpu.memref_slice %arg10[%add3A_12, %dma_start3A_47] : memref<10112x128xf32, #tpu.memory_space<vmem_shared>> -> memref<80x128xf32, #tpu.memory_space<vmem_shared>>
      tpu.enqueue_dma source(%arg8 : memref<80x128xf32, #tpu.memory_space<vmem>>) target(%dma_start3A_48 : memref<80x128xf32, #tpu.memory_space<vmem_shared>>) target_semaphore(%run_scoped3A_44 : memref<!tpu.dma_semaphore, #tpu.memory_space<semaphore_mem>>)
      %dma_wait3A_49 = arith.constant 0 : i32
      %dma_wait3A_50 = tpu.memref_slice %arg10[%add3A_12, %dma_wait3A_49] : memref<10112x128xf32, #tpu.memory_space<vmem_shared>> -> memref<80x128xf32, #tpu.memory_space<vmem_shared>>
      %dma_wait3A_51 = arith.constant 0 : i32
      %dma_wait3A_52 = tpu.memref_slice %arg10[%add3A_12, %dma_wait3A_51] : memref<10112x128xf32, #tpu.memory_space<vmem_shared>> -> memref<80x128xf32, #tpu.memory_space<vmem_shared>>
      tpu.wait_dma2 semaphore(%run_scoped3A_44 : memref<!tpu.dma_semaphore, #tpu.memory_space<semaphore_mem>>) src(%arg8 : memref<80x128xf32, #tpu.memory_space<vmem>>) dst(%dma_wait3A_52 : memref<80x128xf32, #tpu.memory_space<vmem_shared>>)
      tpu.yield
    }) : () -> ()
    %add3A_13 = arith.constant 160 : i32
    %add3A_14 = arith.addi %mul3A_2, %add3A_13 : i32
    "tpu.region"() ({
      %run_scoped3A_44 = tpu.sem_alloc : memref<!tpu.dma_semaphore, #tpu.memory_space<semaphore_mem>>
      %dma_start3A_45 = arith.constant 0 : i32
      %dma_start3A_46 = tpu.memref_slice %arg10[%add3A_14, %dma_start3A_45] : memref<10112x128xf32, #tpu.memory_space<vmem_shared>> -> memref<80x128xf32, #tpu.memory_space<vmem_shared>>
      %dma_start3A_47 = arith.constant 0 : i32
      %dma_start3A_48 = tpu.memref_slice %arg10[%add3A_14, %dma_start3A_47] : memref<10112x128xf32, #tpu.memory_space<vmem_shared>> -> memref<80x128xf32, #tpu.memory_space<vmem_shared>>
      tpu.enqueue_dma source(%arg8 : memref<80x128xf32, #tpu.memory_space<vmem>>) target(%dma_start3A_48 : memref<80x128xf32, #tpu.memory_space<vmem_shared>>) target_semaphore(%run_scoped3A_44 : memref<!tpu.dma_semaphore, #tpu.memory_space<semaphore_mem>>)
      %dma_wait3A_49 = arith.constant 0 : i32
      %dma_wait3A_50 = tpu.memref_slice %arg10[%add3A_14, %dma_wait3A_49] : memref<10112x128xf32, #tpu.memory_space<vmem_shared>> -> memref<80x128xf32, #tpu.memory_space<vmem_shared>>
      %dma_wait3A_51 = arith.constant 0 : i32
      %dma_wait3A_52 = tpu.memref_slice %arg10[%add3A_14, %dma_wait3A_51] : memref<10112x128xf32, #tpu.memory_space<vmem_shared>> -> memref<80x128xf32, #tpu.memory_space<vmem_shared>>
      tpu.wait_dma2 semaphore(%run_scoped3A_44 : memref<!tpu.dma_semaphore, #tpu.memory_space<semaphore_mem>>) src(%arg8 : memref<80x128xf32, #tpu.memory_space<vmem>>) dst(%dma_wait3A_52 : memref<80x128xf32, #tpu.memory_space<vmem_shared>>)
      tpu.yield
    }) : () -> ()
    %add3A_15 = arith.constant 240 : i32
    %add3A_16 = arith.addi %mul3A_2, %add3A_15 : i32
    "tpu.region"() ({
      %run_scoped3A_44 = tpu.sem_alloc : memref<!tpu.dma_semaphore, #tpu.memory_space<semaphore_mem>>
      %dma_start3A_45 = arith.constant 0 : i32
      %dma_start3A_46 = tpu.memref_slice %arg10[%add3A_16, %dma_start3A_45] : memref<10112x128xf32, #tpu.memory_space<vmem_shared>> -> memref<80x128xf32, #tpu.memory_space<vmem_shared>>
      %dma_start3A_47 = arith.constant 0 : i32
      %dma_start3A_48 = tpu.memref_slice %arg10[%add3A_16, %dma_start3A_47] : memref<10112x128xf32, #tpu.memory_space<vmem_shared>> -> memref<80x128xf32, #tpu.memory_space<vmem_shared>>
      tpu.enqueue_dma source(%arg8 : memref<80x128xf32, #tpu.memory_space<vmem>>) target(%dma_start3A_48 : memref<80x128xf32, #tpu.memory_space<vmem_shared>>) target_semaphore(%run_scoped3A_44 : memref<!tpu.dma_semaphore, #tpu.memory_space<semaphore_mem>>)
      %dma_wait3A_49 = arith.constant 0 : i32
      %dma_wait3A_50 = tpu.memref_slice %arg10[%add3A_16, %dma_wait3A_49] : memref<10112x128xf32, #tpu.memory_space<vmem_shared>> -> memref<80x128xf32, #tpu.memory_space<vmem_shared>>
      %dma_wait3A_51 = arith.constant 0 : i32
      %dma_wait3A_52 = tpu.memref_slice %arg10[%add3A_16, %dma_wait3A_51] : memref<10112x128xf32, #tpu.memory_space<vmem_shared>> -> memref<80x128xf32, #tpu.memory_space<vmem_shared>>
      tpu.wait_dma2 semaphore(%run_scoped3A_44 : memref<!tpu.dma_semaphore, #tpu.memory_space<semaphore_mem>>) src(%arg8 : memref<80x128xf32, #tpu.memory_space<vmem>>) dst(%dma_wait3A_52 : memref<80x128xf32, #tpu.memory_space<vmem_shared>>)
      tpu.yield
    }) : () -> ()
    %add3A_17 = arith.constant 320 : i32
    %add3A_18 = arith.addi %mul3A_2, %add3A_17 : i32
    "tpu.region"() ({
      %run_scoped3A_44 = tpu.sem_alloc : memref<!tpu.dma_semaphore, #tpu.memory_space<semaphore_mem>>
      %dma_start3A_45 = arith.constant 0 : i32
      %dma_start3A_46 = tpu.memref_slice %arg10[%add3A_18, %dma_start3A_45] : memref<10112x128xf32, #tpu.memory_space<vmem_shared>> -> memref<80x128xf32, #tpu.memory_space<vmem_shared>>
      %dma_start3A_47 = arith.constant 0 : i32
      %dma_start3A_48 = tpu.memref_slice %arg10[%add3A_18, %dma_start3A_47] : memref<10112x128xf32, #tpu.memory_space<vmem_shared>> -> memref<80x128xf32, #tpu.memory_space<vmem_shared>>
      tpu.enqueue_dma source(%arg8 : memref<80x128xf32, #tpu.memory_space<vmem>>) target(%dma_start3A_48 : memref<80x128xf32, #tpu.memory_space<vmem_shared>>) target_semaphore(%run_scoped3A_44 : memref<!tpu.dma_semaphore, #tpu.memory_space<semaphore_mem>>)
      %dma_wait3A_49 = arith.constant 0 : i32
      %dma_wait3A_50 = tpu.memref_slice %arg10[%add3A_18, %dma_wait3A_49] : memref<10112x128xf32, #tpu.memory_space<vmem_shared>> -> memref<80x128xf32, #tpu.memory_space<vmem_shared>>
      %dma_wait3A_51 = arith.constant 0 : i32
      %dma_wait3A_52 = tpu.memref_slice %arg10[%add3A_18, %dma_wait3A_51] : memref<10112x128xf32, #tpu.memory_space<vmem_shared>> -> memref<80x128xf32, #tpu.memory_space<vmem_shared>>
      tpu.wait_dma2 semaphore(%run_scoped3A_44 : memref<!tpu.dma_semaphore, #tpu.memory_space<semaphore_mem>>) src(%arg8 : memref<80x128xf32, #tpu.memory_space<vmem>>) dst(%dma_wait3A_52 : memref<80x128xf32, #tpu.memory_space<vmem_shared>>)
      tpu.yield
    }) : () -> ()
    %add3A_19 = arith.constant 400 : i32
    %add3A_20 = arith.addi %mul3A_2, %add3A_19 : i32
    "tpu.region"() ({
      %run_scoped3A_44 = tpu.sem_alloc : memref<!tpu.dma_semaphore, #tpu.memory_space<semaphore_mem>>
      %dma_start3A_45 = arith.constant 0 : i32
      %dma_start3A_46 = tpu.memref_slice %arg10[%add3A_20, %dma_start3A_45] : memref<10112x128xf32, #tpu.memory_space<vmem_shared>> -> memref<80x128xf32, #tpu.memory_space<vmem_shared>>
      %dma_start3A_47 = arith.constant 0 : i32
      %dma_start3A_48 = tpu.memref_slice %arg10[%add3A_20, %dma_start3A_47] : memref<10112x128xf32, #tpu.memory_space<vmem_shared>> -> memref<80x128xf32, #tpu.memory_space<vmem_shared>>
      tpu.enqueue_dma source(%arg8 : memref<80x128xf32, #tpu.memory_space<vmem>>) target(%dma_start3A_48 : memref<80x128xf32, #tpu.memory_space<vmem_shared>>) target_semaphore(%run_scoped3A_44 : memref<!tpu.dma_semaphore, #tpu.memory_space<semaphore_mem>>)
      %dma_wait3A_49 = arith.constant 0 : i32
      %dma_wait3A_50 = tpu.memref_slice %arg10[%add3A_20, %dma_wait3A_49] : memref<10112x128xf32, #tpu.memory_space<vmem_shared>> -> memref<80x128xf32, #tpu.memory_space<vmem_shared>>
      %dma_wait3A_51 = arith.constant 0 : i32
      %dma_wait3A_52 = tpu.memref_slice %arg10[%add3A_20, %dma_wait3A_51] : memref<10112x128xf32, #tpu.memory_space<vmem_shared>> -> memref<80x128xf32, #tpu.memory_space<vmem_shared>>
      tpu.wait_dma2 semaphore(%run_scoped3A_44 : memref<!tpu.dma_semaphore, #tpu.memory_space<semaphore_mem>>) src(%arg8 : memref<80x128xf32, #tpu.memory_space<vmem>>) dst(%dma_wait3A_52 : memref<80x128xf32, #tpu.memory_space<vmem_shared>>)
      tpu.yield
    }) : () -> ()
    %add3A_21 = arith.constant 480 : i32
    %add3A_22 = arith.addi %mul3A_2, %add3A_21 : i32
    "tpu.region"() ({
      %run_scoped3A_44 = tpu.sem_alloc : memref<!tpu.dma_semaphore, #tpu.memory_space<semaphore_mem>>
      %dma_start3A_45 = arith.constant 0 : i32
      %dma_start3A_46 = tpu.memref_slice %arg10[%add3A_22, %dma_start3A_45] : memref<10112x128xf32, #tpu.memory_space<vmem_shared>> -> memref<80x128xf32, #tpu.memory_space<vmem_shared>>
      %dma_start3A_47 = arith.constant 0 : i32
      %dma_start3A_48 = tpu.memref_slice %arg10[%add3A_22, %dma_start3A_47] : memref<10112x128xf32, #tpu.memory_space<vmem_shared>> -> memref<80x128xf32, #tpu.memory_space<vmem_shared>>
      tpu.enqueue_dma source(%arg8 : memref<80x128xf32, #tpu.memory_space<vmem>>) target(%dma_start3A_48 : memref<80x128xf32, #tpu.memory_space<vmem_shared>>) target_semaphore(%run_scoped3A_44 : memref<!tpu.dma_semaphore, #tpu.memory_space<semaphore_mem>>)
      %dma_wait3A_49 = arith.constant 0 : i32
      %dma_wait3A_50 = tpu.memref_slice %arg10[%add3A_22, %dma_wait3A_49] : memref<10112x128xf32, #tpu.memory_space<vmem_shared>> -> memref<80x128xf32, #tpu.memory_space<vmem_shared>>
      %dma_wait3A_51 = arith.constant 0 : i32
      %dma_wait3A_52 = tpu.memref_slice %arg10[%add3A_22, %dma_wait3A_51] : memref<10112x128xf32, #tpu.memory_space<vmem_shared>> -> memref<80x128xf32, #tpu.memory_space<vmem_shared>>
      tpu.wait_dma2 semaphore(%run_scoped3A_44 : memref<!tpu.dma_semaphore, #tpu.memory_space<semaphore_mem>>) src(%arg8 : memref<80x128xf32, #tpu.memory_space<vmem>>) dst(%dma_wait3A_52 : memref<80x128xf32, #tpu.memory_space<vmem_shared>>)
      tpu.yield
    }) : () -> ()
    %add3A_23 = arith.constant 560 : i32
    %add3A_24 = arith.addi %mul3A_2, %add3A_23 : i32
    "tpu.region"() ({
      %run_scoped3A_44 = tpu.sem_alloc : memref<!tpu.dma_semaphore, #tpu.memory_space<semaphore_mem>>
      %dma_start3A_45 = arith.constant 0 : i32
      %dma_start3A_46 = arith.constant 0 : i32
      %dma_start3A_47 = tpu.memref_slice %arg8[%dma_start3A_45, %dma_start3A_46] : memref<80x128xf32, #tpu.memory_space<vmem>> -> memref<72x128xf32, #tpu.memory_space<vmem>>
      %dma_start3A_48 = arith.constant 0 : i32
      %dma_start3A_49 = tpu.memref_slice %arg10[%add3A_24, %dma_start3A_48] : memref<10112x128xf32, #tpu.memory_space<vmem_shared>> -> memref<72x128xf32, #tpu.memory_space<vmem_shared>>
      %dma_start3A_50 = arith.constant 0 : i32
      %dma_start3A_51 = tpu.memref_slice %arg10[%add3A_24, %dma_start3A_50] : memref<10112x128xf32, #tpu.memory_space<vmem_shared>> -> memref<72x128xf32, #tpu.memory_space<vmem_shared>>
      %dma_start3A_52 = arith.constant 0 : i32
      %dma_start3A_53 = arith.constant 0 : i32
      %dma_start3A_54 = tpu.memref_slice %arg8[%dma_start3A_52, %dma_start3A_53] : memref<80x128xf32, #tpu.memory_space<vmem>> -> memref<72x128xf32, #tpu.memory_space<vmem>>
      tpu.enqueue_dma source(%dma_start3A_54 : memref<72x128xf32, #tpu.memory_space<vmem>>) target(%dma_start3A_51 : memref<72x128xf32, #tpu.memory_space<vmem_shared>>) target_semaphore(%run_scoped3A_44 : memref<!tpu.dma_semaphore, #tpu.memory_space<semaphore_mem>>)
      %dma_wait3A_55 = arith.constant 0 : i32
      %dma_wait3A_56 = arith.constant 0 : i32
      %dma_wait3A_57 = tpu.memref_slice %arg8[%dma_wait3A_55, %dma_wait3A_56] : memref<80x128xf32, #tpu.memory_space<vmem>> -> memref<72x128xf32, #tpu.memory_space<vmem>>
      %dma_wait3A_58 = arith.constant 0 : i32
      %dma_wait3A_59 = tpu.memref_slice %arg10[%add3A_24, %dma_wait3A_58] : memref<10112x128xf32, #tpu.memory_space<vmem_shared>> -> memref<72x128xf32, #tpu.memory_space<vmem_shared>>
      %dma_wait3A_60 = arith.constant 0 : i32
      %dma_wait3A_61 = tpu.memref_slice %arg10[%add3A_24, %dma_wait3A_60] : memref<10112x128xf32, #tpu.memory_space<vmem_shared>> -> memref<72x128xf32, #tpu.memory_space<vmem_shared>>
      %dma_wait3A_62 = arith.constant 0 : i32
      %dma_wait3A_63 = arith.constant 0 : i32
      %dma_wait3A_64 = tpu.memref_slice %arg8[%dma_wait3A_62, %dma_wait3A_63] : memref<80x128xf32, #tpu.memory_space<vmem>> -> memref<72x128xf32, #tpu.memory_space<vmem>>
      tpu.wait_dma2 semaphore(%run_scoped3A_44 : memref<!tpu.dma_semaphore, #tpu.memory_space<semaphore_mem>>) src(%dma_wait3A_64 : memref<72x128xf32, #tpu.memory_space<vmem>>) dst(%dma_wait3A_61 : memref<72x128xf32, #tpu.memory_space<vmem_shared>>)
      tpu.yield
    }) : () -> ()
    %run_scoped3A = arith.constant 0 : i32
    "tpu.region"() ({
      %run_scoped3A_44 = tpu.sem_alloc : memref<!tpu.dma_semaphore, #tpu.memory_space<semaphore_mem>>
      %dma_start3A_45 = arith.constant 0 : i32
      %dma_start3A_46 = tpu.memref_slice %arg2[%run_scoped3A, %add3A, %dma_start3A_45] : memref<2x32x10000xi32, #tpu.memory_space<hbm>> -> memref<1x1x10000xi32, #tpu.memory_space<hbm>>
      %dma_start3A_47 = tpu.memref_squeeze %dma_start3A_46 : memref<1x1x10000xi32, #tpu.memory_space<hbm>> -> memref<10000xi32, #tpu.memory_space<hbm>>
      %dma_start3A_48 = arith.constant 0 : i32
      %dma_start3A_49 = tpu.memref_slice %arg2[%run_scoped3A, %add3A, %dma_start3A_48] : memref<2x32x10000xi32, #tpu.memory_space<hbm>> -> memref<1x1x10000xi32, #tpu.memory_space<hbm>>
      %dma_start3A_50 = tpu.memref_squeeze %dma_start3A_49 : memref<1x1x10000xi32, #tpu.memory_space<hbm>> -> memref<10000xi32, #tpu.memory_space<hbm>>
      tpu.enqueue_dma source(%dma_start3A_50 : memref<10000xi32, #tpu.memory_space<hbm>>) target(%arg6 : memref<10000xi32, #tpu.memory_space<vmem>>) target_semaphore(%run_scoped3A_44 : memref<!tpu.dma_semaphore, #tpu.memory_space<semaphore_mem>>)
      %dma_wait3A_51 = arith.constant 0 : i32
      %dma_wait3A_52 = tpu.memref_slice %arg2[%run_scoped3A, %add3A, %dma_wait3A_51] : memref<2x32x10000xi32, #tpu.memory_space<hbm>> -> memref<1x1x10000xi32, #tpu.memory_space<hbm>>
      %dma_wait3A_53 = tpu.memref_squeeze %dma_wait3A_52 : memref<1x1x10000xi32, #tpu.memory_space<hbm>> -> memref<10000xi32, #tpu.memory_space<hbm>>
      %dma_wait3A_54 = arith.constant 0 : i32
      %dma_wait3A_55 = tpu.memref_slice %arg2[%run_scoped3A, %add3A, %dma_wait3A_54] : memref<2x32x10000xi32, #tpu.memory_space<hbm>> -> memref<1x1x10000xi32, #tpu.memory_space<hbm>>
      %dma_wait3A_56 = tpu.memref_squeeze %dma_wait3A_55 : memref<1x1x10000xi32, #tpu.memory_space<hbm>> -> memref<10000xi32, #tpu.memory_space<hbm>>
      tpu.wait_dma2 semaphore(%run_scoped3A_44 : memref<!tpu.dma_semaphore, #tpu.memory_space<semaphore_mem>>) src(%dma_wait3A_56 : memref<10000xi32, #tpu.memory_space<hbm>>) dst(%arg6 : memref<10000xi32, #tpu.memory_space<vmem>>)
      tpu.yield
    }) : () -> ()
    %run_scoped3A_25 = arith.constant 1 : i32
    "tpu.region"() ({
      %run_scoped3A_44 = tpu.sem_alloc : memref<!tpu.dma_semaphore, #tpu.memory_space<semaphore_mem>>
      %dma_start3A_45 = arith.constant 0 : i32
      %dma_start3A_46 = arith.constant 0 : i32
      %dma_start3A_47 = tpu.memref_slice %arg3[%run_scoped3A_25, %add3A, %dma_start3A_45, %dma_start3A_46] : memref<2x32x125x80xi32, #tpu.memory_space<hbm>> -> memref<1x1x125x80xi32, #tpu.memory_space<hbm>>
      %dma_start3A_48 = tpu.memref_squeeze %dma_start3A_47 : memref<1x1x125x80xi32, #tpu.memory_space<hbm>> -> memref<125x80xi32, #tpu.memory_space<hbm>>
      %dma_start3A_49 = arith.constant 0 : i32
      %dma_start3A_50 = arith.constant 0 : i32
      %dma_start3A_51 = tpu.memref_slice %arg3[%run_scoped3A_25, %add3A, %dma_start3A_49, %dma_start3A_50] : memref<2x32x125x80xi32, #tpu.memory_space<hbm>> -> memref<1x1x125x80xi32, #tpu.memory_space<hbm>>
      %dma_start3A_52 = tpu.memref_squeeze %dma_start3A_51 : memref<1x1x125x80xi32, #tpu.memory_space<hbm>> -> memref<125x80xi32, #tpu.memory_space<hbm>>
      tpu.enqueue_dma source(%dma_start3A_52 : memref<125x80xi32, #tpu.memory_space<hbm>>) target(%arg7 : memref<125x80xi32, #tpu.memory_space<vmem>>) target_semaphore(%run_scoped3A_44 : memref<!tpu.dma_semaphore, #tpu.memory_space<semaphore_mem>>)
      %dma_wait3A_53 = arith.constant 0 : i32
      %dma_wait3A_54 = arith.constant 0 : i32
      %dma_wait3A_55 = tpu.memref_slice %arg3[%run_scoped3A_25, %add3A, %dma_wait3A_53, %dma_wait3A_54] : memref<2x32x125x80xi32, #tpu.memory_space<hbm>> -> memref<1x1x125x80xi32, #tpu.memory_space<hbm>>
      %dma_wait3A_56 = tpu.memref_squeeze %dma_wait3A_55 : memref<1x1x125x80xi32, #tpu.memory_space<hbm>> -> memref<125x80xi32, #tpu.memory_space<hbm>>
      %dma_wait3A_57 = arith.constant 0 : i32
      %dma_wait3A_58 = arith.constant 0 : i32
      %dma_wait3A_59 = tpu.memref_slice %arg3[%run_scoped3A_25, %add3A, %dma_wait3A_57, %dma_wait3A_58] : memref<2x32x125x80xi32, #tpu.memory_space<hbm>> -> memref<1x1x125x80xi32, #tpu.memory_space<hbm>>
      %dma_wait3A_60 = tpu.memref_squeeze %dma_wait3A_59 : memref<1x1x125x80xi32, #tpu.memory_space<hbm>> -> memref<125x80xi32, #tpu.memory_space<hbm>>
      tpu.wait_dma2 semaphore(%run_scoped3A_44 : memref<!tpu.dma_semaphore, #tpu.memory_space<semaphore_mem>>) src(%dma_wait3A_60 : memref<125x80xi32, #tpu.memory_space<hbm>>) dst(%arg7 : memref<125x80xi32, #tpu.memory_space<vmem>>)
      tpu.yield
    }) : () -> ()
    %barrier3A = arith.constant 0 : index
    tpu.barrier barrier_id(%barrier3A)
    %dma_start3A = arith.constant 0 : i32
    %dma_start3A_26 = tpu.memref_slice %arg6[%dma_start3A] : memref<10000xi32, #tpu.memory_space<vmem>> -> memref<80xi32, #tpu.memory_space<vmem>>
    %dma_start3A_27 = arith.constant 0 : i32
    %dma_start3A_28 = arith.constant 0 : i32
    %dma_start3A_29 = tpu.memref_slice %arg4[%dma_start3A_27, %dma_start3A_28] : memref<10000x128xf32, #tpu.memory_space<hbm>> -> memref<10000x128xf32, #tpu.memory_space<hbm>>
    tpu.enqueue_indirect_dma source(%dma_start3A_29 : memref<10000x128xf32, #tpu.memory_space<hbm>>) target(%arg8 : memref<80x128xf32, #tpu.memory_space<vmem>>) offsets(%dma_start3A_26 : memref<80xi32, #tpu.memory_space<vmem>>) semaphore(%arg11 : memref<!tpu.dma_semaphore, #tpu.memory_space<semaphore_mem>>)
    %scan3A_30 = arith.constant 0 : i32
    %scan3A_31 = arith.constant 0 : i32
    %scan3A_32 = arith.constant 62 : i32
    %scan3A_33 = arith.addi %scan3A_31, %scan3A_32 : i32
    %scan3A_34 = arith.constant 1 : i32
    %scan3A_35 = scf.for %scan3A_44 = %scan3A_31 to %scan3A_33 step %scan3A_34 iter_args(%scan3A_45 = %scan3A_30) -> (i32)  : i32 {
      %mul3A_46 = arith.constant 2 : i32
      %mul3A_47 = arith.muli %mul3A_46, %scan3A_44 : i32
      %add3A_48 = arith.constant 1 : i32
      %add3A_49 = arith.addi %mul3A_47, %add3A_48 : i32
      %mul3A_50 = arith.constant 80 : i32
      %mul3A_51 = arith.muli %add3A_49, %mul3A_50 : i32
      %dma_start3A_52 = tpu.memref_slice %arg6[%mul3A_51] : memref<10000xi32, #tpu.memory_space<vmem>> -> memref<80xi32, #tpu.memory_space<vmem>>
      %dma_start3A_53 = arith.constant 0 : i32
      %dma_start3A_54 = arith.constant 0 : i32
      %dma_start3A_55 = tpu.memref_slice %arg4[%dma_start3A_53, %dma_start3A_54] : memref<10000x128xf32, #tpu.memory_space<hbm>> -> memref<10000x128xf32, #tpu.memory_space<hbm>>
      tpu.enqueue_indirect_dma source(%dma_start3A_55 : memref<10000x128xf32, #tpu.memory_space<hbm>>) target(%arg9 : memref<80x128xf32, #tpu.memory_space<vmem>>) offsets(%dma_start3A_52 : memref<80xi32, #tpu.memory_space<vmem>>) semaphore(%arg12 : memref<!tpu.dma_semaphore, #tpu.memory_space<semaphore_mem>>)
      %mul3A_56 = arith.constant 80 : i32
      %mul3A_57 = arith.muli %mul3A_47, %mul3A_56 : i32
      %dma_wait3A_58 = tpu.memref_slice %arg6[%mul3A_57] : memref<10000xi32, #tpu.memory_space<vmem>> -> memref<80xi32, #tpu.memory_space<vmem>>
      %dma_wait3A_59 = arith.constant 0 : i32
      %dma_wait3A_60 = arith.constant 0 : i32
      %dma_wait3A_61 = tpu.memref_slice %arg4[%dma_wait3A_59, %dma_wait3A_60] : memref<10000x128xf32, #tpu.memory_space<hbm>> -> memref<10000x128xf32, #tpu.memory_space<hbm>>
      tpu.wait_indirect_dma semaphore(%arg11 : memref<!tpu.dma_semaphore, #tpu.memory_space<semaphore_mem>>) src(%dma_wait3A_61 : memref<10000x128xf32, #tpu.memory_space<hbm>>) dst(%arg8 : memref<80x128xf32, #tpu.memory_space<vmem>>)
      "tpu.region"() ({
        %run_scoped3A_81 = tpu.sem_alloc : memref<!tpu.dma_semaphore, #tpu.memory_space<semaphore_mem>>
        %dma_start3A_82 = arith.constant 0 : i32
        %dma_start3A_83 = tpu.memref_slice %arg7[%mul3A_47, %dma_start3A_82] : memref<125x80xi32, #tpu.memory_space<vmem>> -> memref<1x80xi32, #tpu.memory_space<vmem>>
        %dma_start3A_84 = tpu.memref_squeeze %dma_start3A_83 : memref<1x80xi32, #tpu.memory_space<vmem>> -> memref<80xi32, #tpu.memory_space<vmem>>
        %dma_start3A_85 = arith.constant 0 : i32
        %dma_start3A_86 = arith.constant 0 : i32
        %dma_start3A_87 = tpu.memref_slice %arg10[%dma_start3A_85, %dma_start3A_86] : memref<10112x128xf32, #tpu.memory_space<vmem_shared>> -> memref<10112x128xf32, #tpu.memory_space<vmem_shared>>
        tpu.enqueue_indirect_dma source(%arg8 : memref<80x128xf32, #tpu.memory_space<vmem>>) target(%dma_start3A_87 : memref<10112x128xf32, #tpu.memory_space<vmem_shared>>) offsets(%dma_start3A_84 : memref<80xi32, #tpu.memory_space<vmem>>) semaphore(%run_scoped3A_81 : memref<!tpu.dma_semaphore, #tpu.memory_space<semaphore_mem>>) {add = true}
        %dma_wait3A_88 = arith.constant 0 : i32
        %dma_wait3A_89 = tpu.memref_slice %arg7[%mul3A_47, %dma_wait3A_88] : memref<125x80xi32, #tpu.memory_space<vmem>> -> memref<1x80xi32, #tpu.memory_space<vmem>>
        %dma_wait3A_90 = tpu.memref_squeeze %dma_wait3A_89 : memref<1x80xi32, #tpu.memory_space<vmem>> -> memref<80xi32, #tpu.memory_space<vmem>>
        %dma_wait3A_91 = arith.constant 0 : i32
        %dma_wait3A_92 = arith.constant 0 : i32
        %dma_wait3A_93 = tpu.memref_slice %arg10[%dma_wait3A_91, %dma_wait3A_92] : memref<10112x128xf32, #tpu.memory_space<vmem_shared>> -> memref<10112x128xf32, #tpu.memory_space<vmem_shared>>
        tpu.wait_indirect_dma semaphore(%run_scoped3A_81 : memref<!tpu.dma_semaphore, #tpu.memory_space<semaphore_mem>>) src(%arg8 : memref<80x128xf32, #tpu.memory_space<vmem>>) dst(%dma_wait3A_93 : memref<10112x128xf32, #tpu.memory_space<vmem_shared>>)
        tpu.yield
      }) : () -> ()
      %add3A_62 = arith.constant 2 : i32
      %add3A_63 = arith.addi %mul3A_47, %add3A_62 : i32
      %mul3A_64 = arith.constant 80 : i32
      %mul3A_65 = arith.muli %add3A_63, %mul3A_64 : i32
      %dma_start3A_66 = tpu.memref_slice %arg6[%mul3A_65] : memref<10000xi32, #tpu.memory_space<vmem>> -> memref<80xi32, #tpu.memory_space<vmem>>
      %dma_start3A_67 = arith.constant 0 : i32
      %dma_start3A_68 = arith.constant 0 : i32
      %dma_start3A_69 = tpu.memref_slice %arg4[%dma_start3A_67, %dma_start3A_68] : memref<10000x128xf32, #tpu.memory_space<hbm>> -> memref<10000x128xf32, #tpu.memory_space<hbm>>
      tpu.enqueue_indirect_dma source(%dma_start3A_69 : memref<10000x128xf32, #tpu.memory_space<hbm>>) target(%arg8 : memref<80x128xf32, #tpu.memory_space<vmem>>) offsets(%dma_start3A_66 : memref<80xi32, #tpu.memory_space<vmem>>) semaphore(%arg11 : memref<!tpu.dma_semaphore, #tpu.memory_space<semaphore_mem>>)
      %add3A_70 = arith.constant 1 : i32
      %add3A_71 = arith.addi %mul3A_47, %add3A_70 : i32
      %mul3A_72 = arith.constant 80 : i32
      %mul3A_73 = arith.muli %add3A_71, %mul3A_72 : i32
      %dma_wait3A_74 = tpu.memref_slice %arg6[%mul3A_73] : memref<10000xi32, #tpu.memory_space<vmem>> -> memref<80xi32, #tpu.memory_space<vmem>>
      %dma_wait3A_75 = arith.constant 0 : i32
      %dma_wait3A_76 = arith.constant 0 : i32
      %dma_wait3A_77 = tpu.memref_slice %arg4[%dma_wait3A_75, %dma_wait3A_76] : memref<10000x128xf32, #tpu.memory_space<hbm>> -> memref<10000x128xf32, #tpu.memory_space<hbm>>
      tpu.wait_indirect_dma semaphore(%arg12 : memref<!tpu.dma_semaphore, #tpu.memory_space<semaphore_mem>>) src(%dma_wait3A_77 : memref<10000x128xf32, #tpu.memory_space<hbm>>) dst(%arg9 : memref<80x128xf32, #tpu.memory_space<vmem>>)
      %add3A_78 = arith.constant 1 : i32
      %add3A_79 = arith.addi %mul3A_47, %add3A_78 : i32
      "tpu.region"() ({
        %run_scoped3A_81 = tpu.sem_alloc : memref<!tpu.dma_semaphore, #tpu.memory_space<semaphore_mem>>
        %dma_start3A_82 = arith.constant 0 : i32
        %dma_start3A_83 = tpu.memref_slice %arg7[%add3A_79, %dma_start3A_82] : memref<125x80xi32, #tpu.memory_space<vmem>> -> memref<1x80xi32, #tpu.memory_space<vmem>>
        %dma_start3A_84 = tpu.memref_squeeze %dma_start3A_83 : memref<1x80xi32, #tpu.memory_space<vmem>> -> memref<80xi32, #tpu.memory_space<vmem>>
        %dma_start3A_85 = arith.constant 0 : i32
        %dma_start3A_86 = arith.constant 0 : i32
        %dma_start3A_87 = tpu.memref_slice %arg10[%dma_start3A_85, %dma_start3A_86] : memref<10112x128xf32, #tpu.memory_space<vmem_shared>> -> memref<10112x128xf32, #tpu.memory_space<vmem_shared>>
        tpu.enqueue_indirect_dma source(%arg9 : memref<80x128xf32, #tpu.memory_space<vmem>>) target(%dma_start3A_87 : memref<10112x128xf32, #tpu.memory_space<vmem_shared>>) offsets(%dma_start3A_84 : memref<80xi32, #tpu.memory_space<vmem>>) semaphore(%run_scoped3A_81 : memref<!tpu.dma_semaphore, #tpu.memory_space<semaphore_mem>>) {add = true}
        %dma_wait3A_88 = arith.constant 0 : i32
        %dma_wait3A_89 = tpu.memref_slice %arg7[%add3A_79, %dma_wait3A_88] : memref<125x80xi32, #tpu.memory_space<vmem>> -> memref<1x80xi32, #tpu.memory_space<vmem>>
        %dma_wait3A_90 = tpu.memref_squeeze %dma_wait3A_89 : memref<1x80xi32, #tpu.memory_space<vmem>> -> memref<80xi32, #tpu.memory_space<vmem>>
        %dma_wait3A_91 = arith.constant 0 : i32
        %dma_wait3A_92 = arith.constant 0 : i32
        %dma_wait3A_93 = tpu.memref_slice %arg10[%dma_wait3A_91, %dma_wait3A_92] : memref<10112x128xf32, #tpu.memory_space<vmem_shared>> -> memref<10112x128xf32, #tpu.memory_space<vmem_shared>>
        tpu.wait_indirect_dma semaphore(%run_scoped3A_81 : memref<!tpu.dma_semaphore, #tpu.memory_space<semaphore_mem>>) src(%arg9 : memref<80x128xf32, #tpu.memory_space<vmem>>) dst(%dma_wait3A_93 : memref<10112x128xf32, #tpu.memory_space<vmem_shared>>)
        tpu.yield
      }) : () -> ()
      %scan3A_80 = arith.constant 0 : i32
      scf.yield %scan3A_80 : i32
    }
    %scan3A_36 = arith.constant 62 : i32
    %dma_wait3A = arith.constant 9920 : i32
    %dma_wait3A_37 = tpu.memref_slice %arg6[%dma_wait3A] : memref<10000xi32, #tpu.memory_space<vmem>> -> memref<80xi32, #tpu.memory_space<vmem>>
    %dma_wait3A_38 = arith.constant 0 : i32
    %dma_wait3A_39 = arith.constant 0 : i32
    %dma_wait3A_40 = tpu.memref_slice %arg4[%dma_wait3A_38, %dma_wait3A_39] : memref<10000x128xf32, #tpu.memory_space<hbm>> -> memref<10000x128xf32, #tpu.memory_space<hbm>>
    tpu.wait_indirect_dma semaphore(%arg11 : memref<!tpu.dma_semaphore, #tpu.memory_space<semaphore_mem>>) src(%dma_wait3A_40 : memref<10000x128xf32, #tpu.memory_space<hbm>>) dst(%arg8 : memref<80x128xf32, #tpu.memory_space<vmem>>)
    %run_scoped3A_41 = arith.constant 124 : i32
    "tpu.region"() ({
      %run_scoped3A_44 = tpu.sem_alloc : memref<!tpu.dma_semaphore, #tpu.memory_space<semaphore_mem>>
      %dma_start3A_45 = arith.constant 0 : i32
      %dma_start3A_46 = tpu.memref_slice %arg7[%run_scoped3A_41, %dma_start3A_45] : memref<125x80xi32, #tpu.memory_space<vmem>> -> memref<1x80xi32, #tpu.memory_space<vmem>>
      %dma_start3A_47 = tpu.memref_squeeze %dma_start3A_46 : memref<1x80xi32, #tpu.memory_space<vmem>> -> memref<80xi32, #tpu.memory_space<vmem>>
      %dma_start3A_48 = arith.constant 0 : i32
      %dma_start3A_49 = arith.constant 0 : i32
      %dma_start3A_50 = tpu.memref_slice %arg10[%dma_start3A_48, %dma_start3A_49] : memref<10112x128xf32, #tpu.memory_space<vmem_shared>> -> memref<10112x128xf32, #tpu.memory_space<vmem_shared>>
      tpu.enqueue_indirect_dma source(%arg8 : memref<80x128xf32, #tpu.memory_space<vmem>>) target(%dma_start3A_50 : memref<10112x128xf32, #tpu.memory_space<vmem_shared>>) offsets(%dma_start3A_47 : memref<80xi32, #tpu.memory_space<vmem>>) semaphore(%run_scoped3A_44 : memref<!tpu.dma_semaphore, #tpu.memory_space<semaphore_mem>>) {add = true}
      %dma_wait3A_51 = arith.constant 0 : i32
      %dma_wait3A_52 = tpu.memref_slice %arg7[%run_scoped3A_41, %dma_wait3A_51] : memref<125x80xi32, #tpu.memory_space<vmem>> -> memref<1x80xi32, #tpu.memory_space<vmem>>
      %dma_wait3A_53 = tpu.memref_squeeze %dma_wait3A_52 : memref<1x80xi32, #tpu.memory_space<vmem>> -> memref<80xi32, #tpu.memory_space<vmem>>
      %dma_wait3A_54 = arith.constant 0 : i32
      %dma_wait3A_55 = arith.constant 0 : i32
      %dma_wait3A_56 = tpu.memref_slice %arg10[%dma_wait3A_54, %dma_wait3A_55] : memref<10112x128xf32, #tpu.memory_space<vmem_shared>> -> memref<10112x128xf32, #tpu.memory_space<vmem_shared>>
      tpu.wait_indirect_dma semaphore(%run_scoped3A_44 : memref<!tpu.dma_semaphore, #tpu.memory_space<semaphore_mem>>) src(%arg8 : memref<80x128xf32, #tpu.memory_space<vmem>>) dst(%dma_wait3A_56 : memref<10112x128xf32, #tpu.memory_space<vmem_shared>>)
      tpu.yield
    }) : () -> ()
    %barrier3A_42 = arith.constant 0 : index
    tpu.barrier barrier_id(%barrier3A_42)
    %run_scoped3A_43 = arith.constant 0 : i32
    "tpu.region"() ({
      %run_scoped3A_44 = tpu.sem_alloc : memref<!tpu.dma_semaphore, #tpu.memory_space<semaphore_mem>>
      %dma_start3A_45 = arith.constant 0 : i32
      %dma_start3A_46 = tpu.memref_slice %arg5[%run_scoped3A_43, %arg0, %mul3A_2, %dma_start3A_45] : memref<1x2x10112x128xf32, #tpu.memory_space<hbm>> -> memref<1x1x632x128xf32, #tpu.memory_space<hbm>>
      %dma_start3A_47 = tpu.memref_squeeze %dma_start3A_46 : memref<1x1x632x128xf32, #tpu.memory_space<hbm>> -> memref<632x128xf32, #tpu.memory_space<hbm>>
      %dma_start3A_48 = arith.constant 0 : i32
      %dma_start3A_49 = tpu.memref_slice %arg10[%mul3A_2, %dma_start3A_48] : memref<10112x128xf32, #tpu.memory_space<vmem_shared>> -> memref<632x128xf32, #tpu.memory_space<vmem_shared>>
      tpu.enqueue_dma source(%dma_start3A_49 : memref<632x128xf32, #tpu.memory_space<vmem_shared>>) target(%dma_start3A_47 : memref<632x128xf32, #tpu.memory_space<hbm>>) target_semaphore(%run_scoped3A_44 : memref<!tpu.dma_semaphore, #tpu.memory_space<semaphore_mem>>)
      %dma_wait3A_50 = arith.constant 0 : i32
      %dma_wait3A_51 = tpu.memref_slice %arg5[%run_scoped3A_43, %arg0, %mul3A_2, %dma_wait3A_50] : memref<1x2x10112x128xf32, #tpu.memory_space<hbm>> -> memref<1x1x632x128xf32, #tpu.memory_space<hbm>>
      %dma_wait3A_52 = tpu.memref_squeeze %dma_wait3A_51 : memref<1x1x632x128xf32, #tpu.memory_space<hbm>> -> memref<632x128xf32, #tpu.memory_space<hbm>>
      %dma_wait3A_53 = arith.constant 0 : i32
      %dma_wait3A_54 = tpu.memref_slice %arg10[%mul3A_2, %dma_wait3A_53] : memref<10112x128xf32, #tpu.memory_space<vmem_shared>> -> memref<632x128xf32, #tpu.memory_space<vmem_shared>>
      tpu.wait_dma2 semaphore(%run_scoped3A_44 : memref<!tpu.dma_semaphore, #tpu.memory_space<semaphore_mem>>) src(%dma_wait3A_54 : memref<632x128xf32, #tpu.memory_space<vmem_shared>>) dst(%dma_wait3A_52 : memref<632x128xf32, #tpu.memory_space<hbm>>)
      tpu.yield
    }) : () -> ()
    return
  }
}

#map = affine_map<(d0, d1) -> (0, 0, 0)>
#map1 = affine_map<(d0, d1) -> (0, 0, 0, 0)>
#map2 = affine_map<(d0, d1) -> (0, 0)>
module attributes {stable_mosaic.version = 14 : i64} {
  func.func @k(%arg0: i32, %arg1: i32, %arg2: memref<2x32x10000xi32, #tpu.memory_space<hbm>>, %arg3: memref<2x32x125x80xi32, #tpu.memory_space<hbm>>, %arg4: memref<10112x128xf32, #tpu.memory_space<hbm>>, %arg5: memref<1x2x10112x128xf32, #tpu.memory_space<hbm>>, %arg6: memref<10000xi32, #tpu.memory_space<vmem>>, %arg7: memref<125x80xi32, #tpu.memory_space<vmem>>, %arg8: memref<80x128xf32, #tpu.memory_space<vmem>>, %arg9: memref<80x128xf32, #tpu.memory_space<vmem>>, %arg10: memref<10112x128xf32, #tpu.memory_space<vmem_shared>>, %arg11: memref<!tpu.dma_semaphore, #tpu.memory_space<semaphore_mem>>, %arg12: memref<!tpu.dma_semaphore, #tpu.memory_space<semaphore_mem>>) attributes {dimension_semantics = [#tpu.dimension_semantics<core_parallel>, #tpu.dimension_semantics<subcore_parallel>], iteration_bounds = array<i64: 2, 16>, scalar_prefetch = 0 : i64, scratch_operands = 7 : i64, tpu.core_type = #tpu.core_type<sc_vector_subcore>, window_params = [{transform_indices = #map}, {transform_indices = #map1}, {transform_indices = #map2}, {transform_indices = #map1}]} {
    %mul3A = arith.constant 2 : i32
    %mul3A_0 = arith.muli %arg1, %mul3A : i32
    %add3A = arith.addi %mul3A_0, %arg0 : i32
    %mul3A_1 = arith.constant 632 : i32
    %mul3A_2 = arith.muli %arg1, %mul3A_1 : i32
    %scan3A = arith.constant 0 : i32
    %scan3A_3 = arith.constant 0 : i32
    %scan3A_4 = arith.constant 80 : i32
    %scan3A_5 = arith.addi %scan3A_3, %scan3A_4 : i32
    %scan3A_6 = arith.constant 1 : i32
    %scan3A_7 = scf.for %scan3A_44 = %scan3A_3 to %scan3A_5 step %scan3A_6 iter_args(%scan3A_45 = %scan3A) -> (i32)  : i32 {
      %scan3A_46 = arith.constant 0 : i32
      %scan3A_47 = arith.constant 0 : i32
      %scan3A_48 = arith.constant 8 : i32
      %scan3A_49 = arith.addi %scan3A_47, %scan3A_48 : i32
      %scan3A_50 = arith.constant 1 : i32
      %scan3A_51 = scf.for %scan3A_54 = %scan3A_47 to %scan3A_49 step %scan3A_50 iter_args(%scan3A_55 = %scan3A_46) -> (i32)  : i32 {
        %broadcast_in_dim3A = arith.constant 0.000000e+00 : f32
        %broadcast_in_dim3A_56 = vector.broadcast %broadcast_in_dim3A : f32 to vector<16xf32>
        %mul3A_57 = arith.constant 16 : i32
        %mul3A_58 = arith.muli %scan3A_54, %mul3A_57 : i32
        %swap3A = arith.index_cast %scan3A_44 : i32 to index
        %swap3A_59 = arith.index_cast %mul3A_58 : i32 to index
        %swap3A_60 = tpu.vector_load %arg8[%swap3A, %swap3A_59] {strides = array<i32>} : memref<80x128xf32, #tpu.memory_space<vmem>>, vector<16xf32>,
        tpu.vector_store %arg8[%swap3A, %swap3A_59], %broadcast_in_dim3A_56 {strides = array<i32>} : memref<80x128xf32, #tpu.memory_space<vmem>>, vector<16xf32>,
        %scan3A_61 = arith.constant 0 : i32
        scf.yield %scan3A_61 : i32
      }
      %scan3A_52 = arith.constant 8 : i32
      %scan3A_53 = arith.constant 0 : i32
      scf.yield %scan3A_53 : i32
    }
    %scan3A_8 = arith.constant 80 : i32
    %add3A_9 = arith.constant 0 : i32
    %add3A_10 = arith.addi %mul3A_2, %add3A_9 : i32
    "tpu.region"() ({
      %run_scoped3A_44 = tpu.sem_alloc : memref<!tpu.dma_semaphore, #tpu.memory_space<semaphore_mem>>
      %dma_start3A_45 = arith.constant 0 : i32
      %dma_start3A_46 = tpu.memref_slice %arg10[%add3A_10, %dma_start3A_45] : memref<10112x128xf32, #tpu.memory_space<vmem_shared>> -> memref<80x128xf32, #tpu.memory_space<vmem_shared>>
      %dma_start3A_47 = arith.constant 0 : i32
      %dma_start3A_48 = tpu.memref_slice %arg10[%add3A_10, %dma_start3A_47] : memref<10112x128xf32, #tpu.memory_space<vmem_shared>> -> memref<80x128xf32, #tpu.memory_space<vmem_shared>>
      tpu.enqueue_dma source(%arg8 : memref<80x128xf32, #tpu.memory_space<vmem>>) target(%dma_start3A_48 : memref<80x128xf32, #tpu.memory_space<vmem_shared>>) target_semaphore(%run_scoped3A_44 : memref<!tpu.dma_semaphore, #tpu.memory_space<semaphore_mem>>)
      %dma_wait3A_49 = arith.constant 0 : i32
      %dma_wait3A_50 = tpu.memref_slice %arg10[%add3A_10, %dma_wait3A_49] : memref<10112x128xf32, #tpu.memory_space<vmem_shared>> -> memref<80x128xf32, #tpu.memory_space<vmem_shared>>
      %dma_wait3A_51 = arith.constant 0 : i32
      %dma_wait3A_52 = tpu.memref_slice %arg10[%add3A_10, %dma_wait3A_51] : memref<10112x128xf32, #tpu.memory_space<vmem_shared>> -> memref<80x128xf32, #tpu.memory_space<vmem_shared>>
      tpu.wait_dma2 semaphore(%run_scoped3A_44 : memref<!tpu.dma_semaphore, #tpu.memory_space<semaphore_mem>>) src(%arg8 : memref<80x128xf32, #tpu.memory_space<vmem>>) dst(%dma_wait3A_52 : memref<80x128xf32, #tpu.memory_space<vmem_shared>>)
      tpu.yield
    }) : () -> ()
    %add3A_11 = arith.constant 80 : i32
    %add3A_12 = arith.addi %mul3A_2, %add3A_11 : i32
    "tpu.region"() ({
      %run_scoped3A_44 = tpu.sem_alloc : memref<!tpu.dma_semaphore, #tpu.memory_space<semaphore_mem>>
      %dma_start3A_45 = arith.constant 0 : i32
      %dma_start3A_46 = tpu.memref_slice %arg10[%add3A_12, %dma_start3A_45] : memref<10112x128xf32, #tpu.memory_space<vmem_shared>> -> memref<80x128xf32, #tpu.memory_space<vmem_shared>>
      %dma_start3A_47 = arith.constant 0 : i32
      %dma_start3A_48 = tpu.memref_slice %arg10[%add3A_12, %dma_start3A_47] : memref<10112x128xf32, #tpu.memory_space<vmem_shared>> -> memref<80x128xf32, #tpu.memory_space<vmem_shared>>
      tpu.enqueue_dma source(%arg8 : memref<80x128xf32, #tpu.memory_space<vmem>>) target(%dma_start3A_48 : memref<80x128xf32, #tpu.memory_space<vmem_shared>>) target_semaphore(%run_scoped3A_44 : memref<!tpu.dma_semaphore, #tpu.memory_space<semaphore_mem>>)
      %dma_wait3A_49 = arith.constant 0 : i32
      %dma_wait3A_50 = tpu.memref_slice %arg10[%add3A_12, %dma_wait3A_49] : memref<10112x128xf32, #tpu.memory_space<vmem_shared>> -> memref<80x128xf32, #tpu.memory_space<vmem_shared>>
      %dma_wait3A_51 = arith.constant 0 : i32
      %dma_wait3A_52 = tpu.memref_slice %arg10[%add3A_12, %dma_wait3A_51] : memref<10112x128xf32, #tpu.memory_space<vmem_shared>> -> memref<80x128xf32, #tpu.memory_space<vmem_shared>>
      tpu.wait_dma2 semaphore(%run_scoped3A_44 : memref<!tpu.dma_semaphore, #tpu.memory_space<semaphore_mem>>) src(%arg8 : memref<80x128xf32, #tpu.memory_space<vmem>>) dst(%dma_wait3A_52 : memref<80x128xf32, #tpu.memory_space<vmem_shared>>)
      tpu.yield
    }) : () -> ()
    %add3A_13 = arith.constant 160 : i32
    %add3A_14 = arith.addi %mul3A_2, %add3A_13 : i32
    "tpu.region"() ({
      %run_scoped3A_44 = tpu.sem_alloc : memref<!tpu.dma_semaphore, #tpu.memory_space<semaphore_mem>>
      %dma_start3A_45 = arith.constant 0 : i32
      %dma_start3A_46 = tpu.memref_slice %arg10[%add3A_14, %dma_start3A_45] : memref<10112x128xf32, #tpu.memory_space<vmem_shared>> -> memref<80x128xf32, #tpu.memory_space<vmem_shared>>
      %dma_start3A_47 = arith.constant 0 : i32
      %dma_start3A_48 = tpu.memref_slice %arg10[%add3A_14, %dma_start3A_47] : memref<10112x128xf32, #tpu.memory_space<vmem_shared>> -> memref<80x128xf32, #tpu.memory_space<vmem_shared>>
      tpu.enqueue_dma source(%arg8 : memref<80x128xf32, #tpu.memory_space<vmem>>) target(%dma_start3A_48 : memref<80x128xf32, #tpu.memory_space<vmem_shared>>) target_semaphore(%run_scoped3A_44 : memref<!tpu.dma_semaphore, #tpu.memory_space<semaphore_mem>>)
      %dma_wait3A_49 = arith.constant 0 : i32
      %dma_wait3A_50 = tpu.memref_slice %arg10[%add3A_14, %dma_wait3A_49] : memref<10112x128xf32, #tpu.memory_space<vmem_shared>> -> memref<80x128xf32, #tpu.memory_space<vmem_shared>>
      %dma_wait3A_51 = arith.constant 0 : i32
      %dma_wait3A_52 = tpu.memref_slice %arg10[%add3A_14, %dma_wait3A_51] : memref<10112x128xf32, #tpu.memory_space<vmem_shared>> -> memref<80x128xf32, #tpu.memory_space<vmem_shared>>
      tpu.wait_dma2 semaphore(%run_scoped3A_44 : memref<!tpu.dma_semaphore, #tpu.memory_space<semaphore_mem>>) src(%arg8 : memref<80x128xf32, #tpu.memory_space<vmem>>) dst(%dma_wait3A_52 : memref<80x128xf32, #tpu.memory_space<vmem_shared>>)
      tpu.yield
    }) : () -> ()
    %add3A_15 = arith.constant 240 : i32
    %add3A_16 = arith.addi %mul3A_2, %add3A_15 : i32
    "tpu.region"() ({
      %run_scoped3A_44 = tpu.sem_alloc : memref<!tpu.dma_semaphore, #tpu.memory_space<semaphore_mem>>
      %dma_start3A_45 = arith.constant 0 : i32
      %dma_start3A_46 = tpu.memref_slice %arg10[%add3A_16, %dma_start3A_45] : memref<10112x128xf32, #tpu.memory_space<vmem_shared>> -> memref<80x128xf32, #tpu.memory_space<vmem_shared>>
      %dma_start3A_47 = arith.constant 0 : i32
      %dma_start3A_48 = tpu.memref_slice %arg10[%add3A_16, %dma_start3A_47] : memref<10112x128xf32, #tpu.memory_space<vmem_shared>> -> memref<80x128xf32, #tpu.memory_space<vmem_shared>>
      tpu.enqueue_dma source(%arg8 : memref<80x128xf32, #tpu.memory_space<vmem>>) target(%dma_start3A_48 : memref<80x128xf32, #tpu.memory_space<vmem_shared>>) target_semaphore(%run_scoped3A_44 : memref<!tpu.dma_semaphore, #tpu.memory_space<semaphore_mem>>)
      %dma_wait3A_49 = arith.constant 0 : i32
      %dma_wait3A_50 = tpu.memref_slice %arg10[%add3A_16, %dma_wait3A_49] : memref<10112x128xf32, #tpu.memory_space<vmem_shared>> -> memref<80x128xf32, #tpu.memory_space<vmem_shared>>
      %dma_wait3A_51 = arith.constant 0 : i32
      %dma_wait3A_52 = tpu.memref_slice %arg10[%add3A_16, %dma_wait3A_51] : memref<10112x128xf32, #tpu.memory_space<vmem_shared>> -> memref<80x128xf32, #tpu.memory_space<vmem_shared>>
      tpu.wait_dma2 semaphore(%run_scoped3A_44 : memref<!tpu.dma_semaphore, #tpu.memory_space<semaphore_mem>>) src(%arg8 : memref<80x128xf32, #tpu.memory_space<vmem>>) dst(%dma_wait3A_52 : memref<80x128xf32, #tpu.memory_space<vmem_shared>>)
      tpu.yield
    }) : () -> ()
    %add3A_17 = arith.constant 320 : i32
    %add3A_18 = arith.addi %mul3A_2, %add3A_17 : i32
    "tpu.region"() ({
      %run_scoped3A_44 = tpu.sem_alloc : memref<!tpu.dma_semaphore, #tpu.memory_space<semaphore_mem>>
      %dma_start3A_45 = arith.constant 0 : i32
      %dma_start3A_46 = tpu.memref_slice %arg10[%add3A_18, %dma_start3A_45] : memref<10112x128xf32, #tpu.memory_space<vmem_shared>> -> memref<80x128xf32, #tpu.memory_space<vmem_shared>>
      %dma_start3A_47 = arith.constant 0 : i32
      %dma_start3A_48 = tpu.memref_slice %arg10[%add3A_18, %dma_start3A_47] : memref<10112x128xf32, #tpu.memory_space<vmem_shared>> -> memref<80x128xf32, #tpu.memory_space<vmem_shared>>
      tpu.enqueue_dma source(%arg8 : memref<80x128xf32, #tpu.memory_space<vmem>>) target(%dma_start3A_48 : memref<80x128xf32, #tpu.memory_space<vmem_shared>>) target_semaphore(%run_scoped3A_44 : memref<!tpu.dma_semaphore, #tpu.memory_space<semaphore_mem>>)
      %dma_wait3A_49 = arith.constant 0 : i32
      %dma_wait3A_50 = tpu.memref_slice %arg10[%add3A_18, %dma_wait3A_49] : memref<10112x128xf32, #tpu.memory_space<vmem_shared>> -> memref<80x128xf32, #tpu.memory_space<vmem_shared>>
      %dma_wait3A_51 = arith.constant 0 : i32
      %dma_wait3A_52 = tpu.memref_slice %arg10[%add3A_18, %dma_wait3A_51] : memref<10112x128xf32, #tpu.memory_space<vmem_shared>> -> memref<80x128xf32, #tpu.memory_space<vmem_shared>>
      tpu.wait_dma2 semaphore(%run_scoped3A_44 : memref<!tpu.dma_semaphore, #tpu.memory_space<semaphore_mem>>) src(%arg8 : memref<80x128xf32, #tpu.memory_space<vmem>>) dst(%dma_wait3A_52 : memref<80x128xf32, #tpu.memory_space<vmem_shared>>)
      tpu.yield
    }) : () -> ()
    %add3A_19 = arith.constant 400 : i32
    %add3A_20 = arith.addi %mul3A_2, %add3A_19 : i32
    "tpu.region"() ({
      %run_scoped3A_44 = tpu.sem_alloc : memref<!tpu.dma_semaphore, #tpu.memory_space<semaphore_mem>>
      %dma_start3A_45 = arith.constant 0 : i32
      %dma_start3A_46 = tpu.memref_slice %arg10[%add3A_20, %dma_start3A_45] : memref<10112x128xf32, #tpu.memory_space<vmem_shared>> -> memref<80x128xf32, #tpu.memory_space<vmem_shared>>
      %dma_start3A_47 = arith.constant 0 : i32
      %dma_start3A_48 = tpu.memref_slice %arg10[%add3A_20, %dma_start3A_47] : memref<10112x128xf32, #tpu.memory_space<vmem_shared>> -> memref<80x128xf32, #tpu.memory_space<vmem_shared>>
      tpu.enqueue_dma source(%arg8 : memref<80x128xf32, #tpu.memory_space<vmem>>) target(%dma_start3A_48 : memref<80x128xf32, #tpu.memory_space<vmem_shared>>) target_semaphore(%run_scoped3A_44 : memref<!tpu.dma_semaphore, #tpu.memory_space<semaphore_mem>>)
      %dma_wait3A_49 = arith.constant 0 : i32
      %dma_wait3A_50 = tpu.memref_slice %arg10[%add3A_20, %dma_wait3A_49] : memref<10112x128xf32, #tpu.memory_space<vmem_shared>> -> memref<80x128xf32, #tpu.memory_space<vmem_shared>>
      %dma_wait3A_51 = arith.constant 0 : i32
      %dma_wait3A_52 = tpu.memref_slice %arg10[%add3A_20, %dma_wait3A_51] : memref<10112x128xf32, #tpu.memory_space<vmem_shared>> -> memref<80x128xf32, #tpu.memory_space<vmem_shared>>
      tpu.wait_dma2 semaphore(%run_scoped3A_44 : memref<!tpu.dma_semaphore, #tpu.memory_space<semaphore_mem>>) src(%arg8 : memref<80x128xf32, #tpu.memory_space<vmem>>) dst(%dma_wait3A_52 : memref<80x128xf32, #tpu.memory_space<vmem_shared>>)
      tpu.yield
    }) : () -> ()
    %add3A_21 = arith.constant 480 : i32
    %add3A_22 = arith.addi %mul3A_2, %add3A_21 : i32
    "tpu.region"() ({
      %run_scoped3A_44 = tpu.sem_alloc : memref<!tpu.dma_semaphore, #tpu.memory_space<semaphore_mem>>
      %dma_start3A_45 = arith.constant 0 : i32
      %dma_start3A_46 = tpu.memref_slice %arg10[%add3A_22, %dma_start3A_45] : memref<10112x128xf32, #tpu.memory_space<vmem_shared>> -> memref<80x128xf32, #tpu.memory_space<vmem_shared>>
      %dma_start3A_47 = arith.constant 0 : i32
      %dma_start3A_48 = tpu.memref_slice %arg10[%add3A_22, %dma_start3A_47] : memref<10112x128xf32, #tpu.memory_space<vmem_shared>> -> memref<80x128xf32, #tpu.memory_space<vmem_shared>>
      tpu.enqueue_dma source(%arg8 : memref<80x128xf32, #tpu.memory_space<vmem>>) target(%dma_start3A_48 : memref<80x128xf32, #tpu.memory_space<vmem_shared>>) target_semaphore(%run_scoped3A_44 : memref<!tpu.dma_semaphore, #tpu.memory_space<semaphore_mem>>)
      %dma_wait3A_49 = arith.constant 0 : i32
      %dma_wait3A_50 = tpu.memref_slice %arg10[%add3A_22, %dma_wait3A_49] : memref<10112x128xf32, #tpu.memory_space<vmem_shared>> -> memref<80x128xf32, #tpu.memory_space<vmem_shared>>
      %dma_wait3A_51 = arith.constant 0 : i32
      %dma_wait3A_52 = tpu.memref_slice %arg10[%add3A_22, %dma_wait3A_51] : memref<10112x128xf32, #tpu.memory_space<vmem_shared>> -> memref<80x128xf32, #tpu.memory_space<vmem_shared>>
      tpu.wait_dma2 semaphore(%run_scoped3A_44 : memref<!tpu.dma_semaphore, #tpu.memory_space<semaphore_mem>>) src(%arg8 : memref<80x128xf32, #tpu.memory_space<vmem>>) dst(%dma_wait3A_52 : memref<80x128xf32, #tpu.memory_space<vmem_shared>>)
      tpu.yield
    }) : () -> ()
    %add3A_23 = arith.constant 560 : i32
    %add3A_24 = arith.addi %mul3A_2, %add3A_23 : i32
    "tpu.region"() ({
      %run_scoped3A_44 = tpu.sem_alloc : memref<!tpu.dma_semaphore, #tpu.memory_space<semaphore_mem>>
      %dma_start3A_45 = arith.constant 0 : i32
      %dma_start3A_46 = arith.constant 0 : i32
      %dma_start3A_47 = tpu.memref_slice %arg8[%dma_start3A_45, %dma_start3A_46] : memref<80x128xf32, #tpu.memory_space<vmem>> -> memref<72x128xf32, #tpu.memory_space<vmem>>
      %dma_start3A_48 = arith.constant 0 : i32
      %dma_start3A_49 = tpu.memref_slice %arg10[%add3A_24, %dma_start3A_48] : memref<10112x128xf32, #tpu.memory_space<vmem_shared>> -> memref<72x128xf32, #tpu.memory_space<vmem_shared>>
      %dma_start3A_50 = arith.constant 0 : i32
      %dma_start3A_51 = tpu.memref_slice %arg10[%add3A_24, %dma_start3A_50] : memref<10112x128xf32, #tpu.memory_space<vmem_shared>> -> memref<72x128xf32, #tpu.memory_space<vmem_shared>>
      %dma_start3A_52 = arith.constant 0 : i32
      %dma_start3A_53 = arith.constant 0 : i32
      %dma_start3A_54 = tpu.memref_slice %arg8[%dma_start3A_52, %dma_start3A_53] : memref<80x128xf32, #tpu.memory_space<vmem>> -> memref<72x128xf32, #tpu.memory_space<vmem>>
      tpu.enqueue_dma source(%dma_start3A_54 : memref<72x128xf32, #tpu.memory_space<vmem>>) target(%dma_start3A_51 : memref<72x128xf32, #tpu.memory_space<vmem_shared>>) target_semaphore(%run_scoped3A_44 : memref<!tpu.dma_semaphore, #tpu.memory_space<semaphore_mem>>)
      %dma_wait3A_55 = arith.constant 0 : i32
      %dma_wait3A_56 = arith.constant 0 : i32
      %dma_wait3A_57 = tpu.memref_slice %arg8[%dma_wait3A_55, %dma_wait3A_56] : memref<80x128xf32, #tpu.memory_space<vmem>> -> memref<72x128xf32, #tpu.memory_space<vmem>>
      %dma_wait3A_58 = arith.constant 0 : i32
      %dma_wait3A_59 = tpu.memref_slice %arg10[%add3A_24, %dma_wait3A_58] : memref<10112x128xf32, #tpu.memory_space<vmem_shared>> -> memref<72x128xf32, #tpu.memory_space<vmem_shared>>
      %dma_wait3A_60 = arith.constant 0 : i32
      %dma_wait3A_61 = tpu.memref_slice %arg10[%add3A_24, %dma_wait3A_60] : memref<10112x128xf32, #tpu.memory_space<vmem_shared>> -> memref<72x128xf32, #tpu.memory_space<vmem_shared>>
      %dma_wait3A_62 = arith.constant 0 : i32
      %dma_wait3A_63 = arith.constant 0 : i32
      %dma_wait3A_64 = tpu.memref_slice %arg8[%dma_wait3A_62, %dma_wait3A_63] : memref<80x128xf32, #tpu.memory_space<vmem>> -> memref<72x128xf32, #tpu.memory_space<vmem>>
      tpu.wait_dma2 semaphore(%run_scoped3A_44 : memref<!tpu.dma_semaphore, #tpu.memory_space<semaphore_mem>>) src(%dma_wait3A_64 : memref<72x128xf32, #tpu.memory_space<vmem>>) dst(%dma_wait3A_61 : memref<72x128xf32, #tpu.memory_space<vmem_shared>>)
      tpu.yield
    }) : () -> ()
    %run_scoped3A = arith.constant 0 : i32
    "tpu.region"() ({
      %run_scoped3A_44 = tpu.sem_alloc : memref<!tpu.dma_semaphore, #tpu.memory_space<semaphore_mem>>
      %dma_start3A_45 = arith.constant 0 : i32
      %dma_start3A_46 = tpu.memref_slice %arg2[%run_scoped3A, %add3A, %dma_start3A_45] : memref<2x32x10000xi32, #tpu.memory_space<hbm>> -> memref<1x1x10000xi32, #tpu.memory_space<hbm>>
      %dma_start3A_47 = tpu.memref_squeeze %dma_start3A_46 : memref<1x1x10000xi32, #tpu.memory_space<hbm>> -> memref<10000xi32, #tpu.memory_space<hbm>>
      %dma_start3A_48 = arith.constant 0 : i32
      %dma_start3A_49 = tpu.memref_slice %arg2[%run_scoped3A, %add3A, %dma_start3A_48] : memref<2x32x10000xi32, #tpu.memory_space<hbm>> -> memref<1x1x10000xi32, #tpu.memory_space<hbm>>
      %dma_start3A_50 = tpu.memref_squeeze %dma_start3A_49 : memref<1x1x10000xi32, #tpu.memory_space<hbm>> -> memref<10000xi32, #tpu.memory_space<hbm>>
      tpu.enqueue_dma source(%dma_start3A_50 : memref<10000xi32, #tpu.memory_space<hbm>>) target(%arg6 : memref<10000xi32, #tpu.memory_space<vmem>>) target_semaphore(%run_scoped3A_44 : memref<!tpu.dma_semaphore, #tpu.memory_space<semaphore_mem>>)
      %dma_wait3A_51 = arith.constant 0 : i32
      %dma_wait3A_52 = tpu.memref_slice %arg2[%run_scoped3A, %add3A, %dma_wait3A_51] : memref<2x32x10000xi32, #tpu.memory_space<hbm>> -> memref<1x1x10000xi32, #tpu.memory_space<hbm>>
      %dma_wait3A_53 = tpu.memref_squeeze %dma_wait3A_52 : memref<1x1x10000xi32, #tpu.memory_space<hbm>> -> memref<10000xi32, #tpu.memory_space<hbm>>
      %dma_wait3A_54 = arith.constant 0 : i32
      %dma_wait3A_55 = tpu.memref_slice %arg2[%run_scoped3A, %add3A, %dma_wait3A_54] : memref<2x32x10000xi32, #tpu.memory_space<hbm>> -> memref<1x1x10000xi32, #tpu.memory_space<hbm>>
      %dma_wait3A_56 = tpu.memref_squeeze %dma_wait3A_55 : memref<1x1x10000xi32, #tpu.memory_space<hbm>> -> memref<10000xi32, #tpu.memory_space<hbm>>
      tpu.wait_dma2 semaphore(%run_scoped3A_44 : memref<!tpu.dma_semaphore, #tpu.memory_space<semaphore_mem>>) src(%dma_wait3A_56 : memref<10000xi32, #tpu.memory_space<hbm>>) dst(%arg6 : memref<10000xi32, #tpu.memory_space<vmem>>)
      tpu.yield
    }) : () -> ()
    %run_scoped3A_25 = arith.constant 1 : i32
    "tpu.region"() ({
      %run_scoped3A_44 = tpu.sem_alloc : memref<!tpu.dma_semaphore, #tpu.memory_space<semaphore_mem>>
      %dma_start3A_45 = arith.constant 0 : i32
      %dma_start3A_46 = arith.constant 0 : i32
      %dma_start3A_47 = tpu.memref_slice %arg3[%run_scoped3A_25, %add3A, %dma_start3A_45, %dma_start3A_46] : memref<2x32x125x80xi32, #tpu.memory_space<hbm>> -> memref<1x1x125x80xi32, #tpu.memory_space<hbm>>
      %dma_start3A_48 = tpu.memref_squeeze %dma_start3A_47 : memref<1x1x125x80xi32, #tpu.memory_space<hbm>> -> memref<125x80xi32, #tpu.memory_space<hbm>>
      %dma_start3A_49 = arith.constant 0 : i32
      %dma_start3A_50 = arith.constant 0 : i32
      %dma_start3A_51 = tpu.memref_slice %arg3[%run_scoped3A_25, %add3A, %dma_start3A_49, %dma_start3A_50] : memref<2x32x125x80xi32, #tpu.memory_space<hbm>> -> memref<1x1x125x80xi32, #tpu.memory_space<hbm>>
      %dma_start3A_52 = tpu.memref_squeeze %dma_start3A_51 : memref<1x1x125x80xi32, #tpu.memory_space<hbm>> -> memref<125x80xi32, #tpu.memory_space<hbm>>
      tpu.enqueue_dma source(%dma_start3A_52 : memref<125x80xi32, #tpu.memory_space<hbm>>) target(%arg7 : memref<125x80xi32, #tpu.memory_space<vmem>>) target_semaphore(%run_scoped3A_44 : memref<!tpu.dma_semaphore, #tpu.memory_space<semaphore_mem>>)
      %dma_wait3A_53 = arith.constant 0 : i32
      %dma_wait3A_54 = arith.constant 0 : i32
      %dma_wait3A_55 = tpu.memref_slice %arg3[%run_scoped3A_25, %add3A, %dma_wait3A_53, %dma_wait3A_54] : memref<2x32x125x80xi32, #tpu.memory_space<hbm>> -> memref<1x1x125x80xi32, #tpu.memory_space<hbm>>
      %dma_wait3A_56 = tpu.memref_squeeze %dma_wait3A_55 : memref<1x1x125x80xi32, #tpu.memory_space<hbm>> -> memref<125x80xi32, #tpu.memory_space<hbm>>
      %dma_wait3A_57 = arith.constant 0 : i32
      %dma_wait3A_58 = arith.constant 0 : i32
      %dma_wait3A_59 = tpu.memref_slice %arg3[%run_scoped3A_25, %add3A, %dma_wait3A_57, %dma_wait3A_58] : memref<2x32x125x80xi32, #tpu.memory_space<hbm>> -> memref<1x1x125x80xi32, #tpu.memory_space<hbm>>
      %dma_wait3A_60 = tpu.memref_squeeze %dma_wait3A_59 : memref<1x1x125x80xi32, #tpu.memory_space<hbm>> -> memref<125x80xi32, #tpu.memory_space<hbm>>
      tpu.wait_dma2 semaphore(%run_scoped3A_44 : memref<!tpu.dma_semaphore, #tpu.memory_space<semaphore_mem>>) src(%dma_wait3A_60 : memref<125x80xi32, #tpu.memory_space<hbm>>) dst(%arg7 : memref<125x80xi32, #tpu.memory_space<vmem>>)
      tpu.yield
    }) : () -> ()
    %barrier3A = arith.constant 0 : index
    tpu.barrier barrier_id(%barrier3A)
    %dma_start3A = arith.constant 0 : i32
    %dma_start3A_26 = tpu.memref_slice %arg6[%dma_start3A] : memref<10000xi32, #tpu.memory_space<vmem>> -> memref<80xi32, #tpu.memory_space<vmem>>
    %dma_start3A_27 = arith.constant 0 : i32
    %dma_start3A_28 = arith.constant 0 : i32
    %dma_start3A_29 = tpu.memref_slice %arg4[%dma_start3A_27, %dma_start3A_28] : memref<10112x128xf32, #tpu.memory_space<hbm>> -> memref<10112x128xf32, #tpu.memory_space<hbm>>
    tpu.enqueue_indirect_dma source(%dma_start3A_29 : memref<10112x128xf32, #tpu.memory_space<hbm>>) target(%arg8 : memref<80x128xf32, #tpu.memory_space<vmem>>) offsets(%dma_start3A_26 : memref<80xi32, #tpu.memory_space<vmem>>) semaphore(%arg11 : memref<!tpu.dma_semaphore, #tpu.memory_space<semaphore_mem>>)
    %scan3A_30 = arith.constant 0 : i32
    %scan3A_31 = arith.constant 0 : i32
    %scan3A_32 = arith.constant 62 : i32
    %scan3A_33 = arith.addi %scan3A_31, %scan3A_32 : i32
    %scan3A_34 = arith.constant 1 : i32
    %scan3A_35 = scf.for %scan3A_44 = %scan3A_31 to %scan3A_33 step %scan3A_34 iter_args(%scan3A_45 = %scan3A_30) -> (i32)  : i32 {
      %mul3A_46 = arith.constant 2 : i32
      %mul3A_47 = arith.muli %mul3A_46, %scan3A_44 : i32
      %add3A_48 = arith.constant 1 : i32
      %add3A_49 = arith.addi %mul3A_47, %add3A_48 : i32
      %mul3A_50 = arith.constant 80 : i32
      %mul3A_51 = arith.muli %add3A_49, %mul3A_50 : i32
      %dma_start3A_52 = tpu.memref_slice %arg6[%mul3A_51] : memref<10000xi32, #tpu.memory_space<vmem>> -> memref<80xi32, #tpu.memory_space<vmem>>
      %dma_start3A_53 = arith.constant 0 : i32
      %dma_start3A_54 = arith.constant 0 : i32
      %dma_start3A_55 = tpu.memref_slice %arg4[%dma_start3A_53, %dma_start3A_54] : memref<10112x128xf32, #tpu.memory_space<hbm>> -> memref<10112x128xf32, #tpu.memory_space<hbm>>
      tpu.enqueue_indirect_dma source(%dma_start3A_55 : memref<10112x128xf32, #tpu.memory_space<hbm>>) target(%arg9 : memref<80x128xf32, #tpu.memory_space<vmem>>) offsets(%dma_start3A_52 : memref<80xi32, #tpu.memory_space<vmem>>) semaphore(%arg12 : memref<!tpu.dma_semaphore, #tpu.memory_space<semaphore_mem>>)
      %mul3A_56 = arith.constant 80 : i32
      %mul3A_57 = arith.muli %mul3A_47, %mul3A_56 : i32
      %dma_wait3A_58 = tpu.memref_slice %arg6[%mul3A_57] : memref<10000xi32, #tpu.memory_space<vmem>> -> memref<80xi32, #tpu.memory_space<vmem>>
      %dma_wait3A_59 = arith.constant 0 : i32
      %dma_wait3A_60 = arith.constant 0 : i32
      %dma_wait3A_61 = tpu.memref_slice %arg4[%dma_wait3A_59, %dma_wait3A_60] : memref<10112x128xf32, #tpu.memory_space<hbm>> -> memref<10112x128xf32, #tpu.memory_space<hbm>>
      tpu.wait_indirect_dma semaphore(%arg11 : memref<!tpu.dma_semaphore, #tpu.memory_space<semaphore_mem>>) src(%dma_wait3A_61 : memref<10112x128xf32, #tpu.memory_space<hbm>>) dst(%arg8 : memref<80x128xf32, #tpu.memory_space<vmem>>)
      "tpu.region"() ({
        %run_scoped3A_81 = tpu.sem_alloc : memref<!tpu.dma_semaphore, #tpu.memory_space<semaphore_mem>>
        %dma_start3A_82 = arith.constant 0 : i32
        %dma_start3A_83 = tpu.memref_slice %arg7[%mul3A_47, %dma_start3A_82] : memref<125x80xi32, #tpu.memory_space<vmem>> -> memref<1x80xi32, #tpu.memory_space<vmem>>
        %dma_start3A_84 = tpu.memref_squeeze %dma_start3A_83 : memref<1x80xi32, #tpu.memory_space<vmem>> -> memref<80xi32, #tpu.memory_space<vmem>>
        %dma_start3A_85 = arith.constant 0 : i32
        %dma_start3A_86 = arith.constant 0 : i32
        %dma_start3A_87 = tpu.memref_slice %arg10[%dma_start3A_85, %dma_start3A_86] : memref<10112x128xf32, #tpu.memory_space<vmem_shared>> -> memref<10112x128xf32, #tpu.memory_space<vmem_shared>>
        tpu.enqueue_indirect_dma source(%arg8 : memref<80x128xf32, #tpu.memory_space<vmem>>) target(%dma_start3A_87 : memref<10112x128xf32, #tpu.memory_space<vmem_shared>>) offsets(%dma_start3A_84 : memref<80xi32, #tpu.memory_space<vmem>>) semaphore(%run_scoped3A_81 : memref<!tpu.dma_semaphore, #tpu.memory_space<semaphore_mem>>) {add = true}
        %dma_wait3A_88 = arith.constant 0 : i32
        %dma_wait3A_89 = tpu.memref_slice %arg7[%mul3A_47, %dma_wait3A_88] : memref<125x80xi32, #tpu.memory_space<vmem>> -> memref<1x80xi32, #tpu.memory_space<vmem>>
        %dma_wait3A_90 = tpu.memref_squeeze %dma_wait3A_89 : memref<1x80xi32, #tpu.memory_space<vmem>> -> memref<80xi32, #tpu.memory_space<vmem>>
        %dma_wait3A_91 = arith.constant 0 : i32
        %dma_wait3A_92 = arith.constant 0 : i32
        %dma_wait3A_93 = tpu.memref_slice %arg10[%dma_wait3A_91, %dma_wait3A_92] : memref<10112x128xf32, #tpu.memory_space<vmem_shared>> -> memref<10112x128xf32, #tpu.memory_space<vmem_shared>>
        tpu.wait_indirect_dma semaphore(%run_scoped3A_81 : memref<!tpu.dma_semaphore, #tpu.memory_space<semaphore_mem>>) src(%arg8 : memref<80x128xf32, #tpu.memory_space<vmem>>) dst(%dma_wait3A_93 : memref<10112x128xf32, #tpu.memory_space<vmem_shared>>)
        tpu.yield
      }) : () -> ()
      %add3A_62 = arith.constant 2 : i32
      %add3A_63 = arith.addi %mul3A_47, %add3A_62 : i32
      %mul3A_64 = arith.constant 80 : i32
      %mul3A_65 = arith.muli %add3A_63, %mul3A_64 : i32
      %dma_start3A_66 = tpu.memref_slice %arg6[%mul3A_65] : memref<10000xi32, #tpu.memory_space<vmem>> -> memref<80xi32, #tpu.memory_space<vmem>>
      %dma_start3A_67 = arith.constant 0 : i32
      %dma_start3A_68 = arith.constant 0 : i32
      %dma_start3A_69 = tpu.memref_slice %arg4[%dma_start3A_67, %dma_start3A_68] : memref<10112x128xf32, #tpu.memory_space<hbm>> -> memref<10112x128xf32, #tpu.memory_space<hbm>>
      tpu.enqueue_indirect_dma source(%dma_start3A_69 : memref<10112x128xf32, #tpu.memory_space<hbm>>) target(%arg8 : memref<80x128xf32, #tpu.memory_space<vmem>>) offsets(%dma_start3A_66 : memref<80xi32, #tpu.memory_space<vmem>>) semaphore(%arg11 : memref<!tpu.dma_semaphore, #tpu.memory_space<semaphore_mem>>)
      %add3A_70 = arith.constant 1 : i32
      %add3A_71 = arith.addi %mul3A_47, %add3A_70 : i32
      %mul3A_72 = arith.constant 80 : i32
      %mul3A_73 = arith.muli %add3A_71, %mul3A_72 : i32
      %dma_wait3A_74 = tpu.memref_slice %arg6[%mul3A_73] : memref<10000xi32, #tpu.memory_space<vmem>> -> memref<80xi32, #tpu.memory_space<vmem>>
      %dma_wait3A_75 = arith.constant 0 : i32
      %dma_wait3A_76 = arith.constant 0 : i32
      %dma_wait3A_77 = tpu.memref_slice %arg4[%dma_wait3A_75, %dma_wait3A_76] : memref<10112x128xf32, #tpu.memory_space<hbm>> -> memref<10112x128xf32, #tpu.memory_space<hbm>>
      tpu.wait_indirect_dma semaphore(%arg12 : memref<!tpu.dma_semaphore, #tpu.memory_space<semaphore_mem>>) src(%dma_wait3A_77 : memref<10112x128xf32, #tpu.memory_space<hbm>>) dst(%arg9 : memref<80x128xf32, #tpu.memory_space<vmem>>)
      %add3A_78 = arith.constant 1 : i32
      %add3A_79 = arith.addi %mul3A_47, %add3A_78 : i32
      "tpu.region"() ({
        %run_scoped3A_81 = tpu.sem_alloc : memref<!tpu.dma_semaphore, #tpu.memory_space<semaphore_mem>>
        %dma_start3A_82 = arith.constant 0 : i32
        %dma_start3A_83 = tpu.memref_slice %arg7[%add3A_79, %dma_start3A_82] : memref<125x80xi32, #tpu.memory_space<vmem>> -> memref<1x80xi32, #tpu.memory_space<vmem>>
        %dma_start3A_84 = tpu.memref_squeeze %dma_start3A_83 : memref<1x80xi32, #tpu.memory_space<vmem>> -> memref<80xi32, #tpu.memory_space<vmem>>
        %dma_start3A_85 = arith.constant 0 : i32
        %dma_start3A_86 = arith.constant 0 : i32
        %dma_start3A_87 = tpu.memref_slice %arg10[%dma_start3A_85, %dma_start3A_86] : memref<10112x128xf32, #tpu.memory_space<vmem_shared>> -> memref<10112x128xf32, #tpu.memory_space<vmem_shared>>
        tpu.enqueue_indirect_dma source(%arg9 : memref<80x128xf32, #tpu.memory_space<vmem>>) target(%dma_start3A_87 : memref<10112x128xf32, #tpu.memory_space<vmem_shared>>) offsets(%dma_start3A_84 : memref<80xi32, #tpu.memory_space<vmem>>) semaphore(%run_scoped3A_81 : memref<!tpu.dma_semaphore, #tpu.memory_space<semaphore_mem>>) {add = true}
        %dma_wait3A_88 = arith.constant 0 : i32
        %dma_wait3A_89 = tpu.memref_slice %arg7[%add3A_79, %dma_wait3A_88] : memref<125x80xi32, #tpu.memory_space<vmem>> -> memref<1x80xi32, #tpu.memory_space<vmem>>
        %dma_wait3A_90 = tpu.memref_squeeze %dma_wait3A_89 : memref<1x80xi32, #tpu.memory_space<vmem>> -> memref<80xi32, #tpu.memory_space<vmem>>
        %dma_wait3A_91 = arith.constant 0 : i32
        %dma_wait3A_92 = arith.constant 0 : i32
        %dma_wait3A_93 = tpu.memref_slice %arg10[%dma_wait3A_91, %dma_wait3A_92] : memref<10112x128xf32, #tpu.memory_space<vmem_shared>> -> memref<10112x128xf32, #tpu.memory_space<vmem_shared>>
        tpu.wait_indirect_dma semaphore(%run_scoped3A_81 : memref<!tpu.dma_semaphore, #tpu.memory_space<semaphore_mem>>) src(%arg9 : memref<80x128xf32, #tpu.memory_space<vmem>>) dst(%dma_wait3A_93 : memref<10112x128xf32, #tpu.memory_space<vmem_shared>>)
        tpu.yield
      }) : () -> ()
      %scan3A_80 = arith.constant 0 : i32
      scf.yield %scan3A_80 : i32
    }
    %scan3A_36 = arith.constant 62 : i32
    %dma_wait3A = arith.constant 9920 : i32
    %dma_wait3A_37 = tpu.memref_slice %arg6[%dma_wait3A] : memref<10000xi32, #tpu.memory_space<vmem>> -> memref<80xi32, #tpu.memory_space<vmem>>
    %dma_wait3A_38 = arith.constant 0 : i32
    %dma_wait3A_39 = arith.constant 0 : i32
    %dma_wait3A_40 = tpu.memref_slice %arg4[%dma_wait3A_38, %dma_wait3A_39] : memref<10112x128xf32, #tpu.memory_space<hbm>> -> memref<10112x128xf32, #tpu.memory_space<hbm>>
    tpu.wait_indirect_dma semaphore(%arg11 : memref<!tpu.dma_semaphore, #tpu.memory_space<semaphore_mem>>) src(%dma_wait3A_40 : memref<10112x128xf32, #tpu.memory_space<hbm>>) dst(%arg8 : memref<80x128xf32, #tpu.memory_space<vmem>>)
    %run_scoped3A_41 = arith.constant 124 : i32
    "tpu.region"() ({
      %run_scoped3A_44 = tpu.sem_alloc : memref<!tpu.dma_semaphore, #tpu.memory_space<semaphore_mem>>
      %dma_start3A_45 = arith.constant 0 : i32
      %dma_start3A_46 = tpu.memref_slice %arg7[%run_scoped3A_41, %dma_start3A_45] : memref<125x80xi32, #tpu.memory_space<vmem>> -> memref<1x80xi32, #tpu.memory_space<vmem>>
      %dma_start3A_47 = tpu.memref_squeeze %dma_start3A_46 : memref<1x80xi32, #tpu.memory_space<vmem>> -> memref<80xi32, #tpu.memory_space<vmem>>
      %dma_start3A_48 = arith.constant 0 : i32
      %dma_start3A_49 = arith.constant 0 : i32
      %dma_start3A_50 = tpu.memref_slice %arg10[%dma_start3A_48, %dma_start3A_49] : memref<10112x128xf32, #tpu.memory_space<vmem_shared>> -> memref<10112x128xf32, #tpu.memory_space<vmem_shared>>
      tpu.enqueue_indirect_dma source(%arg8 : memref<80x128xf32, #tpu.memory_space<vmem>>) target(%dma_start3A_50 : memref<10112x128xf32, #tpu.memory_space<vmem_shared>>) offsets(%dma_start3A_47 : memref<80xi32, #tpu.memory_space<vmem>>) semaphore(%run_scoped3A_44 : memref<!tpu.dma_semaphore, #tpu.memory_space<semaphore_mem>>) {add = true}
      %dma_wait3A_51 = arith.constant 0 : i32
      %dma_wait3A_52 = tpu.memref_slice %arg7[%run_scoped3A_41, %dma_wait3A_51] : memref<125x80xi32, #tpu.memory_space<vmem>> -> memref<1x80xi32, #tpu.memory_space<vmem>>
      %dma_wait3A_53 = tpu.memref_squeeze %dma_wait3A_52 : memref<1x80xi32, #tpu.memory_space<vmem>> -> memref<80xi32, #tpu.memory_space<vmem>>
      %dma_wait3A_54 = arith.constant 0 : i32
      %dma_wait3A_55 = arith.constant 0 : i32
      %dma_wait3A_56 = tpu.memref_slice %arg10[%dma_wait3A_54, %dma_wait3A_55] : memref<10112x128xf32, #tpu.memory_space<vmem_shared>> -> memref<10112x128xf32, #tpu.memory_space<vmem_shared>>
      tpu.wait_indirect_dma semaphore(%run_scoped3A_44 : memref<!tpu.dma_semaphore, #tpu.memory_space<semaphore_mem>>) src(%arg8 : memref<80x128xf32, #tpu.memory_space<vmem>>) dst(%dma_wait3A_56 : memref<10112x128xf32, #tpu.memory_space<vmem_shared>>)
      tpu.yield
    }) : () -> ()
    %barrier3A_42 = arith.constant 0 : index
    tpu.barrier barrier_id(%barrier3A_42)
    %run_scoped3A_43 = arith.constant 0 : i32
    "tpu.region"() ({
      %run_scoped3A_44 = tpu.sem_alloc : memref<!tpu.dma_semaphore, #tpu.memory_space<semaphore_mem>>
      %dma_start3A_45 = arith.constant 0 : i32
      %dma_start3A_46 = tpu.memref_slice %arg5[%run_scoped3A_43, %arg0, %mul3A_2, %dma_start3A_45] : memref<1x2x10112x128xf32, #tpu.memory_space<hbm>> -> memref<1x1x632x128xf32, #tpu.memory_space<hbm>>
      %dma_start3A_47 = tpu.memref_squeeze %dma_start3A_46 : memref<1x1x632x128xf32, #tpu.memory_space<hbm>> -> memref<632x128xf32, #tpu.memory_space<hbm>>
      %dma_start3A_48 = arith.constant 0 : i32
      %dma_start3A_49 = tpu.memref_slice %arg10[%mul3A_2, %dma_start3A_48] : memref<10112x128xf32, #tpu.memory_space<vmem_shared>> -> memref<632x128xf32, #tpu.memory_space<vmem_shared>>
      tpu.enqueue_dma source(%dma_start3A_49 : memref<632x128xf32, #tpu.memory_space<vmem_shared>>) target(%dma_start3A_47 : memref<632x128xf32, #tpu.memory_space<hbm>>) target_semaphore(%run_scoped3A_44 : memref<!tpu.dma_semaphore, #tpu.memory_space<semaphore_mem>>)
      %dma_wait3A_50 = arith.constant 0 : i32
      %dma_wait3A_51 = tpu.memref_slice %arg5[%run_scoped3A_43, %arg0, %mul3A_2, %dma_wait3A_50] : memref<1x2x10112x128xf32, #tpu.memory_space<hbm>> -> memref<1x1x632x128xf32, #tpu.memory_space<hbm>>
      %dma_wait3A_52 = tpu.memref_squeeze %dma_wait3A_51 : memref<1x1x632x128xf32, #tpu.memory_space<hbm>> -> memref<632x128xf32, #tpu.memory_space<hbm>>
      %dma_wait3A_53 = arith.constant 0 : i32
      %dma_wait3A_54 = tpu.memref_slice %arg10[%mul3A_2, %dma_wait3A_53] : memref<10112x128xf32, #tpu.memory_space<vmem_shared>> -> memref<632x128xf32, #tpu.memory_space<vmem_shared>>
      tpu.wait_dma2 semaphore(%run_scoped3A_44 : memref<!tpu.dma_semaphore, #tpu.memory_space<semaphore_mem>>) src(%dma_wait3A_54 : memref<632x128xf32, #tpu.memory_space<vmem_shared>>) dst(%dma_wait3A_52 : memref<632x128xf32, #tpu.memory_space<hbm>>)
      tpu.yield
    }) : () -> ()
    return
  }
}

module attributes {stable_mosaic.version = 14 : i64} {
  func.func @body(%arg0: i32, %arg1: memref<2x2000x128xf32, #tpu.memory_space<vmem>>, %arg2: memref<2000x1xf32, #tpu.memory_space<vmem>>, %arg3: memref<2000x128xf32, #tpu.memory_space<vmem>>) attributes {dimension_semantics = [#tpu.dimension_semantics<arbitrary>], iteration_bounds = array<i64: 5>, scalar_prefetch = 0 : i64, scratch_operands = 0 : i64, tpu.core_type = #tpu.core_type<tc>, window_params = [{transform_indices = @transform_0, window_bounds = array<i64: 2, 2000, 128>}, {transform_indices = @transform_1, window_bounds = array<i64: 2000, 1>}, {transform_indices = @transform_2, window_bounds = array<i64: 2000, 128>}]} {
    %get3A = arith.constant 0 : index
    %get3A_0 = arith.constant 0 : index
    %get3A_1 = vector.load %arg2[%get3A, %get3A_0] : memref<2000x1xf32, #tpu.memory_space<vmem>>, vector<2000x1xf32>
    %mul3A = arith.mulf %get3A_1, %get3A_1 : vector<2000x1xf32>
    %get3A_2 = arith.constant 0 : index
    %get3A_3 = arith.constant 0 : index
    %get3A_4 = arith.constant 0 : index
    %get3A_5 = vector.load %arg1[%get3A_2, %get3A_3, %get3A_4] : memref<2x2000x128xf32, #tpu.memory_space<vmem>>, vector<1x2000x128xf32>
    %get3A_6 = vector.shape_cast %get3A_5 : vector<1x2000x128xf32> to vector<2000x128xf32>
    %get3A_7 = arith.constant 1 : index
    %get3A_8 = arith.constant 0 : index
    %get3A_9 = arith.constant 0 : index
    %get3A_10 = vector.load %arg1[%get3A_7, %get3A_8, %get3A_9] : memref<2x2000x128xf32, #tpu.memory_space<vmem>>, vector<1x2000x128xf32>
    %get3A_11 = vector.shape_cast %get3A_10 : vector<1x2000x128xf32> to vector<2000x128xf32>
    %add3A = arith.addf %get3A_6, %get3A_11 : vector<2000x128xf32>
    %mul3A_12 = vector.broadcast %mul3A : vector<2000x1xf32> to vector<2000x128xf32>
    %mul3A_13 = arith.mulf %mul3A_12, %add3A : vector<2000x128xf32>
    %swap3A = arith.constant 0 : index
    %swap3A_14 = arith.constant 0 : index
    %swap3A_15 = vector.load %arg3[%swap3A, %swap3A_14] : memref<2000x128xf32, #tpu.memory_space<vmem>>, vector<2000x128xf32>
    tpu.vector_store %arg3[%swap3A, %swap3A_14], %mul3A_13 {strides = array<i32>} : memref<2000x128xf32, #tpu.memory_space<vmem>>, vector<2000x128xf32>,
    return
  }
  func.func @transform_0(%arg0: i32) -> (i32, i32, i32) {
    %c0_i32 = arith.constant 0 : i32
    %c0_i32_0 = arith.constant 0 : i32
    %c0_i32_1 = arith.constant 0 : i32
    return %c0_i32, %arg0, %c0_i32_0 : i32, i32, i32
  }
  func.func @transform_1(%arg0: i32) -> (i32, i32) {
    %c0_i32 = arith.constant 0 : i32
    %c0_i32_0 = arith.constant 0 : i32
    return %arg0, %c0_i32 : i32, i32
  }
  func.func @transform_2(%arg0: i32) -> (i32, i32) {
    %c0_i32 = arith.constant 0 : i32
    %c0_i32_0 = arith.constant 0 : i32
    return %arg0, %c0_i32 : i32, i32
  }
}

module attributes {stable_mosaic.version = 14 : i64} {
  func.func @body(%arg0: memref<32x10000xf32, #tpu.memory_space<vmem>>, %arg1: memref<10000x128xf32, #tpu.memory_space<vmem>>, %arg2: memref<10000x1xf32, #tpu.memory_space<vmem>>, %arg3: memref<10000x128xf32, #tpu.memory_space<vmem>>) attributes {dimension_semantics = [], scalar_prefetch = 0 : i64, scratch_operands = 0 : i64, tpu.core_type = #tpu.core_type<tc>} {
    %get3A = arith.constant 0 : index
    %get3A_0 = arith.constant 0 : index
    %get3A_1 = vector.load %arg0[%get3A, %get3A_0] : memref<32x10000xf32, #tpu.memory_space<vmem>>, vector<32x10000xf32>
    %reduce_sum3A = arith.constant dense<0.000000e+00> : vector<10000xf32>
    %reduce_sum3A_2 = vector.multi_reduction <add>, %get3A_1, %reduce_sum3A [0] : vector<32x10000xf32> to vector<10000xf32>
    %gt3A = arith.constant 0.000000e+00 : f32
    %gt3A_3 = vector.broadcast %gt3A : f32 to vector<10000xf32>
    %gt3A_4 = arith.cmpf ogt, %reduce_sum3A_2, %gt3A_3 : vector<10000xf32>
    %max3A = arith.constant 9.99999996E-13 : f32
    %max3A_5 = vector.broadcast %max3A : f32 to vector<10000xf32>
    %max3A_6 = arith.maximumf %reduce_sum3A_2, %max3A_5 : vector<10000xf32>
    %rsqrt3A = math.rsqrt %max3A_6 : vector<10000xf32>
    %jit3A = arith.constant 0.000000e+00 : f32
    %broadcast_in_dim3A = vector.broadcast %jit3A : f32 to vector<10000xf32>
    %select_n3A = arith.select %gt3A_4, %rsqrt3A, %broadcast_in_dim3A : vector<10000xi1>, vector<10000xf32>
    %broadcast_in_dim3A_7 = vector.shape_cast %select_n3A : vector<10000xf32> to vector<10000x1xf32>
    %swap3A = arith.constant 0 : index
    %swap3A_8 = arith.constant 0 : index
    %swap3A_9 = vector.load %arg2[%swap3A, %swap3A_8] : memref<10000x1xf32, #tpu.memory_space<vmem>>, vector<10000x1xf32>
    tpu.vector_store %arg2[%swap3A, %swap3A_8], %broadcast_in_dim3A_7 {strides = array<i32>} : memref<10000x1xf32, #tpu.memory_space<vmem>>, vector<10000x1xf32>,
    %get3A_10 = arith.constant 0 : index
    %get3A_11 = arith.constant 0 : index
    %get3A_12 = vector.load %arg1[%get3A_10, %get3A_11] : memref<10000x128xf32, #tpu.memory_space<vmem>>, vector<10000x128xf32>
    %mul3A = vector.broadcast %broadcast_in_dim3A_7 : vector<10000x1xf32> to vector<10000x128xf32>
    %mul3A_13 = arith.mulf %mul3A, %get3A_12 : vector<10000x128xf32>
    %swap3A_14 = arith.constant 0 : index
    %swap3A_15 = arith.constant 0 : index
    %swap3A_16 = vector.load %arg3[%swap3A_14, %swap3A_15] : memref<10000x128xf32, #tpu.memory_space<vmem>>, vector<10000x128xf32>
    tpu.vector_store %arg3[%swap3A_14, %swap3A_15], %mul3A_13 {strides = array<i32>} : memref<10000x128xf32, #tpu.memory_space<vmem>>, vector<10000x128xf32>,
    return
  }
}

module attributes {stable_mosaic.version = 14 : i64} {
  func.func @body(%arg0: i32, %arg1: memref<2x2000x128xf32, #tpu.memory_space<vmem>>, %arg2: memref<2x2000x128xf32, #tpu.memory_space<vmem>>, %arg3: memref<2000x1xf32, #tpu.memory_space<vmem>>, %arg4: memref<2000x128xf32, #tpu.memory_space<vmem>>, %arg5: memref<128x128xf32, #tpu.memory_space<vmem>>, %arg6: memref<128x128xf32, #tpu.memory_space<vmem>>, %arg7: memref<128x128xf32, #tpu.memory_space<vmem>>, %arg8: memref<384x128xf32, #tpu.memory_space<vmem>>, %arg9: memref<384x128xf32, #tpu.memory_space<vmem>>, %arg10: memref<384x128xf32, #tpu.memory_space<vmem>>, %arg11: memref<2000x128xf32, #tpu.memory_space<vmem>>, %arg12: memref<2000x128xf32, #tpu.memory_space<vmem>>, %arg13: memref<2000x128xf32, #tpu.memory_space<vmem>>) attributes {dimension_semantics = [#tpu.dimension_semantics<arbitrary>], iteration_bounds = array<i64: 5>, scalar_prefetch = 0 : i64, scratch_operands = 0 : i64, tpu.core_type = #tpu.core_type<tc>, window_params = [{transform_indices = @transform_0, window_bounds = array<i64: 2, 2000, 128>}, {transform_indices = @transform_1, window_bounds = array<i64: 2, 2000, 128>}, {transform_indices = @transform_2, window_bounds = array<i64: 2000, 1>}, {transform_indices = @transform_3, window_bounds = array<i64: 2000, 128>}, {pipeline_mode = #tpu.pipeline_mode<synchronous>, transform_indices = @transform_4, window_bounds = array<i64: 128, 128>}, {pipeline_mode = #tpu.pipeline_mode<synchronous>, transform_indices = @transform_5, window_bounds = array<i64: 128, 128>}, {pipeline_mode = #tpu.pipeline_mode<synchronous>, transform_indices = @transform_6, window_bounds = array<i64: 128, 128>}, {pipeline_mode = #tpu.pipeline_mode<synchronous>, transform_indices = @transform_7, window_bounds = array<i64: 384, 128>}, {pipeline_mode = #tpu.pipeline_mode<synchronous>, transform_indices = @transform_8, window_bounds = array<i64: 384, 128>}, {pipeline_mode = #tpu.pipeline_mode<synchronous>, transform_indices = @transform_9, window_bounds = array<i64: 384, 128>}, {transform_indices = @transform_10, window_bounds = array<i64: 2000, 128>}, {transform_indices = @transform_11, window_bounds = array<i64: 2000, 128>}, {transform_indices = @transform_12, window_bounds = array<i64: 2000, 128>}]} {
    %get3A = arith.constant 0 : index
    %get3A_0 = arith.constant 0 : index
    %get3A_1 = vector.load %arg3[%get3A, %get3A_0] : memref<2000x1xf32, #tpu.memory_space<vmem>>, vector<2000x1xf32>
    %get3A_2 = arith.constant 0 : index
    %get3A_3 = arith.constant 0 : index
    %get3A_4 = arith.constant 0 : index
    %get3A_5 = vector.load %arg1[%get3A_2, %get3A_3, %get3A_4] : memref<2x2000x128xf32, #tpu.memory_space<vmem>>, vector<1x2000x128xf32>
    %get3A_6 = vector.shape_cast %get3A_5 : vector<1x2000x128xf32> to vector<2000x128xf32>
    %get3A_7 = arith.constant 1 : index
    %get3A_8 = arith.constant 0 : index
    %get3A_9 = arith.constant 0 : index
    %get3A_10 = vector.load %arg1[%get3A_7, %get3A_8, %get3A_9] : memref<2x2000x128xf32, #tpu.memory_space<vmem>>, vector<1x2000x128xf32>
    %get3A_11 = vector.shape_cast %get3A_10 : vector<1x2000x128xf32> to vector<2000x128xf32>
    %add3A = arith.addf %get3A_6, %get3A_11 : vector<2000x128xf32>
    %mul3A = vector.broadcast %get3A_1 : vector<2000x1xf32> to vector<2000x128xf32>
    %mul3A_12 = arith.mulf %mul3A, %add3A : vector<2000x128xf32>
    %get3A_13 = arith.constant 0 : index
    %get3A_14 = arith.constant 0 : index
    %get3A_15 = arith.constant 0 : index
    %get3A_16 = vector.load %arg2[%get3A_13, %get3A_14, %get3A_15] : memref<2x2000x128xf32, #tpu.memory_space<vmem>>, vector<1x2000x128xf32>
    %get3A_17 = vector.shape_cast %get3A_16 : vector<1x2000x128xf32> to vector<2000x128xf32>
    %get3A_18 = arith.constant 1 : index
    %get3A_19 = arith.constant 0 : index
    %get3A_20 = arith.constant 0 : index
    %get3A_21 = vector.load %arg2[%get3A_18, %get3A_19, %get3A_20] : memref<2x2000x128xf32, #tpu.memory_space<vmem>>, vector<1x2000x128xf32>
    %get3A_22 = vector.shape_cast %get3A_21 : vector<1x2000x128xf32> to vector<2000x128xf32>
    %add3A_23 = arith.addf %get3A_17, %get3A_22 : vector<2000x128xf32>
    %mul3A_24 = vector.broadcast %get3A_1 : vector<2000x1xf32> to vector<2000x128xf32>
    %mul3A_25 = arith.mulf %mul3A_24, %add3A_23 : vector<2000x128xf32>
    %get3A_26 = arith.constant 0 : index
    %get3A_27 = arith.constant 0 : index
    %get3A_28 = vector.load %arg4[%get3A_26, %get3A_27] : memref<2000x128xf32, #tpu.memory_space<vmem>>, vector<2000x128xf32>
    %get3A_29 = arith.constant 0 : index
    %get3A_30 = arith.constant 0 : index
    %get3A_31 = vector.load %arg5[%get3A_29, %get3A_30] : memref<128x128xf32, #tpu.memory_space<vmem>>, vector<128x128xf32>
    %dot_general3A = arith.constant dense<0.000000e+00> : vector<2000x128xf32>
    %dot_general3A_32 = tpu.matmul %get3A_28, %get3A_31, %dot_general3A {dimension_numbers = #tpu.dot_dimension_numbers<[1], [0], [0], [1], [0, 0, 1, 1], [], []>, transpose_lhs_hint = false} : vector<2000x128xf32>, vector<128x128xf32>, vector<2000x128xf32> -> vector<2000x128xf32>
    %get3A_33 = arith.constant 0 : index
    %get3A_34 = arith.constant 0 : index
    %get3A_35 = vector.load %arg6[%get3A_33, %get3A_34] : memref<128x128xf32, #tpu.memory_space<vmem>>, vector<128x128xf32>
    %dot_general3A_36 = arith.constant dense<0.000000e+00> : vector<2000x128xf32>
    %dot_general3A_37 = tpu.matmul %mul3A_12, %get3A_35, %dot_general3A_36 {dimension_numbers = #tpu.dot_dimension_numbers<[1], [0], [0], [1], [0, 0, 1, 1], [], []>, transpose_lhs_hint = false} : vector<2000x128xf32>, vector<128x128xf32>, vector<2000x128xf32> -> vector<2000x128xf32>
    %get3A_38 = arith.constant 0 : index
    %get3A_39 = arith.constant 0 : index
    %get3A_40 = vector.load %arg7[%get3A_38, %get3A_39] : memref<128x128xf32, #tpu.memory_space<vmem>>, vector<128x128xf32>
    %dot_general3A_41 = arith.constant dense<0.000000e+00> : vector<2000x128xf32>
    %dot_general3A_42 = tpu.matmul %mul3A_25, %get3A_40, %dot_general3A_41 {dimension_numbers = #tpu.dot_dimension_numbers<[1], [0], [0], [1], [0, 0, 1, 1], [], []>, transpose_lhs_hint = false} : vector<2000x128xf32>, vector<128x128xf32>, vector<2000x128xf32> -> vector<2000x128xf32>
    %concatenate3A = tpu.concatenate %dot_general3A_32, %dot_general3A_37, %dot_general3A_42 in 1 : vector<2000x128xf32>, vector<2000x128xf32>, vector<2000x128xf32> -> vector<2000x384xf32>
    %max3A = arith.constant 0.000000e+00 : f32
    %max3A_43 = vector.broadcast %max3A : f32 to vector<2000x384xf32>
    %max3A_44 = arith.maximumf %concatenate3A, %max3A_43 : vector<2000x384xf32>
    %get3A_45 = arith.constant 0 : index
    %get3A_46 = arith.constant 0 : index
    %get3A_47 = vector.load %arg8[%get3A_45, %get3A_46] : memref<384x128xf32, #tpu.memory_space<vmem>>, vector<384x128xf32>
    %dot_general3A_48 = arith.constant dense<0.000000e+00> : vector<2000x128xf32>
    %dot_general3A_49 = tpu.matmul %max3A_44, %get3A_47, %dot_general3A_48 {dimension_numbers = #tpu.dot_dimension_numbers<[1], [0], [0], [1], [0, 0, 1, 1], [], []>, transpose_lhs_hint = false} : vector<2000x384xf32>, vector<384x128xf32>, vector<2000x128xf32> -> vector<2000x128xf32>
    %swap3A = arith.constant 0 : index
    %swap3A_50 = arith.constant 0 : index
    %swap3A_51 = vector.load %arg11[%swap3A, %swap3A_50] : memref<2000x128xf32, #tpu.memory_space<vmem>>, vector<2000x128xf32>
    tpu.vector_store %arg11[%swap3A, %swap3A_50], %dot_general3A_49 {strides = array<i32>} : memref<2000x128xf32, #tpu.memory_space<vmem>>, vector<2000x128xf32>,
    %get3A_52 = arith.constant 0 : index
    %get3A_53 = arith.constant 0 : index
    %get3A_54 = vector.load %arg9[%get3A_52, %get3A_53] : memref<384x128xf32, #tpu.memory_space<vmem>>, vector<384x128xf32>
    %dot_general3A_55 = arith.constant dense<0.000000e+00> : vector<2000x128xf32>
    %dot_general3A_56 = tpu.matmul %max3A_44, %get3A_54, %dot_general3A_55 {dimension_numbers = #tpu.dot_dimension_numbers<[1], [0], [0], [1], [0, 0, 1, 1], [], []>, transpose_lhs_hint = false} : vector<2000x384xf32>, vector<384x128xf32>, vector<2000x128xf32> -> vector<2000x128xf32>
    %mul3A_57 = vector.broadcast %get3A_1 : vector<2000x1xf32> to vector<2000x128xf32>
    %mul3A_58 = arith.mulf %mul3A_57, %dot_general3A_56 : vector<2000x128xf32>
    %swap3A_59 = arith.constant 0 : index
    %swap3A_60 = arith.constant 0 : index
    %swap3A_61 = vector.load %arg12[%swap3A_59, %swap3A_60] : memref<2000x128xf32, #tpu.memory_space<vmem>>, vector<2000x128xf32>
    tpu.vector_store %arg12[%swap3A_59, %swap3A_60], %mul3A_58 {strides = array<i32>} : memref<2000x128xf32, #tpu.memory_space<vmem>>, vector<2000x128xf32>,
    %get3A_62 = arith.constant 0 : index
    %get3A_63 = arith.constant 0 : index
    %get3A_64 = vector.load %arg10[%get3A_62, %get3A_63] : memref<384x128xf32, #tpu.memory_space<vmem>>, vector<384x128xf32>
    %dot_general3A_65 = arith.constant dense<0.000000e+00> : vector<2000x128xf32>
    %dot_general3A_66 = tpu.matmul %max3A_44, %get3A_64, %dot_general3A_65 {dimension_numbers = #tpu.dot_dimension_numbers<[1], [0], [0], [1], [0, 0, 1, 1], [], []>, transpose_lhs_hint = false} : vector<2000x384xf32>, vector<384x128xf32>, vector<2000x128xf32> -> vector<2000x128xf32>
    %mul3A_67 = vector.broadcast %get3A_1 : vector<2000x1xf32> to vector<2000x128xf32>
    %mul3A_68 = arith.mulf %mul3A_67, %dot_general3A_66 : vector<2000x128xf32>
    %swap3A_69 = arith.constant 0 : index
    %swap3A_70 = arith.constant 0 : index
    %swap3A_71 = vector.load %arg13[%swap3A_69, %swap3A_70] : memref<2000x128xf32, #tpu.memory_space<vmem>>, vector<2000x128xf32>
    tpu.vector_store %arg13[%swap3A_69, %swap3A_70], %mul3A_68 {strides = array<i32>} : memref<2000x128xf32, #tpu.memory_space<vmem>>, vector<2000x128xf32>,
    return
  }
  func.func @transform_0(%arg0: i32) -> (i32, i32, i32) {
    %c0_i32 = arith.constant 0 : i32
    %c0_i32_0 = arith.constant 0 : i32
    %c0_i32_1 = arith.constant 0 : i32
    return %c0_i32, %arg0, %c0_i32_0 : i32, i32, i32
  }
  func.func @transform_1(%arg0: i32) -> (i32, i32, i32) {
    %c0_i32 = arith.constant 0 : i32
    %c0_i32_0 = arith.constant 0 : i32
    %c0_i32_1 = arith.constant 0 : i32
    return %c0_i32, %arg0, %c0_i32_0 : i32, i32, i32
  }
  func.func @transform_2(%arg0: i32) -> (i32, i32) {
    %c0_i32 = arith.constant 0 : i32
    %c0_i32_0 = arith.constant 0 : i32
    return %arg0, %c0_i32 : i32, i32
  }
  func.func @transform_3(%arg0: i32) -> (i32, i32) {
    %c0_i32 = arith.constant 0 : i32
    %c0_i32_0 = arith.constant 0 : i32
    return %arg0, %c0_i32 : i32, i32
  }
  func.func @transform_4(%arg0: i32) -> (i32, i32) {
    %c0_i32 = arith.constant 0 : i32
    %c0_i32_0 = arith.constant 0 : i32
    %c0_i32_1 = arith.constant 0 : i32
    return %c0_i32, %c0_i32_0 : i32, i32
  }
  func.func @transform_5(%arg0: i32) -> (i32, i32) {
    %c0_i32 = arith.constant 0 : i32
    %c0_i32_0 = arith.constant 0 : i32
    %c0_i32_1 = arith.constant 0 : i32
    return %c0_i32, %c0_i32_0 : i32, i32
  }
  func.func @transform_6(%arg0: i32) -> (i32, i32) {
    %c0_i32 = arith.constant 0 : i32
    %c0_i32_0 = arith.constant 0 : i32
    %c0_i32_1 = arith.constant 0 : i32
    return %c0_i32, %c0_i32_0 : i32, i32
  }
  func.func @transform_7(%arg0: i32) -> (i32, i32) {
    %c0_i32 = arith.constant 0 : i32
    %c0_i32_0 = arith.constant 0 : i32
    %c0_i32_1 = arith.constant 0 : i32
    return %c0_i32, %c0_i32_0 : i32, i32
  }
  func.func @transform_8(%arg0: i32) -> (i32, i32) {
    %c0_i32 = arith.constant 0 : i32
    %c0_i32_0 = arith.constant 0 : i32
    %c0_i32_1 = arith.constant 0 : i32
    return %c0_i32, %c0_i32_0 : i32, i32
  }
  func.func @transform_9(%arg0: i32) -> (i32, i32) {
    %c0_i32 = arith.constant 0 : i32
    %c0_i32_0 = arith.constant 0 : i32
    %c0_i32_1 = arith.constant 0 : i32
    return %c0_i32, %c0_i32_0 : i32, i32
  }
  func.func @transform_10(%arg0: i32) -> (i32, i32) {
    %c0_i32 = arith.constant 0 : i32
    %c0_i32_0 = arith.constant 0 : i32
    return %arg0, %c0_i32 : i32, i32
  }
  func.func @transform_11(%arg0: i32) -> (i32, i32) {
    %c0_i32 = arith.constant 0 : i32
    %c0_i32_0 = arith.constant 0 : i32
    return %arg0, %c0_i32 : i32, i32
  }
  func.func @transform_12(%arg0: i32) -> (i32, i32) {
    %c0_i32 = arith.constant 0 : i32
    %c0_i32_0 = arith.constant 0 : i32
    return %arg0, %c0_i32 : i32, i32
  }
}

module attributes {stable_mosaic.version = 14 : i64} {
  func.func @body(%arg0: i32, %arg1: memref<2000x128xf32, #tpu.memory_space<vmem>>, %arg2: memref<2x2000x128xf32, #tpu.memory_space<vmem>>, %arg3: memref<2x2000x128xf32, #tpu.memory_space<vmem>>, %arg4: memref<2000x1xf32, #tpu.memory_space<vmem>>, %arg5: memref<2000x384xf32, #tpu.memory_space<vmem>>) attributes {dimension_semantics = [#tpu.dimension_semantics<arbitrary>], iteration_bounds = array<i64: 5>, scalar_prefetch = 0 : i64, scratch_operands = 0 : i64, tpu.core_type = #tpu.core_type<tc>, window_params = [{transform_indices = @transform_0, window_bounds = array<i64: 2000, 128>}, {transform_indices = @transform_1, window_bounds = array<i64: 2, 2000, 128>}, {transform_indices = @transform_2, window_bounds = array<i64: 2, 2000, 128>}, {transform_indices = @transform_3, window_bounds = array<i64: 2000, 1>}, {transform_indices = @transform_4, window_bounds = array<i64: 2000, 384>}]} {
    %get3A = arith.constant 0 : index
    %get3A_0 = arith.constant 0 : index
    %get3A_1 = vector.load %arg4[%get3A, %get3A_0] : memref<2000x1xf32, #tpu.memory_space<vmem>>, vector<2000x1xf32>
    %get3A_2 = arith.constant 0 : index
    %get3A_3 = arith.constant 0 : index
    %get3A_4 = arith.constant 0 : index
    %get3A_5 = vector.load %arg2[%get3A_2, %get3A_3, %get3A_4] : memref<2x2000x128xf32, #tpu.memory_space<vmem>>, vector<1x2000x128xf32>
    %get3A_6 = vector.shape_cast %get3A_5 : vector<1x2000x128xf32> to vector<2000x128xf32>
    %get3A_7 = arith.constant 1 : index
    %get3A_8 = arith.constant 0 : index
    %get3A_9 = arith.constant 0 : index
    %get3A_10 = vector.load %arg2[%get3A_7, %get3A_8, %get3A_9] : memref<2x2000x128xf32, #tpu.memory_space<vmem>>, vector<1x2000x128xf32>
    %get3A_11 = vector.shape_cast %get3A_10 : vector<1x2000x128xf32> to vector<2000x128xf32>
    %add3A = arith.addf %get3A_6, %get3A_11 : vector<2000x128xf32>
    %mul3A = vector.broadcast %get3A_1 : vector<2000x1xf32> to vector<2000x128xf32>
    %mul3A_12 = arith.mulf %mul3A, %add3A : vector<2000x128xf32>
    %get3A_13 = arith.constant 0 : index
    %get3A_14 = arith.constant 0 : index
    %get3A_15 = arith.constant 0 : index
    %get3A_16 = vector.load %arg3[%get3A_13, %get3A_14, %get3A_15] : memref<2x2000x128xf32, #tpu.memory_space<vmem>>, vector<1x2000x128xf32>
    %get3A_17 = vector.shape_cast %get3A_16 : vector<1x2000x128xf32> to vector<2000x128xf32>
    %get3A_18 = arith.constant 1 : index
    %get3A_19 = arith.constant 0 : index
    %get3A_20 = arith.constant 0 : index
    %get3A_21 = vector.load %arg3[%get3A_18, %get3A_19, %get3A_20] : memref<2x2000x128xf32, #tpu.memory_space<vmem>>, vector<1x2000x128xf32>
    %get3A_22 = vector.shape_cast %get3A_21 : vector<1x2000x128xf32> to vector<2000x128xf32>
    %add3A_23 = arith.addf %get3A_17, %get3A_22 : vector<2000x128xf32>
    %mul3A_24 = vector.broadcast %get3A_1 : vector<2000x1xf32> to vector<2000x128xf32>
    %mul3A_25 = arith.mulf %mul3A_24, %add3A_23 : vector<2000x128xf32>
    %get3A_26 = arith.constant 0 : index
    %get3A_27 = arith.constant 0 : index
    %get3A_28 = vector.load %arg1[%get3A_26, %get3A_27] : memref<2000x128xf32, #tpu.memory_space<vmem>>, vector<2000x128xf32>
    %concatenate3A = tpu.concatenate %get3A_28, %mul3A_12, %mul3A_25 in 1 : vector<2000x128xf32>, vector<2000x128xf32>, vector<2000x128xf32> -> vector<2000x384xf32>
    %swap3A = arith.constant 0 : index
    %swap3A_29 = arith.constant 0 : index
    %swap3A_30 = vector.load %arg5[%swap3A, %swap3A_29] : memref<2000x384xf32, #tpu.memory_space<vmem>>, vector<2000x384xf32>
    tpu.vector_store %arg5[%swap3A, %swap3A_29], %concatenate3A {strides = array<i32>} : memref<2000x384xf32, #tpu.memory_space<vmem>>, vector<2000x384xf32>,
    return
  }
  func.func @transform_0(%arg0: i32) -> (i32, i32) {
    %c0_i32 = arith.constant 0 : i32
    %c0_i32_0 = arith.constant 0 : i32
    return %arg0, %c0_i32 : i32, i32
  }
  func.func @transform_1(%arg0: i32) -> (i32, i32, i32) {
    %c0_i32 = arith.constant 0 : i32
    %c0_i32_0 = arith.constant 0 : i32
    %c0_i32_1 = arith.constant 0 : i32
    return %c0_i32, %arg0, %c0_i32_0 : i32, i32, i32
  }
  func.func @transform_2(%arg0: i32) -> (i32, i32, i32) {
    %c0_i32 = arith.constant 0 : i32
    %c0_i32_0 = arith.constant 0 : i32
    %c0_i32_1 = arith.constant 0 : i32
    return %c0_i32, %arg0, %c0_i32_0 : i32, i32, i32
  }
  func.func @transform_3(%arg0: i32) -> (i32, i32) {
    %c0_i32 = arith.constant 0 : i32
    %c0_i32_0 = arith.constant 0 : i32
    return %arg0, %c0_i32 : i32, i32
  }
  func.func @transform_4(%arg0: i32) -> (i32, i32) {
    %c0_i32 = arith.constant 0 : i32
    %c0_i32_0 = arith.constant 0 : i32
    return %arg0, %c0_i32 : i32, i32
  }
}

</mosaic_0001>

<sc_bundles>
// kernel: kernel.13.cloned.1.call-start
scs
__scs_entry_jumppad:
0x0: {  	(pc) =	sbr.rel $0x88, $3  }
0x1: {  	(tag) =	ssettag $0x0;
	lr =	simm.s32 $0x1  }
0x2: {  	[smem:$0x3F99] =	sst lr;
	_ =	strace $0xD0000000  }
0x3: {  	_ = 	snop  }
0x4: {  	_ = 	snop  }
0x5: {  	_ = 	snop  }
0x6: {  	_ = 	snop  }
0x7: {  	_ = 	snop  }
__scs_overlays_trampoline_lowered:
0x8: {  	[smem:$0x3FA8] =	sst s0  }
0x9: {  	[smem:$0x3FA9] =	sst s1  }
0xa: {  	[smem:$0x3FAA] =	sst s2  }
0xb: {  	[smem:$0x3FAB] =	sst s3  }
0xc: {  	[smem:$0x3FAC] =	sst s4  }
0xd: {  	[smem:$0x3FAD] =	sst s5  }
0xe: {  	[smem:$0x3FAE] =	sst s6  }
0xf: {  	[smem:$0x3FAF] =	sst s7  }
0x10: {  	[smem:$0x3FB0] =	sst s8  }
0x11: {  	[smem:$0x3FB1] =	sst s9;
	s0 =	simm.s32 @!p0 $0x0  }
0x12: {  	s1 =	sld [smem:$0x3F97];
	s0 =	simm.s32 @p0 $0x1  }
0x13: {  	[smem:$0x3FB2] =	sst s0;
	s0 =	simm.s32 @!p1 $0x0  }
0x14: {  	s2 =	sld [smem:$0x3F96];
	s0 =	simm.s32 @p1 $0x1  }
0x15: {  	[smem:$0x3FB3] =	sst s0;
	s0 =	simm.s32 @!p2 $0x0  }
0x16: {  	s3 =	sld [smem:$0x3FDB];
	s0 =	simm.s32 @p2 $0x1  }
0x17: {  	s4 =	simm.s32 $0x1BF5;
	[smem:$0x3FB5] =	sst s0  }
0x18: {  	s0 =	sld [smem:$0x3F98];
	_ =	swait.ge [sflag:s4], $0x0  }
0x19: {  	s7 =	sld [smem:$0x3F99]  }
0x1a: {  	s8 =	sadd.s32 $0xFFFFE003, lr  }
0x1b: {  	s9 =	sadd.s32 $0xFFFFFEF7, lr;
	s5 =	simm.s32 $0xFFFFFFFF;
	p2 =	slt.u32 s8, $0xFFFFF086  }
0x1c: {  	p1 =	slt.u32 s9, $0xF7A;
	s5 =	simm.s32 @!p2 $0x0  }
0x1d: {  	s5 =	simm.s32 @p1 $0x1;
	p0 =	seq.s32 s7, s2  }
0x1e: {  	s7 =	smul.u32 @!p0 $0xF7A, s2;
	p2 =	seq.s32 @!p0 s5, $0x0  }
0x1f: {  	s9 =	smul.u32 $0xF7A, s1;
	s8 =	simm.s32 @!p0 $0x1BF5;
	p2 =	por !p2, p0  }
0x20: {  	[sflag:s8] =	ssyncset.s32 @!p0 $0xFFFFF086;
	s6 =	sadd.s32 @!p0 s3, s7;
	s7 =	simm.s32 @!p0 $0x108  }
0x21: {  	s3 =	sadd.s32 s3, s9;
	s6 =	sadd.s32 @!p0 $0x88, s6;
	s7 =	simm.s32 @p2 $0x1082  }
0x22: {  	[simem:s7], [sflag:s8] =	dma.local @!p0 [hbm:s6], $0xF7A  }
0x23: {  	s9 =	sor.u32 $0xD0000000, s2;
	s6 =	simm.s32 $0x108;
	_ =	swait.ge @!p0 [sflag:s8], $0x0  }
0x24: {  	s3 =	sadd.s32 $0x88, s3;
	s6 =	simm.s32 @!p1 $0x1082;
	[sflag:s4] =	ssyncset.s32 $0xFFFFF086  }
0x25: {  	[simem:s6], [sflag:s4] =	dma.local [hbm:s3], $0xF7A  }
0x26: {  	[smem:$0x3F99] =	sst s1;
	(tag) =	ssettag s2;
	_ =	strace s9  }
0x27: {  	s1 =	sld [smem:$0x3FA9]  }
0x28: {  	s2 =	sld [smem:$0x3FAA]  }
0x29: {  	s4 =	sld [smem:$0x3FAC]  }
0x2a: {  	p0 =	seq.s32 s5, $0x0;
	s5 =	sld [smem:$0x3FAD]  }
0x2b: {  	s6 =	sld [smem:$0x3FAE]  }
0x2c: {  	s7 =	sld [smem:$0x3FAF]  }
0x2d: {  	s3 =	simm.s32 $0x108;
	s8 =	sld [smem:$0x3FB0]  }
0x2e: {  	s3 =	simm.s32 @!p0 $0x1082;
	s9 =	sld [smem:$0x3FB1]  }
0x2f: {  	lr =	sadd.s32 s0, s3;
	s0 =	sld [smem:$0x3FA8]  }
0x30: {  	s3 =	sld [smem:$0x3FAB]  }
0x31: {  	[smem:$0x3FB4] =	sst s10  }
0x32: {  	s10 =	sld [smem:$0x3FB2];
	_ =	sdelay $0x3  }
0x33: {  	p0 =	seq.s32 s10, $0x1;
	s10 =	sld [smem:$0x3FB4];
	_ =	sdelay $0x3  }
0x34: {  	[smem:$0x3FB4] =	sst s10  }
0x35: {  	s10 =	sld [smem:$0x3FB3];
	_ =	sdelay $0x3  }
0x36: {  	p1 =	seq.s32 s10, $0x1;
	s10 =	sld [smem:$0x3FB4];
	_ =	sdelay $0x3  }
0x37: {  	[smem:$0x3FB4] =	sst s10  }
0x38: {  	s10 =	sld [smem:$0x3FB5]  }
0x39: {  	_ = 	snop;
	(pc) =	sbr.ind lr, $3  }
0x3a: {  	_ = 	snop  }
0x3b: {  	_ = 	snop  }
0x3c: {  	p2 =	seq.s32 s10, $0x1;
	s10 =	sld [smem:$0x3FB4]  }
0x3d: {  	_ =	shalt  }
0x3e: {  	_ =	shalt  }
0x3f: {  	_ =	shalt  }
0x40: {  	_ =	shalt  }
0x41: {  	_ =	shalt  }
0x42: {  	_ =	shalt  }
0x43: {  	_ =	shalt  }
0x44: {  	_ =	shalt  }
0x45: {  	_ =	shalt  }
0x46: {  	_ =	shalt  }
0x47: {  	_ =	shalt  }
0x48: {  	_ =	shalt  }
0x49: {  	_ =	shalt  }
0x4a: {  	_ =	shalt  }
0x4b: {  	_ =	shalt  }
0x4c: {  	_ =	shalt  }
0x4d: {  	_ =	shalt  }
0x4e: {  	_ =	shalt  }
0x4f: {  	_ =	shalt  }
0x50: {  	_ =	shalt  }
0x51: {  	_ =	shalt  }
0x52: {  	_ =	shalt  }
0x53: {  	_ =	shalt  }
0x54: {  	_ =	shalt  }
0x55: {  	_ =	shalt  }
0x56: {  	_ =	shalt  }
0x57: {  	_ =	shalt  }
0x58: {  	_ =	shalt  }
0x59: {  	_ =	shalt  }
0x5a: {  	_ =	shalt  }
0x5b: {  	_ =	shalt  }
0x5c: {  	_ =	shalt  }
0x5d: {  	_ =	shalt  }
0x5e: {  	_ =	shalt  }
0x5f: {  	_ =	shalt  }
0x60: {  	_ =	shalt  }
0x61: {  	_ =	shalt  }
0x62: {  	_ =	shalt  }
0x63: {  	_ =	shalt  }
0x64: {  	_ =	shalt  }
0x65: {  	_ =	shalt  }
0x66: {  	_ =	shalt  }
0x67: {  	_ =	shalt  }
0x68: {  	_ =	shalt  }
0x69: {  	_ =	shalt  }
0x6a: {  	_ =	shalt  }
0x6b: {  	_ =	shalt  }
0x6c: {  	_ =	shalt  }
0x6d: {  	_ =	shalt  }
0x6e: {  	_ =	shalt  }
0x6f: {  	_ =	shalt  }
0x70: {  	_ =	shalt  }
0x71: {  	_ =	shalt  }
0x72: {  	_ =	shalt  }
0x73: {  	_ =	shalt  }
0x74: {  	_ =	shalt  }
0x75: {  	_ =	shalt  }
0x76: {  	_ =	shalt  }
0x77: {  	_ =	shalt  }
0x78: {  	_ =	shalt  }
0x79: {  	_ =	shalt  }
0x7a: {  	_ =	shalt  }
0x7b: {  	_ =	shalt  }
0x7c: {  	_ =	shalt  }
0x7d: {  	_ =	shalt  }
0x7e: {  	_ =	shalt  }
0x7f: {  	_ =	shalt  }
0x80: {  	_ =	shalt  }
0x81: {  	_ =	shalt  }
0x82: {  	_ =	shalt  }
0x83: {  	_ =	shalt  }
0x84: {  	_ =	shalt  }
0x85: {  	_ =	shalt  }
0x86: {  	_ =	shalt  }
0x87: {  	_ =	shalt  }
.Lfunc_end0:
.L_simem_size_0:
called_computation_lowered:
.L_overlay_start_0:
0x88: {  	s2 =	sld [smem:$0x3FD9]  }
0x89: {  	s3 =	sld [smem:$0x3FFE];
	_ =	sdelay $0x1  }
0x8a: {  	s1 =	srdreg.scid  }
0x8b: {  	s0 =	sand.u32 $0x1, s1  }
0x8c: {  	s17 =	sshll.u32 s0, $0xA;
	s2 =	sadd.s32 s3, s2  }
0x8d: {  	s2 =	sadd.s32 s2, s17  }
0x8e: {  	[smem:$0x3FC0] =	sst s2  }
0x8f: {  	_ = 	snop  }
0x90: {  	s2 =	sld [smem:$0x3FD0];
	(tm) =	ssettm $0x1  }
0x91: {  	s18 =	sld [smem:$0x3FFB];
	_ =	sdelay $0x3  }
0x92: {  	_ =	strace s18  }
0x93: {  	s3 =	sld [smem:$0x3FFC];
	_ =	sdelay $0x3  }
0x94: {  	_ =	strace s3  }
0x95: {  	s3 =	sld [smem:$0x3FFD];
	_ =	sdelay $0x3  }
0x96: {  	_ =	strace s3  }
0x97: {  	_ =	strace $0x8FFFFFFF  }
0x98: {  	s19 =	sld [smem:$0x3FDB];
	_ =	sdelay $0x1  }
0x99: {  	s4 =	simm.s32 $_scs_section_size  }
0x9a: {  	s5 =	simm.s32 $_size__tile_overlayer_lowered;
	s6 =	simm.s32 $_tile_overlayer_lowered  }
0x9b: {  	s22 =	simm.s32 $0x1BFF;
	s21 =	sshll.u32 s6, $0x1;
	s3 =	sadd.s32 s4, s19  }
0x9c: {  	s7 =	simm.s32 $0x0;
	s20 =	sshll.u32 s5, $0x1;
	s5 =	sadd.s32 s21, s3  }
0x9d: {  	[timem:s7], [sflag:s22] =	dma.local [hbm:s5], s20  }
0x9e: {  	_ =	swait.ge [sflag:s22], s20  }
0x9f: {  	s4 =	ssub.s32 $0x0, s20;
	[sflag:s22] =	ssyncset.done $0x0  }
0xa0: {  	[sflag:s22] =	ssyncadd.s32 s4;
	_ =	sdelay $0x1  }
0xa1: {  	s23 =	simm.s32 $0x1B8B  }
0xa2: {  	_ =	swait.ge [sflag:s23], $0x1  }
0xa3: {  	[sflag:s23] =	ssyncset.done $0x0  }
0xa4: {  	s25 =	simm.s32 $0x1B8E;
	s24 =	sld [smem:$0x3FFE];
	[sflag:s23] =	ssyncadd.s32 $0xFFFFFFFF  }
0xa5: {  	s26 =	simm.s32 $execute0_lowered;
	[smem:$0x3FD2] =	sst s25  }
0xa6: {  	s5 =	sshll.u32 s26, $0x1;
	_ =	strace $0x80000046;
	[dreg:$0x1] =	wrdreg $0xFFFFFFFF  }
0xa7: {  	s28 =	simm.s32 $_size_execute0_lowered;
	s3 =	sadd.s32 s3, s5;
	[dreg:$0x0] =	wrdreg $0x0  }
0xa8: {  	s5 =	sshll.u32 s28, $0x1;
	[dreg:$0x2] =	wrdreg s3  }
0xa9: {  	[dreg:$0x3] =	wrdreg s5  }
0xaa: {  	[dreg:$0x4] =	wrdreg $0xC0  }
0xab: {  	_ =	task [dreg:s7], $0x5FFFF  }
0xac: {  	[dreg:$0x1] =	wrdreg $0xFFFFFFFF  }
0xad: {  	[dreg:$0x0] =	wrdreg $0x60  }
0xae: {  	[dreg:$0x2] =	wrdreg s24  }
0xaf: {  	[dreg:$0x3] =	wrdreg s2  }
0xb0: {  	[dreg:$0x4] =	wrdreg $0x9  }
0xb1: {  	_ =	task.clear_ibuf [dreg:s7], $0x5FFFF;
	_ =	strace $0x90000046  }
0xb2: {  	s29 =	simm.s32 $0x9;
	_ =	strace $0x80000048  }
0xb3: {  	_ =	swait.ge [sflag:s29], $0x1  }
0xb4: {  	[sflag:s29] =	ssyncadd.s32 $0xFFFFFFFF  }
0xb5: {  	_ =	strace $0x90000048  }
0xb6: {  	_ =	sfence  }
0xb7: {  	s30 =	sld [smem:$0x0];
	_ =	sdelay $0x2  }
0xb8: {  	s31 =	sshll.u32 s1, $0xD;
	s1 =	sshrl.u32 s1, $0x2  }
0xb9: {  	s3 =	sand.u32 $0x4000, s31;
	s1 =	sadd.s32 s1, s30  }
0xba: {  	s0 =	sor.u32 s3, s0;
	s1 =	sshll.u32 s1, $0x11  }
0xbb: {  	s0 =	sor.u32 s1, s0  }
0xbc: {  	s0 =	sadd.s32 $0x8F2B, s0  }
0xbd: {  	[sflag:s0] =	ssyncadd.remote.s32 $0x1  }
0xbe: {  	_ =	sfence.sel $0xFFFF  }
0xbf: {  	[dreg:$0x0] =	wrdreg $0xFFFFFFFF;
	(pc) =	sbr.abs _section_cstart, $3  }
0xc0: {  	[dreg:$0x1] =	wrdreg $0xFFFFFFFF  }
0xc1: {  	_ =	task.clear_ibuf [dreg:s7], $0x2FFFF;
	_ =	strace $0x9FFFFFFF  }
0xc2: {  	(tm) =	ssettm $0x7FFFFFFF  }
0xc3: {  	_ =	shalt  }
tec
execute0_lowered:
.L_overlay_start_1:
0x0: {  	(tag) =	ssettag $0x1  }
0x1: {  	s3 =	rddreg [dreg:$0x0];
	s1 =	srdreg.scid  }
0x2: {  	s0 =	stileid.u32;
	s6 =	rddreg [dreg:$0x1]  }
0x3: {  	s4 =	sand.u32 $0x1, s1;
	s29 =	sshrl.u32 s0, $0x2;
	s2 =	sshll.u32 s0, $0x8  }
0x4: {  	s5 =	smul.u32 $0x13C00, s29;
	s30 =	sshll.u32 s4, $0x7;
	s2 =	sand.u32 $0x300, s2  }
0x5: {  	s8 =	simm.s32 $0x1;
	s9 =	simm.s32 $0x2780;
	s7 =	sor.u32 s30, s2  }
0x6: {  	s10 =	simm.s32 $0x0;
	s1 =	rddreg [dreg:$0x2];
	s5 =	sor.u32 s5, s7  }
0x7: {  	s4 =	ssub.s32 $0x2, s4;
	s2 =	simm.s32 $0x0;
	s7 =	sadd.s32 $0x4F000, s5  }
0x8: {  	s31 =	sshrl.u32 s4, $0x1;
	[smem:$0x7FF] =	sst s2;
	s7 =	sshrl.u32 s7, $0x3  }
0x9: {  	_ =	strace $0x80000047;
	s5 =	sshrl.u32 s5, $0x3;
	s3 =	sadd.s32 s7, s3  }
0xa: {  	s7 =	ssub.s32 s4, s31;
	s4 =	sadd.s32 s6, s5;
	s6 =	simm.s32 $0x80  }
0xb: {  	v0 =	vimm.f32 $0.0e+00;
	v1 =	vimm.f32 $1.000000000e+00;
	s3 =	sadd.s32 $0x4400, s3;
	s5 =	smax.u32 s7, $0x1;
	s7 =	simm.s32 $0x400  }
.LBB2_1:
0xc: {  	[tilespmem:s2], [sflag:$0x1] =	stream.strided.gather [hbm4b:s3+s6], $0x2780, s7, s6, $0x38;
	[tilespmem:$0x4F00] =	vst v63  }
0xd: {  	_ =	swait.ge [sflag:s8], $0x2780  }
0xe: {  	[sflag:s8] =	ssyncset.done $0x0  }
0xf: {  	s11 =	simm.s32 $0x0;
	[sflag:s8] =	ssyncadd.s32 $0xFFFFD880  }
.LBB2_2:
0x10: {  	p0 =	sne.s32 s11, $0x9C00  }
.Ltmp0:
0x11: {  	_ = 	snop;
	(pc) =	sbr.rel @p0 .LBB2_2-.Ltmp0, $3  }
0x12: {  	_ =	sdelay $0x1  }
0x13: {  	s12 =	sshra.s32 s11, $0x2  }
0x14: {  	s11 =	sadd.s32 $0x40, s11;
	[tilespmem:s12+$0x2780] =	vst v0  }
0x15: {  	s12 =	simm.s32 $0x0;
	s11 =	simm.s32 $0x40  }
.LBB2_4:
0x16: {  	p0 =	sne.s32 s11, $0x9C00;
	v2 =	vld [tilespmem:s12+$0x0];
	_ =	sdelay $0x3  }
.Ltmp1:
0x17: {  	(pc) =	sbr.rel @p0 .LBB2_4-.Ltmp1, $2  }
0x18: {  	_ =	sdelay $0x2  }
0x19: {  	s12 =	sshra.s32 s11, $0x2;
	s11 =	sadd.s32 $0x40, s11;
	[tilespmem:v2+s9+$0x0] =	vst.idx.add.f32.msk $0xffff, v1  }
0x1a: {  	v2 =	vld [tilespmem:s12+$0x0];
	_ =	sdelay $0x5  }
0x1b: {  	s10 =	sadd.s32 $0x1, s10  }
0x1c: {  	p0 =	sne.s32 s10, s5  }
.Ltmp2:
0x1d: {  	[tilespmem:v2+s9+$0x0] =	vst.idx.add.f32.msk $0xffff, v1;
	(pc) =	sbr.rel @p0 .LBB2_1-.Ltmp2, $4  }
0x1e: {  	[hbm4b:s4+s6] =	stream.strided.scatter [tilespmem:s9], [sflag:$0x1], $0x2780, s7, s6, $0x38;
	[tilespmem:$0x4F00] =	vst v63  }
0x1f: {  	_ =	swait.ge [sflag:s8], $0x2780  }
0x20: {  	[sflag:s8] =	ssyncset.done $0x0  }
0x21: {  	[sflag:s8] =	ssyncadd.s32 $0xFFFFD880  }
0x22: {  	_ =	sfence.sel $0x180000  }
0x23: {  	[bflag:$0x0] =	sbarrier.arrive $0xFFFF  }
0x24: {  	p0 =	sne.s32 s0, $0x0;
	_ =	strace $0x90000047  }
0x25: {  	s0 =	sadd.s32 @!p0 $0x100000, s1;
	[bflag:$0x2] =	sbarrier.arrive $0xFFFF  }
0x26: {  	[sflag:s0] =	ssyncadd.tile.s32 @!p0 $0x1;
	_ =	shalt  }
.Lfunc_end2:
_tile_overlayer_lowered:
.L_overlay_start_2:
0x27: {  	(tag) =	ssettag $0x2  }
0x28: {  	s0 =	rddreg [dreg:$0x0];
	s2 =	stileid.u32  }
0x29: {  	s1 =	rddreg [dreg:$0x1];
	p0 =	sne.s32 s2, $0x0  }
0x2a: {  	s3 =	rddreg [dreg:$0x2];
	[bflag:$0x3] =	sbarrier.arrive $0xFFFF;
	s2 =	simm.s32 @!p0 $0x1C01  }
0x2b: {  	[timem:s3], [sflag:s2] =	dma.local @!p0 [hbm:s0], s1  }
0x2c: {  	s0 =	simm.s32 @!p0 $0x1  }
0x2d: {  	_ =	swait.ge @!p0 [sflag:s0], s1  }
0x2e: {  	s1 =	ssub.s32 @!p0 $0x0, s1;
	[sflag:s0] =	ssyncset.done @!p0 $0x0  }
0x2f: {  	[sflag:s0] =	ssyncadd.s32 @!p0 s1  }
0x30: {  	[bflag:$0x3] =	sbarrier.arrive $0xFFFF  }
0x31: {  	_ =	shalt  }

// kernel: kernel.16.cloned.1.call-start
scs
__scs_entry_jumppad:
0x0: {  	(pc) =	sbr.rel $0x88, $3  }
0x1: {  	(tag) =	ssettag $0x0;
	lr =	simm.s32 $0x1  }
0x2: {  	[smem:$0x3F99] =	sst lr;
	_ =	strace $0xD0000000  }
0x3: {  	_ = 	snop  }
0x4: {  	_ = 	snop  }
0x5: {  	_ = 	snop  }
0x6: {  	_ = 	snop  }
0x7: {  	_ = 	snop  }
__scs_overlays_trampoline_lowered:
0x8: {  	[smem:$0x3FA8] =	sst s0  }
0x9: {  	[smem:$0x3FA9] =	sst s1  }
0xa: {  	[smem:$0x3FAA] =	sst s2  }
0xb: {  	[smem:$0x3FAB] =	sst s3  }
0xc: {  	[smem:$0x3FAC] =	sst s4  }
0xd: {  	[smem:$0x3FAD] =	sst s5  }
0xe: {  	[smem:$0x3FAE] =	sst s6  }
0xf: {  	[smem:$0x3FAF] =	sst s7  }
0x10: {  	[smem:$0x3FB0] =	sst s8  }
0x11: {  	[smem:$0x3FB1] =	sst s9;
	s0 =	simm.s32 @!p0 $0x0  }
0x12: {  	s1 =	sld [smem:$0x3F97];
	s0 =	simm.s32 @p0 $0x1  }
0x13: {  	[smem:$0x3FB2] =	sst s0;
	s0 =	simm.s32 @!p1 $0x0  }
0x14: {  	s2 =	sld [smem:$0x3F96];
	s0 =	simm.s32 @p1 $0x1  }
0x15: {  	[smem:$0x3FB3] =	sst s0;
	s0 =	simm.s32 @!p2 $0x0  }
0x16: {  	s3 =	sld [smem:$0x3FDB];
	s0 =	simm.s32 @p2 $0x1  }
0x17: {  	s4 =	simm.s32 $0x1BF5;
	[smem:$0x3FB5] =	sst s0  }
0x18: {  	s0 =	sld [smem:$0x3F98];
	_ =	swait.ge [sflag:s4], $0x0  }
0x19: {  	s7 =	sld [smem:$0x3F99]  }
0x1a: {  	s8 =	sadd.s32 $0xFFFFE003, lr  }
0x1b: {  	s9 =	sadd.s32 $0xFFFFFEF7, lr;
	s5 =	simm.s32 $0xFFFFFFFF;
	p2 =	slt.u32 s8, $0xFFFFF086  }
0x1c: {  	p1 =	slt.u32 s9, $0xF7A;
	s5 =	simm.s32 @!p2 $0x0  }
0x1d: {  	s5 =	simm.s32 @p1 $0x1;
	p0 =	seq.s32 s7, s2  }
0x1e: {  	s7 =	smul.u32 @!p0 $0xF7A, s2;
	p2 =	seq.s32 @!p0 s5, $0x0  }
0x1f: {  	s9 =	smul.u32 $0xF7A, s1;
	s8 =	simm.s32 @!p0 $0x1BF5;
	p2 =	por !p2, p0  }
0x20: {  	[sflag:s8] =	ssyncset.s32 @!p0 $0xFFFFF086;
	s6 =	sadd.s32 @!p0 s3, s7;
	s7 =	simm.s32 @!p0 $0x108  }
0x21: {  	s3 =	sadd.s32 s3, s9;
	s6 =	sadd.s32 @!p0 $0x88, s6;
	s7 =	simm.s32 @p2 $0x1082  }
0x22: {  	[simem:s7], [sflag:s8] =	dma.local @!p0 [hbm:s6], $0xF7A  }
0x23: {  	s9 =	sor.u32 $0xD0000000, s2;
	s6 =	simm.s32 $0x108;
	_ =	swait.ge @!p0 [sflag:s8], $0x0  }
0x24: {  	s3 =	sadd.s32 $0x88, s3;
	s6 =	simm.s32 @!p1 $0x1082;
	[sflag:s4] =	ssyncset.s32 $0xFFFFF086  }
0x25: {  	[simem:s6], [sflag:s4] =	dma.local [hbm:s3], $0xF7A  }
0x26: {  	[smem:$0x3F99] =	sst s1;
	(tag) =	ssettag s2;
	_ =	strace s9  }
0x27: {  	s1 =	sld [smem:$0x3FA9]  }
0x28: {  	s2 =	sld [smem:$0x3FAA]  }
0x29: {  	s4 =	sld [smem:$0x3FAC]  }
0x2a: {  	p0 =	seq.s32 s5, $0x0;
	s5 =	sld [smem:$0x3FAD]  }
0x2b: {  	s6 =	sld [smem:$0x3FAE]  }
0x2c: {  	s7 =	sld [smem:$0x3FAF]  }
0x2d: {  	s3 =	simm.s32 $0x108;
	s8 =	sld [smem:$0x3FB0]  }
0x2e: {  	s3 =	simm.s32 @!p0 $0x1082;
	s9 =	sld [smem:$0x3FB1]  }
0x2f: {  	lr =	sadd.s32 s0, s3;
	s0 =	sld [smem:$0x3FA8]  }
0x30: {  	s3 =	sld [smem:$0x3FAB]  }
0x31: {  	[smem:$0x3FB4] =	sst s10  }
0x32: {  	s10 =	sld [smem:$0x3FB2];
	_ =	sdelay $0x3  }
0x33: {  	p0 =	seq.s32 s10, $0x1;
	s10 =	sld [smem:$0x3FB4];
	_ =	sdelay $0x3  }
0x34: {  	[smem:$0x3FB4] =	sst s10  }
0x35: {  	s10 =	sld [smem:$0x3FB3];
	_ =	sdelay $0x3  }
0x36: {  	p1 =	seq.s32 s10, $0x1;
	s10 =	sld [smem:$0x3FB4];
	_ =	sdelay $0x3  }
0x37: {  	[smem:$0x3FB4] =	sst s10  }
0x38: {  	s10 =	sld [smem:$0x3FB5]  }
0x39: {  	_ = 	snop;
	(pc) =	sbr.ind lr, $3  }
0x3a: {  	_ = 	snop  }
0x3b: {  	_ = 	snop  }
0x3c: {  	p2 =	seq.s32 s10, $0x1;
	s10 =	sld [smem:$0x3FB4]  }
0x3d: {  	_ =	shalt  }
0x3e: {  	_ =	shalt  }
0x3f: {  	_ =	shalt  }
0x40: {  	_ =	shalt  }
0x41: {  	_ =	shalt  }
0x42: {  	_ =	shalt  }
0x43: {  	_ =	shalt  }
0x44: {  	_ =	shalt  }
0x45: {  	_ =	shalt  }
0x46: {  	_ =	shalt  }
0x47: {  	_ =	shalt  }
0x48: {  	_ =	shalt  }
0x49: {  	_ =	shalt  }
0x4a: {  	_ =	shalt  }
0x4b: {  	_ =	shalt  }
0x4c: {  	_ =	shalt  }
0x4d: {  	_ =	shalt  }
0x4e: {  	_ =	shalt  }
0x4f: {  	_ =	shalt  }
0x50: {  	_ =	shalt  }
0x51: {  	_ =	shalt  }
0x52: {  	_ =	shalt  }
0x53: {  	_ =	shalt  }
0x54: {  	_ =	shalt  }
0x55: {  	_ =	shalt  }
0x56: {  	_ =	shalt  }
0x57: {  	_ =	shalt  }
0x58: {  	_ =	shalt  }
0x59: {  	_ =	shalt  }
0x5a: {  	_ =	shalt  }
0x5b: {  	_ =	shalt  }
0x5c: {  	_ =	shalt  }
0x5d: {  	_ =	shalt  }
0x5e: {  	_ =	shalt  }
0x5f: {  	_ =	shalt  }
0x60: {  	_ =	shalt  }
0x61: {  	_ =	shalt  }
0x62: {  	_ =	shalt  }
0x63: {  	_ =	shalt  }
0x64: {  	_ =	shalt  }
0x65: {  	_ =	shalt  }
0x66: {  	_ =	shalt  }
0x67: {  	_ =	shalt  }
0x68: {  	_ =	shalt  }
0x69: {  	_ =	shalt  }
0x6a: {  	_ =	shalt  }
0x6b: {  	_ =	shalt  }
0x6c: {  	_ =	shalt  }
0x6d: {  	_ =	shalt  }
0x6e: {  	_ =	shalt  }
0x6f: {  	_ =	shalt  }
0x70: {  	_ =	shalt  }
0x71: {  	_ =	shalt  }
0x72: {  	_ =	shalt  }
0x73: {  	_ =	shalt  }
0x74: {  	_ =	shalt  }
0x75: {  	_ =	shalt  }
0x76: {  	_ =	shalt  }
0x77: {  	_ =	shalt  }
0x78: {  	_ =	shalt  }
0x79: {  	_ =	shalt  }
0x7a: {  	_ =	shalt  }
0x7b: {  	_ =	shalt  }
0x7c: {  	_ =	shalt  }
0x7d: {  	_ =	shalt  }
0x7e: {  	_ =	shalt  }
0x7f: {  	_ =	shalt  }
0x80: {  	_ =	shalt  }
0x81: {  	_ =	shalt  }
0x82: {  	_ =	shalt  }
0x83: {  	_ =	shalt  }
0x84: {  	_ =	shalt  }
0x85: {  	_ =	shalt  }
0x86: {  	_ =	shalt  }
0x87: {  	_ =	shalt  }
.Lfunc_end0:
.L_simem_size_0:
called_computation.1_lowered:
.L_overlay_start_0:
0x88: {  	s2 =	sld [smem:$0x3FD9]  }
0x89: {  	s3 =	sld [smem:$0x3FFE];
	_ =	sdelay $0x1  }
0x8a: {  	s1 =	srdreg.scid  }
0x8b: {  	s0 =	sand.u32 $0x1, s1  }
0x8c: {  	s17 =	sshll.u32 s0, $0xA;
	s2 =	sadd.s32 s3, s2  }
0x8d: {  	s2 =	sadd.s32 s2, s17  }
0x8e: {  	[smem:$0x3FC0] =	sst s2  }
0x8f: {  	_ = 	snop  }
0x90: {  	s2 =	sld [smem:$0x3FD0];
	(tm) =	ssettm $0x1  }
0x91: {  	s18 =	sld [smem:$0x3FFB];
	_ =	sdelay $0x3  }
0x92: {  	_ =	strace s18  }
0x93: {  	s3 =	sld [smem:$0x3FFC];
	_ =	sdelay $0x3  }
0x94: {  	_ =	strace s3  }
0x95: {  	s3 =	sld [smem:$0x3FFD];
	_ =	sdelay $0x3  }
0x96: {  	_ =	strace s3  }
0x97: {  	_ =	strace $0x8FFFFFFF  }
0x98: {  	s19 =	sld [smem:$0x3FDB];
	_ =	sdelay $0x1  }
0x99: {  	s4 =	simm.s32 $_scs_section_size  }
0x9a: {  	s5 =	simm.s32 $_size__tile_overlayer_lowered;
	s6 =	simm.s32 $_tile_overlayer_lowered  }
0x9b: {  	s22 =	simm.s32 $0x1BFF;
	s21 =	sshll.u32 s6, $0x1;
	s3 =	sadd.s32 s4, s19  }
0x9c: {  	s7 =	simm.s32 $0x0;
	s20 =	sshll.u32 s5, $0x1;
	s5 =	sadd.s32 s21, s3  }
0x9d: {  	[timem:s7], [sflag:s22] =	dma.local [hbm:s5], s20  }
0x9e: {  	_ =	swait.ge [sflag:s22], s20  }
0x9f: {  	s4 =	ssub.s32 $0x0, s20;
	[sflag:s22] =	ssyncset.done $0x0  }
0xa0: {  	[sflag:s22] =	ssyncadd.s32 s4;
	_ =	sdelay $0x1  }
0xa1: {  	s23 =	simm.s32 $0x1B8B  }
0xa2: {  	_ =	swait.ge [sflag:s23], $0x1  }
0xa3: {  	[sflag:s23] =	ssyncset.done $0x0  }
0xa4: {  	s25 =	simm.s32 $0x1B8E;
	s24 =	sld [smem:$0x3FFE];
	[sflag:s23] =	ssyncadd.s32 $0xFFFFFFFF  }
0xa5: {  	s26 =	simm.s32 $execute0_lowered;
	[smem:$0x3FD2] =	sst s25  }
0xa6: {  	s5 =	sshll.u32 s26, $0x1;
	_ =	strace $0x80000049;
	[dreg:$0x1] =	wrdreg $0xFFFFFFFF  }
0xa7: {  	s28 =	simm.s32 $_size_execute0_lowered;
	s3 =	sadd.s32 s3, s5;
	[dreg:$0x0] =	wrdreg $0x0  }
0xa8: {  	s5 =	sshll.u32 s28, $0x1;
	[dreg:$0x2] =	wrdreg s3  }
0xa9: {  	[dreg:$0x3] =	wrdreg s5  }
0xaa: {  	[dreg:$0x4] =	wrdreg $0xC0  }
0xab: {  	_ =	task [dreg:s7], $0x5FFFF  }
0xac: {  	[dreg:$0x1] =	wrdreg $0xFFFFFFFF  }
0xad: {  	[dreg:$0x0] =	wrdreg $0x60  }
0xae: {  	[dreg:$0x2] =	wrdreg s24  }
0xaf: {  	[dreg:$0x3] =	wrdreg s2  }
0xb0: {  	[dreg:$0x4] =	wrdreg $0xB7800  }
0xb1: {  	[dreg:$0x5] =	wrdreg $0x9  }
0xb2: {  	_ =	task.clear_ibuf [dreg:s7], $0x6FFFF;
	_ =	strace $0x90000049  }
0xb3: {  	s29 =	simm.s32 $0x9;
	_ =	strace $0x8000004B  }
0xb4: {  	_ =	swait.ge [sflag:s29], $0x1  }
0xb5: {  	[sflag:s29] =	ssyncadd.s32 $0xFFFFFFFF  }
0xb6: {  	_ =	strace $0x9000004B  }
0xb7: {  	_ =	sfence  }
0xb8: {  	s30 =	sld [smem:$0x0];
	_ =	sdelay $0x2  }
0xb9: {  	s31 =	sshll.u32 s1, $0xD;
	s1 =	sshrl.u32 s1, $0x2  }
0xba: {  	s3 =	sand.u32 $0x4000, s31;
	s1 =	sadd.s32 s1, s30  }
0xbb: {  	s0 =	sor.u32 s3, s0;
	s1 =	sshll.u32 s1, $0x11  }
0xbc: {  	s0 =	sor.u32 s1, s0  }
0xbd: {  	s0 =	sadd.s32 $0x8F2B, s0  }
0xbe: {  	[sflag:s0] =	ssyncadd.remote.s32 $0x1  }
0xbf: {  	_ =	sfence.sel $0xFFFF  }
0xc0: {  	[dreg:$0x0] =	wrdreg $0xFFFFFFFF;
	(pc) =	sbr.abs _section_cstart, $3  }
0xc1: {  	[dreg:$0x1] =	wrdreg $0xFFFFFFFF  }
0xc2: {  	_ =	task.clear_ibuf [dreg:s7], $0x2FFFF;
	_ =	strace $0x9FFFFFFF  }
0xc3: {  	(tm) =	ssettm $0x7FFFFFFF  }
tec
execute0_lowered:
.L_overlay_start_1:
0x0: {  	(tag) =	ssettag $0x1  }
0x1: {  	s1 =	srdreg.scid;
	s5 =	rddreg [dreg:$0x0]  }
0x2: {  	s0 =	stileid.u32;
	s2 =	rddreg [dreg:$0x1]  }
0x3: {  	s3 =	rddreg [dreg:$0x2];
	s4 =	simm.s32 $0x0;
	s17 =	simm.s32 $0x6780  }
0x4: {  	s18 =	simm.s32 $0x3;
	s19 =	simm.s32 $0x80;
	s20 =	simm.s32 $0x400  }
0x5: {  	s21 =	simm.s32 $0x2780;
	s22 =	simm.s32 $0x50;
	s23 =	simm.s32 $0x8F80  }
0x6: {  	s24 =	simm.s32 $0x1;
	s6 =	sand.u32 $0x1, s1;
	s10 =	smul.u32 $0x13C00, s0  }
0x7: {  	s25 =	sshll.u32 s0, $0x1;
	s26 =	sshrl.u32 s0, $0x2;
	s29 =	smul.u32 $0x4F000, s0  }
0x8: {  	[smem:$0x7FF] =	sst s4;
	s7 =	sor.u32 s6, s25;
	s8 =	smul.u32 $0x13C00, s26  }
0x9: {  	s28 =	smul.u32 $0x13C000, s6;
	_ =	strace $0x8000004A;
	s6 =	ssub.s32 $0x2, s6  }
0xa: {  	s25 =	simm.s32 $0x2;
	s26 =	simm.s32 $0x6580;
	s9 =	sshll.u32 s7, $0x7  }
0xb: {  	s7 =	sshll.u32 s7, $0xB;
	s31 =	sshrl.u32 s6, $0x1;
	s9 =	sand.u32 $0x380, s9  }
0xc: {  	s14 =	sadd.s32 s7, s5;
	s30 =	sadd.s32 s10, s28;
	s8 =	sor.u32 s8, s9  }
0xd: {  	s16 =	ssub.s32 s6, s31;
	s7 =	sshrl.u32 s30, $0x3;
	s8 =	sshrl.u32 s8, $0x3  }
0xe: {  	s14 =	sadd.s32 $0x28000, s14;
	s13 =	sadd.s32 s8, s5;
	s8 =	sshrl.u32 s29, $0x2  }
0xf: {  	s16 =	smax.u32 s16, $0x1;
	s15 =	sadd.s32 s7, s5;
	s5 =	sadd.s32 s8, s3  }
0x10: {  	s15 =	sadd.s32 $0x38000, s15;
	s13 =	sadd.s32 $0x4400, s13;
	s6 =	sadd.s32 $0x2800, s5  }
0x11: {  	s7 =	sadd.s32 $0x5000, s5;
	s8 =	sadd.s32 $0x7800, s5;
	s9 =	sadd.s32 $0xA000, s5  }
0x12: {  	v0 =	vimm.f32 $0.0e+00;
	s10 =	sadd.s32 $0xC800, s5;
	s11 =	sadd.s32 $0xF000, s5;
	s12 =	sadd.s32 $0x11800, s5  }
.LBB2_1:
0x13: {  	s28 =	simm.s32 $0x70;
	s29 =	simm.s32 $0x3C0  }
.LBB2_2:
0x14: {  	p0 =	sne.s32 s29, $0x9FC0;
	[tilespmem:s28+$0x6780] =	vst v0  }
0x15: {  	[tilespmem:s28+$0x6710] =	vst v0  }
0x16: {  	[tilespmem:s28+$0x6720] =	vst v0  }
.Ltmp0:
0x17: {  	[tilespmem:s28+$0x6730] =	vst v0;
	(pc) =	sbr.rel @p0 .LBB2_2-.Ltmp0, $4  }
0x18: {  	[tilespmem:s28+$0x6740] =	vst v0  }
0x19: {  	[tilespmem:s28+$0x6750] =	vst v0  }
0x1a: {  	[tilespmem:s28+$0x6760] =	vst v0  }
0x1b: {  	[tilespmem:s28+$0x6770] =	vst v0;
	s28 =	sshra.s32 s29, $0x2;
	s29 =	sadd.s32 $0x200, s29  }
0x1c: {  	[tilespmem:s28+$0x6780] =	vst v0  }
0x1d: {  	[tilespmem:s28+$0x6710] =	vst v0  }
0x1e: {  	[tilespmem:s28+$0x6720] =	vst v0  }
0x1f: {  	[tilespmem:s28+$0x6730] =	vst v0  }
0x20: {  	[tilespmem:s28+$0x6740] =	vst v0  }
0x21: {  	[tilespmem:s28+$0x6750] =	vst v0  }
0x22: {  	[tilespmem:s28+$0x6760] =	vst v0  }
0x23: {  	[tilespmem:s28+$0x6770] =	vst v0  }
0x24: {  	[spmem:s5] =	stream.linear.scatter [tilespmem:s17], [sflag:$0x3], $0x2800, $0x38;
	[tilespmem:$0x1F380] =	vst v63  }
0x25: {  	_ =	swait.ge [sflag:s18], $0x2800  }
0x26: {  	[sflag:s18] =	ssyncset.done $0x0  }
0x27: {  	[sflag:s18] =	ssyncadd.s32 $0xFFFFD800  }
0x28: {  	[spmem:s6] =	stream.linear.scatter [tilespmem:s17], [sflag:$0x3], $0x2800, $0x38;
	[tilespmem:$0x1F380] =	vst v63  }
0x29: {  	_ =	swait.ge [sflag:s18], $0x2800  }
0x2a: {  	[sflag:s18] =	ssyncset.done $0x0  }
0x2b: {  	[sflag:s18] =	ssyncadd.s32 $0xFFFFD800  }
0x2c: {  	[spmem:s7] =	stream.linear.scatter [tilespmem:s17], [sflag:$0x3], $0x2800, $0x38;
	[tilespmem:$0x1F380] =	vst v63  }
0x2d: {  	_ =	swait.ge [sflag:s18], $0x2800  }
0x2e: {  	[sflag:s18] =	ssyncset.done $0x0  }
0x2f: {  	[sflag:s18] =	ssyncadd.s32 $0xFFFFD800  }
0x30: {  	[spmem:s8] =	stream.linear.scatter [tilespmem:s17], [sflag:$0x3], $0x2800, $0x38;
	[tilespmem:$0x1F380] =	vst v63  }
0x31: {  	_ =	swait.ge [sflag:s18], $0x2800  }
0x32: {  	[sflag:s18] =	ssyncset.done $0x0  }
0x33: {  	[sflag:s18] =	ssyncadd.s32 $0xFFFFD800  }
0x34: {  	[spmem:s9] =	stream.linear.scatter [tilespmem:s17], [sflag:$0x3], $0x2800, $0x38;
	[tilespmem:$0x1F380] =	vst v63  }
0x35: {  	_ =	swait.ge [sflag:s18], $0x2800  }
0x36: {  	[sflag:s18] =	ssyncset.done $0x0  }
0x37: {  	[sflag:s18] =	ssyncadd.s32 $0xFFFFD800  }
0x38: {  	[spmem:s10] =	stream.linear.scatter [tilespmem:s17], [sflag:$0x3], $0x2800, $0x38;
	[tilespmem:$0x1F380] =	vst v63  }
0x39: {  	_ =	swait.ge [sflag:s18], $0x2800  }
0x3a: {  	[sflag:s18] =	ssyncset.done $0x0  }
0x3b: {  	[sflag:s18] =	ssyncadd.s32 $0xFFFFD800  }
0x3c: {  	[spmem:s11] =	stream.linear.scatter [tilespmem:s17], [sflag:$0x3], $0x2800, $0x38;
	[tilespmem:$0x1F380] =	vst v63  }
0x3d: {  	_ =	swait.ge [sflag:s18], $0x2800  }
0x3e: {  	[sflag:s18] =	ssyncset.done $0x0  }
0x3f: {  	[sflag:s18] =	ssyncadd.s32 $0xFFFFD800  }
0x40: {  	[spmem:s12] =	stream.linear.scatter [tilespmem:s17], [sflag:$0x3], $0x2400, $0x38;
	[tilespmem:$0x1F380] =	vst v63  }
0x41: {  	_ =	swait.ge [sflag:s18], $0x2400  }
0x42: {  	[sflag:s18] =	ssyncset.done $0x0  }
0x43: {  	s28 =	simm.s32 $0x0;
	[sflag:s18] =	ssyncadd.s32 $0xFFFFDC00  }
0x44: {  	[tilespmem:s28], [sflag:$0x3] =	stream.strided.gather [hbm4b:s13+s19], $0x2780, s20, s19, $0x38;
	[tilespmem:$0x1F380] =	vst v63  }
0x45: {  	_ =	swait.ge [sflag:s18], $0x2780  }
0x46: {  	[sflag:s18] =	ssyncset.done $0x0  }
0x47: {  	[sflag:s18] =	ssyncadd.s32 $0xFFFFD880  }
0x48: {  	[tilespmem:s21], [sflag:$0x3] =	stream.linear.gather [hbm4b:s14+s28], $0x3E80, $0x38;
	[tilespmem:$0x1F380] =	vst v63  }
0x49: {  	_ =	swait.ge [sflag:s18], $0x3E80  }
0x4a: {  	[sflag:s18] =	ssyncset.done $0x0  }
0x4b: {  	[sflag:s18] =	ssyncadd.s32 $0xFFFFC180  }
0x4c: {  	[bflag:$0x0] =	sbarrier.arrive $0xFFFF  }
0x4d: {  	[tilespmem:s17], [sflag:$0x1] =	stream.indirect.gather [hbm4b:s2+s22], $0x80, s28, s22, $0xb8;
	[tilespmem:$0x1F380] =	vst v63  }
0x4e: {  	s28 =	simm.s32 $0x50  }
0x4f: {  	[tilespmem:s23], [sflag:$0x2] =	stream.indirect.gather [hbm4b:s2+s22], $0x80, s28, s22, $0xb8;
	[tilespmem:$0x1F380] =	vst v63  }
0x50: {  	_ =	swait.ge [sflag:s24], $0x2800  }
0x51: {  	[sflag:s24] =	ssyncset.done $0x0  }
0x52: {  	s28 =	simm.s32 $0x2780;
	[sflag:s24] =	ssyncadd.s32 $0xFFFFD800  }
0x53: {  	[spmem:s3] =	stream.indirect.scatter.add.f32 [tilespmem:s17], [sflag:$0x3], $0x80, s28, s22, $0xb8;
	[tilespmem:$0x1F380] =	vst v63  }
0x54: {  	_ =	swait.ge [sflag:s18], $0x2800  }
0x55: {  	[sflag:s18] =	ssyncset.done $0x0  }
0x56: {  	s28 =	simm.s32 $0xA0;
	[sflag:s18] =	ssyncadd.s32 $0xFFFFD800  }
0x57: {  	[tilespmem:s17], [sflag:$0x1] =	stream.indirect.gather [hbm4b:s2+s22], $0x80, s28, s22, $0xb8;
	[tilespmem:$0x1F380] =	vst v63  }
0x58: {  	_ =	swait.ge [sflag:s25], $0x2800  }
0x59: {  	[sflag:s25] =	ssyncset.done $0x0  }
0x5a: {  	s28 =	simm.s32 $0x2800;
	[sflag:s25] =	ssyncadd.s32 $0xFFFFD800  }
0x5b: {  	[spmem:s3] =	stream.indirect.scatter.add.f32 [tilespmem:s23], [sflag:$0x3], $0x80, s28, s22, $0xb8;
	[tilespmem:$0x1F380] =	vst v63  }
0x5c: {  	s29 =	simm.s32 $0x400;
	_ =	swait.ge [sflag:s18], $0x2800  }
0x5d: {  	s30 =	simm.s32 $0x800;
	s28 =	simm.s32 $0x140;
	[sflag:s18] =	ssyncset.done $0x0  }
.LBB2_4:
0x5e: {  	p0 =	sne.s32 s30, $0xF400;
	s31 =	sadd.s32 $0xFFFFFFB0, s28;
	[sflag:s18] =	ssyncadd.s32 $0xFFFFD800  }
0x5f: {  	[tilespmem:s23], [sflag:$0x2] =	stream.indirect.gather [hbm4b:s2+s22], $0x80, s31, s22, $0xb8;
	[tilespmem:$0x1F380] =	vst v63  }
0x60: {  	s31 =	smov.u32 s30;
	s30 =	sadd.s32 $0x400, s30;
	_ =	swait.ge [sflag:s24], $0x2800  }
0x61: {  	s1 =	sshra.s32 s29, $0x2;
	s29 =	smov.u32 s31;
	[sflag:s24] =	ssyncset.done $0x0  }
0x62: {  	s31 =	sadd.s32 $0x2780, s1;
	[sflag:s24] =	ssyncadd.s32 $0xFFFFD800  }
0x63: {  	[spmem:s3] =	stream.indirect.scatter.add.f32 [tilespmem:s17], [sflag:$0x3], $0x80, s31, s22, $0xb8;
	[tilespmem:$0x1F380] =	vst v63  }
0x64: {  	_ =	swait.ge [sflag:s18], $0x2800  }
0x65: {  	[sflag:s18] =	ssyncset.done $0x0  }
0x66: {  	[sflag:s18] =	ssyncadd.s32 $0xFFFFD800  }
0x67: {  	[tilespmem:s17], [sflag:$0x1] =	stream.indirect.gather [hbm4b:s2+s22], $0x80, s28, s22, $0xb8;
	[tilespmem:$0x1F380] =	vst v63  }
0x68: {  	_ =	swait.ge [sflag:s25], $0x2800  }
.Ltmp1:
0x69: {  	[sflag:s25] =	ssyncset.done $0x0;
	(pc) =	sbr.rel @p0 .LBB2_4-.Ltmp1, $4  }
0x6a: {  	s1 =	sadd.s32 $0x2800, s1;
	[sflag:s25] =	ssyncadd.s32 $0xFFFFD800  }
0x6b: {  	[spmem:s3] =	stream.indirect.scatter.add.f32 [tilespmem:s23], [sflag:$0x3], $0x80, s1, s22, $0xb8;
	[tilespmem:$0x1F380] =	vst v63  }
0x6c: {  	_ =	swait.ge [sflag:s18], $0x2800  }
0x6d: {  	s28 =	sadd.s32 $0xA0, s28;
	[sflag:s18] =	ssyncset.done $0x0  }
0x6e: {  	s1 =	sadd.s32 $0xFFFFFFB0, s28;
	[sflag:s18] =	ssyncadd.s32 $0xFFFFD800  }
0x6f: {  	[tilespmem:s23], [sflag:$0x2] =	stream.indirect.gather [hbm4b:s2+s22], $0x80, s1, s22, $0xb8;
	[tilespmem:$0x1F380] =	vst v63  }
0x70: {  	_ =	swait.ge [sflag:s24], $0x2800  }
0x71: {  	s31 =	sshra.s32 s29, $0x2;
	[sflag:s24] =	ssyncset.done $0x0  }
0x72: {  	s29 =	sadd.s32 $0x2780, s31;
	[sflag:s24] =	ssyncadd.s32 $0xFFFFD800  }
0x73: {  	[spmem:s3] =	stream.indirect.scatter.add.f32 [tilespmem:s17], [sflag:$0x3], $0x80, s29, s22, $0xb8;
	[tilespmem:$0x1F380] =	vst v63  }
0x74: {  	_ =	swait.ge [sflag:s18], $0x2800  }
0x75: {  	[sflag:s18] =	ssyncset.done $0x0  }
0x76: {  	[sflag:s18] =	ssyncadd.s32 $0xFFFFD800  }
0x77: {  	[tilespmem:s17], [sflag:$0x1] =	stream.indirect.gather [hbm4b:s2+s22], $0x80, s28, s22, $0xb8;
	[tilespmem:$0x1F380] =	vst v63  }
0x78: {  	_ =	swait.ge [sflag:s25], $0x2800  }
0x79: {  	[sflag:s25] =	ssyncset.done $0x0  }
0x7a: {  	s1 =	sadd.s32 $0x2800, s31;
	[sflag:s25] =	ssyncadd.s32 $0xFFFFD800  }
0x7b: {  	[spmem:s3] =	stream.indirect.scatter.add.f32 [tilespmem:s23], [sflag:$0x3], $0x80, s1, s22, $0xb8;
	[tilespmem:$0x1F380] =	vst v63  }
0x7c: {  	_ =	swait.ge [sflag:s18], $0x2800  }
0x7d: {  	[sflag:s18] =	ssyncset.done $0x0  }
0x7e: {  	[sflag:s18] =	ssyncadd.s32 $0xFFFFD800  }
0x7f: {  	_ =	swait.ge [sflag:s24], $0x2800  }
0x80: {  	[sflag:s24] =	ssyncset.done $0x0  }
0x81: {  	[sflag:s24] =	ssyncadd.s32 $0xFFFFD800  }
0x82: {  	[spmem:s3] =	stream.indirect.scatter.add.f32 [tilespmem:s17], [sflag:$0x3], $0x80, s26, s22, $0xb8;
	[tilespmem:$0x1F380] =	vst v63  }
0x83: {  	_ =	swait.ge [sflag:s18], $0x2800  }
0x84: {  	s30 =	sshll.u32 s0, $0x6;
	s4 =	sadd.s32 $0x1, s4;
	[sflag:s18] =	ssyncset.done $0x0  }
0x85: {  	s31 =	sshrl.u32 s5, $0x3;
	p0 =	sne.s32 s4, s16;
	[sflag:s18] =	ssyncadd.s32 $0xFFFFD800  }
.Ltmp2:
0x86: {  	s1 =	sor.u32 $0x1C03, s30;
	[bflag:$0x0] =	sbarrier.arrive $0xFFFF;
	(pc) =	sbr.rel @p0 .LBB2_1-.Ltmp2, $4  }
0x87: {  	[hbm:s15], [sflag:s1] =	dma.local [spmem:s31], $0x2780  }
0x88: {  	_ =	swait.ge [sflag:s18], $0x2780  }
0x89: {  	[sflag:s18] =	ssyncset.done $0x0  }
0x8a: {  	[sflag:s18] =	ssyncadd.s32 $0xFFFFD880  }
0x8b: {  	_ =	sfence.sel $0x180000  }
0x8c: {  	[bflag:$0x0] =	sbarrier.arrive $0xFFFF  }
0x8d: {  	_ =	strace $0x9000004A  }
0x8e: {  	[bflag:$0x2] =	sbarrier.arrive $0xFFFF  }
0x8f: {  	p0 =	sne.s32 s0, $0x0;
	s0 =	rddreg [dreg:$0x3]  }
0x90: {  	s0 =	sadd.s32 @!p0 $0x100000, s0  }
0x91: {  	[sflag:s0] =	ssyncadd.tile.s32 @!p0 $0x1;
	_ =	shalt  }
.Lfunc_end2:
_tile_overlayer_lowered:
.L_overlay_start_2:
0x92: {  	(tag) =	ssettag $0x2  }
0x93: {  	s0 =	rddreg [dreg:$0x0];
	s2 =	stileid.u32  }
0x94: {  	s1 =	rddreg [dreg:$0x1];
	p0 =	sne.s32 s2, $0x0  }
0x95: {  	s3 =	rddreg [dreg:$0x2];
	[bflag:$0x3] =	sbarrier.arrive $0xFFFF;
	s2 =	simm.s32 @!p0 $0x1C03  }
0x96: {  	[timem:s3], [sflag:s2] =	dma.local @!p0 [hbm:s0], s1  }
0x97: {  	s0 =	simm.s32 @!p0 $0x3  }
0x98: {  	_ =	swait.ge @!p0 [sflag:s0], s1  }
0x99: {  	s1 =	ssub.s32 @!p0 $0x0, s1;
	[sflag:s0] =	ssyncset.done @!p0 $0x0  }
0x9a: {  	[sflag:s0] =	ssyncadd.s32 @!p0 s1  }
0x9b: {  	[bflag:$0x3] =	sbarrier.arrive $0xFFFF  }
0x9c: {  	_ =	shalt  }

// kernel: kernel.19.cloned.1.call-start
scs
__scs_entry_jumppad:
0x0: {  	(pc) =	sbr.rel $0x88, $3  }
0x1: {  	(tag) =	ssettag $0x0;
	lr =	simm.s32 $0x1  }
0x2: {  	[smem:$0x3F99] =	sst lr;
	_ =	strace $0xD0000000  }
0x3: {  	_ = 	snop  }
0x4: {  	_ = 	snop  }
0x5: {  	_ = 	snop  }
0x6: {  	_ = 	snop  }
0x7: {  	_ = 	snop  }
__scs_overlays_trampoline_lowered:
0x8: {  	[smem:$0x3FA8] =	sst s0  }
0x9: {  	[smem:$0x3FA9] =	sst s1  }
0xa: {  	[smem:$0x3FAA] =	sst s2  }
0xb: {  	[smem:$0x3FAB] =	sst s3  }
0xc: {  	[smem:$0x3FAC] =	sst s4  }
0xd: {  	[smem:$0x3FAD] =	sst s5  }
0xe: {  	[smem:$0x3FAE] =	sst s6  }
0xf: {  	[smem:$0x3FAF] =	sst s7  }
0x10: {  	[smem:$0x3FB0] =	sst s8  }
0x11: {  	[smem:$0x3FB1] =	sst s9;
	s0 =	simm.s32 @!p0 $0x0  }
0x12: {  	s1 =	sld [smem:$0x3F97];
	s0 =	simm.s32 @p0 $0x1  }
0x13: {  	[smem:$0x3FB2] =	sst s0;
	s0 =	simm.s32 @!p1 $0x0  }
0x14: {  	s2 =	sld [smem:$0x3F96];
	s0 =	simm.s32 @p1 $0x1  }
0x15: {  	[smem:$0x3FB3] =	sst s0;
	s0 =	simm.s32 @!p2 $0x0  }
0x16: {  	s3 =	sld [smem:$0x3FDB];
	s0 =	simm.s32 @p2 $0x1  }
0x17: {  	s4 =	simm.s32 $0x1BF5;
	[smem:$0x3FB5] =	sst s0  }
0x18: {  	s0 =	sld [smem:$0x3F98];
	_ =	swait.ge [sflag:s4], $0x0  }
0x19: {  	s7 =	sld [smem:$0x3F99]  }
0x1a: {  	s8 =	sadd.s32 $0xFFFFE003, lr  }
0x1b: {  	s9 =	sadd.s32 $0xFFFFFEF7, lr;
	s5 =	simm.s32 $0xFFFFFFFF;
	p2 =	slt.u32 s8, $0xFFFFF086  }
0x1c: {  	p1 =	slt.u32 s9, $0xF7A;
	s5 =	simm.s32 @!p2 $0x0  }
0x1d: {  	s5 =	simm.s32 @p1 $0x1;
	p0 =	seq.s32 s7, s2  }
0x1e: {  	s7 =	smul.u32 @!p0 $0xF7A, s2;
	p2 =	seq.s32 @!p0 s5, $0x0  }
0x1f: {  	s9 =	smul.u32 $0xF7A, s1;
	s8 =	simm.s32 @!p0 $0x1BF5;
	p2 =	por !p2, p0  }
0x20: {  	[sflag:s8] =	ssyncset.s32 @!p0 $0xFFFFF086;
	s6 =	sadd.s32 @!p0 s3, s7;
	s7 =	simm.s32 @!p0 $0x108  }
0x21: {  	s3 =	sadd.s32 s3, s9;
	s6 =	sadd.s32 @!p0 $0x88, s6;
	s7 =	simm.s32 @p2 $0x1082  }
0x22: {  	[simem:s7], [sflag:s8] =	dma.local @!p0 [hbm:s6], $0xF7A  }
0x23: {  	s9 =	sor.u32 $0xD0000000, s2;
	s6 =	simm.s32 $0x108;
	_ =	swait.ge @!p0 [sflag:s8], $0x0  }
0x24: {  	s3 =	sadd.s32 $0x88, s3;
	s6 =	simm.s32 @!p1 $0x1082;
	[sflag:s4] =	ssyncset.s32 $0xFFFFF086  }
0x25: {  	[simem:s6], [sflag:s4] =	dma.local [hbm:s3], $0xF7A  }
0x26: {  	[smem:$0x3F99] =	sst s1;
	(tag) =	ssettag s2;
	_ =	strace s9  }
0x27: {  	s1 =	sld [smem:$0x3FA9]  }
0x28: {  	s2 =	sld [smem:$0x3FAA]  }
0x29: {  	s4 =	sld [smem:$0x3FAC]  }
0x2a: {  	p0 =	seq.s32 s5, $0x0;
	s5 =	sld [smem:$0x3FAD]  }
0x2b: {  	s6 =	sld [smem:$0x3FAE]  }
0x2c: {  	s7 =	sld [smem:$0x3FAF]  }
0x2d: {  	s3 =	simm.s32 $0x108;
	s8 =	sld [smem:$0x3FB0]  }
0x2e: {  	s3 =	simm.s32 @!p0 $0x1082;
	s9 =	sld [smem:$0x3FB1]  }
0x2f: {  	lr =	sadd.s32 s0, s3;
	s0 =	sld [smem:$0x3FA8]  }
0x30: {  	s3 =	sld [smem:$0x3FAB]  }
0x31: {  	[smem:$0x3FB4] =	sst s10  }
0x32: {  	s10 =	sld [smem:$0x3FB2];
	_ =	sdelay $0x3  }
0x33: {  	p0 =	seq.s32 s10, $0x1;
	s10 =	sld [smem:$0x3FB4];
	_ =	sdelay $0x3  }
0x34: {  	[smem:$0x3FB4] =	sst s10  }
0x35: {  	s10 =	sld [smem:$0x3FB3];
	_ =	sdelay $0x3  }
0x36: {  	p1 =	seq.s32 s10, $0x1;
	s10 =	sld [smem:$0x3FB4];
	_ =	sdelay $0x3  }
0x37: {  	[smem:$0x3FB4] =	sst s10  }
0x38: {  	s10 =	sld [smem:$0x3FB5]  }
0x39: {  	_ = 	snop;
	(pc) =	sbr.ind lr, $3  }
0x3a: {  	_ = 	snop  }
0x3b: {  	_ = 	snop  }
0x3c: {  	p2 =	seq.s32 s10, $0x1;
	s10 =	sld [smem:$0x3FB4]  }
0x3d: {  	_ =	shalt  }
0x3e: {  	_ =	shalt  }
0x3f: {  	_ =	shalt  }
0x40: {  	_ =	shalt  }
0x41: {  	_ =	shalt  }
0x42: {  	_ =	shalt  }
0x43: {  	_ =	shalt  }
0x44: {  	_ =	shalt  }
0x45: {  	_ =	shalt  }
0x46: {  	_ =	shalt  }
0x47: {  	_ =	shalt  }
0x48: {  	_ =	shalt  }
0x49: {  	_ =	shalt  }
0x4a: {  	_ =	shalt  }
0x4b: {  	_ =	shalt  }
0x4c: {  	_ =	shalt  }
0x4d: {  	_ =	shalt  }
0x4e: {  	_ =	shalt  }
0x4f: {  	_ =	shalt  }
0x50: {  	_ =	shalt  }
0x51: {  	_ =	shalt  }
0x52: {  	_ =	shalt  }
0x53: {  	_ =	shalt  }
0x54: {  	_ =	shalt  }
0x55: {  	_ =	shalt  }
0x56: {  	_ =	shalt  }
0x57: {  	_ =	shalt  }
0x58: {  	_ =	shalt  }
0x59: {  	_ =	shalt  }
0x5a: {  	_ =	shalt  }
0x5b: {  	_ =	shalt  }
0x5c: {  	_ =	shalt  }
0x5d: {  	_ =	shalt  }
0x5e: {  	_ =	shalt  }
0x5f: {  	_ =	shalt  }
0x60: {  	_ =	shalt  }
0x61: {  	_ =	shalt  }
0x62: {  	_ =	shalt  }
0x63: {  	_ =	shalt  }
0x64: {  	_ =	shalt  }
0x65: {  	_ =	shalt  }
0x66: {  	_ =	shalt  }
0x67: {  	_ =	shalt  }
0x68: {  	_ =	shalt  }
0x69: {  	_ =	shalt  }
0x6a: {  	_ =	shalt  }
0x6b: {  	_ =	shalt  }
0x6c: {  	_ =	shalt  }
0x6d: {  	_ =	shalt  }
0x6e: {  	_ =	shalt  }
0x6f: {  	_ =	shalt  }
0x70: {  	_ =	shalt  }
0x71: {  	_ =	shalt  }
0x72: {  	_ =	shalt  }
0x73: {  	_ =	shalt  }
0x74: {  	_ =	shalt  }
0x75: {  	_ =	shalt  }
0x76: {  	_ =	shalt  }
0x77: {  	_ =	shalt  }
0x78: {  	_ =	shalt  }
0x79: {  	_ =	shalt  }
0x7a: {  	_ =	shalt  }
0x7b: {  	_ =	shalt  }
0x7c: {  	_ =	shalt  }
0x7d: {  	_ =	shalt  }
0x7e: {  	_ =	shalt  }
0x7f: {  	_ =	shalt  }
0x80: {  	_ =	shalt  }
0x81: {  	_ =	shalt  }
0x82: {  	_ =	shalt  }
0x83: {  	_ =	shalt  }
0x84: {  	_ =	shalt  }
0x85: {  	_ =	shalt  }
0x86: {  	_ =	shalt  }
0x87: {  	_ =	shalt  }
.Lfunc_end0:
.L_simem_size_0:
called_computation.2_lowered:
.L_overlay_start_0:
0x88: {  	s2 =	sld [smem:$0x3FD9]  }
0x89: {  	s3 =	sld [smem:$0x3FFE];
	_ =	sdelay $0x1  }
0x8a: {  	s1 =	srdreg.scid  }
0x8b: {  	s0 =	sand.u32 $0x1, s1  }
0x8c: {  	s17 =	sshll.u32 s0, $0xA;
	s2 =	sadd.s32 s3, s2  }
0x8d: {  	s2 =	sadd.s32 s2, s17  }
0x8e: {  	[smem:$0x3FC0] =	sst s2  }
0x8f: {  	_ = 	snop  }
0x90: {  	s2 =	sld [smem:$0x3FD0];
	(tm) =	ssettm $0x1  }
0x91: {  	s18 =	sld [smem:$0x3FFB];
	_ =	sdelay $0x3  }
0x92: {  	_ =	strace s18  }
0x93: {  	s3 =	sld [smem:$0x3FFC];
	_ =	sdelay $0x3  }
0x94: {  	_ =	strace s3  }
0x95: {  	s3 =	sld [smem:$0x3FFD];
	_ =	sdelay $0x3  }
0x96: {  	_ =	strace s3  }
0x97: {  	_ =	strace $0x8FFFFFFF  }
0x98: {  	s19 =	sld [smem:$0x3FDB];
	_ =	sdelay $0x1  }
0x99: {  	s4 =	simm.s32 $_scs_section_size  }
0x9a: {  	s5 =	simm.s32 $_size__tile_overlayer_lowered;
	s6 =	simm.s32 $_tile_overlayer_lowered  }
0x9b: {  	s22 =	simm.s32 $0x1BFF;
	s21 =	sshll.u32 s6, $0x1;
	s3 =	sadd.s32 s4, s19  }
0x9c: {  	s7 =	simm.s32 $0x0;
	s20 =	sshll.u32 s5, $0x1;
	s5 =	sadd.s32 s21, s3  }
0x9d: {  	[timem:s7], [sflag:s22] =	dma.local [hbm:s5], s20  }
0x9e: {  	_ =	swait.ge [sflag:s22], s20  }
0x9f: {  	s4 =	ssub.s32 $0x0, s20;
	[sflag:s22] =	ssyncset.done $0x0  }
0xa0: {  	[sflag:s22] =	ssyncadd.s32 s4;
	_ =	sdelay $0x1  }
0xa1: {  	s23 =	simm.s32 $0x1B8B  }
0xa2: {  	_ =	swait.ge [sflag:s23], $0x1  }
0xa3: {  	[sflag:s23] =	ssyncset.done $0x0  }
0xa4: {  	s25 =	simm.s32 $0x1B8E;
	s24 =	sld [smem:$0x3FFE];
	[sflag:s23] =	ssyncadd.s32 $0xFFFFFFFF  }
0xa5: {  	s26 =	simm.s32 $execute0_lowered;
	[smem:$0x3FD2] =	sst s25  }
0xa6: {  	s5 =	sshll.u32 s26, $0x1;
	_ =	strace $0x8000004C;
	[dreg:$0x1] =	wrdreg $0xFFFFFFFF  }
0xa7: {  	s28 =	simm.s32 $_size_execute0_lowered;
	s3 =	sadd.s32 s3, s5;
	[dreg:$0x0] =	wrdreg $0x0  }
0xa8: {  	s5 =	sshll.u32 s28, $0x1;
	[dreg:$0x2] =	wrdreg s3  }
0xa9: {  	[dreg:$0x3] =	wrdreg s5  }
0xaa: {  	[dreg:$0x4] =	wrdreg $0xC0  }
0xab: {  	_ =	task [dreg:s7], $0x5FFFF  }
0xac: {  	[dreg:$0x1] =	wrdreg $0xFFFFFFFF  }
0xad: {  	[dreg:$0x0] =	wrdreg $0x60  }
0xae: {  	[dreg:$0x2] =	wrdreg s24  }
0xaf: {  	[dreg:$0x3] =	wrdreg s2  }
0xb0: {  	[dreg:$0x4] =	wrdreg $0xB7800  }
0xb1: {  	[dreg:$0x5] =	wrdreg $0x9  }
0xb2: {  	_ =	task.clear_ibuf [dreg:s7], $0x6FFFF;
	_ =	strace $0x9000004C  }
0xb3: {  	s29 =	simm.s32 $0x9;
	_ =	strace $0x8000004E  }
0xb4: {  	_ =	swait.ge [sflag:s29], $0x1  }
0xb5: {  	[sflag:s29] =	ssyncadd.s32 $0xFFFFFFFF  }
0xb6: {  	_ =	strace $0x9000004E  }
0xb7: {  	_ =	sfence  }
0xb8: {  	s30 =	sld [smem:$0x0];
	_ =	sdelay $0x2  }
0xb9: {  	s31 =	sshll.u32 s1, $0xD;
	s1 =	sshrl.u32 s1, $0x2  }
0xba: {  	s3 =	sand.u32 $0x4000, s31;
	s1 =	sadd.s32 s1, s30  }
0xbb: {  	s0 =	sor.u32 s3, s0;
	s1 =	sshll.u32 s1, $0x11  }
0xbc: {  	s0 =	sor.u32 s1, s0  }
0xbd: {  	s0 =	sadd.s32 $0x8F2B, s0  }
0xbe: {  	[sflag:s0] =	ssyncadd.remote.s32 $0x1  }
0xbf: {  	_ =	sfence.sel $0xFFFF  }
0xc0: {  	[dreg:$0x0] =	wrdreg $0xFFFFFFFF;
	(pc) =	sbr.abs _section_cstart, $3  }
0xc1: {  	[dreg:$0x1] =	wrdreg $0xFFFFFFFF  }
0xc2: {  	_ =	task.clear_ibuf [dreg:s7], $0x2FFFF;
	_ =	strace $0x9FFFFFFF  }
0xc3: {  	(tm) =	ssettm $0x7FFFFFFF  }
tec
execute0_lowered:
.L_overlay_start_1:
0x0: {  	(tag) =	ssettag $0x1  }
0x1: {  	s4 =	rddreg [dreg:$0x0]  }
0x2: {  	s15 =	rddreg [dreg:$0x1]  }
0x3: {  	s1 =	srdreg.scid;
	s0 =	stileid.u32  }
0x4: {  	s2 =	rddreg [dreg:$0x2];
	s19 =	simm.s32 $0x80;
	s20 =	simm.s32 $0x400  }
0x5: {  	s21 =	simm.s32 $0x2780;
	s22 =	simm.s32 $0x50;
	s23 =	simm.s32 $0x8F80  }
0x6: {  	s24 =	simm.s32 $0x1;
	s25 =	simm.s32 $0x2;
	s26 =	simm.s32 $0x6580  }
0x7: {  	s6 =	sand.u32 $0x1, s1;
	s3 =	sshll.u32 s0, $0x1;
	s29 =	smul.u32 $0x4F000, s0  }
0x8: {  	s7 =	sshrl.u32 s0, $0x2;
	s18 =	smul.u32 $0x13C00, s0;
	s5 =	sor.u32 s6, s3  }
0x9: {  	s3 =	simm.s32 $0x0;
	s7 =	smul.u32 $0x13C00, s7;
	s30 =	ssub.s32 $0x2, s6  }
0xa: {  	s17 =	smul.u32 $0x13C000, s6;
	s8 =	sshll.u32 s5, $0x7;
	[smem:$0x7FF] =	sst s3  }
0xb: {  	s5 =	sshll.u32 s5, $0xB;
	s31 =	sshrl.u32 s30, $0x1;
	s8 =	sand.u32 $0x380, s8  }
0xc: {  	_ =	strace $0x8000004D;
	s14 =	sadd.s32 s5, s4;
	s16 =	ssub.s32 s30, s31  }
0xd: {  	s17 =	sadd.s32 s18, s17;
	s18 =	simm.s32 $0x3;
	s7 =	sor.u32 s7, s8  }
0xe: {  	s8 =	sshrl.u32 s29, $0x2;
	s14 =	sadd.s32 $0x28000, s14;
	s17 =	sshrl.u32 s17, $0x3  }
0xf: {  	s16 =	smax.u32 s16, $0x1;
	s7 =	sshrl.u32 s7, $0x3;
	s5 =	sadd.s32 s8, s2  }
0x10: {  	s15 =	sadd.s32 s15, s17;
	s17 =	simm.s32 $0x6780;
	s13 =	sadd.s32 s7, s4  }
0x11: {  	s4 =	sadd.s32 $0x87000, s4;
	s6 =	sadd.s32 $0x2800, s5;
	s7 =	sadd.s32 $0x5000, s5  }
0x12: {  	s8 =	sadd.s32 $0x7800, s5;
	s9 =	sadd.s32 $0xA000, s5;
	s10 =	sadd.s32 $0xC800, s5  }
0x13: {  	v0 =	vimm.f32 $0.0e+00;
	s11 =	sadd.s32 $0xF000, s5;
	s12 =	sadd.s32 $0x11800, s5;
	s13 =	sadd.s32 $0x4400, s13  }
.LBB2_1:
0x14: {  	s28 =	simm.s32 $0x70;
	s29 =	simm.s32 $0x3C0  }
.LBB2_2:
0x15: {  	p0 =	sne.s32 s29, $0x9FC0;
	[tilespmem:s28+$0x6780] =	vst v0  }
0x16: {  	[tilespmem:s28+$0x6710] =	vst v0  }
0x17: {  	[tilespmem:s28+$0x6720] =	vst v0  }
.Ltmp0:
0x18: {  	[tilespmem:s28+$0x6730] =	vst v0;
	(pc) =	sbr.rel @p0 .LBB2_2-.Ltmp0, $4  }
0x19: {  	[tilespmem:s28+$0x6740] =	vst v0  }
0x1a: {  	[tilespmem:s28+$0x6750] =	vst v0  }
0x1b: {  	[tilespmem:s28+$0x6760] =	vst v0  }
0x1c: {  	[tilespmem:s28+$0x6770] =	vst v0;
	s28 =	sshra.s32 s29, $0x2;
	s29 =	sadd.s32 $0x200, s29  }
0x1d: {  	[tilespmem:s28+$0x6780] =	vst v0  }
0x1e: {  	[tilespmem:s28+$0x6710] =	vst v0  }
0x1f: {  	[tilespmem:s28+$0x6720] =	vst v0  }
0x20: {  	[tilespmem:s28+$0x6730] =	vst v0  }
0x21: {  	[tilespmem:s28+$0x6740] =	vst v0  }
0x22: {  	[tilespmem:s28+$0x6750] =	vst v0  }
0x23: {  	[tilespmem:s28+$0x6760] =	vst v0  }
0x24: {  	[tilespmem:s28+$0x6770] =	vst v0  }
0x25: {  	[spmem:s5] =	stream.linear.scatter [tilespmem:s17], [sflag:$0x3], $0x2800, $0x38;
	[tilespmem:$0x1F380] =	vst v63  }
0x26: {  	_ =	swait.ge [sflag:s18], $0x2800  }
0x27: {  	[sflag:s18] =	ssyncset.done $0x0  }
0x28: {  	[sflag:s18] =	ssyncadd.s32 $0xFFFFD800  }
0x29: {  	[spmem:s6] =	stream.linear.scatter [tilespmem:s17], [sflag:$0x3], $0x2800, $0x38;
	[tilespmem:$0x1F380] =	vst v63  }
0x2a: {  	_ =	swait.ge [sflag:s18], $0x2800  }
0x2b: {  	[sflag:s18] =	ssyncset.done $0x0  }
0x2c: {  	[sflag:s18] =	ssyncadd.s32 $0xFFFFD800  }
0x2d: {  	[spmem:s7] =	stream.linear.scatter [tilespmem:s17], [sflag:$0x3], $0x2800, $0x38;
	[tilespmem:$0x1F380] =	vst v63  }
0x2e: {  	_ =	swait.ge [sflag:s18], $0x2800  }
0x2f: {  	[sflag:s18] =	ssyncset.done $0x0  }
0x30: {  	[sflag:s18] =	ssyncadd.s32 $0xFFFFD800  }
0x31: {  	[spmem:s8] =	stream.linear.scatter [tilespmem:s17], [sflag:$0x3], $0x2800, $0x38;
	[tilespmem:$0x1F380] =	vst v63  }
0x32: {  	_ =	swait.ge [sflag:s18], $0x2800  }
0x33: {  	[sflag:s18] =	ssyncset.done $0x0  }
0x34: {  	[sflag:s18] =	ssyncadd.s32 $0xFFFFD800  }
0x35: {  	[spmem:s9] =	stream.linear.scatter [tilespmem:s17], [sflag:$0x3], $0x2800, $0x38;
	[tilespmem:$0x1F380] =	vst v63  }
0x36: {  	_ =	swait.ge [sflag:s18], $0x2800  }
0x37: {  	[sflag:s18] =	ssyncset.done $0x0  }
0x38: {  	[sflag:s18] =	ssyncadd.s32 $0xFFFFD800  }
0x39: {  	[spmem:s10] =	stream.linear.scatter [tilespmem:s17], [sflag:$0x3], $0x2800, $0x38;
	[tilespmem:$0x1F380] =	vst v63  }
0x3a: {  	_ =	swait.ge [sflag:s18], $0x2800  }
0x3b: {  	[sflag:s18] =	ssyncset.done $0x0  }
0x3c: {  	[sflag:s18] =	ssyncadd.s32 $0xFFFFD800  }
0x3d: {  	[spmem:s11] =	stream.linear.scatter [tilespmem:s17], [sflag:$0x3], $0x2800, $0x38;
	[tilespmem:$0x1F380] =	vst v63  }
0x3e: {  	_ =	swait.ge [sflag:s18], $0x2800  }
0x3f: {  	[sflag:s18] =	ssyncset.done $0x0  }
0x40: {  	[sflag:s18] =	ssyncadd.s32 $0xFFFFD800  }
0x41: {  	[spmem:s12] =	stream.linear.scatter [tilespmem:s17], [sflag:$0x3], $0x2400, $0x38;
	[tilespmem:$0x1F380] =	vst v63  }
0x42: {  	_ =	swait.ge [sflag:s18], $0x2400  }
0x43: {  	[sflag:s18] =	ssyncset.done $0x0  }
0x44: {  	s28 =	simm.s32 $0x0;
	[sflag:s18] =	ssyncadd.s32 $0xFFFFDC00  }
0x45: {  	[tilespmem:s28], [sflag:$0x3] =	stream.strided.gather [hbm4b:s13+s19], $0x2780, s20, s19, $0x38;
	[tilespmem:$0x1F380] =	vst v63  }
0x46: {  	_ =	swait.ge [sflag:s18], $0x2780  }
0x47: {  	[sflag:s18] =	ssyncset.done $0x0  }
0x48: {  	[sflag:s18] =	ssyncadd.s32 $0xFFFFD880  }
0x49: {  	[tilespmem:s21], [sflag:$0x3] =	stream.linear.gather [hbm4b:s14+s28], $0x3E80, $0x38;
	[tilespmem:$0x1F380] =	vst v63  }
0x4a: {  	_ =	swait.ge [sflag:s18], $0x3E80  }
0x4b: {  	[sflag:s18] =	ssyncset.done $0x0  }
0x4c: {  	[sflag:s18] =	ssyncadd.s32 $0xFFFFC180  }
0x4d: {  	[bflag:$0x0] =	sbarrier.arrive $0xFFFF  }
0x4e: {  	[tilespmem:s17], [sflag:$0x1] =	stream.indirect.gather [hbm4b:s4+s22], $0x80, s28, s22, $0xb8;
	[tilespmem:$0x1F380] =	vst v63  }
0x4f: {  	s28 =	simm.s32 $0x50  }
0x50: {  	[tilespmem:s23], [sflag:$0x2] =	stream.indirect.gather [hbm4b:s4+s22], $0x80, s28, s22, $0xb8;
	[tilespmem:$0x1F380] =	vst v63  }
0x51: {  	_ =	swait.ge [sflag:s24], $0x2800  }
0x52: {  	[sflag:s24] =	ssyncset.done $0x0  }
0x53: {  	s28 =	simm.s32 $0x2780;
	[sflag:s24] =	ssyncadd.s32 $0xFFFFD800  }
0x54: {  	[spmem:s2] =	stream.indirect.scatter.add.f32 [tilespmem:s17], [sflag:$0x3], $0x80, s28, s22, $0xb8;
	[tilespmem:$0x1F380] =	vst v63  }
0x55: {  	_ =	swait.ge [sflag:s18], $0x2800  }
0x56: {  	[sflag:s18] =	ssyncset.done $0x0  }
0x57: {  	s28 =	simm.s32 $0xA0;
	[sflag:s18] =	ssyncadd.s32 $0xFFFFD800  }
0x58: {  	[tilespmem:s17], [sflag:$0x1] =	stream.indirect.gather [hbm4b:s4+s22], $0x80, s28, s22, $0xb8;
	[tilespmem:$0x1F380] =	vst v63  }
0x59: {  	_ =	swait.ge [sflag:s25], $0x2800  }
0x5a: {  	[sflag:s25] =	ssyncset.done $0x0  }
0x5b: {  	s28 =	simm.s32 $0x2800;
	[sflag:s25] =	ssyncadd.s32 $0xFFFFD800  }
0x5c: {  	[spmem:s2] =	stream.indirect.scatter.add.f32 [tilespmem:s23], [sflag:$0x3], $0x80, s28, s22, $0xb8;
	[tilespmem:$0x1F380] =	vst v63  }
0x5d: {  	s29 =	simm.s32 $0x400;
	_ =	swait.ge [sflag:s18], $0x2800  }
0x5e: {  	s30 =	simm.s32 $0x800;
	s28 =	simm.s32 $0x140;
	[sflag:s18] =	ssyncset.done $0x0  }
.LBB2_4:
0x5f: {  	p0 =	sne.s32 s30, $0xF400;
	s31 =	sadd.s32 $0xFFFFFFB0, s28;
	[sflag:s18] =	ssyncadd.s32 $0xFFFFD800  }
0x60: {  	[tilespmem:s23], [sflag:$0x2] =	stream.indirect.gather [hbm4b:s4+s22], $0x80, s31, s22, $0xb8;
	[tilespmem:$0x1F380] =	vst v63  }
0x61: {  	s31 =	smov.u32 s30;
	s30 =	sadd.s32 $0x400, s30;
	_ =	swait.ge [sflag:s24], $0x2800  }
0x62: {  	s1 =	sshra.s32 s29, $0x2;
	s29 =	smov.u32 s31;
	[sflag:s24] =	ssyncset.done $0x0  }
0x63: {  	s31 =	sadd.s32 $0x2780, s1;
	[sflag:s24] =	ssyncadd.s32 $0xFFFFD800  }
0x64: {  	[spmem:s2] =	stream.indirect.scatter.add.f32 [tilespmem:s17], [sflag:$0x3], $0x80, s31, s22, $0xb8;
	[tilespmem:$0x1F380] =	vst v63  }
0x65: {  	_ =	swait.ge [sflag:s18], $0x2800  }
0x66: {  	[sflag:s18] =	ssyncset.done $0x0  }
0x67: {  	[sflag:s18] =	ssyncadd.s32 $0xFFFFD800  }
0x68: {  	[tilespmem:s17], [sflag:$0x1] =	stream.indirect.gather [hbm4b:s4+s22], $0x80, s28, s22, $0xb8;
	[tilespmem:$0x1F380] =	vst v63  }
0x69: {  	_ =	swait.ge [sflag:s25], $0x2800  }
.Ltmp1:
0x6a: {  	[sflag:s25] =	ssyncset.done $0x0;
	(pc) =	sbr.rel @p0 .LBB2_4-.Ltmp1, $4  }
0x6b: {  	s1 =	sadd.s32 $0x2800, s1;
	[sflag:s25] =	ssyncadd.s32 $0xFFFFD800  }
0x6c: {  	[spmem:s2] =	stream.indirect.scatter.add.f32 [tilespmem:s23], [sflag:$0x3], $0x80, s1, s22, $0xb8;
	[tilespmem:$0x1F380] =	vst v63  }
0x6d: {  	_ =	swait.ge [sflag:s18], $0x2800  }
0x6e: {  	s28 =	sadd.s32 $0xA0, s28;
	[sflag:s18] =	ssyncset.done $0x0  }
0x6f: {  	s1 =	sadd.s32 $0xFFFFFFB0, s28;
	[sflag:s18] =	ssyncadd.s32 $0xFFFFD800  }
0x70: {  	[tilespmem:s23], [sflag:$0x2] =	stream.indirect.gather [hbm4b:s4+s22], $0x80, s1, s22, $0xb8;
	[tilespmem:$0x1F380] =	vst v63  }
0x71: {  	_ =	swait.ge [sflag:s24], $0x2800  }
0x72: {  	s31 =	sshra.s32 s29, $0x2;
	[sflag:s24] =	ssyncset.done $0x0  }
0x73: {  	s29 =	sadd.s32 $0x2780, s31;
	[sflag:s24] =	ssyncadd.s32 $0xFFFFD800  }
0x74: {  	[spmem:s2] =	stream.indirect.scatter.add.f32 [tilespmem:s17], [sflag:$0x3], $0x80, s29, s22, $0xb8;
	[tilespmem:$0x1F380] =	vst v63  }
0x75: {  	_ =	swait.ge [sflag:s18], $0x2800  }
0x76: {  	[sflag:s18] =	ssyncset.done $0x0  }
0x77: {  	[sflag:s18] =	ssyncadd.s32 $0xFFFFD800  }
0x78: {  	[tilespmem:s17], [sflag:$0x1] =	stream.indirect.gather [hbm4b:s4+s22], $0x80, s28, s22, $0xb8;
	[tilespmem:$0x1F380] =	vst v63  }
0x79: {  	_ =	swait.ge [sflag:s25], $0x2800  }
0x7a: {  	[sflag:s25] =	ssyncset.done $0x0  }
0x7b: {  	s1 =	sadd.s32 $0x2800, s31;
	[sflag:s25] =	ssyncadd.s32 $0xFFFFD800  }
0x7c: {  	[spmem:s2] =	stream.indirect.scatter.add.f32 [tilespmem:s23], [sflag:$0x3], $0x80, s1, s22, $0xb8;
	[tilespmem:$0x1F380] =	vst v63  }
0x7d: {  	_ =	swait.ge [sflag:s18], $0x2800  }
0x7e: {  	[sflag:s18] =	ssyncset.done $0x0  }
0x7f: {  	[sflag:s18] =	ssyncadd.s32 $0xFFFFD800  }
0x80: {  	_ =	swait.ge [sflag:s24], $0x2800  }
0x81: {  	[sflag:s24] =	ssyncset.done $0x0  }
0x82: {  	[sflag:s24] =	ssyncadd.s32 $0xFFFFD800  }
0x83: {  	[spmem:s2] =	stream.indirect.scatter.add.f32 [tilespmem:s17], [sflag:$0x3], $0x80, s26, s22, $0xb8;
	[tilespmem:$0x1F380] =	vst v63  }
0x84: {  	_ =	swait.ge [sflag:s18], $0x2800  }
0x85: {  	s30 =	sshll.u32 s0, $0x6;
	s3 =	sadd.s32 $0x1, s3;
	[sflag:s18] =	ssyncset.done $0x0  }
0x86: {  	s31 =	sshrl.u32 s5, $0x3;
	p0 =	sne.s32 s3, s16;
	[sflag:s18] =	ssyncadd.s32 $0xFFFFD800  }
.Ltmp2:
0x87: {  	s1 =	sor.u32 $0x1C03, s30;
	[bflag:$0x0] =	sbarrier.arrive $0xFFFF;
	(pc) =	sbr.rel @p0 .LBB2_1-.Ltmp2, $4  }
0x88: {  	[hbm:s15], [sflag:s1] =	dma.local [spmem:s31], $0x2780  }
0x89: {  	_ =	swait.ge [sflag:s18], $0x2780  }
0x8a: {  	[sflag:s18] =	ssyncset.done $0x0  }
0x8b: {  	[sflag:s18] =	ssyncadd.s32 $0xFFFFD880  }
0x8c: {  	_ =	sfence.sel $0x180000  }
0x8d: {  	[bflag:$0x0] =	sbarrier.arrive $0xFFFF  }
0x8e: {  	_ =	strace $0x9000004D  }
0x8f: {  	[bflag:$0x2] =	sbarrier.arrive $0xFFFF  }
0x90: {  	p0 =	sne.s32 s0, $0x0;
	s0 =	rddreg [dreg:$0x3]  }
0x91: {  	s0 =	sadd.s32 @!p0 $0x100000, s0  }
0x92: {  	[sflag:s0] =	ssyncadd.tile.s32 @!p0 $0x1;
	_ =	shalt  }
.Lfunc_end2:
_tile_overlayer_lowered:
.L_overlay_start_2:
0x93: {  	(tag) =	ssettag $0x2  }
0x94: {  	s0 =	rddreg [dreg:$0x0];
	s2 =	stileid.u32  }
0x95: {  	s1 =	rddreg [dreg:$0x1];
	p0 =	sne.s32 s2, $0x0  }
0x96: {  	s3 =	rddreg [dreg:$0x2];
	[bflag:$0x3] =	sbarrier.arrive $0xFFFF;
	s2 =	simm.s32 @!p0 $0x1C03  }
0x97: {  	[timem:s3], [sflag:s2] =	dma.local @!p0 [hbm:s0], s1  }
0x98: {  	s0 =	simm.s32 @!p0 $0x3  }
0x99: {  	_ =	swait.ge @!p0 [sflag:s0], s1  }
0x9a: {  	s1 =	ssub.s32 @!p0 $0x0, s1;
	[sflag:s0] =	ssyncset.done @!p0 $0x0  }
0x9b: {  	[sflag:s0] =	ssyncadd.s32 @!p0 s1  }
0x9c: {  	[bflag:$0x3] =	sbarrier.arrive $0xFFFF  }
0x9d: {  	_ =	shalt  }

// kernel: kernel.22.cloned.1.call-start
scs
__scs_entry_jumppad:
0x0: {  	(pc) =	sbr.rel $0x88, $3  }
0x1: {  	(tag) =	ssettag $0x0;
	lr =	simm.s32 $0x1  }
0x2: {  	[smem:$0x3F99] =	sst lr;
	_ =	strace $0xD0000000  }
0x3: {  	_ = 	snop  }
0x4: {  	_ = 	snop  }
0x5: {  	_ = 	snop  }
0x6: {  	_ = 	snop  }
0x7: {  	_ = 	snop  }
__scs_overlays_trampoline_lowered:
0x8: {  	[smem:$0x3FA8] =	sst s0  }
0x9: {  	[smem:$0x3FA9] =	sst s1  }
0xa: {  	[smem:$0x3FAA] =	sst s2  }
0xb: {  	[smem:$0x3FAB] =	sst s3  }
0xc: {  	[smem:$0x3FAC] =	sst s4  }
0xd: {  	[smem:$0x3FAD] =	sst s5  }
0xe: {  	[smem:$0x3FAE] =	sst s6  }
0xf: {  	[smem:$0x3FAF] =	sst s7  }
0x10: {  	[smem:$0x3FB0] =	sst s8  }
0x11: {  	[smem:$0x3FB1] =	sst s9;
	s0 =	simm.s32 @!p0 $0x0  }
0x12: {  	s1 =	sld [smem:$0x3F97];
	s0 =	simm.s32 @p0 $0x1  }
0x13: {  	[smem:$0x3FB2] =	sst s0;
	s0 =	simm.s32 @!p1 $0x0  }
0x14: {  	s2 =	sld [smem:$0x3F96];
	s0 =	simm.s32 @p1 $0x1  }
0x15: {  	[smem:$0x3FB3] =	sst s0;
	s0 =	simm.s32 @!p2 $0x0  }
0x16: {  	s3 =	sld [smem:$0x3FDB];
	s0 =	simm.s32 @p2 $0x1  }
0x17: {  	s4 =	simm.s32 $0x1BF5;
	[smem:$0x3FB5] =	sst s0  }
0x18: {  	s0 =	sld [smem:$0x3F98];
	_ =	swait.ge [sflag:s4], $0x0  }
0x19: {  	s7 =	sld [smem:$0x3F99]  }
0x1a: {  	s8 =	sadd.s32 $0xFFFFE003, lr  }
0x1b: {  	s9 =	sadd.s32 $0xFFFFFEF7, lr;
	s5 =	simm.s32 $0xFFFFFFFF;
	p2 =	slt.u32 s8, $0xFFFFF086  }
0x1c: {  	p1 =	slt.u32 s9, $0xF7A;
	s5 =	simm.s32 @!p2 $0x0  }
0x1d: {  	s5 =	simm.s32 @p1 $0x1;
	p0 =	seq.s32 s7, s2  }
0x1e: {  	s7 =	smul.u32 @!p0 $0xF7A, s2;
	p2 =	seq.s32 @!p0 s5, $0x0  }
0x1f: {  	s9 =	smul.u32 $0xF7A, s1;
	s8 =	simm.s32 @!p0 $0x1BF5;
	p2 =	por !p2, p0  }
0x20: {  	[sflag:s8] =	ssyncset.s32 @!p0 $0xFFFFF086;
	s6 =	sadd.s32 @!p0 s3, s7;
	s7 =	simm.s32 @!p0 $0x108  }
0x21: {  	s3 =	sadd.s32 s3, s9;
	s6 =	sadd.s32 @!p0 $0x88, s6;
	s7 =	simm.s32 @p2 $0x1082  }
0x22: {  	[simem:s7], [sflag:s8] =	dma.local @!p0 [hbm:s6], $0xF7A  }
0x23: {  	s9 =	sor.u32 $0xD0000000, s2;
	s6 =	simm.s32 $0x108;
	_ =	swait.ge @!p0 [sflag:s8], $0x0  }
0x24: {  	s3 =	sadd.s32 $0x88, s3;
	s6 =	simm.s32 @!p1 $0x1082;
	[sflag:s4] =	ssyncset.s32 $0xFFFFF086  }
0x25: {  	[simem:s6], [sflag:s4] =	dma.local [hbm:s3], $0xF7A  }
0x26: {  	[smem:$0x3F99] =	sst s1;
	(tag) =	ssettag s2;
	_ =	strace s9  }
0x27: {  	s1 =	sld [smem:$0x3FA9]  }
0x28: {  	s2 =	sld [smem:$0x3FAA]  }
0x29: {  	s4 =	sld [smem:$0x3FAC]  }
0x2a: {  	p0 =	seq.s32 s5, $0x0;
	s5 =	sld [smem:$0x3FAD]  }
0x2b: {  	s6 =	sld [smem:$0x3FAE]  }
0x2c: {  	s7 =	sld [smem:$0x3FAF]  }
0x2d: {  	s3 =	simm.s32 $0x108;
	s8 =	sld [smem:$0x3FB0]  }
0x2e: {  	s3 =	simm.s32 @!p0 $0x1082;
	s9 =	sld [smem:$0x3FB1]  }
0x2f: {  	lr =	sadd.s32 s0, s3;
	s0 =	sld [smem:$0x3FA8]  }
0x30: {  	s3 =	sld [smem:$0x3FAB]  }
0x31: {  	[smem:$0x3FB4] =	sst s10  }
0x32: {  	s10 =	sld [smem:$0x3FB2];
	_ =	sdelay $0x3  }
0x33: {  	p0 =	seq.s32 s10, $0x1;
	s10 =	sld [smem:$0x3FB4];
	_ =	sdelay $0x3  }
0x34: {  	[smem:$0x3FB4] =	sst s10  }
0x35: {  	s10 =	sld [smem:$0x3FB3];
	_ =	sdelay $0x3  }
0x36: {  	p1 =	seq.s32 s10, $0x1;
	s10 =	sld [smem:$0x3FB4];
	_ =	sdelay $0x3  }
0x37: {  	[smem:$0x3FB4] =	sst s10  }
0x38: {  	s10 =	sld [smem:$0x3FB5]  }
0x39: {  	_ = 	snop;
	(pc) =	sbr.ind lr, $3  }
0x3a: {  	_ = 	snop  }
0x3b: {  	_ = 	snop  }
0x3c: {  	p2 =	seq.s32 s10, $0x1;
	s10 =	sld [smem:$0x3FB4]  }
0x3d: {  	_ =	shalt  }
0x3e: {  	_ =	shalt  }
0x3f: {  	_ =	shalt  }
0x40: {  	_ =	shalt  }
0x41: {  	_ =	shalt  }
0x42: {  	_ =	shalt  }
0x43: {  	_ =	shalt  }
0x44: {  	_ =	shalt  }
0x45: {  	_ =	shalt  }
0x46: {  	_ =	shalt  }
0x47: {  	_ =	shalt  }
0x48: {  	_ =	shalt  }
0x49: {  	_ =	shalt  }
0x4a: {  	_ =	shalt  }
0x4b: {  	_ =	shalt  }
0x4c: {  	_ =	shalt  }
0x4d: {  	_ =	shalt  }
0x4e: {  	_ =	shalt  }
0x4f: {  	_ =	shalt  }
0x50: {  	_ =	shalt  }
0x51: {  	_ =	shalt  }
0x52: {  	_ =	shalt  }
0x53: {  	_ =	shalt  }
0x54: {  	_ =	shalt  }
0x55: {  	_ =	shalt  }
0x56: {  	_ =	shalt  }
0x57: {  	_ =	shalt  }
0x58: {  	_ =	shalt  }
0x59: {  	_ =	shalt  }
0x5a: {  	_ =	shalt  }
0x5b: {  	_ =	shalt  }
0x5c: {  	_ =	shalt  }
0x5d: {  	_ =	shalt  }
0x5e: {  	_ =	shalt  }
0x5f: {  	_ =	shalt  }
0x60: {  	_ =	shalt  }
0x61: {  	_ =	shalt  }
0x62: {  	_ =	shalt  }
0x63: {  	_ =	shalt  }
0x64: {  	_ =	shalt  }
0x65: {  	_ =	shalt  }
0x66: {  	_ =	shalt  }
0x67: {  	_ =	shalt  }
0x68: {  	_ =	shalt  }
0x69: {  	_ =	shalt  }
0x6a: {  	_ =	shalt  }
0x6b: {  	_ =	shalt  }
0x6c: {  	_ =	shalt  }
0x6d: {  	_ =	shalt  }
0x6e: {  	_ =	shalt  }
0x6f: {  	_ =	shalt  }
0x70: {  	_ =	shalt  }
0x71: {  	_ =	shalt  }
0x72: {  	_ =	shalt  }
0x73: {  	_ =	shalt  }
0x74: {  	_ =	shalt  }
0x75: {  	_ =	shalt  }
0x76: {  	_ =	shalt  }
0x77: {  	_ =	shalt  }
0x78: {  	_ =	shalt  }
0x79: {  	_ =	shalt  }
0x7a: {  	_ =	shalt  }
0x7b: {  	_ =	shalt  }
0x7c: {  	_ =	shalt  }
0x7d: {  	_ =	shalt  }
0x7e: {  	_ =	shalt  }
0x7f: {  	_ =	shalt  }
0x80: {  	_ =	shalt  }
0x81: {  	_ =	shalt  }
0x82: {  	_ =	shalt  }
0x83: {  	_ =	shalt  }
0x84: {  	_ =	shalt  }
0x85: {  	_ =	shalt  }
0x86: {  	_ =	shalt  }
0x87: {  	_ =	shalt  }
.Lfunc_end0:
.L_simem_size_0:
called_computation.3_lowered:
.L_overlay_start_0:
0x88: {  	s2 =	sld [smem:$0x3FD9]  }
0x89: {  	s3 =	sld [smem:$0x3FFE];
	_ =	sdelay $0x1  }
0x8a: {  	s1 =	srdreg.scid  }
0x8b: {  	s0 =	sand.u32 $0x1, s1  }
0x8c: {  	s17 =	sshll.u32 s0, $0xA;
	s2 =	sadd.s32 s3, s2  }
0x8d: {  	s2 =	sadd.s32 s2, s17  }
0x8e: {  	[smem:$0x3FC0] =	sst s2  }
0x8f: {  	_ = 	snop  }
0x90: {  	s18 =	sld [smem:$0x3FD0];
	(tm) =	ssettm $0x1  }
0x91: {  	s19 =	sld [smem:$0x3FFB];
	_ =	sdelay $0x3  }
0x92: {  	_ =	strace s19  }
0x93: {  	s2 =	sld [smem:$0x3FFC];
	_ =	sdelay $0x3  }
0x94: {  	_ =	strace s2  }
0x95: {  	s2 =	sld [smem:$0x3FFD];
	_ =	sdelay $0x3  }
0x96: {  	_ =	strace s2  }
0x97: {  	_ =	strace $0x8FFFFFFF  }
0x98: {  	s20 =	sld [smem:$0x3FDB];
	_ =	sdelay $0x1  }
0x99: {  	s4 =	simm.s32 $_scs_section_size  }
0x9a: {  	s5 =	simm.s32 $_size__tile_overlayer_lowered;
	s6 =	simm.s32 $_tile_overlayer_lowered  }
0x9b: {  	s7 =	simm.s32 $0x1BFF;
	s21 =	sshll.u32 s6, $0x1;
	s4 =	sadd.s32 s4, s20  }
0x9c: {  	s22 =	simm.s32 $0x0;
	s5 =	sshll.u32 s5, $0x1;
	s6 =	sadd.s32 s21, s4  }
0x9d: {  	[timem:s22], [sflag:s7] =	dma.local [hbm:s6], s5  }
0x9e: {  	_ =	swait.ge [sflag:s7], s5  }
0x9f: {  	s5 =	ssub.s32 $0x0, s5;
	[sflag:s7] =	ssyncset.done $0x0  }
0xa0: {  	[sflag:s7] =	ssyncadd.s32 s5;
	_ =	sdelay $0x1  }
0xa1: {  	s23 =	simm.s32 $0x1B8B  }
0xa2: {  	_ =	swait.ge [sflag:s23], $0x1  }
0xa3: {  	[sflag:s23] =	ssyncset.done $0x0  }
0xa4: {  	[sflag:s23] =	ssyncadd.s32 $0xFFFFFFFF  }
0xa5: {  	s5 =	sld [smem:$0x0]  }
0xa6: {  	s6 =	sand.u32 $0xFFFFFFFE, s1  }
0xa7: {  	p0 =	sne.s32 s1, s6  }
0xa8: {  	s6 =	sshll.u32 @p0 s6, $0xE  }
0xa9: {  	s6 =	sadd.s32 @p0 $0x11B8D, s6;
	s7 =	sshll.u32 @p0 s5, $0x11  }
0xaa: {  	s6 =	sor.u32 @p0 s7, s6  }
0xab: {  	[sflag:s6] =	ssyncadd.remote.s32 @p0 $0x1;
	_ =	sdelay $0x1  }
0xac: {  	s6 =	simm.s32 @p0 $0x1B8D  }
0xad: {  	_ =	swait.eq @p0 [sflag:s6], $0x1  }
0xae: {  	[sflag:s6] =	ssyncadd.s32 @p0 $0xFFFFFFFF  }
0xaf: {  	s7 =	sshll.u32 @!p0 s1, $0xE  }
0xb0: {  	s7 =	sor.u32 @!p0 $0x4000, s7;
	s6 =	simm.s32 @!p0 $0x1B8D  }
0xb1: {  	s5 =	sshll.u32 @!p0 s5, $0x11;
	s7 =	sadd.s32 @!p0 $0x11B8D, s7;
	_ =	swait.eq @!p0 [sflag:s6], $0x1  }
0xb2: {  	s5 =	sor.u32 @!p0 s5, s7;
	[sflag:s6] =	ssyncadd.s32 @!p0 $0xFFFFFFFF  }
0xb3: {  	s25 =	simm.s32 $0x1B8E;
	s24 =	sld [smem:$0x3FFE];
	[sflag:s5] =	ssyncadd.remote.s32 @!p0 $0x1  }
0xb4: {  	s26 =	simm.s32 $execute0_lowered;
	[smem:$0x3FD2] =	sst s25  }
0xb5: {  	s6 =	sshll.u32 s26, $0x1;
	_ =	strace $0x80000052;
	[dreg:$0x1] =	wrdreg $0xFFFFFFFF  }
0xb6: {  	s28 =	simm.s32 $_size_execute0_lowered;
	s4 =	sadd.s32 s4, s6;
	[dreg:$0x0] =	wrdreg $0x0  }
0xb7: {  	s6 =	sshll.u32 s28, $0x1;
	[dreg:$0x2] =	wrdreg s4  }
0xb8: {  	[dreg:$0x3] =	wrdreg s6  }
0xb9: {  	[dreg:$0x4] =	wrdreg $0xC0  }
0xba: {  	_ =	task [dreg:s22], $0x5FFFF  }
0xbb: {  	[dreg:$0x1] =	wrdreg $0xFFFFFFFF  }
0xbc: {  	[dreg:$0x0] =	wrdreg $0x60  }
0xbd: {  	[dreg:$0x2] =	wrdreg s24  }
0xbe: {  	[dreg:$0x3] =	wrdreg s18  }
0xbf: {  	[dreg:$0x4] =	wrdreg $0xB7800  }
0xc0: {  	[dreg:$0x5] =	wrdreg $0x9  }
0xc1: {  	_ =	task.clear_ibuf [dreg:s22], $0x6FFFF;
	_ =	strace $0x90000052  }
0xc2: {  	s29 =	simm.s32 $0x9;
	_ =	strace $0x80000054  }
0xc3: {  	_ =	swait.ge [sflag:s29], $0x1  }
0xc4: {  	[sflag:s29] =	ssyncadd.s32 $0xFFFFFFFF  }
0xc5: {  	_ =	strace $0x90000054  }
0xc6: {  	_ =	sfence  }
0xc7: {  	s30 =	sld [smem:$0x0];
	_ =	sdelay $0x2  }
0xc8: {  	s31 =	sshll.u32 s1, $0xD;
	s1 =	sshrl.u32 s1, $0x2  }
0xc9: {  	s4 =	sand.u32 $0x4000, s31;
	s1 =	sadd.s32 s1, s30  }
0xca: {  	s0 =	sor.u32 s4, s0;
	s1 =	sshll.u32 s1, $0x11  }
0xcb: {  	s0 =	sor.u32 s1, s0  }
0xcc: {  	s0 =	sadd.s32 $0x8F2B, s0  }
0xcd: {  	[sflag:s0] =	ssyncadd.remote.s32 $0x1  }
0xce: {  	_ =	sfence.sel $0xFFFF  }
0xcf: {  	[dreg:$0x0] =	wrdreg $0xFFFFFFFF;
	(pc) =	sbr.abs _section_cstart, $3  }
0xd0: {  	[dreg:$0x1] =	wrdreg $0xFFFFFFFF  }
0xd1: {  	_ =	task.clear_ibuf [dreg:s22], $0x2FFFF;
	_ =	strace $0x9FFFFFFF  }
0xd2: {  	(tm) =	ssettm $0x7FFFFFFF  }
0xd3: {  	_ =	shalt  }
tec
execute0_lowered:
.L_overlay_start_1:
0x0: {  	(tag) =	ssettag $0x1  }
0x1: {  	s4 =	rddreg [dreg:$0x0]  }
0x2: {  	s15 =	rddreg [dreg:$0x1]  }
0x3: {  	s1 =	srdreg.scid;
	s0 =	stileid.u32  }
0x4: {  	s2 =	rddreg [dreg:$0x2];
	s19 =	simm.s32 $0x80;
	s20 =	simm.s32 $0x400  }
0x5: {  	s21 =	simm.s32 $0x2780;
	s22 =	simm.s32 $0x50;
	s23 =	simm.s32 $0x8F80  }
0x6: {  	s24 =	simm.s32 $0x1;
	s25 =	simm.s32 $0x2;
	s26 =	simm.s32 $0x6580  }
0x7: {  	s6 =	sand.u32 $0x1, s1;
	s3 =	sshll.u32 s0, $0x1;
	s29 =	smul.u32 $0x4F000, s0  }
0x8: {  	s7 =	sshrl.u32 s0, $0x2;
	s18 =	smul.u32 $0x13C00, s0;
	s5 =	sor.u32 s6, s3  }
0x9: {  	s3 =	simm.s32 $0x0;
	s7 =	smul.u32 $0x13C00, s7;
	s30 =	ssub.s32 $0x2, s6  }
0xa: {  	s17 =	smul.u32 $0x13C000, s6;
	s8 =	sshll.u32 s5, $0x7;
	[smem:$0x7FF] =	sst s3  }
0xb: {  	s5 =	sshll.u32 s5, $0xB;
	s31 =	sshrl.u32 s30, $0x1;
	s8 =	sand.u32 $0x380, s8  }
0xc: {  	_ =	strace $0x80000053;
	s14 =	sadd.s32 s5, s4;
	s16 =	ssub.s32 s30, s31  }
0xd: {  	s17 =	sadd.s32 s18, s17;
	s18 =	simm.s32 $0x3;
	s7 =	sor.u32 s7, s8  }
0xe: {  	s8 =	sshrl.u32 s29, $0x2;
	s14 =	sadd.s32 $0x28000, s14;
	s17 =	sshrl.u32 s17, $0x3  }
0xf: {  	s16 =	smax.u32 s16, $0x1;
	s7 =	sshrl.u32 s7, $0x3;
	s5 =	sadd.s32 s8, s2  }
0x10: {  	s15 =	sadd.s32 s15, s17;
	s17 =	simm.s32 $0x6780;
	s13 =	sadd.s32 s7, s4  }
0x11: {  	s4 =	sadd.s32 $0x5F200, s4;
	s6 =	sadd.s32 $0x2800, s5;
	s7 =	sadd.s32 $0x5000, s5  }
0x12: {  	s8 =	sadd.s32 $0x7800, s5;
	s9 =	sadd.s32 $0xA000, s5;
	s10 =	sadd.s32 $0xC800, s5  }
0x13: {  	v0 =	vimm.f32 $0.0e+00;
	s11 =	sadd.s32 $0xF000, s5;
	s12 =	sadd.s32 $0x11800, s5;
	s13 =	sadd.s32 $0x4400, s13  }
.LBB2_1:
0x14: {  	s28 =	simm.s32 $0x70;
	s29 =	simm.s32 $0x3C0  }
.LBB2_2:
0x15: {  	p0 =	sne.s32 s29, $0x9FC0;
	[tilespmem:s28+$0x6780] =	vst v0  }
0x16: {  	[tilespmem:s28+$0x6710] =	vst v0  }
0x17: {  	[tilespmem:s28+$0x6720] =	vst v0  }
.Ltmp0:
0x18: {  	[tilespmem:s28+$0x6730] =	vst v0;
	(pc) =	sbr.rel @p0 .LBB2_2-.Ltmp0, $4  }
0x19: {  	[tilespmem:s28+$0x6740] =	vst v0  }
0x1a: {  	[tilespmem:s28+$0x6750] =	vst v0  }
0x1b: {  	[tilespmem:s28+$0x6760] =	vst v0  }
0x1c: {  	[tilespmem:s28+$0x6770] =	vst v0;
	s28 =	sshra.s32 s29, $0x2;
	s29 =	sadd.s32 $0x200, s29  }
0x1d: {  	[tilespmem:s28+$0x6780] =	vst v0  }
0x1e: {  	[tilespmem:s28+$0x6710] =	vst v0  }
0x1f: {  	[tilespmem:s28+$0x6720] =	vst v0  }
0x20: {  	[tilespmem:s28+$0x6730] =	vst v0  }
0x21: {  	[tilespmem:s28+$0x6740] =	vst v0  }
0x22: {  	[tilespmem:s28+$0x6750] =	vst v0  }
0x23: {  	[tilespmem:s28+$0x6760] =	vst v0  }
0x24: {  	[tilespmem:s28+$0x6770] =	vst v0  }
0x25: {  	[spmem:s5] =	stream.linear.scatter [tilespmem:s17], [sflag:$0x3], $0x2800, $0x38;
	[tilespmem:$0x1F380] =	vst v63  }
0x26: {  	_ =	swait.ge [sflag:s18], $0x2800  }
0x27: {  	[sflag:s18] =	ssyncset.done $0x0  }
0x28: {  	[sflag:s18] =	ssyncadd.s32 $0xFFFFD800  }
0x29: {  	[spmem:s6] =	stream.linear.scatter [tilespmem:s17], [sflag:$0x3], $0x2800, $0x38;
	[tilespmem:$0x1F380] =	vst v63  }
0x2a: {  	_ =	swait.ge [sflag:s18], $0x2800  }
0x2b: {  	[sflag:s18] =	ssyncset.done $0x0  }
0x2c: {  	[sflag:s18] =	ssyncadd.s32 $0xFFFFD800  }
0x2d: {  	[spmem:s7] =	stream.linear.scatter [tilespmem:s17], [sflag:$0x3], $0x2800, $0x38;
	[tilespmem:$0x1F380] =	vst v63  }
0x2e: {  	_ =	swait.ge [sflag:s18], $0x2800  }
0x2f: {  	[sflag:s18] =	ssyncset.done $0x0  }
0x30: {  	[sflag:s18] =	ssyncadd.s32 $0xFFFFD800  }
0x31: {  	[spmem:s8] =	stream.linear.scatter [tilespmem:s17], [sflag:$0x3], $0x2800, $0x38;
	[tilespmem:$0x1F380] =	vst v63  }
0x32: {  	_ =	swait.ge [sflag:s18], $0x2800  }
0x33: {  	[sflag:s18] =	ssyncset.done $0x0  }
0x34: {  	[sflag:s18] =	ssyncadd.s32 $0xFFFFD800  }
0x35: {  	[spmem:s9] =	stream.linear.scatter [tilespmem:s17], [sflag:$0x3], $0x2800, $0x38;
	[tilespmem:$0x1F380] =	vst v63  }
0x36: {  	_ =	swait.ge [sflag:s18], $0x2800  }
0x37: {  	[sflag:s18] =	ssyncset.done $0x0  }
0x38: {  	[sflag:s18] =	ssyncadd.s32 $0xFFFFD800  }
0x39: {  	[spmem:s10] =	stream.linear.scatter [tilespmem:s17], [sflag:$0x3], $0x2800, $0x38;
	[tilespmem:$0x1F380] =	vst v63  }
0x3a: {  	_ =	swait.ge [sflag:s18], $0x2800  }
0x3b: {  	[sflag:s18] =	ssyncset.done $0x0  }
0x3c: {  	[sflag:s18] =	ssyncadd.s32 $0xFFFFD800  }
0x3d: {  	[spmem:s11] =	stream.linear.scatter [tilespmem:s17], [sflag:$0x3], $0x2800, $0x38;
	[tilespmem:$0x1F380] =	vst v63  }
0x3e: {  	_ =	swait.ge [sflag:s18], $0x2800  }
0x3f: {  	[sflag:s18] =	ssyncset.done $0x0  }
0x40: {  	[sflag:s18] =	ssyncadd.s32 $0xFFFFD800  }
0x41: {  	[spmem:s12] =	stream.linear.scatter [tilespmem:s17], [sflag:$0x3], $0x2400, $0x38;
	[tilespmem:$0x1F380] =	vst v63  }
0x42: {  	_ =	swait.ge [sflag:s18], $0x2400  }
0x43: {  	[sflag:s18] =	ssyncset.done $0x0  }
0x44: {  	s28 =	simm.s32 $0x0;
	[sflag:s18] =	ssyncadd.s32 $0xFFFFDC00  }
0x45: {  	[tilespmem:s28], [sflag:$0x3] =	stream.strided.gather [hbm4b:s13+s19], $0x2780, s20, s19, $0x38;
	[tilespmem:$0x1F380] =	vst v63  }
0x46: {  	_ =	swait.ge [sflag:s18], $0x2780  }
0x47: {  	[sflag:s18] =	ssyncset.done $0x0  }
0x48: {  	[sflag:s18] =	ssyncadd.s32 $0xFFFFD880  }
0x49: {  	[tilespmem:s21], [sflag:$0x3] =	stream.linear.gather [hbm4b:s14+s28], $0x3E80, $0x38;
	[tilespmem:$0x1F380] =	vst v63  }
0x4a: {  	_ =	swait.ge [sflag:s18], $0x3E80  }
0x4b: {  	[sflag:s18] =	ssyncset.done $0x0  }
0x4c: {  	[sflag:s18] =	ssyncadd.s32 $0xFFFFC180  }
0x4d: {  	[bflag:$0x0] =	sbarrier.arrive $0xFFFF  }
0x4e: {  	[tilespmem:s17], [sflag:$0x1] =	stream.indirect.gather [hbm4b:s4+s22], $0x80, s28, s22, $0xb8;
	[tilespmem:$0x1F380] =	vst v63  }
0x4f: {  	s28 =	simm.s32 $0x50  }
0x50: {  	[tilespmem:s23], [sflag:$0x2] =	stream.indirect.gather [hbm4b:s4+s22], $0x80, s28, s22, $0xb8;
	[tilespmem:$0x1F380] =	vst v63  }
0x51: {  	_ =	swait.ge [sflag:s24], $0x2800  }
0x52: {  	[sflag:s24] =	ssyncset.done $0x0  }
0x53: {  	s28 =	simm.s32 $0x2780;
	[sflag:s24] =	ssyncadd.s32 $0xFFFFD800  }
0x54: {  	[spmem:s2] =	stream.indirect.scatter.add.f32 [tilespmem:s17], [sflag:$0x3], $0x80, s28, s22, $0xb8;
	[tilespmem:$0x1F380] =	vst v63  }
0x55: {  	_ =	swait.ge [sflag:s18], $0x2800  }
0x56: {  	[sflag:s18] =	ssyncset.done $0x0  }
0x57: {  	s28 =	simm.s32 $0xA0;
	[sflag:s18] =	ssyncadd.s32 $0xFFFFD800  }
0x58: {  	[tilespmem:s17], [sflag:$0x1] =	stream.indirect.gather [hbm4b:s4+s22], $0x80, s28, s22, $0xb8;
	[tilespmem:$0x1F380] =	vst v63  }
0x59: {  	_ =	swait.ge [sflag:s25], $0x2800  }
0x5a: {  	[sflag:s25] =	ssyncset.done $0x0  }
0x5b: {  	s28 =	simm.s32 $0x2800;
	[sflag:s25] =	ssyncadd.s32 $0xFFFFD800  }
0x5c: {  	[spmem:s2] =	stream.indirect.scatter.add.f32 [tilespmem:s23], [sflag:$0x3], $0x80, s28, s22, $0xb8;
	[tilespmem:$0x1F380] =	vst v63  }
0x5d: {  	s29 =	simm.s32 $0x400;
	_ =	swait.ge [sflag:s18], $0x2800  }
0x5e: {  	s30 =	simm.s32 $0x800;
	s28 =	simm.s32 $0x140;
	[sflag:s18] =	ssyncset.done $0x0  }
.LBB2_4:
0x5f: {  	p0 =	sne.s32 s30, $0xF400;
	s31 =	sadd.s32 $0xFFFFFFB0, s28;
	[sflag:s18] =	ssyncadd.s32 $0xFFFFD800  }
0x60: {  	[tilespmem:s23], [sflag:$0x2] =	stream.indirect.gather [hbm4b:s4+s22], $0x80, s31, s22, $0xb8;
	[tilespmem:$0x1F380] =	vst v63  }
0x61: {  	s31 =	smov.u32 s30;
	s30 =	sadd.s32 $0x400, s30;
	_ =	swait.ge [sflag:s24], $0x2800  }
0x62: {  	s1 =	sshra.s32 s29, $0x2;
	s29 =	smov.u32 s31;
	[sflag:s24] =	ssyncset.done $0x0  }
0x63: {  	s31 =	sadd.s32 $0x2780, s1;
	[sflag:s24] =	ssyncadd.s32 $0xFFFFD800  }
0x64: {  	[spmem:s2] =	stream.indirect.scatter.add.f32 [tilespmem:s17], [sflag:$0x3], $0x80, s31, s22, $0xb8;
	[tilespmem:$0x1F380] =	vst v63  }
0x65: {  	_ =	swait.ge [sflag:s18], $0x2800  }
0x66: {  	[sflag:s18] =	ssyncset.done $0x0  }
0x67: {  	[sflag:s18] =	ssyncadd.s32 $0xFFFFD800  }
0x68: {  	[tilespmem:s17], [sflag:$0x1] =	stream.indirect.gather [hbm4b:s4+s22], $0x80, s28, s22, $0xb8;
	[tilespmem:$0x1F380] =	vst v63  }
0x69: {  	_ =	swait.ge [sflag:s25], $0x2800  }
.Ltmp1:
0x6a: {  	[sflag:s25] =	ssyncset.done $0x0;
	(pc) =	sbr.rel @p0 .LBB2_4-.Ltmp1, $4  }
0x6b: {  	s1 =	sadd.s32 $0x2800, s1;
	[sflag:s25] =	ssyncadd.s32 $0xFFFFD800  }
0x6c: {  	[spmem:s2] =	stream.indirect.scatter.add.f32 [tilespmem:s23], [sflag:$0x3], $0x80, s1, s22, $0xb8;
	[tilespmem:$0x1F380] =	vst v63  }
0x6d: {  	_ =	swait.ge [sflag:s18], $0x2800  }
0x6e: {  	s28 =	sadd.s32 $0xA0, s28;
	[sflag:s18] =	ssyncset.done $0x0  }
0x6f: {  	s1 =	sadd.s32 $0xFFFFFFB0, s28;
	[sflag:s18] =	ssyncadd.s32 $0xFFFFD800  }
0x70: {  	[tilespmem:s23], [sflag:$0x2] =	stream.indirect.gather [hbm4b:s4+s22], $0x80, s1, s22, $0xb8;
	[tilespmem:$0x1F380] =	vst v63  }
0x71: {  	_ =	swait.ge [sflag:s24], $0x2800  }
0x72: {  	s31 =	sshra.s32 s29, $0x2;
	[sflag:s24] =	ssyncset.done $0x0  }
0x73: {  	s29 =	sadd.s32 $0x2780, s31;
	[sflag:s24] =	ssyncadd.s32 $0xFFFFD800  }
0x74: {  	[spmem:s2] =	stream.indirect.scatter.add.f32 [tilespmem:s17], [sflag:$0x3], $0x80, s29, s22, $0xb8;
	[tilespmem:$0x1F380] =	vst v63  }
0x75: {  	_ =	swait.ge [sflag:s18], $0x2800  }
0x76: {  	[sflag:s18] =	ssyncset.done $0x0  }
0x77: {  	[sflag:s18] =	ssyncadd.s32 $0xFFFFD800  }
0x78: {  	[tilespmem:s17], [sflag:$0x1] =	stream.indirect.gather [hbm4b:s4+s22], $0x80, s28, s22, $0xb8;
	[tilespmem:$0x1F380] =	vst v63  }
0x79: {  	_ =	swait.ge [sflag:s25], $0x2800  }
0x7a: {  	[sflag:s25] =	ssyncset.done $0x0  }
0x7b: {  	s1 =	sadd.s32 $0x2800, s31;
	[sflag:s25] =	ssyncadd.s32 $0xFFFFD800  }
0x7c: {  	[spmem:s2] =	stream.indirect.scatter.add.f32 [tilespmem:s23], [sflag:$0x3], $0x80, s1, s22, $0xb8;
	[tilespmem:$0x1F380] =	vst v63  }
0x7d: {  	_ =	swait.ge [sflag:s18], $0x2800  }
0x7e: {  	[sflag:s18] =	ssyncset.done $0x0  }
0x7f: {  	[sflag:s18] =	ssyncadd.s32 $0xFFFFD800  }
0x80: {  	_ =	swait.ge [sflag:s24], $0x2800  }
0x81: {  	[sflag:s24] =	ssyncset.done $0x0  }
0x82: {  	[sflag:s24] =	ssyncadd.s32 $0xFFFFD800  }
0x83: {  	[spmem:s2] =	stream.indirect.scatter.add.f32 [tilespmem:s17], [sflag:$0x3], $0x80, s26, s22, $0xb8;
	[tilespmem:$0x1F380] =	vst v63  }
0x84: {  	_ =	swait.ge [sflag:s18], $0x2800  }
0x85: {  	s30 =	sshll.u32 s0, $0x6;
	s3 =	sadd.s32 $0x1, s3;
	[sflag:s18] =	ssyncset.done $0x0  }
0x86: {  	s31 =	sshrl.u32 s5, $0x3;
	p0 =	sne.s32 s3, s16;
	[sflag:s18] =	ssyncadd.s32 $0xFFFFD800  }
.Ltmp2:
0x87: {  	s1 =	sor.u32 $0x1C03, s30;
	[bflag:$0x0] =	sbarrier.arrive $0xFFFF;
	(pc) =	sbr.rel @p0 .LBB2_1-.Ltmp2, $4  }
0x88: {  	[hbm:s15], [sflag:s1] =	dma.local [spmem:s31], $0x2780  }
0x89: {  	_ =	swait.ge [sflag:s18], $0x2780  }
0x8a: {  	[sflag:s18] =	ssyncset.done $0x0  }
0x8b: {  	[sflag:s18] =	ssyncadd.s32 $0xFFFFD880  }
0x8c: {  	_ =	sfence.sel $0x180000  }
0x8d: {  	[bflag:$0x0] =	sbarrier.arrive $0xFFFF  }
0x8e: {  	_ =	strace $0x90000053  }
0x8f: {  	[bflag:$0x2] =	sbarrier.arrive $0xFFFF  }
0x90: {  	p0 =	sne.s32 s0, $0x0;
	s0 =	rddreg [dreg:$0x3]  }
0x91: {  	s0 =	sadd.s32 @!p0 $0x100000, s0  }
0x92: {  	[sflag:s0] =	ssyncadd.tile.s32 @!p0 $0x1;
	_ =	shalt  }
.Lfunc_end2:
_tile_overlayer_lowered:
.L_overlay_start_2:
0x93: {  	(tag) =	ssettag $0x2  }
0x94: {  	s0 =	rddreg [dreg:$0x0];
	s2 =	stileid.u32  }
0x95: {  	s1 =	rddreg [dreg:$0x1];
	p0 =	sne.s32 s2, $0x0  }
0x96: {  	s3 =	rddreg [dreg:$0x2];
	[bflag:$0x3] =	sbarrier.arrive $0xFFFF;
	s2 =	simm.s32 @!p0 $0x1C03  }
0x97: {  	[timem:s3], [sflag:s2] =	dma.local @!p0 [hbm:s0], s1  }
0x98: {  	s0 =	simm.s32 @!p0 $0x3  }
0x99: {  	_ =	swait.ge @!p0 [sflag:s0], s1  }
0x9a: {  	s1 =	ssub.s32 @!p0 $0x0, s1;
	[sflag:s0] =	ssyncset.done @!p0 $0x0  }
0x9b: {  	[sflag:s0] =	ssyncadd.s32 @!p0 s1  }
0x9c: {  	[bflag:$0x3] =	sbarrier.arrive $0xFFFF  }
0x9d: {  	_ =	shalt  }

// kernel: kernel.25.cloned.1.call-start
scs
__scs_entry_jumppad:
0x0: {  	(pc) =	sbr.rel $0x88, $3  }
0x1: {  	(tag) =	ssettag $0x0;
	lr =	simm.s32 $0x1  }
0x2: {  	[smem:$0x3F99] =	sst lr;
	_ =	strace $0xD0000000  }
0x3: {  	_ = 	snop  }
0x4: {  	_ = 	snop  }
0x5: {  	_ = 	snop  }
0x6: {  	_ = 	snop  }
0x7: {  	_ = 	snop  }
__scs_overlays_trampoline_lowered:
0x8: {  	[smem:$0x3FA8] =	sst s0  }
0x9: {  	[smem:$0x3FA9] =	sst s1  }
0xa: {  	[smem:$0x3FAA] =	sst s2  }
0xb: {  	[smem:$0x3FAB] =	sst s3  }
0xc: {  	[smem:$0x3FAC] =	sst s4  }
0xd: {  	[smem:$0x3FAD] =	sst s5  }
0xe: {  	[smem:$0x3FAE] =	sst s6  }
0xf: {  	[smem:$0x3FAF] =	sst s7  }
0x10: {  	[smem:$0x3FB0] =	sst s8  }
0x11: {  	[smem:$0x3FB1] =	sst s9;
	s0 =	simm.s32 @!p0 $0x0  }
0x12: {  	s1 =	sld [smem:$0x3F97];
	s0 =	simm.s32 @p0 $0x1  }
0x13: {  	[smem:$0x3FB2] =	sst s0;
	s0 =	simm.s32 @!p1 $0x0  }
0x14: {  	s2 =	sld [smem:$0x3F96];
	s0 =	simm.s32 @p1 $0x1  }
0x15: {  	[smem:$0x3FB3] =	sst s0;
	s0 =	simm.s32 @!p2 $0x0  }
0x16: {  	s3 =	sld [smem:$0x3FDB];
	s0 =	simm.s32 @p2 $0x1  }
0x17: {  	s4 =	simm.s32 $0x1BF5;
	[smem:$0x3FB5] =	sst s0  }
0x18: {  	s0 =	sld [smem:$0x3F98];
	_ =	swait.ge [sflag:s4], $0x0  }
0x19: {  	s7 =	sld [smem:$0x3F99]  }
0x1a: {  	s8 =	sadd.s32 $0xFFFFE003, lr  }
0x1b: {  	s9 =	sadd.s32 $0xFFFFFEF7, lr;
	s5 =	simm.s32 $0xFFFFFFFF;
	p2 =	slt.u32 s8, $0xFFFFF086  }
0x1c: {  	p1 =	slt.u32 s9, $0xF7A;
	s5 =	simm.s32 @!p2 $0x0  }
0x1d: {  	s5 =	simm.s32 @p1 $0x1;
	p0 =	seq.s32 s7, s2  }
0x1e: {  	s7 =	smul.u32 @!p0 $0xF7A, s2;
	p2 =	seq.s32 @!p0 s5, $0x0  }
0x1f: {  	s9 =	smul.u32 $0xF7A, s1;
	s8 =	simm.s32 @!p0 $0x1BF5;
	p2 =	por !p2, p0  }
0x20: {  	[sflag:s8] =	ssyncset.s32 @!p0 $0xFFFFF086;
	s6 =	sadd.s32 @!p0 s3, s7;
	s7 =	simm.s32 @!p0 $0x108  }
0x21: {  	s3 =	sadd.s32 s3, s9;
	s6 =	sadd.s32 @!p0 $0x88, s6;
	s7 =	simm.s32 @p2 $0x1082  }
0x22: {  	[simem:s7], [sflag:s8] =	dma.local @!p0 [hbm:s6], $0xF7A  }
0x23: {  	s9 =	sor.u32 $0xD0000000, s2;
	s6 =	simm.s32 $0x108;
	_ =	swait.ge @!p0 [sflag:s8], $0x0  }
0x24: {  	s3 =	sadd.s32 $0x88, s3;
	s6 =	simm.s32 @!p1 $0x1082;
	[sflag:s4] =	ssyncset.s32 $0xFFFFF086  }
0x25: {  	[simem:s6], [sflag:s4] =	dma.local [hbm:s3], $0xF7A  }
0x26: {  	[smem:$0x3F99] =	sst s1;
	(tag) =	ssettag s2;
	_ =	strace s9  }
0x27: {  	s1 =	sld [smem:$0x3FA9]  }
0x28: {  	s2 =	sld [smem:$0x3FAA]  }
0x29: {  	s4 =	sld [smem:$0x3FAC]  }
0x2a: {  	p0 =	seq.s32 s5, $0x0;
	s5 =	sld [smem:$0x3FAD]  }
0x2b: {  	s6 =	sld [smem:$0x3FAE]  }
0x2c: {  	s7 =	sld [smem:$0x3FAF]  }
0x2d: {  	s3 =	simm.s32 $0x108;
	s8 =	sld [smem:$0x3FB0]  }
0x2e: {  	s3 =	simm.s32 @!p0 $0x1082;
	s9 =	sld [smem:$0x3FB1]  }
0x2f: {  	lr =	sadd.s32 s0, s3;
	s0 =	sld [smem:$0x3FA8]  }
0x30: {  	s3 =	sld [smem:$0x3FAB]  }
0x31: {  	[smem:$0x3FB4] =	sst s10  }
0x32: {  	s10 =	sld [smem:$0x3FB2];
	_ =	sdelay $0x3  }
0x33: {  	p0 =	seq.s32 s10, $0x1;
	s10 =	sld [smem:$0x3FB4];
	_ =	sdelay $0x3  }
0x34: {  	[smem:$0x3FB4] =	sst s10  }
0x35: {  	s10 =	sld [smem:$0x3FB3];
	_ =	sdelay $0x3  }
0x36: {  	p1 =	seq.s32 s10, $0x1;
	s10 =	sld [smem:$0x3FB4];
	_ =	sdelay $0x3  }
0x37: {  	[smem:$0x3FB4] =	sst s10  }
0x38: {  	s10 =	sld [smem:$0x3FB5]  }
0x39: {  	_ = 	snop;
	(pc) =	sbr.ind lr, $3  }
0x3a: {  	_ = 	snop  }
0x3b: {  	_ = 	snop  }
0x3c: {  	p2 =	seq.s32 s10, $0x1;
	s10 =	sld [smem:$0x3FB4]  }
0x3d: {  	_ =	shalt  }
0x3e: {  	_ =	shalt  }
0x3f: {  	_ =	shalt  }
0x40: {  	_ =	shalt  }
0x41: {  	_ =	shalt  }
0x42: {  	_ =	shalt  }
0x43: {  	_ =	shalt  }
0x44: {  	_ =	shalt  }
0x45: {  	_ =	shalt  }
0x46: {  	_ =	shalt  }
0x47: {  	_ =	shalt  }
0x48: {  	_ =	shalt  }
0x49: {  	_ =	shalt  }
0x4a: {  	_ =	shalt  }
0x4b: {  	_ =	shalt  }
0x4c: {  	_ =	shalt  }
0x4d: {  	_ =	shalt  }
0x4e: {  	_ =	shalt  }
0x4f: {  	_ =	shalt  }
0x50: {  	_ =	shalt  }
0x51: {  	_ =	shalt  }
0x52: {  	_ =	shalt  }
0x53: {  	_ =	shalt  }
0x54: {  	_ =	shalt  }
0x55: {  	_ =	shalt  }
0x56: {  	_ =	shalt  }
0x57: {  	_ =	shalt  }
0x58: {  	_ =	shalt  }
0x59: {  	_ =	shalt  }
0x5a: {  	_ =	shalt  }
0x5b: {  	_ =	shalt  }
0x5c: {  	_ =	shalt  }
0x5d: {  	_ =	shalt  }
0x5e: {  	_ =	shalt  }
0x5f: {  	_ =	shalt  }
0x60: {  	_ =	shalt  }
0x61: {  	_ =	shalt  }
0x62: {  	_ =	shalt  }
0x63: {  	_ =	shalt  }
0x64: {  	_ =	shalt  }
0x65: {  	_ =	shalt  }
0x66: {  	_ =	shalt  }
0x67: {  	_ =	shalt  }
0x68: {  	_ =	shalt  }
0x69: {  	_ =	shalt  }
0x6a: {  	_ =	shalt  }
0x6b: {  	_ =	shalt  }
0x6c: {  	_ =	shalt  }
0x6d: {  	_ =	shalt  }
0x6e: {  	_ =	shalt  }
0x6f: {  	_ =	shalt  }
0x70: {  	_ =	shalt  }
0x71: {  	_ =	shalt  }
0x72: {  	_ =	shalt  }
0x73: {  	_ =	shalt  }
0x74: {  	_ =	shalt  }
0x75: {  	_ =	shalt  }
0x76: {  	_ =	shalt  }
0x77: {  	_ =	shalt  }
0x78: {  	_ =	shalt  }
0x79: {  	_ =	shalt  }
0x7a: {  	_ =	shalt  }
0x7b: {  	_ =	shalt  }
0x7c: {  	_ =	shalt  }
0x7d: {  	_ =	shalt  }
0x7e: {  	_ =	shalt  }
0x7f: {  	_ =	shalt  }
0x80: {  	_ =	shalt  }
0x81: {  	_ =	shalt  }
0x82: {  	_ =	shalt  }
0x83: {  	_ =	shalt  }
0x84: {  	_ =	shalt  }
0x85: {  	_ =	shalt  }
0x86: {  	_ =	shalt  }
0x87: {  	_ =	shalt  }
.Lfunc_end0:
.L_simem_size_0:
called_computation.4_lowered:
.L_overlay_start_0:
0x88: {  	s2 =	sld [smem:$0x3FD9]  }
0x89: {  	s3 =	sld [smem:$0x3FFE];
	_ =	sdelay $0x1  }
0x8a: {  	s1 =	srdreg.scid  }
0x8b: {  	s0 =	sand.u32 $0x1, s1  }
0x8c: {  	s16 =	sshll.u32 s0, $0xA;
	s2 =	sadd.s32 s3, s2  }
0x8d: {  	s2 =	sadd.s32 s2, s16  }
0x8e: {  	[smem:$0x3FC0] =	sst s2  }
0x8f: {  	_ = 	snop  }
0x90: {  	(tm) =	ssettm $0x1  }
0x91: {  	s17 =	sld [smem:$0x3FFB];
	_ =	sdelay $0x3  }
0x92: {  	_ =	strace s17  }
0x93: {  	s2 =	sld [smem:$0x3FFC];
	_ =	sdelay $0x3  }
0x94: {  	_ =	strace s2  }
0x95: {  	s2 =	sld [smem:$0x3FFD];
	_ =	sdelay $0x3  }
0x96: {  	_ =	strace s2  }
0x97: {  	_ =	strace $0x8FFFFFFF  }
0x98: {  	s18 =	sld [smem:$0x3FDB];
	_ =	sdelay $0x1  }
0x99: {  	s19 =	simm.s32 $_scs_section_size  }
0x9a: {  	s4 =	simm.s32 $_size__tile_overlayer_lowered;
	s5 =	simm.s32 $_tile_overlayer_lowered  }
0x9b: {  	s22 =	simm.s32 $0x1BFF;
	s21 =	sshll.u32 s5, $0x1;
	s2 =	sadd.s32 s19, s18  }
0x9c: {  	s6 =	simm.s32 $0x0;
	s20 =	sshll.u32 s4, $0x1;
	s4 =	sadd.s32 s21, s2  }
0x9d: {  	[timem:s6], [sflag:s22] =	dma.local [hbm:s4], s20  }
0x9e: {  	_ =	swait.ge [sflag:s22], s20  }
0x9f: {  	s3 =	ssub.s32 $0x0, s20;
	[sflag:s22] =	ssyncset.done $0x0  }
0xa0: {  	[sflag:s22] =	ssyncadd.s32 s3;
	_ =	sdelay $0x1  }
0xa1: {  	s23 =	simm.s32 $0x1B8B  }
0xa2: {  	_ =	swait.ge [sflag:s23], $0x1  }
0xa3: {  	[sflag:s23] =	ssyncset.done $0x0  }
0xa4: {  	s25 =	simm.s32 $0x1B8E;
	s24 =	sld [smem:$0x3FFE];
	[sflag:s23] =	ssyncadd.s32 $0xFFFFFFFF  }
0xa5: {  	s26 =	simm.s32 $execute0_lowered;
	[smem:$0x3FD2] =	sst s25  }
0xa6: {  	s4 =	sshll.u32 s26, $0x1;
	_ =	strace $0x8000004F;
	[dreg:$0x1] =	wrdreg $0xFFFFFFFF  }
0xa7: {  	s28 =	simm.s32 $_size_execute0_lowered;
	s2 =	sadd.s32 s2, s4;
	[dreg:$0x0] =	wrdreg $0x0  }
0xa8: {  	s4 =	sshll.u32 s28, $0x1;
	[dreg:$0x2] =	wrdreg s2  }
0xa9: {  	[dreg:$0x3] =	wrdreg s4  }
0xaa: {  	[dreg:$0x4] =	wrdreg $0xC0  }
0xab: {  	_ =	task [dreg:s6], $0x5FFFF  }
0xac: {  	[dreg:$0x1] =	wrdreg $0xFFFFFFFF  }
0xad: {  	[dreg:$0x0] =	wrdreg $0x60  }
0xae: {  	[dreg:$0x2] =	wrdreg s24  }
0xaf: {  	[dreg:$0x3] =	wrdreg $0xB7800  }
0xb0: {  	[dreg:$0x4] =	wrdreg $0xA  }
0xb1: {  	_ =	task.clear_ibuf [dreg:s6], $0x5FFFF;
	_ =	strace $0x9000004F  }
0xb2: {  	s29 =	simm.s32 $0xA;
	_ =	strace $0x80000051  }
0xb3: {  	_ =	swait.ge [sflag:s29], $0x1  }
0xb4: {  	[sflag:s29] =	ssyncadd.s32 $0xFFFFFFFF  }
0xb5: {  	_ =	strace $0x90000051  }
0xb6: {  	_ =	sfence  }
0xb7: {  	s30 =	sld [smem:$0x0];
	_ =	sdelay $0x2  }
0xb8: {  	s31 =	sshll.u32 s1, $0xD;
	s1 =	sshrl.u32 s1, $0x2  }
0xb9: {  	s3 =	sand.u32 $0x4000, s31;
	s1 =	sadd.s32 s1, s30  }
0xba: {  	s0 =	sor.u32 s3, s0;
	s1 =	sshll.u32 s1, $0x11  }
0xbb: {  	s0 =	sor.u32 s1, s0  }
0xbc: {  	s0 =	sadd.s32 $0x8F2B, s0  }
0xbd: {  	[sflag:s0] =	ssyncadd.remote.s32 $0x1  }
0xbe: {  	_ =	sfence.sel $0xFFFF  }
0xbf: {  	[dreg:$0x0] =	wrdreg $0xFFFFFFFF;
	(pc) =	sbr.abs _section_cstart, $3  }
0xc0: {  	[dreg:$0x1] =	wrdreg $0xFFFFFFFF  }
0xc1: {  	_ =	task.clear_ibuf [dreg:s6], $0x2FFFF;
	_ =	strace $0x9FFFFFFF  }
0xc2: {  	(tm) =	ssettm $0x7FFFFFFF  }
0xc3: {  	_ =	shalt  }
tec
execute0_lowered:
.L_overlay_start_1:
0x0: {  	(tag) =	ssettag $0x1  }
0x1: {  	s5 =	rddreg [dreg:$0x0];
	s1 =	srdreg.scid  }
0x2: {  	s0 =	stileid.u32;
	s2 =	rddreg [dreg:$0x1]  }
0x3: {  	s17 =	simm.s32 $0x6780;
	s18 =	simm.s32 $0x3;
	s19 =	simm.s32 $0x80  }
0x4: {  	s20 =	simm.s32 $0x400;
	s21 =	simm.s32 $0x2780;
	s22 =	simm.s32 $0x50  }
0x5: {  	s23 =	simm.s32 $0x8F80;
	s24 =	simm.s32 $0x1;
	s25 =	simm.s32 $0x2  }
0x6: {  	s26 =	simm.s32 $0x6580;
	s6 =	sand.u32 $0x1, s1;
	s9 =	smul.u32 $0x13C00, s0  }
0x7: {  	s3 =	sshll.u32 s0, $0x1;
	s7 =	sshrl.u32 s0, $0x2;
	s30 =	smul.u32 $0x4F000, s0  }
0x8: {  	s4 =	sor.u32 s6, s3;
	s3 =	simm.s32 $0x0;
	s7 =	smul.u32 $0x13C00, s7  }
0x9: {  	s29 =	smul.u32 $0x13C000, s6;
	s6 =	ssub.s32 $0x2, s6;
	s8 =	sshll.u32 s4, $0x7  }
0xa: {  	[smem:$0x7FF] =	sst s3;
	s4 =	sshll.u32 s4, $0xB;
	s31 =	sshrl.u32 s6, $0x1  }
0xb: {  	s8 =	sand.u32 $0x380, s8;
	_ =	strace $0x80000050;
	s14 =	sadd.s32 s4, s5  }
0xc: {  	s4 =	sadd.s32 $0x38000, s5;
	s16 =	ssub.s32 s6, s31;
	s7 =	sor.u32 s7, s8  }
0xd: {  	s8 =	sadd.s32 s9, s29;
	s14 =	sadd.s32 $0x28000, s14;
	s7 =	sshrl.u32 s7, $0x3  }
0xe: {  	s8 =	sshrl.u32 s8, $0x3;
	s13 =	sadd.s32 s7, s5;
	s7 =	sshrl.u32 s30, $0x2  }
0xf: {  	s16 =	smax.u32 s16, $0x1;
	s15 =	sadd.s32 s8, s5;
	s5 =	sadd.s32 s7, s2  }
0x10: {  	s13 =	sadd.s32 $0x4400, s13;
	s15 =	sadd.s32 $0x86400, s15;
	s6 =	sadd.s32 $0x2800, s5  }
0x11: {  	s7 =	sadd.s32 $0x5000, s5;
	s8 =	sadd.s32 $0x7800, s5;
	s9 =	sadd.s32 $0xA000, s5  }
0x12: {  	v0 =	vimm.f32 $0.0e+00;
	s10 =	sadd.s32 $0xC800, s5;
	s11 =	sadd.s32 $0xF000, s5;
	s12 =	sadd.s32 $0x11800, s5  }
.LBB2_1:
0x13: {  	s28 =	simm.s32 $0x70;
	s29 =	simm.s32 $0x3C0  }
.LBB2_2:
0x14: {  	p0 =	sne.s32 s29, $0x9FC0;
	[tilespmem:s28+$0x6780] =	vst v0  }
0x15: {  	[tilespmem:s28+$0x6710] =	vst v0  }
0x16: {  	[tilespmem:s28+$0x6720] =	vst v0  }
.Ltmp0:
0x17: {  	[tilespmem:s28+$0x6730] =	vst v0;
	(pc) =	sbr.rel @p0 .LBB2_2-.Ltmp0, $4  }
0x18: {  	[tilespmem:s28+$0x6740] =	vst v0  }
0x19: {  	[tilespmem:s28+$0x6750] =	vst v0  }
0x1a: {  	[tilespmem:s28+$0x6760] =	vst v0  }
0x1b: {  	[tilespmem:s28+$0x6770] =	vst v0;
	s28 =	sshra.s32 s29, $0x2;
	s29 =	sadd.s32 $0x200, s29  }
0x1c: {  	[tilespmem:s28+$0x6780] =	vst v0  }
0x1d: {  	[tilespmem:s28+$0x6710] =	vst v0  }
0x1e: {  	[tilespmem:s28+$0x6720] =	vst v0  }
0x1f: {  	[tilespmem:s28+$0x6730] =	vst v0  }
0x20: {  	[tilespmem:s28+$0x6740] =	vst v0  }
0x21: {  	[tilespmem:s28+$0x6750] =	vst v0  }
0x22: {  	[tilespmem:s28+$0x6760] =	vst v0  }
0x23: {  	[tilespmem:s28+$0x6770] =	vst v0  }
0x24: {  	[spmem:s5] =	stream.linear.scatter [tilespmem:s17], [sflag:$0x3], $0x2800, $0x38;
	[tilespmem:$0x1F380] =	vst v63  }
0x25: {  	_ =	swait.ge [sflag:s18], $0x2800  }
0x26: {  	[sflag:s18] =	ssyncset.done $0x0  }
0x27: {  	[sflag:s18] =	ssyncadd.s32 $0xFFFFD800  }
0x28: {  	[spmem:s6] =	stream.linear.scatter [tilespmem:s17], [sflag:$0x3], $0x2800, $0x38;
	[tilespmem:$0x1F380] =	vst v63  }
0x29: {  	_ =	swait.ge [sflag:s18], $0x2800  }
0x2a: {  	[sflag:s18] =	ssyncset.done $0x0  }
0x2b: {  	[sflag:s18] =	ssyncadd.s32 $0xFFFFD800  }
0x2c: {  	[spmem:s7] =	stream.linear.scatter [tilespmem:s17], [sflag:$0x3], $0x2800, $0x38;
	[tilespmem:$0x1F380] =	vst v63  }
0x2d: {  	_ =	swait.ge [sflag:s18], $0x2800  }
0x2e: {  	[sflag:s18] =	ssyncset.done $0x0  }
0x2f: {  	[sflag:s18] =	ssyncadd.s32 $0xFFFFD800  }
0x30: {  	[spmem:s8] =	stream.linear.scatter [tilespmem:s17], [sflag:$0x3], $0x2800, $0x38;
	[tilespmem:$0x1F380] =	vst v63  }
0x31: {  	_ =	swait.ge [sflag:s18], $0x2800  }
0x32: {  	[sflag:s18] =	ssyncset.done $0x0  }
0x33: {  	[sflag:s18] =	ssyncadd.s32 $0xFFFFD800  }
0x34: {  	[spmem:s9] =	stream.linear.scatter [tilespmem:s17], [sflag:$0x3], $0x2800, $0x38;
	[tilespmem:$0x1F380] =	vst v63  }
0x35: {  	_ =	swait.ge [sflag:s18], $0x2800  }
0x36: {  	[sflag:s18] =	ssyncset.done $0x0  }
0x37: {  	[sflag:s18] =	ssyncadd.s32 $0xFFFFD800  }
0x38: {  	[spmem:s10] =	stream.linear.scatter [tilespmem:s17], [sflag:$0x3], $0x2800, $0x38;
	[tilespmem:$0x1F380] =	vst v63  }
0x39: {  	_ =	swait.ge [sflag:s18], $0x2800  }
0x3a: {  	[sflag:s18] =	ssyncset.done $0x0  }
0x3b: {  	[sflag:s18] =	ssyncadd.s32 $0xFFFFD800  }
0x3c: {  	[spmem:s11] =	stream.linear.scatter [tilespmem:s17], [sflag:$0x3], $0x2800, $0x38;
	[tilespmem:$0x1F380] =	vst v63  }
0x3d: {  	_ =	swait.ge [sflag:s18], $0x2800  }
0x3e: {  	[sflag:s18] =	ssyncset.done $0x0  }
0x3f: {  	[sflag:s18] =	ssyncadd.s32 $0xFFFFD800  }
0x40: {  	[spmem:s12] =	stream.linear.scatter [tilespmem:s17], [sflag:$0x3], $0x2400, $0x38;
	[tilespmem:$0x1F380] =	vst v63  }
0x41: {  	_ =	swait.ge [sflag:s18], $0x2400  }
0x42: {  	[sflag:s18] =	ssyncset.done $0x0  }
0x43: {  	s28 =	simm.s32 $0x0;
	[sflag:s18] =	ssyncadd.s32 $0xFFFFDC00  }
0x44: {  	[tilespmem:s28], [sflag:$0x3] =	stream.strided.gather [hbm4b:s13+s19], $0x2780, s20, s19, $0x38;
	[tilespmem:$0x1F380] =	vst v63  }
0x45: {  	_ =	swait.ge [sflag:s18], $0x2780  }
0x46: {  	[sflag:s18] =	ssyncset.done $0x0  }
0x47: {  	[sflag:s18] =	ssyncadd.s32 $0xFFFFD880  }
0x48: {  	[tilespmem:s21], [sflag:$0x3] =	stream.linear.gather [hbm4b:s14+s28], $0x3E80, $0x38;
	[tilespmem:$0x1F380] =	vst v63  }
0x49: {  	_ =	swait.ge [sflag:s18], $0x3E80  }
0x4a: {  	[sflag:s18] =	ssyncset.done $0x0  }
0x4b: {  	[sflag:s18] =	ssyncadd.s32 $0xFFFFC180  }
0x4c: {  	[bflag:$0x0] =	sbarrier.arrive $0xFFFF  }
0x4d: {  	[tilespmem:s17], [sflag:$0x1] =	stream.indirect.gather [hbm4b:s4+s22], $0x80, s28, s22, $0xb8;
	[tilespmem:$0x1F380] =	vst v63  }
0x4e: {  	s28 =	simm.s32 $0x50  }
0x4f: {  	[tilespmem:s23], [sflag:$0x2] =	stream.indirect.gather [hbm4b:s4+s22], $0x80, s28, s22, $0xb8;
	[tilespmem:$0x1F380] =	vst v63  }
0x50: {  	_ =	swait.ge [sflag:s24], $0x2800  }
0x51: {  	[sflag:s24] =	ssyncset.done $0x0  }
0x52: {  	s28 =	simm.s32 $0x2780;
	[sflag:s24] =	ssyncadd.s32 $0xFFFFD800  }
0x53: {  	[spmem:s2] =	stream.indirect.scatter.add.f32 [tilespmem:s17], [sflag:$0x3], $0x80, s28, s22, $0xb8;
	[tilespmem:$0x1F380] =	vst v63  }
0x54: {  	_ =	swait.ge [sflag:s18], $0x2800  }
0x55: {  	[sflag:s18] =	ssyncset.done $0x0  }
0x56: {  	s28 =	simm.s32 $0xA0;
	[sflag:s18] =	ssyncadd.s32 $0xFFFFD800  }
0x57: {  	[tilespmem:s17], [sflag:$0x1] =	stream.indirect.gather [hbm4b:s4+s22], $0x80, s28, s22, $0xb8;
	[tilespmem:$0x1F380] =	vst v63  }
0x58: {  	_ =	swait.ge [sflag:s25], $0x2800  }
0x59: {  	[sflag:s25] =	ssyncset.done $0x0  }
0x5a: {  	s28 =	simm.s32 $0x2800;
	[sflag:s25] =	ssyncadd.s32 $0xFFFFD800  }
0x5b: {  	[spmem:s2] =	stream.indirect.scatter.add.f32 [tilespmem:s23], [sflag:$0x3], $0x80, s28, s22, $0xb8;
	[tilespmem:$0x1F380] =	vst v63  }
0x5c: {  	s29 =	simm.s32 $0x400;
	_ =	swait.ge [sflag:s18], $0x2800  }
0x5d: {  	s30 =	simm.s32 $0x800;
	s28 =	simm.s32 $0x140;
	[sflag:s18] =	ssyncset.done $0x0  }
.LBB2_4:
0x5e: {  	p0 =	sne.s32 s30, $0xF400;
	s31 =	sadd.s32 $0xFFFFFFB0, s28;
	[sflag:s18] =	ssyncadd.s32 $0xFFFFD800  }
0x5f: {  	[tilespmem:s23], [sflag:$0x2] =	stream.indirect.gather [hbm4b:s4+s22], $0x80, s31, s22, $0xb8;
	[tilespmem:$0x1F380] =	vst v63  }
0x60: {  	s31 =	smov.u32 s30;
	s30 =	sadd.s32 $0x400, s30;
	_ =	swait.ge [sflag:s24], $0x2800  }
0x61: {  	s1 =	sshra.s32 s29, $0x2;
	s29 =	smov.u32 s31;
	[sflag:s24] =	ssyncset.done $0x0  }
0x62: {  	s31 =	sadd.s32 $0x2780, s1;
	[sflag:s24] =	ssyncadd.s32 $0xFFFFD800  }
0x63: {  	[spmem:s2] =	stream.indirect.scatter.add.f32 [tilespmem:s17], [sflag:$0x3], $0x80, s31, s22, $0xb8;
	[tilespmem:$0x1F380] =	vst v63  }
0x64: {  	_ =	swait.ge [sflag:s18], $0x2800  }
0x65: {  	[sflag:s18] =	ssyncset.done $0x0  }
0x66: {  	[sflag:s18] =	ssyncadd.s32 $0xFFFFD800  }
0x67: {  	[tilespmem:s17], [sflag:$0x1] =	stream.indirect.gather [hbm4b:s4+s22], $0x80, s28, s22, $0xb8;
	[tilespmem:$0x1F380] =	vst v63  }
0x68: {  	_ =	swait.ge [sflag:s25], $0x2800  }
.Ltmp1:
0x69: {  	[sflag:s25] =	ssyncset.done $0x0;
	(pc) =	sbr.rel @p0 .LBB2_4-.Ltmp1, $4  }
0x6a: {  	s1 =	sadd.s32 $0x2800, s1;
	[sflag:s25] =	ssyncadd.s32 $0xFFFFD800  }
0x6b: {  	[spmem:s2] =	stream.indirect.scatter.add.f32 [tilespmem:s23], [sflag:$0x3], $0x80, s1, s22, $0xb8;
	[tilespmem:$0x1F380] =	vst v63  }
0x6c: {  	_ =	swait.ge [sflag:s18], $0x2800  }
0x6d: {  	s28 =	sadd.s32 $0xA0, s28;
	[sflag:s18] =	ssyncset.done $0x0  }
0x6e: {  	s1 =	sadd.s32 $0xFFFFFFB0, s28;
	[sflag:s18] =	ssyncadd.s32 $0xFFFFD800  }
0x6f: {  	[tilespmem:s23], [sflag:$0x2] =	stream.indirect.gather [hbm4b:s4+s22], $0x80, s1, s22, $0xb8;
	[tilespmem:$0x1F380] =	vst v63  }
0x70: {  	_ =	swait.ge [sflag:s24], $0x2800  }
0x71: {  	s31 =	sshra.s32 s29, $0x2;
	[sflag:s24] =	ssyncset.done $0x0  }
0x72: {  	s29 =	sadd.s32 $0x2780, s31;
	[sflag:s24] =	ssyncadd.s32 $0xFFFFD800  }
0x73: {  	[spmem:s2] =	stream.indirect.scatter.add.f32 [tilespmem:s17], [sflag:$0x3], $0x80, s29, s22, $0xb8;
	[tilespmem:$0x1F380] =	vst v63  }
0x74: {  	_ =	swait.ge [sflag:s18], $0x2800  }
0x75: {  	[sflag:s18] =	ssyncset.done $0x0  }
0x76: {  	[sflag:s18] =	ssyncadd.s32 $0xFFFFD800  }
0x77: {  	[tilespmem:s17], [sflag:$0x1] =	stream.indirect.gather [hbm4b:s4+s22], $0x80, s28, s22, $0xb8;
	[tilespmem:$0x1F380] =	vst v63  }
0x78: {  	_ =	swait.ge [sflag:s25], $0x2800  }
0x79: {  	[sflag:s25] =	ssyncset.done $0x0  }
0x7a: {  	s1 =	sadd.s32 $0x2800, s31;
	[sflag:s25] =	ssyncadd.s32 $0xFFFFD800  }
0x7b: {  	[spmem:s2] =	stream.indirect.scatter.add.f32 [tilespmem:s23], [sflag:$0x3], $0x80, s1, s22, $0xb8;
	[tilespmem:$0x1F380] =	vst v63  }
0x7c: {  	_ =	swait.ge [sflag:s18], $0x2800  }
0x7d: {  	[sflag:s18] =	ssyncset.done $0x0  }
0x7e: {  	[sflag:s18] =	ssyncadd.s32 $0xFFFFD800  }
0x7f: {  	_ =	swait.ge [sflag:s24], $0x2800  }
0x80: {  	[sflag:s24] =	ssyncset.done $0x0  }
0x81: {  	[sflag:s24] =	ssyncadd.s32 $0xFFFFD800  }
0x82: {  	[spmem:s2] =	stream.indirect.scatter.add.f32 [tilespmem:s17], [sflag:$0x3], $0x80, s26, s22, $0xb8;
	[tilespmem:$0x1F380] =	vst v63  }
0x83: {  	_ =	swait.ge [sflag:s18], $0x2800  }
0x84: {  	s30 =	sshll.u32 s0, $0x6;
	s3 =	sadd.s32 $0x1, s3;
	[sflag:s18] =	ssyncset.done $0x0  }
0x85: {  	s31 =	sshrl.u32 s5, $0x3;
	p0 =	sne.s32 s3, s16;
	[sflag:s18] =	ssyncadd.s32 $0xFFFFD800  }
.Ltmp2:
0x86: {  	s1 =	sor.u32 $0x1C03, s30;
	[bflag:$0x0] =	sbarrier.arrive $0xFFFF;
	(pc) =	sbr.rel @p0 .LBB2_1-.Ltmp2, $4  }
0x87: {  	[hbm:s15], [sflag:s1] =	dma.local [spmem:s31], $0x2780  }
0x88: {  	_ =	swait.ge [sflag:s18], $0x2780  }
0x89: {  	[sflag:s18] =	ssyncset.done $0x0  }
0x8a: {  	[sflag:s18] =	ssyncadd.s32 $0xFFFFD880  }
0x8b: {  	_ =	sfence.sel $0x180000  }
0x8c: {  	[bflag:$0x0] =	sbarrier.arrive $0xFFFF  }
0x8d: {  	_ =	strace $0x90000050  }
0x8e: {  	[bflag:$0x2] =	sbarrier.arrive $0xFFFF  }
0x8f: {  	p0 =	sne.s32 s0, $0x0;
	s0 =	rddreg [dreg:$0x2]  }
0x90: {  	s0 =	sadd.s32 @!p0 $0x100000, s0  }
0x91: {  	[sflag:s0] =	ssyncadd.tile.s32 @!p0 $0x1;
	_ =	shalt  }
.Lfunc_end2:
_tile_overlayer_lowered:
.L_overlay_start_2:
0x92: {  	(tag) =	ssettag $0x2  }
0x93: {  	s0 =	rddreg [dreg:$0x0];
	s2 =	stileid.u32  }
0x94: {  	s1 =	rddreg [dreg:$0x1];
	p0 =	sne.s32 s2, $0x0  }
0x95: {  	s3 =	rddreg [dreg:$0x2];
	[bflag:$0x3] =	sbarrier.arrive $0xFFFF;
	s2 =	simm.s32 @!p0 $0x1C03  }
0x96: {  	[timem:s3], [sflag:s2] =	dma.local @!p0 [hbm:s0], s1  }
0x97: {  	s0 =	simm.s32 @!p0 $0x3  }
0x98: {  	_ =	swait.ge @!p0 [sflag:s0], s1  }
0x99: {  	s1 =	ssub.s32 @!p0 $0x0, s1;
	[sflag:s0] =	ssyncset.done @!p0 $0x0  }
0x9a: {  	[sflag:s0] =	ssyncadd.s32 @!p0 s1  }
0x9b: {  	[bflag:$0x3] =	sbarrier.arrive $0xFFFF  }
0x9c: {  	_ =	shalt  }

// kernel: kernel.28.cloned.1.call-start
scs
__scs_entry_jumppad:
0x0: {  	(pc) =	sbr.rel $0x88, $3  }
0x1: {  	(tag) =	ssettag $0x0;
	lr =	simm.s32 $0x1  }
0x2: {  	[smem:$0x3F99] =	sst lr;
	_ =	strace $0xD0000000  }
0x3: {  	_ = 	snop  }
0x4: {  	_ = 	snop  }
0x5: {  	_ = 	snop  }
0x6: {  	_ = 	snop  }
0x7: {  	_ = 	snop  }
__scs_overlays_trampoline_lowered:
0x8: {  	[smem:$0x3FA8] =	sst s0  }
0x9: {  	[smem:$0x3FA9] =	sst s1  }
0xa: {  	[smem:$0x3FAA] =	sst s2  }
0xb: {  	[smem:$0x3FAB] =	sst s3  }
0xc: {  	[smem:$0x3FAC] =	sst s4  }
0xd: {  	[smem:$0x3FAD] =	sst s5  }
0xe: {  	[smem:$0x3FAE] =	sst s6  }
0xf: {  	[smem:$0x3FAF] =	sst s7  }
0x10: {  	[smem:$0x3FB0] =	sst s8  }
0x11: {  	[smem:$0x3FB1] =	sst s9;
	s0 =	simm.s32 @!p0 $0x0  }
0x12: {  	s1 =	sld [smem:$0x3F97];
	s0 =	simm.s32 @p0 $0x1  }
0x13: {  	[smem:$0x3FB2] =	sst s0;
	s0 =	simm.s32 @!p1 $0x0  }
0x14: {  	s2 =	sld [smem:$0x3F96];
	s0 =	simm.s32 @p1 $0x1  }
0x15: {  	[smem:$0x3FB3] =	sst s0;
	s0 =	simm.s32 @!p2 $0x0  }
0x16: {  	s3 =	sld [smem:$0x3FDB];
	s0 =	simm.s32 @p2 $0x1  }
0x17: {  	s4 =	simm.s32 $0x1BF5;
	[smem:$0x3FB5] =	sst s0  }
0x18: {  	s0 =	sld [smem:$0x3F98];
	_ =	swait.ge [sflag:s4], $0x0  }
0x19: {  	s7 =	sld [smem:$0x3F99]  }
0x1a: {  	s8 =	sadd.s32 $0xFFFFE003, lr  }
0x1b: {  	s9 =	sadd.s32 $0xFFFFFEF7, lr;
	s5 =	simm.s32 $0xFFFFFFFF;
	p2 =	slt.u32 s8, $0xFFFFF086  }
0x1c: {  	p1 =	slt.u32 s9, $0xF7A;
	s5 =	simm.s32 @!p2 $0x0  }
0x1d: {  	s5 =	simm.s32 @p1 $0x1;
	p0 =	seq.s32 s7, s2  }
0x1e: {  	s7 =	smul.u32 @!p0 $0xF7A, s2;
	p2 =	seq.s32 @!p0 s5, $0x0  }
0x1f: {  	s9 =	smul.u32 $0xF7A, s1;
	s8 =	simm.s32 @!p0 $0x1BF5;
	p2 =	por !p2, p0  }
0x20: {  	[sflag:s8] =	ssyncset.s32 @!p0 $0xFFFFF086;
	s6 =	sadd.s32 @!p0 s3, s7;
	s7 =	simm.s32 @!p0 $0x108  }
0x21: {  	s3 =	sadd.s32 s3, s9;
	s6 =	sadd.s32 @!p0 $0x88, s6;
	s7 =	simm.s32 @p2 $0x1082  }
0x22: {  	[simem:s7], [sflag:s8] =	dma.local @!p0 [hbm:s6], $0xF7A  }
0x23: {  	s9 =	sor.u32 $0xD0000000, s2;
	s6 =	simm.s32 $0x108;
	_ =	swait.ge @!p0 [sflag:s8], $0x0  }
0x24: {  	s3 =	sadd.s32 $0x88, s3;
	s6 =	simm.s32 @!p1 $0x1082;
	[sflag:s4] =	ssyncset.s32 $0xFFFFF086  }
0x25: {  	[simem:s6], [sflag:s4] =	dma.local [hbm:s3], $0xF7A  }
0x26: {  	[smem:$0x3F99] =	sst s1;
	(tag) =	ssettag s2;
	_ =	strace s9  }
0x27: {  	s1 =	sld [smem:$0x3FA9]  }
0x28: {  	s2 =	sld [smem:$0x3FAA]  }
0x29: {  	s4 =	sld [smem:$0x3FAC]  }
0x2a: {  	p0 =	seq.s32 s5, $0x0;
	s5 =	sld [smem:$0x3FAD]  }
0x2b: {  	s6 =	sld [smem:$0x3FAE]  }
0x2c: {  	s7 =	sld [smem:$0x3FAF]  }
0x2d: {  	s3 =	simm.s32 $0x108;
	s8 =	sld [smem:$0x3FB0]  }
0x2e: {  	s3 =	simm.s32 @!p0 $0x1082;
	s9 =	sld [smem:$0x3FB1]  }
0x2f: {  	lr =	sadd.s32 s0, s3;
	s0 =	sld [smem:$0x3FA8]  }
0x30: {  	s3 =	sld [smem:$0x3FAB]  }
0x31: {  	[smem:$0x3FB4] =	sst s10  }
0x32: {  	s10 =	sld [smem:$0x3FB2];
	_ =	sdelay $0x3  }
0x33: {  	p0 =	seq.s32 s10, $0x1;
	s10 =	sld [smem:$0x3FB4];
	_ =	sdelay $0x3  }
0x34: {  	[smem:$0x3FB4] =	sst s10  }
0x35: {  	s10 =	sld [smem:$0x3FB3];
	_ =	sdelay $0x3  }
0x36: {  	p1 =	seq.s32 s10, $0x1;
	s10 =	sld [smem:$0x3FB4];
	_ =	sdelay $0x3  }
0x37: {  	[smem:$0x3FB4] =	sst s10  }
0x38: {  	s10 =	sld [smem:$0x3FB5]  }
0x39: {  	_ = 	snop;
	(pc) =	sbr.ind lr, $3  }
0x3a: {  	_ = 	snop  }
0x3b: {  	_ = 	snop  }
0x3c: {  	p2 =	seq.s32 s10, $0x1;
	s10 =	sld [smem:$0x3FB4]  }
0x3d: {  	_ =	shalt  }
0x3e: {  	_ =	shalt  }
0x3f: {  	_ =	shalt  }
0x40: {  	_ =	shalt  }
0x41: {  	_ =	shalt  }
0x42: {  	_ =	shalt  }
0x43: {  	_ =	shalt  }
0x44: {  	_ =	shalt  }
0x45: {  	_ =	shalt  }
0x46: {  	_ =	shalt  }
0x47: {  	_ =	shalt  }
0x48: {  	_ =	shalt  }
0x49: {  	_ =	shalt  }
0x4a: {  	_ =	shalt  }
0x4b: {  	_ =	shalt  }
0x4c: {  	_ =	shalt  }
0x4d: {  	_ =	shalt  }
0x4e: {  	_ =	shalt  }
0x4f: {  	_ =	shalt  }
0x50: {  	_ =	shalt  }
0x51: {  	_ =	shalt  }
0x52: {  	_ =	shalt  }
0x53: {  	_ =	shalt  }
0x54: {  	_ =	shalt  }
0x55: {  	_ =	shalt  }
0x56: {  	_ =	shalt  }
0x57: {  	_ =	shalt  }
0x58: {  	_ =	shalt  }
0x59: {  	_ =	shalt  }
0x5a: {  	_ =	shalt  }
0x5b: {  	_ =	shalt  }
0x5c: {  	_ =	shalt  }
0x5d: {  	_ =	shalt  }
0x5e: {  	_ =	shalt  }
0x5f: {  	_ =	shalt  }
0x60: {  	_ =	shalt  }
0x61: {  	_ =	shalt  }
0x62: {  	_ =	shalt  }
0x63: {  	_ =	shalt  }
0x64: {  	_ =	shalt  }
0x65: {  	_ =	shalt  }
0x66: {  	_ =	shalt  }
0x67: {  	_ =	shalt  }
0x68: {  	_ =	shalt  }
0x69: {  	_ =	shalt  }
0x6a: {  	_ =	shalt  }
0x6b: {  	_ =	shalt  }
0x6c: {  	_ =	shalt  }
0x6d: {  	_ =	shalt  }
0x6e: {  	_ =	shalt  }
0x6f: {  	_ =	shalt  }
0x70: {  	_ =	shalt  }
0x71: {  	_ =	shalt  }
0x72: {  	_ =	shalt  }
0x73: {  	_ =	shalt  }
0x74: {  	_ =	shalt  }
0x75: {  	_ =	shalt  }
0x76: {  	_ =	shalt  }
0x77: {  	_ =	shalt  }
0x78: {  	_ =	shalt  }
0x79: {  	_ =	shalt  }
0x7a: {  	_ =	shalt  }
0x7b: {  	_ =	shalt  }
0x7c: {  	_ =	shalt  }
0x7d: {  	_ =	shalt  }
0x7e: {  	_ =	shalt  }
0x7f: {  	_ =	shalt  }
0x80: {  	_ =	shalt  }
0x81: {  	_ =	shalt  }
0x82: {  	_ =	shalt  }
0x83: {  	_ =	shalt  }
0x84: {  	_ =	shalt  }
0x85: {  	_ =	shalt  }
0x86: {  	_ =	shalt  }
0x87: {  	_ =	shalt  }
.Lfunc_end0:
.L_simem_size_0:
called_computation.5_lowered:
.L_overlay_start_0:
0x88: {  	s2 =	sld [smem:$0x3FD9]  }
0x89: {  	s3 =	sld [smem:$0x3FFE];
	_ =	sdelay $0x1  }
0x8a: {  	s1 =	srdreg.scid  }
0x8b: {  	s0 =	sand.u32 $0x1, s1  }
0x8c: {  	s17 =	sshll.u32 s0, $0xA;
	s2 =	sadd.s32 s3, s2  }
0x8d: {  	s2 =	sadd.s32 s2, s17  }
0x8e: {  	[smem:$0x3FC0] =	sst s2  }
0x8f: {  	_ = 	snop  }
0x90: {  	(tm) =	ssettm $0x1  }
0x91: {  	s18 =	sld [smem:$0x3FFB];
	_ =	sdelay $0x3  }
0x92: {  	_ =	strace s18  }
0x93: {  	s2 =	sld [smem:$0x3FFC];
	_ =	sdelay $0x3  }
0x94: {  	_ =	strace s2  }
0x95: {  	s2 =	sld [smem:$0x3FFD];
	_ =	sdelay $0x3  }
0x96: {  	_ =	strace s2  }
0x97: {  	_ =	strace $0x8FFFFFFF  }
0x98: {  	s19 =	sld [smem:$0x3FDB];
	_ =	sdelay $0x1  }
0x99: {  	s20 =	simm.s32 $_scs_section_size  }
0x9a: {  	s4 =	simm.s32 $_size__tile_overlayer_lowered;
	s5 =	simm.s32 $_tile_overlayer_lowered  }
0x9b: {  	s6 =	simm.s32 $0x1BFF;
	s21 =	sshll.u32 s5, $0x1;
	s3 =	sadd.s32 s20, s19  }
0x9c: {  	s22 =	simm.s32 $0x0;
	s4 =	sshll.u32 s4, $0x1;
	s5 =	sadd.s32 s21, s3  }
0x9d: {  	[timem:s22], [sflag:s6] =	dma.local [hbm:s5], s4  }
0x9e: {  	_ =	swait.ge [sflag:s6], s4  }
0x9f: {  	s4 =	ssub.s32 $0x0, s4;
	[sflag:s6] =	ssyncset.done $0x0  }
0xa0: {  	[sflag:s6] =	ssyncadd.s32 s4;
	_ =	sdelay $0x1  }
0xa1: {  	s23 =	simm.s32 $0x1B8B  }
0xa2: {  	_ =	swait.ge [sflag:s23], $0x1  }
0xa3: {  	[sflag:s23] =	ssyncset.done $0x0  }
0xa4: {  	[sflag:s23] =	ssyncadd.s32 $0xFFFFFFFF  }
0xa5: {  	s4 =	sld [smem:$0x0]  }
0xa6: {  	s5 =	sand.u32 $0xFFFFFFFE, s1  }
0xa7: {  	p0 =	sne.s32 s1, s5  }
0xa8: {  	s5 =	sshll.u32 @p0 s5, $0xE  }
0xa9: {  	s5 =	sadd.s32 @p0 $0x11B8D, s5;
	s6 =	sshll.u32 @p0 s4, $0x11  }
0xaa: {  	s5 =	sor.u32 @p0 s6, s5  }
0xab: {  	[sflag:s5] =	ssyncadd.remote.s32 @p0 $0x1;
	_ =	sdelay $0x1  }
0xac: {  	s5 =	simm.s32 @p0 $0x1B8D  }
0xad: {  	_ =	swait.eq @p0 [sflag:s5], $0x1  }
0xae: {  	[sflag:s5] =	ssyncadd.s32 @p0 $0xFFFFFFFF  }
0xaf: {  	s6 =	sshll.u32 @!p0 s1, $0xE  }
0xb0: {  	s6 =	sor.u32 @!p0 $0x4000, s6;
	s5 =	simm.s32 @!p0 $0x1B8D  }
0xb1: {  	s4 =	sshll.u32 @!p0 s4, $0x11;
	s6 =	sadd.s32 @!p0 $0x11B8D, s6;
	_ =	swait.eq @!p0 [sflag:s5], $0x1  }
0xb2: {  	s4 =	sor.u32 @!p0 s4, s6;
	[sflag:s5] =	ssyncadd.s32 @!p0 $0xFFFFFFFF  }
0xb3: {  	s25 =	simm.s32 $0x1B8E;
	s24 =	sld [smem:$0x3FFE];
	[sflag:s4] =	ssyncadd.remote.s32 @!p0 $0x1  }
0xb4: {  	s26 =	simm.s32 $execute0_lowered;
	[smem:$0x3FD2] =	sst s25  }
0xb5: {  	s5 =	sshll.u32 s26, $0x1;
	_ =	strace $0x80000055;
	[dreg:$0x1] =	wrdreg $0xFFFFFFFF  }
0xb6: {  	s28 =	simm.s32 $_size_execute0_lowered;
	s3 =	sadd.s32 s3, s5;
	[dreg:$0x0] =	wrdreg $0x0  }
0xb7: {  	s5 =	sshll.u32 s28, $0x1;
	[dreg:$0x2] =	wrdreg s3  }
0xb8: {  	[dreg:$0x3] =	wrdreg s5  }
0xb9: {  	[dreg:$0x4] =	wrdreg $0xC0  }
0xba: {  	_ =	task [dreg:s22], $0x5FFFF  }
0xbb: {  	[dreg:$0x1] =	wrdreg $0xFFFFFFFF  }
0xbc: {  	[dreg:$0x0] =	wrdreg $0x60  }
0xbd: {  	[dreg:$0x2] =	wrdreg s24  }
0xbe: {  	[dreg:$0x3] =	wrdreg $0xB7800  }
0xbf: {  	[dreg:$0x4] =	wrdreg $0xA  }
0xc0: {  	_ =	task.clear_ibuf [dreg:s22], $0x5FFFF;
	_ =	strace $0x90000055  }
0xc1: {  	s29 =	simm.s32 $0xA;
	_ =	strace $0x80000057  }
0xc2: {  	_ =	swait.ge [sflag:s29], $0x1  }
0xc3: {  	[sflag:s29] =	ssyncadd.s32 $0xFFFFFFFF  }
0xc4: {  	_ =	strace $0x90000057  }
0xc5: {  	_ =	sfence  }
0xc6: {  	s30 =	sld [smem:$0x0];
	_ =	sdelay $0x2  }
0xc7: {  	s31 =	sshll.u32 s1, $0xD;
	s1 =	sshrl.u32 s1, $0x2  }
0xc8: {  	s4 =	sand.u32 $0x4000, s31;
	s1 =	sadd.s32 s1, s30  }
0xc9: {  	s0 =	sor.u32 s4, s0;
	s1 =	sshll.u32 s1, $0x11  }
0xca: {  	s0 =	sor.u32 s1, s0  }
0xcb: {  	s0 =	sadd.s32 $0x8F2B, s0  }
0xcc: {  	[sflag:s0] =	ssyncadd.remote.s32 $0x1  }
0xcd: {  	_ =	sfence.sel $0xFFFF  }
0xce: {  	[dreg:$0x0] =	wrdreg $0xFFFFFFFF;
	(pc) =	sbr.abs _section_cstart, $3  }
0xcf: {  	[dreg:$0x1] =	wrdreg $0xFFFFFFFF  }
0xd0: {  	_ =	task.clear_ibuf [dreg:s22], $0x2FFFF;
	_ =	strace $0x9FFFFFFF  }
0xd1: {  	(tm) =	ssettm $0x7FFFFFFF  }
tec
execute0_lowered:
.L_overlay_start_1:
0x0: {  	(tag) =	ssettag $0x1  }
0x1: {  	s5 =	rddreg [dreg:$0x0];
	s1 =	srdreg.scid  }
0x2: {  	s0 =	stileid.u32;
	s2 =	rddreg [dreg:$0x1]  }
0x3: {  	s17 =	simm.s32 $0x6780;
	s18 =	simm.s32 $0x3;
	s19 =	simm.s32 $0x80  }
0x4: {  	s20 =	simm.s32 $0x400;
	s21 =	simm.s32 $0x2780;
	s22 =	simm.s32 $0x50  }
0x5: {  	s23 =	simm.s32 $0x8F80;
	s24 =	simm.s32 $0x1;
	s25 =	simm.s32 $0x2  }
0x6: {  	s26 =	simm.s32 $0x6580;
	s6 =	sand.u32 $0x1, s1;
	s9 =	smul.u32 $0x13C00, s0  }
0x7: {  	s3 =	sshll.u32 s0, $0x1;
	s7 =	sshrl.u32 s0, $0x2;
	s30 =	smul.u32 $0x4F000, s0  }
0x8: {  	s4 =	sor.u32 s6, s3;
	s3 =	simm.s32 $0x0;
	s7 =	smul.u32 $0x13C00, s7  }
0x9: {  	s29 =	smul.u32 $0x13C000, s6;
	s6 =	ssub.s32 $0x2, s6;
	s8 =	sshll.u32 s4, $0x7  }
0xa: {  	[smem:$0x7FF] =	sst s3;
	s4 =	sshll.u32 s4, $0xB;
	s31 =	sshrl.u32 s6, $0x1  }
0xb: {  	s8 =	sand.u32 $0x380, s8;
	_ =	strace $0x80000056;
	s14 =	sadd.s32 s4, s5  }
0xc: {  	s4 =	sadd.s32 $0x86400, s5;
	s16 =	ssub.s32 s6, s31;
	s7 =	sor.u32 s7, s8  }
0xd: {  	s8 =	sadd.s32 s9, s29;
	s14 =	sadd.s32 $0x28000, s14;
	s7 =	sshrl.u32 s7, $0x3  }
0xe: {  	s8 =	sshrl.u32 s8, $0x3;
	s13 =	sadd.s32 s7, s5;
	s7 =	sshrl.u32 s30, $0x2  }
0xf: {  	s16 =	smax.u32 s16, $0x1;
	s15 =	sadd.s32 s8, s5;
	s5 =	sadd.s32 s7, s2  }
0x10: {  	s13 =	sadd.s32 $0x4400, s13;
	s15 =	sadd.s32 $0xADC00, s15;
	s6 =	sadd.s32 $0x2800, s5  }
0x11: {  	s7 =	sadd.s32 $0x5000, s5;
	s8 =	sadd.s32 $0x7800, s5;
	s9 =	sadd.s32 $0xA000, s5  }
0x12: {  	v0 =	vimm.f32 $0.0e+00;
	s10 =	sadd.s32 $0xC800, s5;
	s11 =	sadd.s32 $0xF000, s5;
	s12 =	sadd.s32 $0x11800, s5  }
.LBB2_1:
0x13: {  	s28 =	simm.s32 $0x70;
	s29 =	simm.s32 $0x3C0  }
.LBB2_2:
0x14: {  	p0 =	sne.s32 s29, $0x9FC0;
	[tilespmem:s28+$0x6780] =	vst v0  }
0x15: {  	[tilespmem:s28+$0x6710] =	vst v0  }
0x16: {  	[tilespmem:s28+$0x6720] =	vst v0  }
.Ltmp0:
0x17: {  	[tilespmem:s28+$0x6730] =	vst v0;
	(pc) =	sbr.rel @p0 .LBB2_2-.Ltmp0, $4  }
0x18: {  	[tilespmem:s28+$0x6740] =	vst v0  }
0x19: {  	[tilespmem:s28+$0x6750] =	vst v0  }
0x1a: {  	[tilespmem:s28+$0x6760] =	vst v0  }
0x1b: {  	[tilespmem:s28+$0x6770] =	vst v0;
	s28 =	sshra.s32 s29, $0x2;
	s29 =	sadd.s32 $0x200, s29  }
0x1c: {  	[tilespmem:s28+$0x6780] =	vst v0  }
0x1d: {  	[tilespmem:s28+$0x6710] =	vst v0  }
0x1e: {  	[tilespmem:s28+$0x6720] =	vst v0  }
0x1f: {  	[tilespmem:s28+$0x6730] =	vst v0  }
0x20: {  	[tilespmem:s28+$0x6740] =	vst v0  }
0x21: {  	[tilespmem:s28+$0x6750] =	vst v0  }
0x22: {  	[tilespmem:s28+$0x6760] =	vst v0  }
0x23: {  	[tilespmem:s28+$0x6770] =	vst v0  }
0x24: {  	[spmem:s5] =	stream.linear.scatter [tilespmem:s17], [sflag:$0x3], $0x2800, $0x38;
	[tilespmem:$0x1F380] =	vst v63  }
0x25: {  	_ =	swait.ge [sflag:s18], $0x2800  }
0x26: {  	[sflag:s18] =	ssyncset.done $0x0  }
0x27: {  	[sflag:s18] =	ssyncadd.s32 $0xFFFFD800  }
0x28: {  	[spmem:s6] =	stream.linear.scatter [tilespmem:s17], [sflag:$0x3], $0x2800, $0x38;
	[tilespmem:$0x1F380] =	vst v63  }
0x29: {  	_ =	swait.ge [sflag:s18], $0x2800  }
0x2a: {  	[sflag:s18] =	ssyncset.done $0x0  }
0x2b: {  	[sflag:s18] =	ssyncadd.s32 $0xFFFFD800  }
0x2c: {  	[spmem:s7] =	stream.linear.scatter [tilespmem:s17], [sflag:$0x3], $0x2800, $0x38;
	[tilespmem:$0x1F380] =	vst v63  }
0x2d: {  	_ =	swait.ge [sflag:s18], $0x2800  }
0x2e: {  	[sflag:s18] =	ssyncset.done $0x0  }
0x2f: {  	[sflag:s18] =	ssyncadd.s32 $0xFFFFD800  }
0x30: {  	[spmem:s8] =	stream.linear.scatter [tilespmem:s17], [sflag:$0x3], $0x2800, $0x38;
	[tilespmem:$0x1F380] =	vst v63  }
0x31: {  	_ =	swait.ge [sflag:s18], $0x2800  }
0x32: {  	[sflag:s18] =	ssyncset.done $0x0  }
0x33: {  	[sflag:s18] =	ssyncadd.s32 $0xFFFFD800  }
0x34: {  	[spmem:s9] =	stream.linear.scatter [tilespmem:s17], [sflag:$0x3], $0x2800, $0x38;
	[tilespmem:$0x1F380] =	vst v63  }
0x35: {  	_ =	swait.ge [sflag:s18], $0x2800  }
0x36: {  	[sflag:s18] =	ssyncset.done $0x0  }
0x37: {  	[sflag:s18] =	ssyncadd.s32 $0xFFFFD800  }
0x38: {  	[spmem:s10] =	stream.linear.scatter [tilespmem:s17], [sflag:$0x3], $0x2800, $0x38;
	[tilespmem:$0x1F380] =	vst v63  }
0x39: {  	_ =	swait.ge [sflag:s18], $0x2800  }
0x3a: {  	[sflag:s18] =	ssyncset.done $0x0  }
0x3b: {  	[sflag:s18] =	ssyncadd.s32 $0xFFFFD800  }
0x3c: {  	[spmem:s11] =	stream.linear.scatter [tilespmem:s17], [sflag:$0x3], $0x2800, $0x38;
	[tilespmem:$0x1F380] =	vst v63  }
0x3d: {  	_ =	swait.ge [sflag:s18], $0x2800  }
0x3e: {  	[sflag:s18] =	ssyncset.done $0x0  }
0x3f: {  	[sflag:s18] =	ssyncadd.s32 $0xFFFFD800  }
0x40: {  	[spmem:s12] =	stream.linear.scatter [tilespmem:s17], [sflag:$0x3], $0x2400, $0x38;
	[tilespmem:$0x1F380] =	vst v63  }
0x41: {  	_ =	swait.ge [sflag:s18], $0x2400  }
0x42: {  	[sflag:s18] =	ssyncset.done $0x0  }
0x43: {  	s28 =	simm.s32 $0x0;
	[sflag:s18] =	ssyncadd.s32 $0xFFFFDC00  }
0x44: {  	[tilespmem:s28], [sflag:$0x3] =	stream.strided.gather [hbm4b:s13+s19], $0x2780, s20, s19, $0x38;
	[tilespmem:$0x1F380] =	vst v63  }
0x45: {  	_ =	swait.ge [sflag:s18], $0x2780  }
0x46: {  	[sflag:s18] =	ssyncset.done $0x0  }
0x47: {  	[sflag:s18] =	ssyncadd.s32 $0xFFFFD880  }
0x48: {  	[tilespmem:s21], [sflag:$0x3] =	stream.linear.gather [hbm4b:s14+s28], $0x3E80, $0x38;
	[tilespmem:$0x1F380] =	vst v63  }
0x49: {  	_ =	swait.ge [sflag:s18], $0x3E80  }
0x4a: {  	[sflag:s18] =	ssyncset.done $0x0  }
0x4b: {  	[sflag:s18] =	ssyncadd.s32 $0xFFFFC180  }
0x4c: {  	[bflag:$0x0] =	sbarrier.arrive $0xFFFF  }
0x4d: {  	[tilespmem:s17], [sflag:$0x1] =	stream.indirect.gather [hbm4b:s4+s22], $0x80, s28, s22, $0xb8;
	[tilespmem:$0x1F380] =	vst v63  }
0x4e: {  	s28 =	simm.s32 $0x50  }
0x4f: {  	[tilespmem:s23], [sflag:$0x2] =	stream.indirect.gather [hbm4b:s4+s22], $0x80, s28, s22, $0xb8;
	[tilespmem:$0x1F380] =	vst v63  }
0x50: {  	_ =	swait.ge [sflag:s24], $0x2800  }
0x51: {  	[sflag:s24] =	ssyncset.done $0x0  }
0x52: {  	s28 =	simm.s32 $0x2780;
	[sflag:s24] =	ssyncadd.s32 $0xFFFFD800  }
0x53: {  	[spmem:s2] =	stream.indirect.scatter.add.f32 [tilespmem:s17], [sflag:$0x3], $0x80, s28, s22, $0xb8;
	[tilespmem:$0x1F380] =	vst v63  }
0x54: {  	_ =	swait.ge [sflag:s18], $0x2800  }
0x55: {  	[sflag:s18] =	ssyncset.done $0x0  }
0x56: {  	s28 =	simm.s32 $0xA0;
	[sflag:s18] =	ssyncadd.s32 $0xFFFFD800  }
0x57: {  	[tilespmem:s17], [sflag:$0x1] =	stream.indirect.gather [hbm4b:s4+s22], $0x80, s28, s22, $0xb8;
	[tilespmem:$0x1F380] =	vst v63  }
0x58: {  	_ =	swait.ge [sflag:s25], $0x2800  }
0x59: {  	[sflag:s25] =	ssyncset.done $0x0  }
0x5a: {  	s28 =	simm.s32 $0x2800;
	[sflag:s25] =	ssyncadd.s32 $0xFFFFD800  }
0x5b: {  	[spmem:s2] =	stream.indirect.scatter.add.f32 [tilespmem:s23], [sflag:$0x3], $0x80, s28, s22, $0xb8;
	[tilespmem:$0x1F380] =	vst v63  }
0x5c: {  	s29 =	simm.s32 $0x400;
	_ =	swait.ge [sflag:s18], $0x2800  }
0x5d: {  	s30 =	simm.s32 $0x800;
	s28 =	simm.s32 $0x140;
	[sflag:s18] =	ssyncset.done $0x0  }
.LBB2_4:
0x5e: {  	p0 =	sne.s32 s30, $0xF400;
	s31 =	sadd.s32 $0xFFFFFFB0, s28;
	[sflag:s18] =	ssyncadd.s32 $0xFFFFD800  }
0x5f: {  	[tilespmem:s23], [sflag:$0x2] =	stream.indirect.gather [hbm4b:s4+s22], $0x80, s31, s22, $0xb8;
	[tilespmem:$0x1F380] =	vst v63  }
0x60: {  	s31 =	smov.u32 s30;
	s30 =	sadd.s32 $0x400, s30;
	_ =	swait.ge [sflag:s24], $0x2800  }
0x61: {  	s1 =	sshra.s32 s29, $0x2;
	s29 =	smov.u32 s31;
	[sflag:s24] =	ssyncset.done $0x0  }
0x62: {  	s31 =	sadd.s32 $0x2780, s1;
	[sflag:s24] =	ssyncadd.s32 $0xFFFFD800  }
0x63: {  	[spmem:s2] =	stream.indirect.scatter.add.f32 [tilespmem:s17], [sflag:$0x3], $0x80, s31, s22, $0xb8;
	[tilespmem:$0x1F380] =	vst v63  }
0x64: {  	_ =	swait.ge [sflag:s18], $0x2800  }
0x65: {  	[sflag:s18] =	ssyncset.done $0x0  }
0x66: {  	[sflag:s18] =	ssyncadd.s32 $0xFFFFD800  }
0x67: {  	[tilespmem:s17], [sflag:$0x1] =	stream.indirect.gather [hbm4b:s4+s22], $0x80, s28, s22, $0xb8;
	[tilespmem:$0x1F380] =	vst v63  }
0x68: {  	_ =	swait.ge [sflag:s25], $0x2800  }
.Ltmp1:
0x69: {  	[sflag:s25] =	ssyncset.done $0x0;
	(pc) =	sbr.rel @p0 .LBB2_4-.Ltmp1, $4  }
0x6a: {  	s1 =	sadd.s32 $0x2800, s1;
	[sflag:s25] =	ssyncadd.s32 $0xFFFFD800  }
0x6b: {  	[spmem:s2] =	stream.indirect.scatter.add.f32 [tilespmem:s23], [sflag:$0x3], $0x80, s1, s22, $0xb8;
	[tilespmem:$0x1F380] =	vst v63  }
0x6c: {  	_ =	swait.ge [sflag:s18], $0x2800  }
0x6d: {  	s28 =	sadd.s32 $0xA0, s28;
	[sflag:s18] =	ssyncset.done $0x0  }
0x6e: {  	s1 =	sadd.s32 $0xFFFFFFB0, s28;
	[sflag:s18] =	ssyncadd.s32 $0xFFFFD800  }
0x6f: {  	[tilespmem:s23], [sflag:$0x2] =	stream.indirect.gather [hbm4b:s4+s22], $0x80, s1, s22, $0xb8;
	[tilespmem:$0x1F380] =	vst v63  }
0x70: {  	_ =	swait.ge [sflag:s24], $0x2800  }
0x71: {  	s31 =	sshra.s32 s29, $0x2;
	[sflag:s24] =	ssyncset.done $0x0  }
0x72: {  	s29 =	sadd.s32 $0x2780, s31;
	[sflag:s24] =	ssyncadd.s32 $0xFFFFD800  }
0x73: {  	[spmem:s2] =	stream.indirect.scatter.add.f32 [tilespmem:s17], [sflag:$0x3], $0x80, s29, s22, $0xb8;
	[tilespmem:$0x1F380] =	vst v63  }
0x74: {  	_ =	swait.ge [sflag:s18], $0x2800  }
0x75: {  	[sflag:s18] =	ssyncset.done $0x0  }
0x76: {  	[sflag:s18] =	ssyncadd.s32 $0xFFFFD800  }
0x77: {  	[tilespmem:s17], [sflag:$0x1] =	stream.indirect.gather [hbm4b:s4+s22], $0x80, s28, s22, $0xb8;
	[tilespmem:$0x1F380] =	vst v63  }
0x78: {  	_ =	swait.ge [sflag:s25], $0x2800  }
0x79: {  	[sflag:s25] =	ssyncset.done $0x0  }
0x7a: {  	s1 =	sadd.s32 $0x2800, s31;
	[sflag:s25] =	ssyncadd.s32 $0xFFFFD800  }
0x7b: {  	[spmem:s2] =	stream.indirect.scatter.add.f32 [tilespmem:s23], [sflag:$0x3], $0x80, s1, s22, $0xb8;
	[tilespmem:$0x1F380] =	vst v63  }
0x7c: {  	_ =	swait.ge [sflag:s18], $0x2800  }
0x7d: {  	[sflag:s18] =	ssyncset.done $0x0  }
0x7e: {  	[sflag:s18] =	ssyncadd.s32 $0xFFFFD800  }
0x7f: {  	_ =	swait.ge [sflag:s24], $0x2800  }
0x80: {  	[sflag:s24] =	ssyncset.done $0x0  }
0x81: {  	[sflag:s24] =	ssyncadd.s32 $0xFFFFD800  }
0x82: {  	[spmem:s2] =	stream.indirect.scatter.add.f32 [tilespmem:s17], [sflag:$0x3], $0x80, s26, s22, $0xb8;
	[tilespmem:$0x1F380] =	vst v63  }
0x83: {  	_ =	swait.ge [sflag:s18], $0x2800  }
0x84: {  	s30 =	sshll.u32 s0, $0x6;
	s3 =	sadd.s32 $0x1, s3;
	[sflag:s18] =	ssyncset.done $0x0  }
0x85: {  	s31 =	sshrl.u32 s5, $0x3;
	p0 =	sne.s32 s3, s16;
	[sflag:s18] =	ssyncadd.s32 $0xFFFFD800  }
.Ltmp2:
0x86: {  	s1 =	sor.u32 $0x1C03, s30;
	[bflag:$0x0] =	sbarrier.arrive $0xFFFF;
	(pc) =	sbr.rel @p0 .LBB2_1-.Ltmp2, $4  }
0x87: {  	[hbm:s15], [sflag:s1] =	dma.local [spmem:s31], $0x2780  }
0x88: {  	_ =	swait.ge [sflag:s18], $0x2780  }
0x89: {  	[sflag:s18] =	ssyncset.done $0x0  }
0x8a: {  	[sflag:s18] =	ssyncadd.s32 $0xFFFFD880  }
0x8b: {  	_ =	sfence.sel $0x180000  }
0x8c: {  	[bflag:$0x0] =	sbarrier.arrive $0xFFFF  }
0x8d: {  	_ =	strace $0x90000056  }
0x8e: {  	[bflag:$0x2] =	sbarrier.arrive $0xFFFF  }
0x8f: {  	p0 =	sne.s32 s0, $0x0;
	s0 =	rddreg [dreg:$0x2]  }
0x90: {  	s0 =	sadd.s32 @!p0 $0x100000, s0  }
0x91: {  	[sflag:s0] =	ssyncadd.tile.s32 @!p0 $0x1;
	_ =	shalt  }
.Lfunc_end2:
_tile_overlayer_lowered:
.L_overlay_start_2:
0x92: {  	(tag) =	ssettag $0x2  }
0x93: {  	s0 =	rddreg [dreg:$0x0];
	s2 =	stileid.u32  }
0x94: {  	s1 =	rddreg [dreg:$0x1];
	p0 =	sne.s32 s2, $0x0  }
0x95: {  	s3 =	rddreg [dreg:$0x2];
	[bflag:$0x3] =	sbarrier.arrive $0xFFFF;
	s2 =	simm.s32 @!p0 $0x1C03  }
0x96: {  	[timem:s3], [sflag:s2] =	dma.local @!p0 [hbm:s0], s1  }
0x97: {  	s0 =	simm.s32 @!p0 $0x3  }
0x98: {  	_ =	swait.ge @!p0 [sflag:s0], s1  }
0x99: {  	s1 =	ssub.s32 @!p0 $0x0, s1;
	[sflag:s0] =	ssyncset.done @!p0 $0x0  }
0x9a: {  	[sflag:s0] =	ssyncadd.s32 @!p0 s1  }
0x9b: {  	[bflag:$0x3] =	sbarrier.arrive $0xFFFF  }
0x9c: {  	_ =	shalt  }

</sc_bundles>
